<compile_context>
chip_gen: v7x
topology: tpu7x:2x2x1
jax: 0.10.2.dev20260603
libtpu: 0.0.44.dev20260713+nightly
codegen_flags: <defaults>
</compile_context>

<pallas_src>
import functools

import jax
import jax.numpy as jnp
from jax import lax
from jax.experimental import pallas as pl
from jax.experimental.pallas import tpu as pltpu
from jax.experimental.pallas import tpu_sc as plsc

_NC = 80
_NA = 3
_CH = _NA * (5 + _NC)
_IMG = 640.0
_L_NOOBJ = 1.0
_L_OBJ = 1.0
_L_CLS = 0.5
_L_BOX = 5.0
_F_ALPHA = 0.25
_F_GAMMA = 2.0

_B = 8
_NB = 32
_NBOX = _B * _NB
_SCALES = ((80, 80), (40, 40), (20, 20))


def _bce(x, t):
    return jnp.maximum(x, 0.0) - x * t + jnp.log1p(jnp.exp(-jnp.abs(x)))


def _box_geom(x1, y1, x2, y2, s):
    h, w = _SCALES[s]
    bw = jnp.clip((x2 - x1) / _IMG, 1e-6, 1.0)
    bh = jnp.clip((y2 - y1) / _IMG, 1e-6, 1.0)
    cx = jnp.clip((x1 + x2) * 0.5 / _IMG, 0.0, 1.0 - 1e-6)
    cy = jnp.clip((y1 + y2) * 0.5 / _IMG, 0.0, 1.0 - 1e-6)
    gi = jnp.clip(jnp.floor(cx * w).astype(jnp.int32), 0, w - 1)
    gj = jnp.clip(jnp.floor(cy * h).astype(jnp.int32), 0, h - 1)
    return cx, cy, bw, bh, gi, gj


def _scale_sel(x1, y1, x2, y2, labels):
    bw = jnp.clip((x2 - x1) / _IMG, 1e-6, 1.0)
    bh = jnp.clip((y2 - y1) / _IMG, 1e-6, 1.0)
    ms = jnp.maximum(bw, bh)
    scale_idx = jnp.clip(
        jnp.where(ms < 0.15, 0, jnp.where(ms < 0.45, 1, _NA - 1)), 0, _NA - 1)
    valid = (labels >= 0) & (labels < _NC)
    return scale_idx, valid



def _prep_body(boxes_ref, idx_ref):
    boxes = boxes_ref[...]
    x1 = boxes[:, 0:1]
    y1 = boxes[:, 1:2]
    x2 = boxes[:, 2:3]
    y2 = boxes[:, 3:4]
    bidx = lax.broadcasted_iota(jnp.int32, (_NBOX, 1), 0) // _NB
    c_iota = lax.broadcasted_iota(jnp.int32, (_NBOX, 256), 1)
    for s, (h, w) in enumerate(_SCALES):
        hw = h * w
        n_elems = _B * _CH * hw
        _, _, _, _, gi, gj = _box_geom(x1, y1, x2, y2, s)
        off = gj * w + gi
        base = bidx * (_CH * hw) + off
        idx_s = jnp.minimum(base + c_iota * hw, n_elems - 1)
        idx_ref[s * _NBOX:(s + 1) * _NBOX, :] = idx_s


def _prep(boxes2):
    return pl.pallas_call(
        _prep_body,
        out_shape=jax.ShapeDtypeStruct((3 * _NBOX, 256), jnp.int32),
    )(boxes2)



def _sc_gather_body(t3, t4, t5, idx_hbm, out_hbm, idx_v, ostage, sem):
    wid = lax.axis_index("s") * 2 + lax.axis_index("c")
    for s in range(3):
        pltpu.sync_copy(idx_hbm.at[pl.ds(s * 512 + wid * 16, 16)],
                        idx_v.at[pl.ds(s * 16, 16)])
    for s, table in enumerate((t3, t4, t5)):
        for j in range(8):
            c1 = pltpu.async_copy(table.at[idx_v.at[s * 16 + j * 2]],
                                  ostage.at[pl.ds(0, 128)], sem)
            c2 = pltpu.async_copy(table.at[idx_v.at[s * 16 + j * 2 + 1]],
                                  ostage.at[pl.ds(128, 128)], sem)
            c1.wait()
            c2.wait()
            pltpu.sync_copy(
                ostage,
                out_hbm.at[pl.ds((s * _NBOX + wid * 8 + j) * 256, 256)])


def _sc_gather(t3, t4, t5, idx2):
    mesh = plsc.VectorSubcoreMesh(core_axis_name="c", subcore_axis_name="s")
    f = functools.partial(
        pl.kernel,
        mesh=mesh,
        out_type=jax.ShapeDtypeStruct((3 * _NBOX * 256,), jnp.float32),
        scratch_types=[
            pltpu.VMEM((48, 128), jnp.int32),
            pltpu.VMEM((256,), jnp.float32),
            pltpu.SemaphoreType.DMA,
        ],
    )(_sc_gather_body)
    return f(t3, t4, t5, idx2)



def _obj_partials(pred_ref, boxes, labels, s):
    h, w = _SCALES[s]
    hw = h * w
    x1 = boxes[:, 0:1]
    y1 = boxes[:, 1:2]
    x2 = boxes[:, 2:3]
    y2 = boxes[:, 3:4]
    scale_idx, valid = _scale_sel(x1, y1, x2, y2, labels)
    sel = ((scale_idx == s) & valid).astype(jnp.float32)
    _, _, _, _, gi, gj = _box_geom(x1, y1, x2, y2, s)
    cell = gj * w + gi

    iota_hw = lax.broadcasted_iota(jnp.int32, (_NB, hw), 1)
    onehot = (iota_hw == cell).astype(jnp.float32) * sel
    match = (jnp.sum(onehot, axis=0, keepdims=True) > 0.5).astype(jnp.float32)

    pos_e = jnp.float32(0.0)
    neg_e = jnp.float32(0.0)
    for a in range(_NA):
        x_obj = pred_ref[0, a, 4:5, :]
        t = match
        bce_o = _bce(x_obj, t)
        p = jax.nn.sigmoid(x_obj)
        p_t = p * t + (1.0 - p) * (1.0 - t)
        alpha_t = _F_ALPHA * t + (1.0 - _F_ALPHA) * (1.0 - t)
        one_m = 1.0 - p_t
        elem = bce_o * (alpha_t * one_m * one_m)
        pos_e = pos_e + jnp.sum(elem * match)
        neg_e = neg_e + jnp.sum(elem * (1.0 - match))
    cells = _NA * jnp.sum(match)
    return pos_e, neg_e, cells


def _sparse_terms(g, boxes_ref, labels_ref, boxest_ref, labelst_ref):
    boxes = boxes_ref[...]
    labels = labels_ref[...]
    boxest = boxest_ref[...]
    labelst = labelst_ref[...]

    def per_box(x1, y1, x2, y2, lab, bidx):
        scale_idx, valid = _scale_sel(x1, y1, x2, y2, lab)
        selv = (valid).astype(jnp.float32)
        cells = []
        for s, (h, w) in enumerate(_SCALES):
            _, _, _, _, gi, gj = _box_geom(x1, y1, x2, y2, s)
            cells.append(gj * w + gi)
        cell_own = jnp.where(scale_idx == 0, cells[0],
                             jnp.where(scale_idx == 1, cells[1], cells[2]))
        key = bidx * (3 * 6400) + scale_idx * 6400 + cell_own
        labc = jnp.clip(lab, 0, _NC - 1)
        keylab = key * _NC + labc
        return scale_idx, selv, key, keylab, labc

    x1 = boxes[:, 0:1]
    y1 = boxes[:, 1:2]
    x2 = boxes[:, 2:3]
    y2 = boxes[:, 3:4]
    bidx = lax.broadcasted_iota(jnp.int32, (_NBOX, 1), 0) // _NB
    scale_idx, selv, key, keylab, labc = per_box(x1, y1, x2, y2, labels, bidx)

    bidx_t = lax.broadcasted_iota(jnp.int32, (1, _NBOX), 1) // _NB
    _, selv_t, key_t, keylab_t, _ = per_box(
        boxest[0:1, :], boxest[1:2, :], boxest[2:3, :], boxest[3:4, :],
        labelst, bidx_t)

    i_iota = lax.broadcasted_iota(jnp.int32, (_NBOX, _NBOX), 0)
    j_iota = lax.broadcasted_iota(jnp.int32, (_NBOX, _NBOX), 1)
    tri = (j_iota < i_iota).astype(jnp.float32)
    eq_cell = ((key == key_t) & True).astype(jnp.float32) * selv_t
    dup_cell = jnp.max(tri * eq_cell, axis=1, keepdims=True)
    rep_cell = selv * (1.0 - dup_cell)
    eq_cl = (keylab == keylab_t).astype(jnp.float32) * selv_t
    dup_cl = jnp.max(tri * eq_cl, axis=1, keepdims=True)
    rep_cl = selv * (1.0 - dup_cl)

    w0 = (scale_idx == 0).astype(jnp.float32)
    w1 = (scale_idx == 1).astype(jnp.float32)
    w2 = (scale_idx == 2).astype(jnp.float32)
    gsel = (w0 * g[0:_NBOX, :] + w1 * g[_NBOX:2 * _NBOX, :]
            + w2 * g[2 * _NBOX:3 * _NBOX, :])

    lab_oh = (lax.broadcasted_iota(jnp.int32, (_NBOX, _NC), 1)
              == labc).astype(jnp.float32)

    sp_sum = jnp.zeros((_NBOX, 1), jnp.float32)
    xl_sum = jnp.zeros((_NBOX, 1), jnp.float32)
    box_num = jnp.float32(0.0)

    for s, (h, w) in enumerate(_SCALES):
        cx, cy, bw, bh, gi, gj = _box_geom(x1, y1, x2, y2, s)
        is_s = (scale_idx == s).astype(jnp.float32)
        for a in range(_NA):
            base = a * (5 + _NC)
            pxywh = gsel[:, base:base + 4]
            pxy = jax.nn.sigmoid(pxywh[:, 0:2])
            pwh = jax.nn.sigmoid(pxywh[:, 2:4])
            pcx = (gi.astype(jnp.float32) + pxy[:, 0:1]) / float(w)
            pcy = (gj.astype(jnp.float32) + pxy[:, 1:2]) / float(h)
            pw = pwh[:, 0:1]
            ph = pwh[:, 1:2]
            px1 = pcx - pw * 0.5
            py1 = pcy - ph * 0.5
            px2 = pcx + pw * 0.5
            py2 = pcy + ph * 0.5
            tx1 = cx - bw * 0.5
            ty1 = cy - bh * 0.5
            tx2 = cx + bw * 0.5
            ty2 = cy + bh * 0.5
            area1 = (px2 - px1) * (py2 - py1)
            area2 = (tx2 - tx1) * (ty2 - ty1)
            iw = jnp.maximum(jnp.minimum(px2, tx2) - jnp.maximum(px1, tx1),
                             0.0)
            ih = jnp.maximum(jnp.minimum(py2, ty2) - jnp.maximum(py1, ty1),
                             0.0)
            inter = iw * ih
            union = area1 + area2 - inter
            iou = inter / union
            cw = jnp.maximum(px2, tx2) - jnp.minimum(px1, tx1)
            chh = jnp.maximum(py2, ty2) - jnp.minimum(py1, ty1)
            areac = jnp.maximum(cw, 0.0) * jnp.maximum(chh, 0.0)
            giou = iou - (areac - union) / areac
            box_num = box_num + jnp.sum((1.0 - giou) * selv * is_s)

    for a in range(_NA):
        base = a * (5 + _NC)
        x_cls = gsel[:, base + 5:base + 5 + _NC]
        sp = jnp.maximum(x_cls, 0.0) + jnp.log1p(jnp.exp(-jnp.abs(x_cls)))
        sp_sum = sp_sum + jnp.sum(sp, axis=1, keepdims=True)
        xl_sum = xl_sum + jnp.sum(x_cls * lab_oh, axis=1, keepdims=True)

    cls_terms = []
    for s in range(3):
        is_s = (scale_idx == s).astype(jnp.float32)
        cls_terms.append(jnp.sum(sp_sum * rep_cell * is_s)
                         - jnp.sum(xl_sum * rep_cl * is_s))
    selsum3 = _NA * jnp.sum(selv)
    return cls_terms, box_num, selsum3


def _main_body(p3_ref, p4_ref, p5_ref, boxes_ref, labels_ref, g_ref,
               boxes2_ref, labels2_ref, boxest_ref, labelst_ref,
               out_ref, g_acc):
    b = pl.program_id(0)

    g_acc[pl.ds(b * (3 * _NBOX // _B), 3 * _NBOX // _B), :] = g_ref[...]

    boxes = boxes_ref[0]
    labels = labels_ref[0]
    lane = lax.broadcasted_iota(jnp.int32, (1, 128), 1)
    row = jnp.zeros((1, 128), jnp.float32)
    for s, pred_ref in enumerate((p3_ref, p4_ref, p5_ref)):
        pos_e, neg_e, cells = _obj_partials(pred_ref, boxes, labels, s)
        row = row + jnp.where(lane == 3 * s, pos_e, 0.0)
        row = row + jnp.where(lane == 3 * s + 1, neg_e, 0.0)
        row = row + jnp.where(lane == 3 * s + 2, cells, 0.0)

    @pl.when(b == 0)
    def _():
        out_ref[...] = jnp.zeros_like(out_ref)

    out_ref[...] += row

    @pl.when(b == _B - 1)
    def _():
        cls_terms, box_num, selsum3 = _sparse_terms(
            g_acc[...], boxes2_ref, labels2_ref, boxest_ref, labelst_ref)
        row2 = jnp.where(lane == 9, cls_terms[0], 0.0)
        row2 = row2 + jnp.where(lane == 10, cls_terms[1], 0.0)
        row2 = row2 + jnp.where(lane == 11, cls_terms[2], 0.0)
        row2 = row2 + jnp.where(lane == 12, box_num, 0.0)
        row2 = row2 + jnp.where(lane == 13, selsum3, 0.0)
        out_ref[...] += row2


def _run_main(p3_4, p4_4, p5_4, boxes, labels3, g2, boxes2, labels2,
              boxest, labelst):
    gs = 3 * _NBOX // _B
    return pl.pallas_call(
        _main_body,
        grid=(_B,),
        in_specs=[
            pl.BlockSpec((1, _NA, 8, 6400), lambda b: (b, 0, 0, 0)),
            pl.BlockSpec((1, _NA, 8, 1600), lambda b: (b, 0, 0, 0)),
            pl.BlockSpec((1, _NA, 8, 400), lambda b: (b, 0, 0, 0)),
            pl.BlockSpec((1, _NB, 4), lambda b: (b, 0, 0)),
            pl.BlockSpec((1, _NB, 1), lambda b: (b, 0, 0)),
            pl.BlockSpec((gs, 256), lambda b: (b, 0)),
            pl.BlockSpec((_NBOX, 4), lambda b: (0, 0)),
            pl.BlockSpec((_NBOX, 1), lambda b: (0, 0)),
            pl.BlockSpec((4, _NBOX), lambda b: (0, 0)),
            pl.BlockSpec((1, _NBOX), lambda b: (0, 0)),
        ],
        out_specs=pl.BlockSpec((1, 128), lambda b: (0, 0)),
        out_shape=jax.ShapeDtypeStruct((1, 128), jnp.float32),
        scratch_shapes=[pltpu.VMEM((3 * _NBOX, 256), jnp.float32)],
    )(p3_4, p4_4, p5_4, boxes, labels3, g2, boxes2, labels2, boxest, labelst)



def kernel(pred_p3, pred_p4, pred_p5, target_boxes, target_labels):
    boxes2 = target_boxes.reshape(_NBOX, 4)
    labels2 = target_labels.reshape(_NBOX, 1)
    boxest = jnp.transpose(boxes2)
    labelst = target_labels.reshape(1, _NBOX)
    labels3 = target_labels.reshape(_B, _NB, 1)

    idx = _prep(boxes2)
    idx2 = idx.reshape(3 * _NBOX * 2, 128)

    t3 = pred_p3.reshape(-1)
    t4 = pred_p4.reshape(-1)
    t5 = pred_p5.reshape(-1)
    g = _sc_gather(t3, t4, t5, idx2)
    g2 = g.reshape(3 * _NBOX, 256)

    p3_4 = pred_p3.reshape(_B, _NA, 5 + _NC, 6400)
    p4_4 = pred_p4.reshape(_B, _NA, 5 + _NC, 1600)
    p5_4 = pred_p5.reshape(_B, _NA, 5 + _NC, 400)
    r = _run_main(p3_4, p4_4, p5_4, target_boxes, labels3, g2,
                  boxes2, labels2, boxest, labelst)[0]

    obj = jnp.float32(0.0)
    cls = jnp.float32(0.0)
    for s in range(3):
        denom = jnp.maximum(r[3 * s + 2], 1.0)
        obj = obj + _L_OBJ * r[3 * s] / denom + _L_NOOBJ * r[3 * s + 1] / denom
        cls = cls + r[9 + s] / jnp.maximum(r[3 * s + 2] * _NC, 1.0)
    box = r[12] / jnp.maximum(r[13], 1.0)
    return obj + _L_CLS * cls + _L_BOX * box

# --- scband reference (transcript-rebuilt; emitter-appended) ---
"""Pipeline reference for scband-yololoss-23905787970056 (READ-ONLY COPY).

The authoritative reference and input builder live on the scoring server;
editing this copy changes nothing except your own understanding.
"""

import jax, jax.numpy as jnp
import numpy as np

NUM_CLASSES = 80
NUM_ANCHORS = 3
IMG = 640.0
L_NOOBJ = 1.0
L_OBJ = 1.0
L_CLS = 0.5
L_BOX = 5.0
F_ALPHA = 0.25
F_GAMMA = 2.0


def _bce_logits(x, t):
    return jnp.maximum(x, 0.0) - x * t + jnp.log1p(jnp.exp(-jnp.abs(x)))


def _focal_factor(logits, targets):
    p = jax.nn.sigmoid(logits)
    p_t = p * targets + (1.0 - p) * (1.0 - targets)
    alpha_t = F_ALPHA * targets + (1.0 - F_ALPHA) * (1.0 - targets)
    return alpha_t * jnp.power(1.0 - p_t, F_GAMMA)


def _generalized_box_iou(b1, b2):
    area1 = (b1[:, 2] - b1[:, 0]) * (b1[:, 3] - b1[:, 1])
    area2 = (b2[:, 2] - b2[:, 0]) * (b2[:, 3] - b2[:, 1])
    lt = jnp.maximum(b1[:, None, :2], b2[None, :, :2])
    rb = jnp.minimum(b1[:, None, 2:], b2[None, :, 2:])
    wh = jnp.maximum(rb - lt, 0.0)
    inter = wh[..., 0] * wh[..., 1]
    union = area1[:, None] + area2[None, :] - inter
    iou = inter / union
    ltc = jnp.minimum(b1[:, None, :2], b2[None, :, :2])
    rbc = jnp.maximum(b1[:, None, 2:], b2[None, :, 2:])
    whc = jnp.maximum(rbc - ltc, 0.0)
    areac = whc[..., 0] * whc[..., 1]
    return iou - (areac - union) / areac


def yolo_loss(preds, target_boxes, target_labels):
    B = preds[0].shape[0]
    num_scales = len(preds)
    bw_n = jnp.clip((target_boxes[..., 2] - target_boxes[..., 0]) / IMG, 1e-6, 1.0)
    bh_n = jnp.clip((target_boxes[..., 3] - target_boxes[..., 1]) / IMG, 1e-6, 1.0)
    max_side = jnp.maximum(bw_n, bh_n)
    scale_idx_all = jnp.clip(jnp.where(max_side < 0.15, 0, jnp.where(max_side < 0.45, 1, num_scales - 1)), 0, num_scales - 1)

    obj_loss = jnp.float32(0.0)
    cls_loss = jnp.float32(0.0)
    box_loss = jnp.float32(0.0)
    total_pos = jnp.float32(0.0)
    for s, pred in enumerate(preds):
        _, ch, h, w = pred.shape
        if ch != NUM_ANCHORS * (5 + NUM_CLASSES):
            continue
        pred = pred.reshape(B, NUM_ANCHORS, 5 + NUM_CLASSES, h, w)
        pred_boxes = pred[:, :, :4]
        pred_obj = pred[:, :, 4]
        pred_cls = pred[:, :, 5:]
        obj_target = jnp.zeros_like(pred_obj)
        cls_target = jnp.zeros_like(pred_cls)
        for b in range(B):
            boxes_b = target_boxes[b]
            labels_b = target_labels[b]
            nb = boxes_b.shape[0]
            valid = (labels_b >= 0) & (labels_b < NUM_CLASSES)
            sel = ((scale_idx_all[b] == s) & valid).astype(jnp.float32)
            cx = jnp.clip((boxes_b[:, 0] + boxes_b[:, 2]) * 0.5 / IMG, 0.0, 1.0 - 1e-6)
            cy = jnp.clip((boxes_b[:, 1] + boxes_b[:, 3]) * 0.5 / IMG, 0.0, 1.0 - 1e-6)
            bw = jnp.clip((boxes_b[:, 2] - boxes_b[:, 0]) / IMG, 1e-6, 1.0)
            bh = jnp.clip((boxes_b[:, 3] - boxes_b[:, 1]) / IMG, 1e-6, 1.0)
            gx = cx * w
            gy = cy * h
            gi = jnp.clip(jnp.floor(jax.lax.stop_gradient(gx)).astype(jnp.int32), 0, w - 1)
            gj = jnp.clip(jnp.floor(jax.lax.stop_gradient(gy)).astype(jnp.int32), 0, h - 1)
            labels_c = jnp.clip(labels_b, 0, NUM_CLASSES - 1).astype(jnp.int32)
            upd = jnp.broadcast_to(sel[None, :], (NUM_ANCHORS, nb))
            ot_b = obj_target[b].at[:, gj, gi].max(upd)
            obj_target = obj_target.at[b].set(ot_b)
            ct_b = cls_target[b].at[:, labels_c, gj, gi].max(upd)
            cls_target = cls_target.at[b].set(ct_b)
            tgt_xyxy = jnp.stack((cx - bw / 2, cy - bh / 2, cx + bw / 2, cy + bh / 2), axis=1)
            for a in range(NUM_ANCHORS):
                pxywh = pred_boxes[b, a][:, gj, gi].T
                pred_xy = jax.nn.sigmoid(pxywh[:, :2])
                pred_wh = jax.nn.sigmoid(pxywh[:, 2:])
                pcx = (gi.astype(jnp.float32) + pred_xy[:, 0]) / float(w)
                pcy = (gj.astype(jnp.float32) + pred_xy[:, 1]) / float(h)
                pw = pred_wh[:, 0]
                ph = pred_wh[:, 1]
                pred_xyxy = jnp.stack((pcx - pw / 2, pcy - ph / 2, pcx + pw / 2, pcy + ph / 2), axis=1)
                g = _generalized_box_iou(pred_xyxy, tgt_xyxy)
                gdiag = jnp.diagonal(g)
                box_loss = box_loss + ((1.0 - gdiag) * sel).sum()
            total_pos = total_pos + sel.sum() * NUM_ANCHORS
        obj_bce = _bce_logits(pred_obj, obj_target)
        focal_w = _focal_factor(jax.lax.stop_gradient(pred_obj), obj_target)
        elem = obj_bce * focal_w
        pos_mask = (obj_target > 0.5).astype(jnp.float32)
        pos_count = pos_mask.sum()
        denom = jnp.maximum(pos_count, 1.0)
        obj_pos = (elem * pos_mask).sum() / denom
        obj_neg = (elem * (1.0 - pos_mask)).sum() / denom
        obj_loss = obj_loss + L_OBJ * obj_pos + L_NOOBJ * obj_neg
        cls_bce = _bce_logits(pred_cls, cls_target) * pos_mask[:, :, None, :, :]
        cls_denom = jnp.maximum(pos_count * NUM_CLASSES, 1.0)
        cls_loss = cls_loss + cls_bce.sum() / cls_denom
    box_loss = box_loss / jnp.maximum(total_pos, 1.0)
    return obj_loss + L_CLS * cls_loss + L_BOX * box_loss


def setup_inputs(seed: int = 0):
    key = jax.random.key(seed)
    k1, k2, k3, k4, k5, k6 = jax.random.split(key, 6)
    B, NB = 8, 32
    ch = NUM_ANCHORS * (5 + NUM_CLASSES)
    pred_p3 = jax.random.normal(k1, (B, ch, 80, 80), dtype=jnp.float32)
    pred_p4 = jax.random.normal(k2, (B, ch, 40, 40), dtype=jnp.float32)
    pred_p5 = jax.random.normal(k3, (B, ch, 20, 20), dtype=jnp.float32)
    xy = jax.random.uniform(k4, (B, NB, 2), minval=0.0, maxval=560.0, dtype=jnp.float32)
    wh = jax.random.uniform(k5, (B, NB, 2), minval=8.0, maxval=400.0, dtype=jnp.float32)
    x2y2 = jnp.clip(xy + wh, 0.0, 640.0)
    target_boxes = jnp.concatenate([xy, x2y2], axis=-1)
    target_labels = jax.random.randint(k6, (B, NB), 0, NUM_CLASSES, dtype=jnp.int32)
    return {"pred_p3": pred_p3, "pred_p4": pred_p4, "pred_p5": pred_p5, "target_boxes": target_boxes, "target_labels": target_labels}


def reference(pred_p3, pred_p4, pred_p5, target_boxes, target_labels):
    return yolo_loss([pred_p3, pred_p4, pred_p5], target_boxes, target_labels)

if __name__ == "__main__":
    import jax
    _d = setup_inputs()
    print(jax.jit(kernel)(*tuple(_d.values())))

</pallas_src>

<mosaic_0001>
#map = affine_map<(d0, d1) -> (0)>
#map1 = affine_map<(d0, d1) -> (0, 0)>
module attributes {stable_mosaic.version = 14 : i64} {
  func.func @_sc_gather_body(%arg0: i32, %arg1: i32, %arg2: memref<13056000xf32, #tpu.memory_space<hbm>>, %arg3: memref<3264000xf32, #tpu.memory_space<hbm>>, %arg4: memref<816000xf32, #tpu.memory_space<hbm>>, %arg5: memref<1536x128xi32, #tpu.memory_space<hbm>>, %arg6: memref<196608xf32, #tpu.memory_space<hbm>>, %arg7: memref<48x128xi32, #tpu.memory_space<vmem>>, %arg8: memref<256xf32, #tpu.memory_space<vmem>>, %arg9: memref<!tpu.dma_semaphore, #tpu.memory_space<semaphore_mem>>) attributes {dimension_semantics = [#tpu.dimension_semantics<core_parallel>, #tpu.dimension_semantics<subcore_parallel>], iteration_bounds = array<i64: 2, 16>, scalar_prefetch = 0 : i64, scratch_operands = 3 : i64, tpu.core_type = #tpu.core_type<sc_vector_subcore>, window_params = [{transform_indices = #map}, {transform_indices = #map}, {transform_indices = #map}, {transform_indices = #map1}, {transform_indices = #map}]} {
    %mul3A = arith.constant 2 : i32
    %mul3A_0 = arith.muli %arg1, %mul3A : i32
    %add3A = arith.addi %mul3A_0, %arg0 : i32
    %mul3A_1 = arith.constant 16 : i32
    %mul3A_2 = arith.muli %add3A, %mul3A_1 : i32
    %add3A_3 = arith.constant 0 : i32
    %add3A_4 = arith.addi %add3A_3, %mul3A_2 : i32
    "tpu.region"() ({
      %run_scoped3A = tpu.sem_alloc : memref<!tpu.dma_semaphore, #tpu.memory_space<semaphore_mem>>
      %dma_start3A_971 = arith.constant 0 : i32
      %dma_start3A_972 = arith.constant 0 : i32
      %dma_start3A_973 = tpu.memref_slice %arg7[%dma_start3A_971, %dma_start3A_972] : memref<48x128xi32, #tpu.memory_space<vmem>> -> memref<16x128xi32, #tpu.memory_space<vmem>>
      %dma_start3A_974 = arith.constant 0 : i32
      %dma_start3A_975 = tpu.memref_slice %arg5[%add3A_4, %dma_start3A_974] : memref<1536x128xi32, #tpu.memory_space<hbm>> -> memref<16x128xi32, #tpu.memory_space<hbm>>
      %dma_start3A_976 = arith.constant 0 : i32
      %dma_start3A_977 = arith.constant 0 : i32
      %dma_start3A_978 = tpu.memref_slice %arg7[%dma_start3A_976, %dma_start3A_977] : memref<48x128xi32, #tpu.memory_space<vmem>> -> memref<16x128xi32, #tpu.memory_space<vmem>>
      %dma_start3A_979 = arith.constant 0 : i32
      %dma_start3A_980 = tpu.memref_slice %arg5[%add3A_4, %dma_start3A_979] : memref<1536x128xi32, #tpu.memory_space<hbm>> -> memref<16x128xi32, #tpu.memory_space<hbm>>
      tpu.enqueue_dma source(%dma_start3A_980 : memref<16x128xi32, #tpu.memory_space<hbm>>) target(%dma_start3A_978 : memref<16x128xi32, #tpu.memory_space<vmem>>) target_semaphore(%run_scoped3A : memref<!tpu.dma_semaphore, #tpu.memory_space<semaphore_mem>>)
      %dma_wait3A_981 = arith.constant 0 : i32
      %dma_wait3A_982 = arith.constant 0 : i32
      %dma_wait3A_983 = tpu.memref_slice %arg7[%dma_wait3A_981, %dma_wait3A_982] : memref<48x128xi32, #tpu.memory_space<vmem>> -> memref<16x128xi32, #tpu.memory_space<vmem>>
      %dma_wait3A_984 = arith.constant 0 : i32
      %dma_wait3A_985 = tpu.memref_slice %arg5[%add3A_4, %dma_wait3A_984] : memref<1536x128xi32, #tpu.memory_space<hbm>> -> memref<16x128xi32, #tpu.memory_space<hbm>>
      %dma_wait3A_986 = arith.constant 0 : i32
      %dma_wait3A_987 = arith.constant 0 : i32
      %dma_wait3A_988 = tpu.memref_slice %arg7[%dma_wait3A_986, %dma_wait3A_987] : memref<48x128xi32, #tpu.memory_space<vmem>> -> memref<16x128xi32, #tpu.memory_space<vmem>>
      %dma_wait3A_989 = arith.constant 0 : i32
      %dma_wait3A_990 = tpu.memref_slice %arg5[%add3A_4, %dma_wait3A_989] : memref<1536x128xi32, #tpu.memory_space<hbm>> -> memref<16x128xi32, #tpu.memory_space<hbm>>
      tpu.wait_dma2 semaphore(%run_scoped3A : memref<!tpu.dma_semaphore, #tpu.memory_space<semaphore_mem>>) src(%dma_wait3A_990 : memref<16x128xi32, #tpu.memory_space<hbm>>) dst(%dma_wait3A_988 : memref<16x128xi32, #tpu.memory_space<vmem>>)
      tpu.yield
    }) : () -> ()
    %mul3A_5 = arith.constant 16 : i32
    %mul3A_6 = arith.muli %add3A, %mul3A_5 : i32
    %add3A_7 = arith.constant 512 : i32
    %add3A_8 = arith.addi %add3A_7, %mul3A_6 : i32
    "tpu.region"() ({
      %run_scoped3A = tpu.sem_alloc : memref<!tpu.dma_semaphore, #tpu.memory_space<semaphore_mem>>
      %dma_start3A_971 = arith.constant 16 : i32
      %dma_start3A_972 = arith.constant 0 : i32
      %dma_start3A_973 = tpu.memref_slice %arg7[%dma_start3A_971, %dma_start3A_972] : memref<48x128xi32, #tpu.memory_space<vmem>> -> memref<16x128xi32, #tpu.memory_space<vmem>>
      %dma_start3A_974 = arith.constant 0 : i32
      %dma_start3A_975 = tpu.memref_slice %arg5[%add3A_8, %dma_start3A_974] : memref<1536x128xi32, #tpu.memory_space<hbm>> -> memref<16x128xi32, #tpu.memory_space<hbm>>
      %dma_start3A_976 = arith.constant 16 : i32
      %dma_start3A_977 = arith.constant 0 : i32
      %dma_start3A_978 = tpu.memref_slice %arg7[%dma_start3A_976, %dma_start3A_977] : memref<48x128xi32, #tpu.memory_space<vmem>> -> memref<16x128xi32, #tpu.memory_space<vmem>>
      %dma_start3A_979 = arith.constant 0 : i32
      %dma_start3A_980 = tpu.memref_slice %arg5[%add3A_8, %dma_start3A_979] : memref<1536x128xi32, #tpu.memory_space<hbm>> -> memref<16x128xi32, #tpu.memory_space<hbm>>
      tpu.enqueue_dma source(%dma_start3A_980 : memref<16x128xi32, #tpu.memory_space<hbm>>) target(%dma_start3A_978 : memref<16x128xi32, #tpu.memory_space<vmem>>) target_semaphore(%run_scoped3A : memref<!tpu.dma_semaphore, #tpu.memory_space<semaphore_mem>>)
      %dma_wait3A_981 = arith.constant 16 : i32
      %dma_wait3A_982 = arith.constant 0 : i32
      %dma_wait3A_983 = tpu.memref_slice %arg7[%dma_wait3A_981, %dma_wait3A_982] : memref<48x128xi32, #tpu.memory_space<vmem>> -> memref<16x128xi32, #tpu.memory_space<vmem>>
      %dma_wait3A_984 = arith.constant 0 : i32
      %dma_wait3A_985 = tpu.memref_slice %arg5[%add3A_8, %dma_wait3A_984] : memref<1536x128xi32, #tpu.memory_space<hbm>> -> memref<16x128xi32, #tpu.memory_space<hbm>>
      %dma_wait3A_986 = arith.constant 16 : i32
      %dma_wait3A_987 = arith.constant 0 : i32
      %dma_wait3A_988 = tpu.memref_slice %arg7[%dma_wait3A_986, %dma_wait3A_987] : memref<48x128xi32, #tpu.memory_space<vmem>> -> memref<16x128xi32, #tpu.memory_space<vmem>>
      %dma_wait3A_989 = arith.constant 0 : i32
      %dma_wait3A_990 = tpu.memref_slice %arg5[%add3A_8, %dma_wait3A_989] : memref<1536x128xi32, #tpu.memory_space<hbm>> -> memref<16x128xi32, #tpu.memory_space<hbm>>
      tpu.wait_dma2 semaphore(%run_scoped3A : memref<!tpu.dma_semaphore, #tpu.memory_space<semaphore_mem>>) src(%dma_wait3A_990 : memref<16x128xi32, #tpu.memory_space<hbm>>) dst(%dma_wait3A_988 : memref<16x128xi32, #tpu.memory_space<vmem>>)
      tpu.yield
    }) : () -> ()
    %mul3A_9 = arith.constant 16 : i32
    %mul3A_10 = arith.muli %add3A, %mul3A_9 : i32
    %add3A_11 = arith.constant 1024 : i32
    %add3A_12 = arith.addi %add3A_11, %mul3A_10 : i32
    "tpu.region"() ({
      %run_scoped3A = tpu.sem_alloc : memref<!tpu.dma_semaphore, #tpu.memory_space<semaphore_mem>>
      %dma_start3A_971 = arith.constant 32 : i32
      %dma_start3A_972 = arith.constant 0 : i32
      %dma_start3A_973 = tpu.memref_slice %arg7[%dma_start3A_971, %dma_start3A_972] : memref<48x128xi32, #tpu.memory_space<vmem>> -> memref<16x128xi32, #tpu.memory_space<vmem>>
      %dma_start3A_974 = arith.constant 0 : i32
      %dma_start3A_975 = tpu.memref_slice %arg5[%add3A_12, %dma_start3A_974] : memref<1536x128xi32, #tpu.memory_space<hbm>> -> memref<16x128xi32, #tpu.memory_space<hbm>>
      %dma_start3A_976 = arith.constant 32 : i32
      %dma_start3A_977 = arith.constant 0 : i32
      %dma_start3A_978 = tpu.memref_slice %arg7[%dma_start3A_976, %dma_start3A_977] : memref<48x128xi32, #tpu.memory_space<vmem>> -> memref<16x128xi32, #tpu.memory_space<vmem>>
      %dma_start3A_979 = arith.constant 0 : i32
      %dma_start3A_980 = tpu.memref_slice %arg5[%add3A_12, %dma_start3A_979] : memref<1536x128xi32, #tpu.memory_space<hbm>> -> memref<16x128xi32, #tpu.memory_space<hbm>>
      tpu.enqueue_dma source(%dma_start3A_980 : memref<16x128xi32, #tpu.memory_space<hbm>>) target(%dma_start3A_978 : memref<16x128xi32, #tpu.memory_space<vmem>>) target_semaphore(%run_scoped3A : memref<!tpu.dma_semaphore, #tpu.memory_space<semaphore_mem>>)
      %dma_wait3A_981 = arith.constant 32 : i32
      %dma_wait3A_982 = arith.constant 0 : i32
      %dma_wait3A_983 = tpu.memref_slice %arg7[%dma_wait3A_981, %dma_wait3A_982] : memref<48x128xi32, #tpu.memory_space<vmem>> -> memref<16x128xi32, #tpu.memory_space<vmem>>
      %dma_wait3A_984 = arith.constant 0 : i32
      %dma_wait3A_985 = tpu.memref_slice %arg5[%add3A_12, %dma_wait3A_984] : memref<1536x128xi32, #tpu.memory_space<hbm>> -> memref<16x128xi32, #tpu.memory_space<hbm>>
      %dma_wait3A_986 = arith.constant 32 : i32
      %dma_wait3A_987 = arith.constant 0 : i32
      %dma_wait3A_988 = tpu.memref_slice %arg7[%dma_wait3A_986, %dma_wait3A_987] : memref<48x128xi32, #tpu.memory_space<vmem>> -> memref<16x128xi32, #tpu.memory_space<vmem>>
      %dma_wait3A_989 = arith.constant 0 : i32
      %dma_wait3A_990 = tpu.memref_slice %arg5[%add3A_12, %dma_wait3A_989] : memref<1536x128xi32, #tpu.memory_space<hbm>> -> memref<16x128xi32, #tpu.memory_space<hbm>>
      tpu.wait_dma2 semaphore(%run_scoped3A : memref<!tpu.dma_semaphore, #tpu.memory_space<semaphore_mem>>) src(%dma_wait3A_990 : memref<16x128xi32, #tpu.memory_space<hbm>>) dst(%dma_wait3A_988 : memref<16x128xi32, #tpu.memory_space<vmem>>)
      tpu.yield
    }) : () -> ()
    %dma_start3A = arith.constant 0 : i32
    %dma_start3A_13 = arith.constant 0 : i32
    %dma_start3A_14 = tpu.memref_slice %arg8[%dma_start3A_13] : memref<256xf32, #tpu.memory_space<vmem>> -> memref<128xf32, #tpu.memory_space<vmem>>
    %dma_start3A_15 = arith.constant 0 : i32
    %dma_start3A_16 = tpu.memref_slice %arg7[%dma_start3A, %dma_start3A_15] : memref<48x128xi32, #tpu.memory_space<vmem>> -> memref<1x128xi32, #tpu.memory_space<vmem>>
    %dma_start3A_17 = tpu.memref_squeeze %dma_start3A_16 : memref<1x128xi32, #tpu.memory_space<vmem>> -> memref<128xi32, #tpu.memory_space<vmem>>
    %dma_start3A_18 = arith.constant 0 : i32
    %dma_start3A_19 = tpu.memref_slice %arg2[%dma_start3A_18] : memref<13056000xf32, #tpu.memory_space<hbm>> -> memref<13056000xf32, #tpu.memory_space<hbm>>
    tpu.enqueue_indirect_dma source(%dma_start3A_19 : memref<13056000xf32, #tpu.memory_space<hbm>>) target(%dma_start3A_14 : memref<128xf32, #tpu.memory_space<vmem>>) offsets(%dma_start3A_17 : memref<128xi32, #tpu.memory_space<vmem>>) semaphore(%arg9 : memref<!tpu.dma_semaphore, #tpu.memory_space<semaphore_mem>>)
    %dma_start3A_20 = arith.constant 1 : i32
    %dma_start3A_21 = arith.constant 128 : i32
    %dma_start3A_22 = tpu.memref_slice %arg8[%dma_start3A_21] : memref<256xf32, #tpu.memory_space<vmem>> -> memref<128xf32, #tpu.memory_space<vmem>>
    %dma_start3A_23 = arith.constant 0 : i32
    %dma_start3A_24 = tpu.memref_slice %arg7[%dma_start3A_20, %dma_start3A_23] : memref<48x128xi32, #tpu.memory_space<vmem>> -> memref<1x128xi32, #tpu.memory_space<vmem>>
    %dma_start3A_25 = tpu.memref_squeeze %dma_start3A_24 : memref<1x128xi32, #tpu.memory_space<vmem>> -> memref<128xi32, #tpu.memory_space<vmem>>
    %dma_start3A_26 = arith.constant 0 : i32
    %dma_start3A_27 = tpu.memref_slice %arg2[%dma_start3A_26] : memref<13056000xf32, #tpu.memory_space<hbm>> -> memref<13056000xf32, #tpu.memory_space<hbm>>
    tpu.enqueue_indirect_dma source(%dma_start3A_27 : memref<13056000xf32, #tpu.memory_space<hbm>>) target(%dma_start3A_22 : memref<128xf32, #tpu.memory_space<vmem>>) offsets(%dma_start3A_25 : memref<128xi32, #tpu.memory_space<vmem>>) semaphore(%arg9 : memref<!tpu.dma_semaphore, #tpu.memory_space<semaphore_mem>>)
    %dma_wait3A = arith.constant 0 : i32
    %dma_wait3A_28 = arith.constant 0 : i32
    %dma_wait3A_29 = tpu.memref_slice %arg8[%dma_wait3A_28] : memref<256xf32, #tpu.memory_space<vmem>> -> memref<128xf32, #tpu.memory_space<vmem>>
    %dma_wait3A_30 = arith.constant 0 : i32
    %dma_wait3A_31 = tpu.memref_slice %arg7[%dma_wait3A, %dma_wait3A_30] : memref<48x128xi32, #tpu.memory_space<vmem>> -> memref<1x128xi32, #tpu.memory_space<vmem>>
    %dma_wait3A_32 = tpu.memref_squeeze %dma_wait3A_31 : memref<1x128xi32, #tpu.memory_space<vmem>> -> memref<128xi32, #tpu.memory_space<vmem>>
    %dma_wait3A_33 = arith.constant 0 : i32
    %dma_wait3A_34 = tpu.memref_slice %arg2[%dma_wait3A_33] : memref<13056000xf32, #tpu.memory_space<hbm>> -> memref<13056000xf32, #tpu.memory_space<hbm>>
    tpu.wait_indirect_dma semaphore(%arg9 : memref<!tpu.dma_semaphore, #tpu.memory_space<semaphore_mem>>) src(%dma_wait3A_34 : memref<13056000xf32, #tpu.memory_space<hbm>>) dst(%dma_wait3A_29 : memref<128xf32, #tpu.memory_space<vmem>>)
    %dma_wait3A_35 = arith.constant 1 : i32
    %dma_wait3A_36 = arith.constant 128 : i32
    %dma_wait3A_37 = tpu.memref_slice %arg8[%dma_wait3A_36] : memref<256xf32, #tpu.memory_space<vmem>> -> memref<128xf32, #tpu.memory_space<vmem>>
    %dma_wait3A_38 = arith.constant 0 : i32
    %dma_wait3A_39 = tpu.memref_slice %arg7[%dma_wait3A_35, %dma_wait3A_38] : memref<48x128xi32, #tpu.memory_space<vmem>> -> memref<1x128xi32, #tpu.memory_space<vmem>>
    %dma_wait3A_40 = tpu.memref_squeeze %dma_wait3A_39 : memref<1x128xi32, #tpu.memory_space<vmem>> -> memref<128xi32, #tpu.memory_space<vmem>>
    %dma_wait3A_41 = arith.constant 0 : i32
    %dma_wait3A_42 = tpu.memref_slice %arg2[%dma_wait3A_41] : memref<13056000xf32, #tpu.memory_space<hbm>> -> memref<13056000xf32, #tpu.memory_space<hbm>>
    tpu.wait_indirect_dma semaphore(%arg9 : memref<!tpu.dma_semaphore, #tpu.memory_space<semaphore_mem>>) src(%dma_wait3A_42 : memref<13056000xf32, #tpu.memory_space<hbm>>) dst(%dma_wait3A_37 : memref<128xf32, #tpu.memory_space<vmem>>)
    %mul3A_43 = arith.constant 8 : i32
    %mul3A_44 = arith.muli %add3A, %mul3A_43 : i32
    %add3A_45 = arith.constant 0 : i32
    %add3A_46 = arith.addi %add3A_45, %mul3A_44 : i32
    %add3A_47 = arith.constant 0 : i32
    %add3A_48 = arith.addi %add3A_46, %add3A_47 : i32
    %mul3A_49 = arith.constant 256 : i32
    %mul3A_50 = arith.muli %add3A_48, %mul3A_49 : i32
    "tpu.region"() ({
      %run_scoped3A = tpu.sem_alloc : memref<!tpu.dma_semaphore, #tpu.memory_space<semaphore_mem>>
      %dma_start3A_971 = tpu.memref_slice %arg6[%mul3A_50] : memref<196608xf32, #tpu.memory_space<hbm>> -> memref<256xf32, #tpu.memory_space<hbm>>
      %dma_start3A_972 = tpu.memref_slice %arg6[%mul3A_50] : memref<196608xf32, #tpu.memory_space<hbm>> -> memref<256xf32, #tpu.memory_space<hbm>>
      tpu.enqueue_dma source(%arg8 : memref<256xf32, #tpu.memory_space<vmem>>) target(%dma_start3A_972 : memref<256xf32, #tpu.memory_space<hbm>>) target_semaphore(%run_scoped3A : memref<!tpu.dma_semaphore, #tpu.memory_space<semaphore_mem>>)
      %dma_wait3A_973 = tpu.memref_slice %arg6[%mul3A_50] : memref<196608xf32, #tpu.memory_space<hbm>> -> memref<256xf32, #tpu.memory_space<hbm>>
      %dma_wait3A_974 = tpu.memref_slice %arg6[%mul3A_50] : memref<196608xf32, #tpu.memory_space<hbm>> -> memref<256xf32, #tpu.memory_space<hbm>>
      tpu.wait_dma2 semaphore(%run_scoped3A : memref<!tpu.dma_semaphore, #tpu.memory_space<semaphore_mem>>) src(%arg8 : memref<256xf32, #tpu.memory_space<vmem>>) dst(%dma_wait3A_974 : memref<256xf32, #tpu.memory_space<hbm>>)
      tpu.yield
    }) : () -> ()
    %dma_start3A_51 = arith.constant 2 : i32
    %dma_start3A_52 = arith.constant 0 : i32
    %dma_start3A_53 = tpu.memref_slice %arg8[%dma_start3A_52] : memref<256xf32, #tpu.memory_space<vmem>> -> memref<128xf32, #tpu.memory_space<vmem>>
    %dma_start3A_54 = arith.constant 0 : i32
    %dma_start3A_55 = tpu.memref_slice %arg7[%dma_start3A_51, %dma_start3A_54] : memref<48x128xi32, #tpu.memory_space<vmem>> -> memref<1x128xi32, #tpu.memory_space<vmem>>
    %dma_start3A_56 = tpu.memref_squeeze %dma_start3A_55 : memref<1x128xi32, #tpu.memory_space<vmem>> -> memref<128xi32, #tpu.memory_space<vmem>>
    %dma_start3A_57 = arith.constant 0 : i32
    %dma_start3A_58 = tpu.memref_slice %arg2[%dma_start3A_57] : memref<13056000xf32, #tpu.memory_space<hbm>> -> memref<13056000xf32, #tpu.memory_space<hbm>>
    tpu.enqueue_indirect_dma source(%dma_start3A_58 : memref<13056000xf32, #tpu.memory_space<hbm>>) target(%dma_start3A_53 : memref<128xf32, #tpu.memory_space<vmem>>) offsets(%dma_start3A_56 : memref<128xi32, #tpu.memory_space<vmem>>) semaphore(%arg9 : memref<!tpu.dma_semaphore, #tpu.memory_space<semaphore_mem>>)
    %dma_start3A_59 = arith.constant 3 : i32
    %dma_start3A_60 = arith.constant 128 : i32
    %dma_start3A_61 = tpu.memref_slice %arg8[%dma_start3A_60] : memref<256xf32, #tpu.memory_space<vmem>> -> memref<128xf32, #tpu.memory_space<vmem>>
    %dma_start3A_62 = arith.constant 0 : i32
    %dma_start3A_63 = tpu.memref_slice %arg7[%dma_start3A_59, %dma_start3A_62] : memref<48x128xi32, #tpu.memory_space<vmem>> -> memref<1x128xi32, #tpu.memory_space<vmem>>
    %dma_start3A_64 = tpu.memref_squeeze %dma_start3A_63 : memref<1x128xi32, #tpu.memory_space<vmem>> -> memref<128xi32, #tpu.memory_space<vmem>>
    %dma_start3A_65 = arith.constant 0 : i32
    %dma_start3A_66 = tpu.memref_slice %arg2[%dma_start3A_65] : memref<13056000xf32, #tpu.memory_space<hbm>> -> memref<13056000xf32, #tpu.memory_space<hbm>>
    tpu.enqueue_indirect_dma source(%dma_start3A_66 : memref<13056000xf32, #tpu.memory_space<hbm>>) target(%dma_start3A_61 : memref<128xf32, #tpu.memory_space<vmem>>) offsets(%dma_start3A_64 : memref<128xi32, #tpu.memory_space<vmem>>) semaphore(%arg9 : memref<!tpu.dma_semaphore, #tpu.memory_space<semaphore_mem>>)
    %dma_wait3A_67 = arith.constant 2 : i32
    %dma_wait3A_68 = arith.constant 0 : i32
    %dma_wait3A_69 = tpu.memref_slice %arg8[%dma_wait3A_68] : memref<256xf32, #tpu.memory_space<vmem>> -> memref<128xf32, #tpu.memory_space<vmem>>
    %dma_wait3A_70 = arith.constant 0 : i32
    %dma_wait3A_71 = tpu.memref_slice %arg7[%dma_wait3A_67, %dma_wait3A_70] : memref<48x128xi32, #tpu.memory_space<vmem>> -> memref<1x128xi32, #tpu.memory_space<vmem>>
    %dma_wait3A_72 = tpu.memref_squeeze %dma_wait3A_71 : memref<1x128xi32, #tpu.memory_space<vmem>> -> memref<128xi32, #tpu.memory_space<vmem>>
    %dma_wait3A_73 = arith.constant 0 : i32
    %dma_wait3A_74 = tpu.memref_slice %arg2[%dma_wait3A_73] : memref<13056000xf32, #tpu.memory_space<hbm>> -> memref<13056000xf32, #tpu.memory_space<hbm>>
    tpu.wait_indirect_dma semaphore(%arg9 : memref<!tpu.dma_semaphore, #tpu.memory_space<semaphore_mem>>) src(%dma_wait3A_74 : memref<13056000xf32, #tpu.memory_space<hbm>>) dst(%dma_wait3A_69 : memref<128xf32, #tpu.memory_space<vmem>>)
    %dma_wait3A_75 = arith.constant 3 : i32
    %dma_wait3A_76 = arith.constant 128 : i32
    %dma_wait3A_77 = tpu.memref_slice %arg8[%dma_wait3A_76] : memref<256xf32, #tpu.memory_space<vmem>> -> memref<128xf32, #tpu.memory_space<vmem>>
    %dma_wait3A_78 = arith.constant 0 : i32
    %dma_wait3A_79 = tpu.memref_slice %arg7[%dma_wait3A_75, %dma_wait3A_78] : memref<48x128xi32, #tpu.memory_space<vmem>> -> memref<1x128xi32, #tpu.memory_space<vmem>>
    %dma_wait3A_80 = tpu.memref_squeeze %dma_wait3A_79 : memref<1x128xi32, #tpu.memory_space<vmem>> -> memref<128xi32, #tpu.memory_space<vmem>>
    %dma_wait3A_81 = arith.constant 0 : i32
    %dma_wait3A_82 = tpu.memref_slice %arg2[%dma_wait3A_81] : memref<13056000xf32, #tpu.memory_space<hbm>> -> memref<13056000xf32, #tpu.memory_space<hbm>>
    tpu.wait_indirect_dma semaphore(%arg9 : memref<!tpu.dma_semaphore, #tpu.memory_space<semaphore_mem>>) src(%dma_wait3A_82 : memref<13056000xf32, #tpu.memory_space<hbm>>) dst(%dma_wait3A_77 : memref<128xf32, #tpu.memory_space<vmem>>)
    %mul3A_83 = arith.constant 8 : i32
    %mul3A_84 = arith.muli %add3A, %mul3A_83 : i32
    %add3A_85 = arith.constant 0 : i32
    %add3A_86 = arith.addi %add3A_85, %mul3A_84 : i32
    %add3A_87 = arith.constant 1 : i32
    %add3A_88 = arith.addi %add3A_86, %add3A_87 : i32
    %mul3A_89 = arith.constant 256 : i32
    %mul3A_90 = arith.muli %add3A_88, %mul3A_89 : i32
    "tpu.region"() ({
      %run_scoped3A = tpu.sem_alloc : memref<!tpu.dma_semaphore, #tpu.memory_space<semaphore_mem>>
      %dma_start3A_971 = tpu.memref_slice %arg6[%mul3A_90] : memref<196608xf32, #tpu.memory_space<hbm>> -> memref<256xf32, #tpu.memory_space<hbm>>
      %dma_start3A_972 = tpu.memref_slice %arg6[%mul3A_90] : memref<196608xf32, #tpu.memory_space<hbm>> -> memref<256xf32, #tpu.memory_space<hbm>>
      tpu.enqueue_dma source(%arg8 : memref<256xf32, #tpu.memory_space<vmem>>) target(%dma_start3A_972 : memref<256xf32, #tpu.memory_space<hbm>>) target_semaphore(%run_scoped3A : memref<!tpu.dma_semaphore, #tpu.memory_space<semaphore_mem>>)
      %dma_wait3A_973 = tpu.memref_slice %arg6[%mul3A_90] : memref<196608xf32, #tpu.memory_space<hbm>> -> memref<256xf32, #tpu.memory_space<hbm>>
      %dma_wait3A_974 = tpu.memref_slice %arg6[%mul3A_90] : memref<196608xf32, #tpu.memory_space<hbm>> -> memref<256xf32, #tpu.memory_space<hbm>>
      tpu.wait_dma2 semaphore(%run_scoped3A : memref<!tpu.dma_semaphore, #tpu.memory_space<semaphore_mem>>) src(%arg8 : memref<256xf32, #tpu.memory_space<vmem>>) dst(%dma_wait3A_974 : memref<256xf32, #tpu.memory_space<hbm>>)
      tpu.yield
    }) : () -> ()
    %dma_start3A_91 = arith.constant 4 : i32
    %dma_start3A_92 = arith.constant 0 : i32
    %dma_start3A_93 = tpu.memref_slice %arg8[%dma_start3A_92] : memref<256xf32, #tpu.memory_space<vmem>> -> memref<128xf32, #tpu.memory_space<vmem>>
    %dma_start3A_94 = arith.constant 0 : i32
    %dma_start3A_95 = tpu.memref_slice %arg7[%dma_start3A_91, %dma_start3A_94] : memref<48x128xi32, #tpu.memory_space<vmem>> -> memref<1x128xi32, #tpu.memory_space<vmem>>
    %dma_start3A_96 = tpu.memref_squeeze %dma_start3A_95 : memref<1x128xi32, #tpu.memory_space<vmem>> -> memref<128xi32, #tpu.memory_space<vmem>>
    %dma_start3A_97 = arith.constant 0 : i32
    %dma_start3A_98 = tpu.memref_slice %arg2[%dma_start3A_97] : memref<13056000xf32, #tpu.memory_space<hbm>> -> memref<13056000xf32, #tpu.memory_space<hbm>>
    tpu.enqueue_indirect_dma source(%dma_start3A_98 : memref<13056000xf32, #tpu.memory_space<hbm>>) target(%dma_start3A_93 : memref<128xf32, #tpu.memory_space<vmem>>) offsets(%dma_start3A_96 : memref<128xi32, #tpu.memory_space<vmem>>) semaphore(%arg9 : memref<!tpu.dma_semaphore, #tpu.memory_space<semaphore_mem>>)
    %dma_start3A_99 = arith.constant 5 : i32
    %dma_start3A_100 = arith.constant 128 : i32
    %dma_start3A_101 = tpu.memref_slice %arg8[%dma_start3A_100] : memref<256xf32, #tpu.memory_space<vmem>> -> memref<128xf32, #tpu.memory_space<vmem>>
    %dma_start3A_102 = arith.constant 0 : i32
    %dma_start3A_103 = tpu.memref_slice %arg7[%dma_start3A_99, %dma_start3A_102] : memref<48x128xi32, #tpu.memory_space<vmem>> -> memref<1x128xi32, #tpu.memory_space<vmem>>
    %dma_start3A_104 = tpu.memref_squeeze %dma_start3A_103 : memref<1x128xi32, #tpu.memory_space<vmem>> -> memref<128xi32, #tpu.memory_space<vmem>>
    %dma_start3A_105 = arith.constant 0 : i32
    %dma_start3A_106 = tpu.memref_slice %arg2[%dma_start3A_105] : memref<13056000xf32, #tpu.memory_space<hbm>> -> memref<13056000xf32, #tpu.memory_space<hbm>>
    tpu.enqueue_indirect_dma source(%dma_start3A_106 : memref<13056000xf32, #tpu.memory_space<hbm>>) target(%dma_start3A_101 : memref<128xf32, #tpu.memory_space<vmem>>) offsets(%dma_start3A_104 : memref<128xi32, #tpu.memory_space<vmem>>) semaphore(%arg9 : memref<!tpu.dma_semaphore, #tpu.memory_space<semaphore_mem>>)
    %dma_wait3A_107 = arith.constant 4 : i32
    %dma_wait3A_108 = arith.constant 0 : i32
    %dma_wait3A_109 = tpu.memref_slice %arg8[%dma_wait3A_108] : memref<256xf32, #tpu.memory_space<vmem>> -> memref<128xf32, #tpu.memory_space<vmem>>
    %dma_wait3A_110 = arith.constant 0 : i32
    %dma_wait3A_111 = tpu.memref_slice %arg7[%dma_wait3A_107, %dma_wait3A_110] : memref<48x128xi32, #tpu.memory_space<vmem>> -> memref<1x128xi32, #tpu.memory_space<vmem>>
    %dma_wait3A_112 = tpu.memref_squeeze %dma_wait3A_111 : memref<1x128xi32, #tpu.memory_space<vmem>> -> memref<128xi32, #tpu.memory_space<vmem>>
    %dma_wait3A_113 = arith.constant 0 : i32
    %dma_wait3A_114 = tpu.memref_slice %arg2[%dma_wait3A_113] : memref<13056000xf32, #tpu.memory_space<hbm>> -> memref<13056000xf32, #tpu.memory_space<hbm>>
    tpu.wait_indirect_dma semaphore(%arg9 : memref<!tpu.dma_semaphore, #tpu.memory_space<semaphore_mem>>) src(%dma_wait3A_114 : memref<13056000xf32, #tpu.memory_space<hbm>>) dst(%dma_wait3A_109 : memref<128xf32, #tpu.memory_space<vmem>>)
    %dma_wait3A_115 = arith.constant 5 : i32
    %dma_wait3A_116 = arith.constant 128 : i32
    %dma_wait3A_117 = tpu.memref_slice %arg8[%dma_wait3A_116] : memref<256xf32, #tpu.memory_space<vmem>> -> memref<128xf32, #tpu.memory_space<vmem>>
    %dma_wait3A_118 = arith.constant 0 : i32
    %dma_wait3A_119 = tpu.memref_slice %arg7[%dma_wait3A_115, %dma_wait3A_118] : memref<48x128xi32, #tpu.memory_space<vmem>> -> memref<1x128xi32, #tpu.memory_space<vmem>>
    %dma_wait3A_120 = tpu.memref_squeeze %dma_wait3A_119 : memref<1x128xi32, #tpu.memory_space<vmem>> -> memref<128xi32, #tpu.memory_space<vmem>>
    %dma_wait3A_121 = arith.constant 0 : i32
    %dma_wait3A_122 = tpu.memref_slice %arg2[%dma_wait3A_121] : memref<13056000xf32, #tpu.memory_space<hbm>> -> memref<13056000xf32, #tpu.memory_space<hbm>>
    tpu.wait_indirect_dma semaphore(%arg9 : memref<!tpu.dma_semaphore, #tpu.memory_space<semaphore_mem>>) src(%dma_wait3A_122 : memref<13056000xf32, #tpu.memory_space<hbm>>) dst(%dma_wait3A_117 : memref<128xf32, #tpu.memory_space<vmem>>)
    %mul3A_123 = arith.constant 8 : i32
    %mul3A_124 = arith.muli %add3A, %mul3A_123 : i32
    %add3A_125 = arith.constant 0 : i32
    %add3A_126 = arith.addi %add3A_125, %mul3A_124 : i32
    %add3A_127 = arith.constant 2 : i32
    %add3A_128 = arith.addi %add3A_126, %add3A_127 : i32
    %mul3A_129 = arith.constant 256 : i32
    %mul3A_130 = arith.muli %add3A_128, %mul3A_129 : i32
    "tpu.region"() ({
      %run_scoped3A = tpu.sem_alloc : memref<!tpu.dma_semaphore, #tpu.memory_space<semaphore_mem>>
      %dma_start3A_971 = tpu.memref_slice %arg6[%mul3A_130] : memref<196608xf32, #tpu.memory_space<hbm>> -> memref<256xf32, #tpu.memory_space<hbm>>
      %dma_start3A_972 = tpu.memref_slice %arg6[%mul3A_130] : memref<196608xf32, #tpu.memory_space<hbm>> -> memref<256xf32, #tpu.memory_space<hbm>>
      tpu.enqueue_dma source(%arg8 : memref<256xf32, #tpu.memory_space<vmem>>) target(%dma_start3A_972 : memref<256xf32, #tpu.memory_space<hbm>>) target_semaphore(%run_scoped3A : memref<!tpu.dma_semaphore, #tpu.memory_space<semaphore_mem>>)
      %dma_wait3A_973 = tpu.memref_slice %arg6[%mul3A_130] : memref<196608xf32, #tpu.memory_space<hbm>> -> memref<256xf32, #tpu.memory_space<hbm>>
      %dma_wait3A_974 = tpu.memref_slice %arg6[%mul3A_130] : memref<196608xf32, #tpu.memory_space<hbm>> -> memref<256xf32, #tpu.memory_space<hbm>>
      tpu.wait_dma2 semaphore(%run_scoped3A : memref<!tpu.dma_semaphore, #tpu.memory_space<semaphore_mem>>) src(%arg8 : memref<256xf32, #tpu.memory_space<vmem>>) dst(%dma_wait3A_974 : memref<256xf32, #tpu.memory_space<hbm>>)
      tpu.yield
    }) : () -> ()
    %dma_start3A_131 = arith.constant 6 : i32
    %dma_start3A_132 = arith.constant 0 : i32
    %dma_start3A_133 = tpu.memref_slice %arg8[%dma_start3A_132] : memref<256xf32, #tpu.memory_space<vmem>> -> memref<128xf32, #tpu.memory_space<vmem>>
    %dma_start3A_134 = arith.constant 0 : i32
    %dma_start3A_135 = tpu.memref_slice %arg7[%dma_start3A_131, %dma_start3A_134] : memref<48x128xi32, #tpu.memory_space<vmem>> -> memref<1x128xi32, #tpu.memory_space<vmem>>
    %dma_start3A_136 = tpu.memref_squeeze %dma_start3A_135 : memref<1x128xi32, #tpu.memory_space<vmem>> -> memref<128xi32, #tpu.memory_space<vmem>>
    %dma_start3A_137 = arith.constant 0 : i32
    %dma_start3A_138 = tpu.memref_slice %arg2[%dma_start3A_137] : memref<13056000xf32, #tpu.memory_space<hbm>> -> memref<13056000xf32, #tpu.memory_space<hbm>>
    tpu.enqueue_indirect_dma source(%dma_start3A_138 : memref<13056000xf32, #tpu.memory_space<hbm>>) target(%dma_start3A_133 : memref<128xf32, #tpu.memory_space<vmem>>) offsets(%dma_start3A_136 : memref<128xi32, #tpu.memory_space<vmem>>) semaphore(%arg9 : memref<!tpu.dma_semaphore, #tpu.memory_space<semaphore_mem>>)
    %dma_start3A_139 = arith.constant 7 : i32
    %dma_start3A_140 = arith.constant 128 : i32
    %dma_start3A_141 = tpu.memref_slice %arg8[%dma_start3A_140] : memref<256xf32, #tpu.memory_space<vmem>> -> memref<128xf32, #tpu.memory_space<vmem>>
    %dma_start3A_142 = arith.constant 0 : i32
    %dma_start3A_143 = tpu.memref_slice %arg7[%dma_start3A_139, %dma_start3A_142] : memref<48x128xi32, #tpu.memory_space<vmem>> -> memref<1x128xi32, #tpu.memory_space<vmem>>
    %dma_start3A_144 = tpu.memref_squeeze %dma_start3A_143 : memref<1x128xi32, #tpu.memory_space<vmem>> -> memref<128xi32, #tpu.memory_space<vmem>>
    %dma_start3A_145 = arith.constant 0 : i32
    %dma_start3A_146 = tpu.memref_slice %arg2[%dma_start3A_145] : memref<13056000xf32, #tpu.memory_space<hbm>> -> memref<13056000xf32, #tpu.memory_space<hbm>>
    tpu.enqueue_indirect_dma source(%dma_start3A_146 : memref<13056000xf32, #tpu.memory_space<hbm>>) target(%dma_start3A_141 : memref<128xf32, #tpu.memory_space<vmem>>) offsets(%dma_start3A_144 : memref<128xi32, #tpu.memory_space<vmem>>) semaphore(%arg9 : memref<!tpu.dma_semaphore, #tpu.memory_space<semaphore_mem>>)
    %dma_wait3A_147 = arith.constant 6 : i32
    %dma_wait3A_148 = arith.constant 0 : i32
    %dma_wait3A_149 = tpu.memref_slice %arg8[%dma_wait3A_148] : memref<256xf32, #tpu.memory_space<vmem>> -> memref<128xf32, #tpu.memory_space<vmem>>
    %dma_wait3A_150 = arith.constant 0 : i32
    %dma_wait3A_151 = tpu.memref_slice %arg7[%dma_wait3A_147, %dma_wait3A_150] : memref<48x128xi32, #tpu.memory_space<vmem>> -> memref<1x128xi32, #tpu.memory_space<vmem>>
    %dma_wait3A_152 = tpu.memref_squeeze %dma_wait3A_151 : memref<1x128xi32, #tpu.memory_space<vmem>> -> memref<128xi32, #tpu.memory_space<vmem>>
    %dma_wait3A_153 = arith.constant 0 : i32
    %dma_wait3A_154 = tpu.memref_slice %arg2[%dma_wait3A_153] : memref<13056000xf32, #tpu.memory_space<hbm>> -> memref<13056000xf32, #tpu.memory_space<hbm>>
    tpu.wait_indirect_dma semaphore(%arg9 : memref<!tpu.dma_semaphore, #tpu.memory_space<semaphore_mem>>) src(%dma_wait3A_154 : memref<13056000xf32, #tpu.memory_space<hbm>>) dst(%dma_wait3A_149 : memref<128xf32, #tpu.memory_space<vmem>>)
    %dma_wait3A_155 = arith.constant 7 : i32
    %dma_wait3A_156 = arith.constant 128 : i32
    %dma_wait3A_157 = tpu.memref_slice %arg8[%dma_wait3A_156] : memref<256xf32, #tpu.memory_space<vmem>> -> memref<128xf32, #tpu.memory_space<vmem>>
    %dma_wait3A_158 = arith.constant 0 : i32
    %dma_wait3A_159 = tpu.memref_slice %arg7[%dma_wait3A_155, %dma_wait3A_158] : memref<48x128xi32, #tpu.memory_space<vmem>> -> memref<1x128xi32, #tpu.memory_space<vmem>>
    %dma_wait3A_160 = tpu.memref_squeeze %dma_wait3A_159 : memref<1x128xi32, #tpu.memory_space<vmem>> -> memref<128xi32, #tpu.memory_space<vmem>>
    %dma_wait3A_161 = arith.constant 0 : i32
    %dma_wait3A_162 = tpu.memref_slice %arg2[%dma_wait3A_161] : memref<13056000xf32, #tpu.memory_space<hbm>> -> memref<13056000xf32, #tpu.memory_space<hbm>>
    tpu.wait_indirect_dma semaphore(%arg9 : memref<!tpu.dma_semaphore, #tpu.memory_space<semaphore_mem>>) src(%dma_wait3A_162 : memref<13056000xf32, #tpu.memory_space<hbm>>) dst(%dma_wait3A_157 : memref<128xf32, #tpu.memory_space<vmem>>)
    %mul3A_163 = arith.constant 8 : i32
    %mul3A_164 = arith.muli %add3A, %mul3A_163 : i32
    %add3A_165 = arith.constant 0 : i32
    %add3A_166 = arith.addi %add3A_165, %mul3A_164 : i32
    %add3A_167 = arith.constant 3 : i32
    %add3A_168 = arith.addi %add3A_166, %add3A_167 : i32
    %mul3A_169 = arith.constant 256 : i32
    %mul3A_170 = arith.muli %add3A_168, %mul3A_169 : i32
    "tpu.region"() ({
      %run_scoped3A = tpu.sem_alloc : memref<!tpu.dma_semaphore, #tpu.memory_space<semaphore_mem>>
      %dma_start3A_971 = tpu.memref_slice %arg6[%mul3A_170] : memref<196608xf32, #tpu.memory_space<hbm>> -> memref<256xf32, #tpu.memory_space<hbm>>
      %dma_start3A_972 = tpu.memref_slice %arg6[%mul3A_170] : memref<196608xf32, #tpu.memory_space<hbm>> -> memref<256xf32, #tpu.memory_space<hbm>>
      tpu.enqueue_dma source(%arg8 : memref<256xf32, #tpu.memory_space<vmem>>) target(%dma_start3A_972 : memref<256xf32, #tpu.memory_space<hbm>>) target_semaphore(%run_scoped3A : memref<!tpu.dma_semaphore, #tpu.memory_space<semaphore_mem>>)
      %dma_wait3A_973 = tpu.memref_slice %arg6[%mul3A_170] : memref<196608xf32, #tpu.memory_space<hbm>> -> memref<256xf32, #tpu.memory_space<hbm>>
      %dma_wait3A_974 = tpu.memref_slice %arg6[%mul3A_170] : memref<196608xf32, #tpu.memory_space<hbm>> -> memref<256xf32, #tpu.memory_space<hbm>>
      tpu.wait_dma2 semaphore(%run_scoped3A : memref<!tpu.dma_semaphore, #tpu.memory_space<semaphore_mem>>) src(%arg8 : memref<256xf32, #tpu.memory_space<vmem>>) dst(%dma_wait3A_974 : memref<256xf32, #tpu.memory_space<hbm>>)
      tpu.yield
    }) : () -> ()
    %dma_start3A_171 = arith.constant 8 : i32
    %dma_start3A_172 = arith.constant 0 : i32
    %dma_start3A_173 = tpu.memref_slice %arg8[%dma_start3A_172] : memref<256xf32, #tpu.memory_space<vmem>> -> memref<128xf32, #tpu.memory_space<vmem>>
    %dma_start3A_174 = arith.constant 0 : i32
    %dma_start3A_175 = tpu.memref_slice %arg7[%dma_start3A_171, %dma_start3A_174] : memref<48x128xi32, #tpu.memory_space<vmem>> -> memref<1x128xi32, #tpu.memory_space<vmem>>
    %dma_start3A_176 = tpu.memref_squeeze %dma_start3A_175 : memref<1x128xi32, #tpu.memory_space<vmem>> -> memref<128xi32, #tpu.memory_space<vmem>>
    %dma_start3A_177 = arith.constant 0 : i32
    %dma_start3A_178 = tpu.memref_slice %arg2[%dma_start3A_177] : memref<13056000xf32, #tpu.memory_space<hbm>> -> memref<13056000xf32, #tpu.memory_space<hbm>>
    tpu.enqueue_indirect_dma source(%dma_start3A_178 : memref<13056000xf32, #tpu.memory_space<hbm>>) target(%dma_start3A_173 : memref<128xf32, #tpu.memory_space<vmem>>) offsets(%dma_start3A_176 : memref<128xi32, #tpu.memory_space<vmem>>) semaphore(%arg9 : memref<!tpu.dma_semaphore, #tpu.memory_space<semaphore_mem>>)
    %dma_start3A_179 = arith.constant 9 : i32
    %dma_start3A_180 = arith.constant 128 : i32
    %dma_start3A_181 = tpu.memref_slice %arg8[%dma_start3A_180] : memref<256xf32, #tpu.memory_space<vmem>> -> memref<128xf32, #tpu.memory_space<vmem>>
    %dma_start3A_182 = arith.constant 0 : i32
    %dma_start3A_183 = tpu.memref_slice %arg7[%dma_start3A_179, %dma_start3A_182] : memref<48x128xi32, #tpu.memory_space<vmem>> -> memref<1x128xi32, #tpu.memory_space<vmem>>
    %dma_start3A_184 = tpu.memref_squeeze %dma_start3A_183 : memref<1x128xi32, #tpu.memory_space<vmem>> -> memref<128xi32, #tpu.memory_space<vmem>>
    %dma_start3A_185 = arith.constant 0 : i32
    %dma_start3A_186 = tpu.memref_slice %arg2[%dma_start3A_185] : memref<13056000xf32, #tpu.memory_space<hbm>> -> memref<13056000xf32, #tpu.memory_space<hbm>>
    tpu.enqueue_indirect_dma source(%dma_start3A_186 : memref<13056000xf32, #tpu.memory_space<hbm>>) target(%dma_start3A_181 : memref<128xf32, #tpu.memory_space<vmem>>) offsets(%dma_start3A_184 : memref<128xi32, #tpu.memory_space<vmem>>) semaphore(%arg9 : memref<!tpu.dma_semaphore, #tpu.memory_space<semaphore_mem>>)
    %dma_wait3A_187 = arith.constant 8 : i32
    %dma_wait3A_188 = arith.constant 0 : i32
    %dma_wait3A_189 = tpu.memref_slice %arg8[%dma_wait3A_188] : memref<256xf32, #tpu.memory_space<vmem>> -> memref<128xf32, #tpu.memory_space<vmem>>
    %dma_wait3A_190 = arith.constant 0 : i32
    %dma_wait3A_191 = tpu.memref_slice %arg7[%dma_wait3A_187, %dma_wait3A_190] : memref<48x128xi32, #tpu.memory_space<vmem>> -> memref<1x128xi32, #tpu.memory_space<vmem>>
    %dma_wait3A_192 = tpu.memref_squeeze %dma_wait3A_191 : memref<1x128xi32, #tpu.memory_space<vmem>> -> memref<128xi32, #tpu.memory_space<vmem>>
    %dma_wait3A_193 = arith.constant 0 : i32
    %dma_wait3A_194 = tpu.memref_slice %arg2[%dma_wait3A_193] : memref<13056000xf32, #tpu.memory_space<hbm>> -> memref<13056000xf32, #tpu.memory_space<hbm>>
    tpu.wait_indirect_dma semaphore(%arg9 : memref<!tpu.dma_semaphore, #tpu.memory_space<semaphore_mem>>) src(%dma_wait3A_194 : memref<13056000xf32, #tpu.memory_space<hbm>>) dst(%dma_wait3A_189 : memref<128xf32, #tpu.memory_space<vmem>>)
    %dma_wait3A_195 = arith.constant 9 : i32
    %dma_wait3A_196 = arith.constant 128 : i32
    %dma_wait3A_197 = tpu.memref_slice %arg8[%dma_wait3A_196] : memref<256xf32, #tpu.memory_space<vmem>> -> memref<128xf32, #tpu.memory_space<vmem>>
    %dma_wait3A_198 = arith.constant 0 : i32
    %dma_wait3A_199 = tpu.memref_slice %arg7[%dma_wait3A_195, %dma_wait3A_198] : memref<48x128xi32, #tpu.memory_space<vmem>> -> memref<1x128xi32, #tpu.memory_space<vmem>>
    %dma_wait3A_200 = tpu.memref_squeeze %dma_wait3A_199 : memref<1x128xi32, #tpu.memory_space<vmem>> -> memref<128xi32, #tpu.memory_space<vmem>>
    %dma_wait3A_201 = arith.constant 0 : i32
    %dma_wait3A_202 = tpu.memref_slice %arg2[%dma_wait3A_201] : memref<13056000xf32, #tpu.memory_space<hbm>> -> memref<13056000xf32, #tpu.memory_space<hbm>>
    tpu.wait_indirect_dma semaphore(%arg9 : memref<!tpu.dma_semaphore, #tpu.memory_space<semaphore_mem>>) src(%dma_wait3A_202 : memref<13056000xf32, #tpu.memory_space<hbm>>) dst(%dma_wait3A_197 : memref<128xf32, #tpu.memory_space<vmem>>)
    %mul3A_203 = arith.constant 8 : i32
    %mul3A_204 = arith.muli %add3A, %mul3A_203 : i32
    %add3A_205 = arith.constant 0 : i32
    %add3A_206 = arith.addi %add3A_205, %mul3A_204 : i32
    %add3A_207 = arith.constant 4 : i32
    %add3A_208 = arith.addi %add3A_206, %add3A_207 : i32
    %mul3A_209 = arith.constant 256 : i32
    %mul3A_210 = arith.muli %add3A_208, %mul3A_209 : i32
    "tpu.region"() ({
      %run_scoped3A = tpu.sem_alloc : memref<!tpu.dma_semaphore, #tpu.memory_space<semaphore_mem>>
      %dma_start3A_971 = tpu.memref_slice %arg6[%mul3A_210] : memref<196608xf32, #tpu.memory_space<hbm>> -> memref<256xf32, #tpu.memory_space<hbm>>
      %dma_start3A_972 = tpu.memref_slice %arg6[%mul3A_210] : memref<196608xf32, #tpu.memory_space<hbm>> -> memref<256xf32, #tpu.memory_space<hbm>>
      tpu.enqueue_dma source(%arg8 : memref<256xf32, #tpu.memory_space<vmem>>) target(%dma_start3A_972 : memref<256xf32, #tpu.memory_space<hbm>>) target_semaphore(%run_scoped3A : memref<!tpu.dma_semaphore, #tpu.memory_space<semaphore_mem>>)
      %dma_wait3A_973 = tpu.memref_slice %arg6[%mul3A_210] : memref<196608xf32, #tpu.memory_space<hbm>> -> memref<256xf32, #tpu.memory_space<hbm>>
      %dma_wait3A_974 = tpu.memref_slice %arg6[%mul3A_210] : memref<196608xf32, #tpu.memory_space<hbm>> -> memref<256xf32, #tpu.memory_space<hbm>>
      tpu.wait_dma2 semaphore(%run_scoped3A : memref<!tpu.dma_semaphore, #tpu.memory_space<semaphore_mem>>) src(%arg8 : memref<256xf32, #tpu.memory_space<vmem>>) dst(%dma_wait3A_974 : memref<256xf32, #tpu.memory_space<hbm>>)
      tpu.yield
    }) : () -> ()
    %dma_start3A_211 = arith.constant 10 : i32
    %dma_start3A_212 = arith.constant 0 : i32
    %dma_start3A_213 = tpu.memref_slice %arg8[%dma_start3A_212] : memref<256xf32, #tpu.memory_space<vmem>> -> memref<128xf32, #tpu.memory_space<vmem>>
    %dma_start3A_214 = arith.constant 0 : i32
    %dma_start3A_215 = tpu.memref_slice %arg7[%dma_start3A_211, %dma_start3A_214] : memref<48x128xi32, #tpu.memory_space<vmem>> -> memref<1x128xi32, #tpu.memory_space<vmem>>
    %dma_start3A_216 = tpu.memref_squeeze %dma_start3A_215 : memref<1x128xi32, #tpu.memory_space<vmem>> -> memref<128xi32, #tpu.memory_space<vmem>>
    %dma_start3A_217 = arith.constant 0 : i32
    %dma_start3A_218 = tpu.memref_slice %arg2[%dma_start3A_217] : memref<13056000xf32, #tpu.memory_space<hbm>> -> memref<13056000xf32, #tpu.memory_space<hbm>>
    tpu.enqueue_indirect_dma source(%dma_start3A_218 : memref<13056000xf32, #tpu.memory_space<hbm>>) target(%dma_start3A_213 : memref<128xf32, #tpu.memory_space<vmem>>) offsets(%dma_start3A_216 : memref<128xi32, #tpu.memory_space<vmem>>) semaphore(%arg9 : memref<!tpu.dma_semaphore, #tpu.memory_space<semaphore_mem>>)
    %dma_start3A_219 = arith.constant 11 : i32
    %dma_start3A_220 = arith.constant 128 : i32
    %dma_start3A_221 = tpu.memref_slice %arg8[%dma_start3A_220] : memref<256xf32, #tpu.memory_space<vmem>> -> memref<128xf32, #tpu.memory_space<vmem>>
    %dma_start3A_222 = arith.constant 0 : i32
    %dma_start3A_223 = tpu.memref_slice %arg7[%dma_start3A_219, %dma_start3A_222] : memref<48x128xi32, #tpu.memory_space<vmem>> -> memref<1x128xi32, #tpu.memory_space<vmem>>
    %dma_start3A_224 = tpu.memref_squeeze %dma_start3A_223 : memref<1x128xi32, #tpu.memory_space<vmem>> -> memref<128xi32, #tpu.memory_space<vmem>>
    %dma_start3A_225 = arith.constant 0 : i32
    %dma_start3A_226 = tpu.memref_slice %arg2[%dma_start3A_225] : memref<13056000xf32, #tpu.memory_space<hbm>> -> memref<13056000xf32, #tpu.memory_space<hbm>>
    tpu.enqueue_indirect_dma source(%dma_start3A_226 : memref<13056000xf32, #tpu.memory_space<hbm>>) target(%dma_start3A_221 : memref<128xf32, #tpu.memory_space<vmem>>) offsets(%dma_start3A_224 : memref<128xi32, #tpu.memory_space<vmem>>) semaphore(%arg9 : memref<!tpu.dma_semaphore, #tpu.memory_space<semaphore_mem>>)
    %dma_wait3A_227 = arith.constant 10 : i32
    %dma_wait3A_228 = arith.constant 0 : i32
    %dma_wait3A_229 = tpu.memref_slice %arg8[%dma_wait3A_228] : memref<256xf32, #tpu.memory_space<vmem>> -> memref<128xf32, #tpu.memory_space<vmem>>
    %dma_wait3A_230 = arith.constant 0 : i32
    %dma_wait3A_231 = tpu.memref_slice %arg7[%dma_wait3A_227, %dma_wait3A_230] : memref<48x128xi32, #tpu.memory_space<vmem>> -> memref<1x128xi32, #tpu.memory_space<vmem>>
    %dma_wait3A_232 = tpu.memref_squeeze %dma_wait3A_231 : memref<1x128xi32, #tpu.memory_space<vmem>> -> memref<128xi32, #tpu.memory_space<vmem>>
    %dma_wait3A_233 = arith.constant 0 : i32
    %dma_wait3A_234 = tpu.memref_slice %arg2[%dma_wait3A_233] : memref<13056000xf32, #tpu.memory_space<hbm>> -> memref<13056000xf32, #tpu.memory_space<hbm>>
    tpu.wait_indirect_dma semaphore(%arg9 : memref<!tpu.dma_semaphore, #tpu.memory_space<semaphore_mem>>) src(%dma_wait3A_234 : memref<13056000xf32, #tpu.memory_space<hbm>>) dst(%dma_wait3A_229 : memref<128xf32, #tpu.memory_space<vmem>>)
    %dma_wait3A_235 = arith.constant 11 : i32
    %dma_wait3A_236 = arith.constant 128 : i32
    %dma_wait3A_237 = tpu.memref_slice %arg8[%dma_wait3A_236] : memref<256xf32, #tpu.memory_space<vmem>> -> memref<128xf32, #tpu.memory_space<vmem>>
    %dma_wait3A_238 = arith.constant 0 : i32
    %dma_wait3A_239 = tpu.memref_slice %arg7[%dma_wait3A_235, %dma_wait3A_238] : memref<48x128xi32, #tpu.memory_space<vmem>> -> memref<1x128xi32, #tpu.memory_space<vmem>>
    %dma_wait3A_240 = tpu.memref_squeeze %dma_wait3A_239 : memref<1x128xi32, #tpu.memory_space<vmem>> -> memref<128xi32, #tpu.memory_space<vmem>>
    %dma_wait3A_241 = arith.constant 0 : i32
    %dma_wait3A_242 = tpu.memref_slice %arg2[%dma_wait3A_241] : memref<13056000xf32, #tpu.memory_space<hbm>> -> memref<13056000xf32, #tpu.memory_space<hbm>>
    tpu.wait_indirect_dma semaphore(%arg9 : memref<!tpu.dma_semaphore, #tpu.memory_space<semaphore_mem>>) src(%dma_wait3A_242 : memref<13056000xf32, #tpu.memory_space<hbm>>) dst(%dma_wait3A_237 : memref<128xf32, #tpu.memory_space<vmem>>)
    %mul3A_243 = arith.constant 8 : i32
    %mul3A_244 = arith.muli %add3A, %mul3A_243 : i32
    %add3A_245 = arith.constant 0 : i32
    %add3A_246 = arith.addi %add3A_245, %mul3A_244 : i32
    %add3A_247 = arith.constant 5 : i32
    %add3A_248 = arith.addi %add3A_246, %add3A_247 : i32
    %mul3A_249 = arith.constant 256 : i32
    %mul3A_250 = arith.muli %add3A_248, %mul3A_249 : i32
    "tpu.region"() ({
      %run_scoped3A = tpu.sem_alloc : memref<!tpu.dma_semaphore, #tpu.memory_space<semaphore_mem>>
      %dma_start3A_971 = tpu.memref_slice %arg6[%mul3A_250] : memref<196608xf32, #tpu.memory_space<hbm>> -> memref<256xf32, #tpu.memory_space<hbm>>
      %dma_start3A_972 = tpu.memref_slice %arg6[%mul3A_250] : memref<196608xf32, #tpu.memory_space<hbm>> -> memref<256xf32, #tpu.memory_space<hbm>>
      tpu.enqueue_dma source(%arg8 : memref<256xf32, #tpu.memory_space<vmem>>) target(%dma_start3A_972 : memref<256xf32, #tpu.memory_space<hbm>>) target_semaphore(%run_scoped3A : memref<!tpu.dma_semaphore, #tpu.memory_space<semaphore_mem>>)
      %dma_wait3A_973 = tpu.memref_slice %arg6[%mul3A_250] : memref<196608xf32, #tpu.memory_space<hbm>> -> memref<256xf32, #tpu.memory_space<hbm>>
      %dma_wait3A_974 = tpu.memref_slice %arg6[%mul3A_250] : memref<196608xf32, #tpu.memory_space<hbm>> -> memref<256xf32, #tpu.memory_space<hbm>>
      tpu.wait_dma2 semaphore(%run_scoped3A : memref<!tpu.dma_semaphore, #tpu.memory_space<semaphore_mem>>) src(%arg8 : memref<256xf32, #tpu.memory_space<vmem>>) dst(%dma_wait3A_974 : memref<256xf32, #tpu.memory_space<hbm>>)
      tpu.yield
    }) : () -> ()
    %dma_start3A_251 = arith.constant 12 : i32
    %dma_start3A_252 = arith.constant 0 : i32
    %dma_start3A_253 = tpu.memref_slice %arg8[%dma_start3A_252] : memref<256xf32, #tpu.memory_space<vmem>> -> memref<128xf32, #tpu.memory_space<vmem>>
    %dma_start3A_254 = arith.constant 0 : i32
    %dma_start3A_255 = tpu.memref_slice %arg7[%dma_start3A_251, %dma_start3A_254] : memref<48x128xi32, #tpu.memory_space<vmem>> -> memref<1x128xi32, #tpu.memory_space<vmem>>
    %dma_start3A_256 = tpu.memref_squeeze %dma_start3A_255 : memref<1x128xi32, #tpu.memory_space<vmem>> -> memref<128xi32, #tpu.memory_space<vmem>>
    %dma_start3A_257 = arith.constant 0 : i32
    %dma_start3A_258 = tpu.memref_slice %arg2[%dma_start3A_257] : memref<13056000xf32, #tpu.memory_space<hbm>> -> memref<13056000xf32, #tpu.memory_space<hbm>>
    tpu.enqueue_indirect_dma source(%dma_start3A_258 : memref<13056000xf32, #tpu.memory_space<hbm>>) target(%dma_start3A_253 : memref<128xf32, #tpu.memory_space<vmem>>) offsets(%dma_start3A_256 : memref<128xi32, #tpu.memory_space<vmem>>) semaphore(%arg9 : memref<!tpu.dma_semaphore, #tpu.memory_space<semaphore_mem>>)
    %dma_start3A_259 = arith.constant 13 : i32
    %dma_start3A_260 = arith.constant 128 : i32
    %dma_start3A_261 = tpu.memref_slice %arg8[%dma_start3A_260] : memref<256xf32, #tpu.memory_space<vmem>> -> memref<128xf32, #tpu.memory_space<vmem>>
    %dma_start3A_262 = arith.constant 0 : i32
    %dma_start3A_263 = tpu.memref_slice %arg7[%dma_start3A_259, %dma_start3A_262] : memref<48x128xi32, #tpu.memory_space<vmem>> -> memref<1x128xi32, #tpu.memory_space<vmem>>
    %dma_start3A_264 = tpu.memref_squeeze %dma_start3A_263 : memref<1x128xi32, #tpu.memory_space<vmem>> -> memref<128xi32, #tpu.memory_space<vmem>>
    %dma_start3A_265 = arith.constant 0 : i32
    %dma_start3A_266 = tpu.memref_slice %arg2[%dma_start3A_265] : memref<13056000xf32, #tpu.memory_space<hbm>> -> memref<13056000xf32, #tpu.memory_space<hbm>>
    tpu.enqueue_indirect_dma source(%dma_start3A_266 : memref<13056000xf32, #tpu.memory_space<hbm>>) target(%dma_start3A_261 : memref<128xf32, #tpu.memory_space<vmem>>) offsets(%dma_start3A_264 : memref<128xi32, #tpu.memory_space<vmem>>) semaphore(%arg9 : memref<!tpu.dma_semaphore, #tpu.memory_space<semaphore_mem>>)
    %dma_wait3A_267 = arith.constant 12 : i32
    %dma_wait3A_268 = arith.constant 0 : i32
    %dma_wait3A_269 = tpu.memref_slice %arg8[%dma_wait3A_268] : memref<256xf32, #tpu.memory_space<vmem>> -> memref<128xf32, #tpu.memory_space<vmem>>
    %dma_wait3A_270 = arith.constant 0 : i32
    %dma_wait3A_271 = tpu.memref_slice %arg7[%dma_wait3A_267, %dma_wait3A_270] : memref<48x128xi32, #tpu.memory_space<vmem>> -> memref<1x128xi32, #tpu.memory_space<vmem>>
    %dma_wait3A_272 = tpu.memref_squeeze %dma_wait3A_271 : memref<1x128xi32, #tpu.memory_space<vmem>> -> memref<128xi32, #tpu.memory_space<vmem>>
    %dma_wait3A_273 = arith.constant 0 : i32
    %dma_wait3A_274 = tpu.memref_slice %arg2[%dma_wait3A_273] : memref<13056000xf32, #tpu.memory_space<hbm>> -> memref<13056000xf32, #tpu.memory_space<hbm>>
    tpu.wait_indirect_dma semaphore(%arg9 : memref<!tpu.dma_semaphore, #tpu.memory_space<semaphore_mem>>) src(%dma_wait3A_274 : memref<13056000xf32, #tpu.memory_space<hbm>>) dst(%dma_wait3A_269 : memref<128xf32, #tpu.memory_space<vmem>>)
    %dma_wait3A_275 = arith.constant 13 : i32
    %dma_wait3A_276 = arith.constant 128 : i32
    %dma_wait3A_277 = tpu.memref_slice %arg8[%dma_wait3A_276] : memref<256xf32, #tpu.memory_space<vmem>> -> memref<128xf32, #tpu.memory_space<vmem>>
    %dma_wait3A_278 = arith.constant 0 : i32
    %dma_wait3A_279 = tpu.memref_slice %arg7[%dma_wait3A_275, %dma_wait3A_278] : memref<48x128xi32, #tpu.memory_space<vmem>> -> memref<1x128xi32, #tpu.memory_space<vmem>>
    %dma_wait3A_280 = tpu.memref_squeeze %dma_wait3A_279 : memref<1x128xi32, #tpu.memory_space<vmem>> -> memref<128xi32, #tpu.memory_space<vmem>>
    %dma_wait3A_281 = arith.constant 0 : i32
    %dma_wait3A_282 = tpu.memref_slice %arg2[%dma_wait3A_281] : memref<13056000xf32, #tpu.memory_space<hbm>> -> memref<13056000xf32, #tpu.memory_space<hbm>>
    tpu.wait_indirect_dma semaphore(%arg9 : memref<!tpu.dma_semaphore, #tpu.memory_space<semaphore_mem>>) src(%dma_wait3A_282 : memref<13056000xf32, #tpu.memory_space<hbm>>) dst(%dma_wait3A_277 : memref<128xf32, #tpu.memory_space<vmem>>)
    %mul3A_283 = arith.constant 8 : i32
    %mul3A_284 = arith.muli %add3A, %mul3A_283 : i32
    %add3A_285 = arith.constant 0 : i32
    %add3A_286 = arith.addi %add3A_285, %mul3A_284 : i32
    %add3A_287 = arith.constant 6 : i32
    %add3A_288 = arith.addi %add3A_286, %add3A_287 : i32
    %mul3A_289 = arith.constant 256 : i32
    %mul3A_290 = arith.muli %add3A_288, %mul3A_289 : i32
    "tpu.region"() ({
      %run_scoped3A = tpu.sem_alloc : memref<!tpu.dma_semaphore, #tpu.memory_space<semaphore_mem>>
      %dma_start3A_971 = tpu.memref_slice %arg6[%mul3A_290] : memref<196608xf32, #tpu.memory_space<hbm>> -> memref<256xf32, #tpu.memory_space<hbm>>
      %dma_start3A_972 = tpu.memref_slice %arg6[%mul3A_290] : memref<196608xf32, #tpu.memory_space<hbm>> -> memref<256xf32, #tpu.memory_space<hbm>>
      tpu.enqueue_dma source(%arg8 : memref<256xf32, #tpu.memory_space<vmem>>) target(%dma_start3A_972 : memref<256xf32, #tpu.memory_space<hbm>>) target_semaphore(%run_scoped3A : memref<!tpu.dma_semaphore, #tpu.memory_space<semaphore_mem>>)
      %dma_wait3A_973 = tpu.memref_slice %arg6[%mul3A_290] : memref<196608xf32, #tpu.memory_space<hbm>> -> memref<256xf32, #tpu.memory_space<hbm>>
      %dma_wait3A_974 = tpu.memref_slice %arg6[%mul3A_290] : memref<196608xf32, #tpu.memory_space<hbm>> -> memref<256xf32, #tpu.memory_space<hbm>>
      tpu.wait_dma2 semaphore(%run_scoped3A : memref<!tpu.dma_semaphore, #tpu.memory_space<semaphore_mem>>) src(%arg8 : memref<256xf32, #tpu.memory_space<vmem>>) dst(%dma_wait3A_974 : memref<256xf32, #tpu.memory_space<hbm>>)
      tpu.yield
    }) : () -> ()
    %dma_start3A_291 = arith.constant 14 : i32
    %dma_start3A_292 = arith.constant 0 : i32
    %dma_start3A_293 = tpu.memref_slice %arg8[%dma_start3A_292] : memref<256xf32, #tpu.memory_space<vmem>> -> memref<128xf32, #tpu.memory_space<vmem>>
    %dma_start3A_294 = arith.constant 0 : i32
    %dma_start3A_295 = tpu.memref_slice %arg7[%dma_start3A_291, %dma_start3A_294] : memref<48x128xi32, #tpu.memory_space<vmem>> -> memref<1x128xi32, #tpu.memory_space<vmem>>
    %dma_start3A_296 = tpu.memref_squeeze %dma_start3A_295 : memref<1x128xi32, #tpu.memory_space<vmem>> -> memref<128xi32, #tpu.memory_space<vmem>>
    %dma_start3A_297 = arith.constant 0 : i32
    %dma_start3A_298 = tpu.memref_slice %arg2[%dma_start3A_297] : memref<13056000xf32, #tpu.memory_space<hbm>> -> memref<13056000xf32, #tpu.memory_space<hbm>>
    tpu.enqueue_indirect_dma source(%dma_start3A_298 : memref<13056000xf32, #tpu.memory_space<hbm>>) target(%dma_start3A_293 : memref<128xf32, #tpu.memory_space<vmem>>) offsets(%dma_start3A_296 : memref<128xi32, #tpu.memory_space<vmem>>) semaphore(%arg9 : memref<!tpu.dma_semaphore, #tpu.memory_space<semaphore_mem>>)
    %dma_start3A_299 = arith.constant 15 : i32
    %dma_start3A_300 = arith.constant 128 : i32
    %dma_start3A_301 = tpu.memref_slice %arg8[%dma_start3A_300] : memref<256xf32, #tpu.memory_space<vmem>> -> memref<128xf32, #tpu.memory_space<vmem>>
    %dma_start3A_302 = arith.constant 0 : i32
    %dma_start3A_303 = tpu.memref_slice %arg7[%dma_start3A_299, %dma_start3A_302] : memref<48x128xi32, #tpu.memory_space<vmem>> -> memref<1x128xi32, #tpu.memory_space<vmem>>
    %dma_start3A_304 = tpu.memref_squeeze %dma_start3A_303 : memref<1x128xi32, #tpu.memory_space<vmem>> -> memref<128xi32, #tpu.memory_space<vmem>>
    %dma_start3A_305 = arith.constant 0 : i32
    %dma_start3A_306 = tpu.memref_slice %arg2[%dma_start3A_305] : memref<13056000xf32, #tpu.memory_space<hbm>> -> memref<13056000xf32, #tpu.memory_space<hbm>>
    tpu.enqueue_indirect_dma source(%dma_start3A_306 : memref<13056000xf32, #tpu.memory_space<hbm>>) target(%dma_start3A_301 : memref<128xf32, #tpu.memory_space<vmem>>) offsets(%dma_start3A_304 : memref<128xi32, #tpu.memory_space<vmem>>) semaphore(%arg9 : memref<!tpu.dma_semaphore, #tpu.memory_space<semaphore_mem>>)
    %dma_wait3A_307 = arith.constant 14 : i32
    %dma_wait3A_308 = arith.constant 0 : i32
    %dma_wait3A_309 = tpu.memref_slice %arg8[%dma_wait3A_308] : memref<256xf32, #tpu.memory_space<vmem>> -> memref<128xf32, #tpu.memory_space<vmem>>
    %dma_wait3A_310 = arith.constant 0 : i32
    %dma_wait3A_311 = tpu.memref_slice %arg7[%dma_wait3A_307, %dma_wait3A_310] : memref<48x128xi32, #tpu.memory_space<vmem>> -> memref<1x128xi32, #tpu.memory_space<vmem>>
    %dma_wait3A_312 = tpu.memref_squeeze %dma_wait3A_311 : memref<1x128xi32, #tpu.memory_space<vmem>> -> memref<128xi32, #tpu.memory_space<vmem>>
    %dma_wait3A_313 = arith.constant 0 : i32
    %dma_wait3A_314 = tpu.memref_slice %arg2[%dma_wait3A_313] : memref<13056000xf32, #tpu.memory_space<hbm>> -> memref<13056000xf32, #tpu.memory_space<hbm>>
    tpu.wait_indirect_dma semaphore(%arg9 : memref<!tpu.dma_semaphore, #tpu.memory_space<semaphore_mem>>) src(%dma_wait3A_314 : memref<13056000xf32, #tpu.memory_space<hbm>>) dst(%dma_wait3A_309 : memref<128xf32, #tpu.memory_space<vmem>>)
    %dma_wait3A_315 = arith.constant 15 : i32
    %dma_wait3A_316 = arith.constant 128 : i32
    %dma_wait3A_317 = tpu.memref_slice %arg8[%dma_wait3A_316] : memref<256xf32, #tpu.memory_space<vmem>> -> memref<128xf32, #tpu.memory_space<vmem>>
    %dma_wait3A_318 = arith.constant 0 : i32
    %dma_wait3A_319 = tpu.memref_slice %arg7[%dma_wait3A_315, %dma_wait3A_318] : memref<48x128xi32, #tpu.memory_space<vmem>> -> memref<1x128xi32, #tpu.memory_space<vmem>>
    %dma_wait3A_320 = tpu.memref_squeeze %dma_wait3A_319 : memref<1x128xi32, #tpu.memory_space<vmem>> -> memref<128xi32, #tpu.memory_space<vmem>>
    %dma_wait3A_321 = arith.constant 0 : i32
    %dma_wait3A_322 = tpu.memref_slice %arg2[%dma_wait3A_321] : memref<13056000xf32, #tpu.memory_space<hbm>> -> memref<13056000xf32, #tpu.memory_space<hbm>>
    tpu.wait_indirect_dma semaphore(%arg9 : memref<!tpu.dma_semaphore, #tpu.memory_space<semaphore_mem>>) src(%dma_wait3A_322 : memref<13056000xf32, #tpu.memory_space<hbm>>) dst(%dma_wait3A_317 : memref<128xf32, #tpu.memory_space<vmem>>)
    %mul3A_323 = arith.constant 8 : i32
    %mul3A_324 = arith.muli %add3A, %mul3A_323 : i32
    %add3A_325 = arith.constant 0 : i32
    %add3A_326 = arith.addi %add3A_325, %mul3A_324 : i32
    %add3A_327 = arith.constant 7 : i32
    %add3A_328 = arith.addi %add3A_326, %add3A_327 : i32
    %mul3A_329 = arith.constant 256 : i32
    %mul3A_330 = arith.muli %add3A_328, %mul3A_329 : i32
    "tpu.region"() ({
      %run_scoped3A = tpu.sem_alloc : memref<!tpu.dma_semaphore, #tpu.memory_space<semaphore_mem>>
      %dma_start3A_971 = tpu.memref_slice %arg6[%mul3A_330] : memref<196608xf32, #tpu.memory_space<hbm>> -> memref<256xf32, #tpu.memory_space<hbm>>
      %dma_start3A_972 = tpu.memref_slice %arg6[%mul3A_330] : memref<196608xf32, #tpu.memory_space<hbm>> -> memref<256xf32, #tpu.memory_space<hbm>>
      tpu.enqueue_dma source(%arg8 : memref<256xf32, #tpu.memory_space<vmem>>) target(%dma_start3A_972 : memref<256xf32, #tpu.memory_space<hbm>>) target_semaphore(%run_scoped3A : memref<!tpu.dma_semaphore, #tpu.memory_space<semaphore_mem>>)
      %dma_wait3A_973 = tpu.memref_slice %arg6[%mul3A_330] : memref<196608xf32, #tpu.memory_space<hbm>> -> memref<256xf32, #tpu.memory_space<hbm>>
      %dma_wait3A_974 = tpu.memref_slice %arg6[%mul3A_330] : memref<196608xf32, #tpu.memory_space<hbm>> -> memref<256xf32, #tpu.memory_space<hbm>>
      tpu.wait_dma2 semaphore(%run_scoped3A : memref<!tpu.dma_semaphore, #tpu.memory_space<semaphore_mem>>) src(%arg8 : memref<256xf32, #tpu.memory_space<vmem>>) dst(%dma_wait3A_974 : memref<256xf32, #tpu.memory_space<hbm>>)
      tpu.yield
    }) : () -> ()
    %dma_start3A_331 = arith.constant 16 : i32
    %dma_start3A_332 = arith.constant 0 : i32
    %dma_start3A_333 = tpu.memref_slice %arg8[%dma_start3A_332] : memref<256xf32, #tpu.memory_space<vmem>> -> memref<128xf32, #tpu.memory_space<vmem>>
    %dma_start3A_334 = arith.constant 0 : i32
    %dma_start3A_335 = tpu.memref_slice %arg7[%dma_start3A_331, %dma_start3A_334] : memref<48x128xi32, #tpu.memory_space<vmem>> -> memref<1x128xi32, #tpu.memory_space<vmem>>
    %dma_start3A_336 = tpu.memref_squeeze %dma_start3A_335 : memref<1x128xi32, #tpu.memory_space<vmem>> -> memref<128xi32, #tpu.memory_space<vmem>>
    %dma_start3A_337 = arith.constant 0 : i32
    %dma_start3A_338 = tpu.memref_slice %arg3[%dma_start3A_337] : memref<3264000xf32, #tpu.memory_space<hbm>> -> memref<3264000xf32, #tpu.memory_space<hbm>>
    tpu.enqueue_indirect_dma source(%dma_start3A_338 : memref<3264000xf32, #tpu.memory_space<hbm>>) target(%dma_start3A_333 : memref<128xf32, #tpu.memory_space<vmem>>) offsets(%dma_start3A_336 : memref<128xi32, #tpu.memory_space<vmem>>) semaphore(%arg9 : memref<!tpu.dma_semaphore, #tpu.memory_space<semaphore_mem>>)
    %dma_start3A_339 = arith.constant 17 : i32
    %dma_start3A_340 = arith.constant 128 : i32
    %dma_start3A_341 = tpu.memref_slice %arg8[%dma_start3A_340] : memref<256xf32, #tpu.memory_space<vmem>> -> memref<128xf32, #tpu.memory_space<vmem>>
    %dma_start3A_342 = arith.constant 0 : i32
    %dma_start3A_343 = tpu.memref_slice %arg7[%dma_start3A_339, %dma_start3A_342] : memref<48x128xi32, #tpu.memory_space<vmem>> -> memref<1x128xi32, #tpu.memory_space<vmem>>
    %dma_start3A_344 = tpu.memref_squeeze %dma_start3A_343 : memref<1x128xi32, #tpu.memory_space<vmem>> -> memref<128xi32, #tpu.memory_space<vmem>>
    %dma_start3A_345 = arith.constant 0 : i32
    %dma_start3A_346 = tpu.memref_slice %arg3[%dma_start3A_345] : memref<3264000xf32, #tpu.memory_space<hbm>> -> memref<3264000xf32, #tpu.memory_space<hbm>>
    tpu.enqueue_indirect_dma source(%dma_start3A_346 : memref<3264000xf32, #tpu.memory_space<hbm>>) target(%dma_start3A_341 : memref<128xf32, #tpu.memory_space<vmem>>) offsets(%dma_start3A_344 : memref<128xi32, #tpu.memory_space<vmem>>) semaphore(%arg9 : memref<!tpu.dma_semaphore, #tpu.memory_space<semaphore_mem>>)
    %dma_wait3A_347 = arith.constant 16 : i32
    %dma_wait3A_348 = arith.constant 0 : i32
    %dma_wait3A_349 = tpu.memref_slice %arg8[%dma_wait3A_348] : memref<256xf32, #tpu.memory_space<vmem>> -> memref<128xf32, #tpu.memory_space<vmem>>
    %dma_wait3A_350 = arith.constant 0 : i32
    %dma_wait3A_351 = tpu.memref_slice %arg7[%dma_wait3A_347, %dma_wait3A_350] : memref<48x128xi32, #tpu.memory_space<vmem>> -> memref<1x128xi32, #tpu.memory_space<vmem>>
    %dma_wait3A_352 = tpu.memref_squeeze %dma_wait3A_351 : memref<1x128xi32, #tpu.memory_space<vmem>> -> memref<128xi32, #tpu.memory_space<vmem>>
    %dma_wait3A_353 = arith.constant 0 : i32
    %dma_wait3A_354 = tpu.memref_slice %arg3[%dma_wait3A_353] : memref<3264000xf32, #tpu.memory_space<hbm>> -> memref<3264000xf32, #tpu.memory_space<hbm>>
    tpu.wait_indirect_dma semaphore(%arg9 : memref<!tpu.dma_semaphore, #tpu.memory_space<semaphore_mem>>) src(%dma_wait3A_354 : memref<3264000xf32, #tpu.memory_space<hbm>>) dst(%dma_wait3A_349 : memref<128xf32, #tpu.memory_space<vmem>>)
    %dma_wait3A_355 = arith.constant 17 : i32
    %dma_wait3A_356 = arith.constant 128 : i32
    %dma_wait3A_357 = tpu.memref_slice %arg8[%dma_wait3A_356] : memref<256xf32, #tpu.memory_space<vmem>> -> memref<128xf32, #tpu.memory_space<vmem>>
    %dma_wait3A_358 = arith.constant 0 : i32
    %dma_wait3A_359 = tpu.memref_slice %arg7[%dma_wait3A_355, %dma_wait3A_358] : memref<48x128xi32, #tpu.memory_space<vmem>> -> memref<1x128xi32, #tpu.memory_space<vmem>>
    %dma_wait3A_360 = tpu.memref_squeeze %dma_wait3A_359 : memref<1x128xi32, #tpu.memory_space<vmem>> -> memref<128xi32, #tpu.memory_space<vmem>>
    %dma_wait3A_361 = arith.constant 0 : i32
    %dma_wait3A_362 = tpu.memref_slice %arg3[%dma_wait3A_361] : memref<3264000xf32, #tpu.memory_space<hbm>> -> memref<3264000xf32, #tpu.memory_space<hbm>>
    tpu.wait_indirect_dma semaphore(%arg9 : memref<!tpu.dma_semaphore, #tpu.memory_space<semaphore_mem>>) src(%dma_wait3A_362 : memref<3264000xf32, #tpu.memory_space<hbm>>) dst(%dma_wait3A_357 : memref<128xf32, #tpu.memory_space<vmem>>)
    %mul3A_363 = arith.constant 8 : i32
    %mul3A_364 = arith.muli %add3A, %mul3A_363 : i32
    %add3A_365 = arith.constant 256 : i32
    %add3A_366 = arith.addi %add3A_365, %mul3A_364 : i32
    %add3A_367 = arith.constant 0 : i32
    %add3A_368 = arith.addi %add3A_366, %add3A_367 : i32
    %mul3A_369 = arith.constant 256 : i32
    %mul3A_370 = arith.muli %add3A_368, %mul3A_369 : i32
    "tpu.region"() ({
      %run_scoped3A = tpu.sem_alloc : memref<!tpu.dma_semaphore, #tpu.memory_space<semaphore_mem>>
      %dma_start3A_971 = tpu.memref_slice %arg6[%mul3A_370] : memref<196608xf32, #tpu.memory_space<hbm>> -> memref<256xf32, #tpu.memory_space<hbm>>
      %dma_start3A_972 = tpu.memref_slice %arg6[%mul3A_370] : memref<196608xf32, #tpu.memory_space<hbm>> -> memref<256xf32, #tpu.memory_space<hbm>>
      tpu.enqueue_dma source(%arg8 : memref<256xf32, #tpu.memory_space<vmem>>) target(%dma_start3A_972 : memref<256xf32, #tpu.memory_space<hbm>>) target_semaphore(%run_scoped3A : memref<!tpu.dma_semaphore, #tpu.memory_space<semaphore_mem>>)
      %dma_wait3A_973 = tpu.memref_slice %arg6[%mul3A_370] : memref<196608xf32, #tpu.memory_space<hbm>> -> memref<256xf32, #tpu.memory_space<hbm>>
      %dma_wait3A_974 = tpu.memref_slice %arg6[%mul3A_370] : memref<196608xf32, #tpu.memory_space<hbm>> -> memref<256xf32, #tpu.memory_space<hbm>>
      tpu.wait_dma2 semaphore(%run_scoped3A : memref<!tpu.dma_semaphore, #tpu.memory_space<semaphore_mem>>) src(%arg8 : memref<256xf32, #tpu.memory_space<vmem>>) dst(%dma_wait3A_974 : memref<256xf32, #tpu.memory_space<hbm>>)
      tpu.yield
    }) : () -> ()
    %dma_start3A_371 = arith.constant 18 : i32
    %dma_start3A_372 = arith.constant 0 : i32
    %dma_start3A_373 = tpu.memref_slice %arg8[%dma_start3A_372] : memref<256xf32, #tpu.memory_space<vmem>> -> memref<128xf32, #tpu.memory_space<vmem>>
    %dma_start3A_374 = arith.constant 0 : i32
    %dma_start3A_375 = tpu.memref_slice %arg7[%dma_start3A_371, %dma_start3A_374] : memref<48x128xi32, #tpu.memory_space<vmem>> -> memref<1x128xi32, #tpu.memory_space<vmem>>
    %dma_start3A_376 = tpu.memref_squeeze %dma_start3A_375 : memref<1x128xi32, #tpu.memory_space<vmem>> -> memref<128xi32, #tpu.memory_space<vmem>>
    %dma_start3A_377 = arith.constant 0 : i32
    %dma_start3A_378 = tpu.memref_slice %arg3[%dma_start3A_377] : memref<3264000xf32, #tpu.memory_space<hbm>> -> memref<3264000xf32, #tpu.memory_space<hbm>>
    tpu.enqueue_indirect_dma source(%dma_start3A_378 : memref<3264000xf32, #tpu.memory_space<hbm>>) target(%dma_start3A_373 : memref<128xf32, #tpu.memory_space<vmem>>) offsets(%dma_start3A_376 : memref<128xi32, #tpu.memory_space<vmem>>) semaphore(%arg9 : memref<!tpu.dma_semaphore, #tpu.memory_space<semaphore_mem>>)
    %dma_start3A_379 = arith.constant 19 : i32
    %dma_start3A_380 = arith.constant 128 : i32
    %dma_start3A_381 = tpu.memref_slice %arg8[%dma_start3A_380] : memref<256xf32, #tpu.memory_space<vmem>> -> memref<128xf32, #tpu.memory_space<vmem>>
    %dma_start3A_382 = arith.constant 0 : i32
    %dma_start3A_383 = tpu.memref_slice %arg7[%dma_start3A_379, %dma_start3A_382] : memref<48x128xi32, #tpu.memory_space<vmem>> -> memref<1x128xi32, #tpu.memory_space<vmem>>
    %dma_start3A_384 = tpu.memref_squeeze %dma_start3A_383 : memref<1x128xi32, #tpu.memory_space<vmem>> -> memref<128xi32, #tpu.memory_space<vmem>>
    %dma_start3A_385 = arith.constant 0 : i32
    %dma_start3A_386 = tpu.memref_slice %arg3[%dma_start3A_385] : memref<3264000xf32, #tpu.memory_space<hbm>> -> memref<3264000xf32, #tpu.memory_space<hbm>>
    tpu.enqueue_indirect_dma source(%dma_start3A_386 : memref<3264000xf32, #tpu.memory_space<hbm>>) target(%dma_start3A_381 : memref<128xf32, #tpu.memory_space<vmem>>) offsets(%dma_start3A_384 : memref<128xi32, #tpu.memory_space<vmem>>) semaphore(%arg9 : memref<!tpu.dma_semaphore, #tpu.memory_space<semaphore_mem>>)
    %dma_wait3A_387 = arith.constant 18 : i32
    %dma_wait3A_388 = arith.constant 0 : i32
    %dma_wait3A_389 = tpu.memref_slice %arg8[%dma_wait3A_388] : memref<256xf32, #tpu.memory_space<vmem>> -> memref<128xf32, #tpu.memory_space<vmem>>
    %dma_wait3A_390 = arith.constant 0 : i32
    %dma_wait3A_391 = tpu.memref_slice %arg7[%dma_wait3A_387, %dma_wait3A_390] : memref<48x128xi32, #tpu.memory_space<vmem>> -> memref<1x128xi32, #tpu.memory_space<vmem>>
    %dma_wait3A_392 = tpu.memref_squeeze %dma_wait3A_391 : memref<1x128xi32, #tpu.memory_space<vmem>> -> memref<128xi32, #tpu.memory_space<vmem>>
    %dma_wait3A_393 = arith.constant 0 : i32
    %dma_wait3A_394 = tpu.memref_slice %arg3[%dma_wait3A_393] : memref<3264000xf32, #tpu.memory_space<hbm>> -> memref<3264000xf32, #tpu.memory_space<hbm>>
    tpu.wait_indirect_dma semaphore(%arg9 : memref<!tpu.dma_semaphore, #tpu.memory_space<semaphore_mem>>) src(%dma_wait3A_394 : memref<3264000xf32, #tpu.memory_space<hbm>>) dst(%dma_wait3A_389 : memref<128xf32, #tpu.memory_space<vmem>>)
    %dma_wait3A_395 = arith.constant 19 : i32
    %dma_wait3A_396 = arith.constant 128 : i32
    %dma_wait3A_397 = tpu.memref_slice %arg8[%dma_wait3A_396] : memref<256xf32, #tpu.memory_space<vmem>> -> memref<128xf32, #tpu.memory_space<vmem>>
    %dma_wait3A_398 = arith.constant 0 : i32
    %dma_wait3A_399 = tpu.memref_slice %arg7[%dma_wait3A_395, %dma_wait3A_398] : memref<48x128xi32, #tpu.memory_space<vmem>> -> memref<1x128xi32, #tpu.memory_space<vmem>>
    %dma_wait3A_400 = tpu.memref_squeeze %dma_wait3A_399 : memref<1x128xi32, #tpu.memory_space<vmem>> -> memref<128xi32, #tpu.memory_space<vmem>>
    %dma_wait3A_401 = arith.constant 0 : i32
    %dma_wait3A_402 = tpu.memref_slice %arg3[%dma_wait3A_401] : memref<3264000xf32, #tpu.memory_space<hbm>> -> memref<3264000xf32, #tpu.memory_space<hbm>>
    tpu.wait_indirect_dma semaphore(%arg9 : memref<!tpu.dma_semaphore, #tpu.memory_space<semaphore_mem>>) src(%dma_wait3A_402 : memref<3264000xf32, #tpu.memory_space<hbm>>) dst(%dma_wait3A_397 : memref<128xf32, #tpu.memory_space<vmem>>)
    %mul3A_403 = arith.constant 8 : i32
    %mul3A_404 = arith.muli %add3A, %mul3A_403 : i32
    %add3A_405 = arith.constant 256 : i32
    %add3A_406 = arith.addi %add3A_405, %mul3A_404 : i32
    %add3A_407 = arith.constant 1 : i32
    %add3A_408 = arith.addi %add3A_406, %add3A_407 : i32
    %mul3A_409 = arith.constant 256 : i32
    %mul3A_410 = arith.muli %add3A_408, %mul3A_409 : i32
    "tpu.region"() ({
      %run_scoped3A = tpu.sem_alloc : memref<!tpu.dma_semaphore, #tpu.memory_space<semaphore_mem>>
      %dma_start3A_971 = tpu.memref_slice %arg6[%mul3A_410] : memref<196608xf32, #tpu.memory_space<hbm>> -> memref<256xf32, #tpu.memory_space<hbm>>
      %dma_start3A_972 = tpu.memref_slice %arg6[%mul3A_410] : memref<196608xf32, #tpu.memory_space<hbm>> -> memref<256xf32, #tpu.memory_space<hbm>>
      tpu.enqueue_dma source(%arg8 : memref<256xf32, #tpu.memory_space<vmem>>) target(%dma_start3A_972 : memref<256xf32, #tpu.memory_space<hbm>>) target_semaphore(%run_scoped3A : memref<!tpu.dma_semaphore, #tpu.memory_space<semaphore_mem>>)
      %dma_wait3A_973 = tpu.memref_slice %arg6[%mul3A_410] : memref<196608xf32, #tpu.memory_space<hbm>> -> memref<256xf32, #tpu.memory_space<hbm>>
      %dma_wait3A_974 = tpu.memref_slice %arg6[%mul3A_410] : memref<196608xf32, #tpu.memory_space<hbm>> -> memref<256xf32, #tpu.memory_space<hbm>>
      tpu.wait_dma2 semaphore(%run_scoped3A : memref<!tpu.dma_semaphore, #tpu.memory_space<semaphore_mem>>) src(%arg8 : memref<256xf32, #tpu.memory_space<vmem>>) dst(%dma_wait3A_974 : memref<256xf32, #tpu.memory_space<hbm>>)
      tpu.yield
    }) : () -> ()
    %dma_start3A_411 = arith.constant 20 : i32
    %dma_start3A_412 = arith.constant 0 : i32
    %dma_start3A_413 = tpu.memref_slice %arg8[%dma_start3A_412] : memref<256xf32, #tpu.memory_space<vmem>> -> memref<128xf32, #tpu.memory_space<vmem>>
    %dma_start3A_414 = arith.constant 0 : i32
    %dma_start3A_415 = tpu.memref_slice %arg7[%dma_start3A_411, %dma_start3A_414] : memref<48x128xi32, #tpu.memory_space<vmem>> -> memref<1x128xi32, #tpu.memory_space<vmem>>
    %dma_start3A_416 = tpu.memref_squeeze %dma_start3A_415 : memref<1x128xi32, #tpu.memory_space<vmem>> -> memref<128xi32, #tpu.memory_space<vmem>>
    %dma_start3A_417 = arith.constant 0 : i32
    %dma_start3A_418 = tpu.memref_slice %arg3[%dma_start3A_417] : memref<3264000xf32, #tpu.memory_space<hbm>> -> memref<3264000xf32, #tpu.memory_space<hbm>>
    tpu.enqueue_indirect_dma source(%dma_start3A_418 : memref<3264000xf32, #tpu.memory_space<hbm>>) target(%dma_start3A_413 : memref<128xf32, #tpu.memory_space<vmem>>) offsets(%dma_start3A_416 : memref<128xi32, #tpu.memory_space<vmem>>) semaphore(%arg9 : memref<!tpu.dma_semaphore, #tpu.memory_space<semaphore_mem>>)
    %dma_start3A_419 = arith.constant 21 : i32
    %dma_start3A_420 = arith.constant 128 : i32
    %dma_start3A_421 = tpu.memref_slice %arg8[%dma_start3A_420] : memref<256xf32, #tpu.memory_space<vmem>> -> memref<128xf32, #tpu.memory_space<vmem>>
    %dma_start3A_422 = arith.constant 0 : i32
    %dma_start3A_423 = tpu.memref_slice %arg7[%dma_start3A_419, %dma_start3A_422] : memref<48x128xi32, #tpu.memory_space<vmem>> -> memref<1x128xi32, #tpu.memory_space<vmem>>
    %dma_start3A_424 = tpu.memref_squeeze %dma_start3A_423 : memref<1x128xi32, #tpu.memory_space<vmem>> -> memref<128xi32, #tpu.memory_space<vmem>>
    %dma_start3A_425 = arith.constant 0 : i32
    %dma_start3A_426 = tpu.memref_slice %arg3[%dma_start3A_425] : memref<3264000xf32, #tpu.memory_space<hbm>> -> memref<3264000xf32, #tpu.memory_space<hbm>>
    tpu.enqueue_indirect_dma source(%dma_start3A_426 : memref<3264000xf32, #tpu.memory_space<hbm>>) target(%dma_start3A_421 : memref<128xf32, #tpu.memory_space<vmem>>) offsets(%dma_start3A_424 : memref<128xi32, #tpu.memory_space<vmem>>) semaphore(%arg9 : memref<!tpu.dma_semaphore, #tpu.memory_space<semaphore_mem>>)
    %dma_wait3A_427 = arith.constant 20 : i32
    %dma_wait3A_428 = arith.constant 0 : i32
    %dma_wait3A_429 = tpu.memref_slice %arg8[%dma_wait3A_428] : memref<256xf32, #tpu.memory_space<vmem>> -> memref<128xf32, #tpu.memory_space<vmem>>
    %dma_wait3A_430 = arith.constant 0 : i32
    %dma_wait3A_431 = tpu.memref_slice %arg7[%dma_wait3A_427, %dma_wait3A_430] : memref<48x128xi32, #tpu.memory_space<vmem>> -> memref<1x128xi32, #tpu.memory_space<vmem>>
    %dma_wait3A_432 = tpu.memref_squeeze %dma_wait3A_431 : memref<1x128xi32, #tpu.memory_space<vmem>> -> memref<128xi32, #tpu.memory_space<vmem>>
    %dma_wait3A_433 = arith.constant 0 : i32
    %dma_wait3A_434 = tpu.memref_slice %arg3[%dma_wait3A_433] : memref<3264000xf32, #tpu.memory_space<hbm>> -> memref<3264000xf32, #tpu.memory_space<hbm>>
    tpu.wait_indirect_dma semaphore(%arg9 : memref<!tpu.dma_semaphore, #tpu.memory_space<semaphore_mem>>) src(%dma_wait3A_434 : memref<3264000xf32, #tpu.memory_space<hbm>>) dst(%dma_wait3A_429 : memref<128xf32, #tpu.memory_space<vmem>>)
    %dma_wait3A_435 = arith.constant 21 : i32
    %dma_wait3A_436 = arith.constant 128 : i32
    %dma_wait3A_437 = tpu.memref_slice %arg8[%dma_wait3A_436] : memref<256xf32, #tpu.memory_space<vmem>> -> memref<128xf32, #tpu.memory_space<vmem>>
    %dma_wait3A_438 = arith.constant 0 : i32
    %dma_wait3A_439 = tpu.memref_slice %arg7[%dma_wait3A_435, %dma_wait3A_438] : memref<48x128xi32, #tpu.memory_space<vmem>> -> memref<1x128xi32, #tpu.memory_space<vmem>>
    %dma_wait3A_440 = tpu.memref_squeeze %dma_wait3A_439 : memref<1x128xi32, #tpu.memory_space<vmem>> -> memref<128xi32, #tpu.memory_space<vmem>>
    %dma_wait3A_441 = arith.constant 0 : i32
    %dma_wait3A_442 = tpu.memref_slice %arg3[%dma_wait3A_441] : memref<3264000xf32, #tpu.memory_space<hbm>> -> memref<3264000xf32, #tpu.memory_space<hbm>>
    tpu.wait_indirect_dma semaphore(%arg9 : memref<!tpu.dma_semaphore, #tpu.memory_space<semaphore_mem>>) src(%dma_wait3A_442 : memref<3264000xf32, #tpu.memory_space<hbm>>) dst(%dma_wait3A_437 : memref<128xf32, #tpu.memory_space<vmem>>)
    %mul3A_443 = arith.constant 8 : i32
    %mul3A_444 = arith.muli %add3A, %mul3A_443 : i32
    %add3A_445 = arith.constant 256 : i32
    %add3A_446 = arith.addi %add3A_445, %mul3A_444 : i32
    %add3A_447 = arith.constant 2 : i32
    %add3A_448 = arith.addi %add3A_446, %add3A_447 : i32
    %mul3A_449 = arith.constant 256 : i32
    %mul3A_450 = arith.muli %add3A_448, %mul3A_449 : i32
    "tpu.region"() ({
      %run_scoped3A = tpu.sem_alloc : memref<!tpu.dma_semaphore, #tpu.memory_space<semaphore_mem>>
      %dma_start3A_971 = tpu.memref_slice %arg6[%mul3A_450] : memref<196608xf32, #tpu.memory_space<hbm>> -> memref<256xf32, #tpu.memory_space<hbm>>
      %dma_start3A_972 = tpu.memref_slice %arg6[%mul3A_450] : memref<196608xf32, #tpu.memory_space<hbm>> -> memref<256xf32, #tpu.memory_space<hbm>>
      tpu.enqueue_dma source(%arg8 : memref<256xf32, #tpu.memory_space<vmem>>) target(%dma_start3A_972 : memref<256xf32, #tpu.memory_space<hbm>>) target_semaphore(%run_scoped3A : memref<!tpu.dma_semaphore, #tpu.memory_space<semaphore_mem>>)
      %dma_wait3A_973 = tpu.memref_slice %arg6[%mul3A_450] : memref<196608xf32, #tpu.memory_space<hbm>> -> memref<256xf32, #tpu.memory_space<hbm>>
      %dma_wait3A_974 = tpu.memref_slice %arg6[%mul3A_450] : memref<196608xf32, #tpu.memory_space<hbm>> -> memref<256xf32, #tpu.memory_space<hbm>>
      tpu.wait_dma2 semaphore(%run_scoped3A : memref<!tpu.dma_semaphore, #tpu.memory_space<semaphore_mem>>) src(%arg8 : memref<256xf32, #tpu.memory_space<vmem>>) dst(%dma_wait3A_974 : memref<256xf32, #tpu.memory_space<hbm>>)
      tpu.yield
    }) : () -> ()
    %dma_start3A_451 = arith.constant 22 : i32
    %dma_start3A_452 = arith.constant 0 : i32
    %dma_start3A_453 = tpu.memref_slice %arg8[%dma_start3A_452] : memref<256xf32, #tpu.memory_space<vmem>> -> memref<128xf32, #tpu.memory_space<vmem>>
    %dma_start3A_454 = arith.constant 0 : i32
    %dma_start3A_455 = tpu.memref_slice %arg7[%dma_start3A_451, %dma_start3A_454] : memref<48x128xi32, #tpu.memory_space<vmem>> -> memref<1x128xi32, #tpu.memory_space<vmem>>
    %dma_start3A_456 = tpu.memref_squeeze %dma_start3A_455 : memref<1x128xi32, #tpu.memory_space<vmem>> -> memref<128xi32, #tpu.memory_space<vmem>>
    %dma_start3A_457 = arith.constant 0 : i32
    %dma_start3A_458 = tpu.memref_slice %arg3[%dma_start3A_457] : memref<3264000xf32, #tpu.memory_space<hbm>> -> memref<3264000xf32, #tpu.memory_space<hbm>>
    tpu.enqueue_indirect_dma source(%dma_start3A_458 : memref<3264000xf32, #tpu.memory_space<hbm>>) target(%dma_start3A_453 : memref<128xf32, #tpu.memory_space<vmem>>) offsets(%dma_start3A_456 : memref<128xi32, #tpu.memory_space<vmem>>) semaphore(%arg9 : memref<!tpu.dma_semaphore, #tpu.memory_space<semaphore_mem>>)
    %dma_start3A_459 = arith.constant 23 : i32
    %dma_start3A_460 = arith.constant 128 : i32
    %dma_start3A_461 = tpu.memref_slice %arg8[%dma_start3A_460] : memref<256xf32, #tpu.memory_space<vmem>> -> memref<128xf32, #tpu.memory_space<vmem>>
    %dma_start3A_462 = arith.constant 0 : i32
    %dma_start3A_463 = tpu.memref_slice %arg7[%dma_start3A_459, %dma_start3A_462] : memref<48x128xi32, #tpu.memory_space<vmem>> -> memref<1x128xi32, #tpu.memory_space<vmem>>
    %dma_start3A_464 = tpu.memref_squeeze %dma_start3A_463 : memref<1x128xi32, #tpu.memory_space<vmem>> -> memref<128xi32, #tpu.memory_space<vmem>>
    %dma_start3A_465 = arith.constant 0 : i32
    %dma_start3A_466 = tpu.memref_slice %arg3[%dma_start3A_465] : memref<3264000xf32, #tpu.memory_space<hbm>> -> memref<3264000xf32, #tpu.memory_space<hbm>>
    tpu.enqueue_indirect_dma source(%dma_start3A_466 : memref<3264000xf32, #tpu.memory_space<hbm>>) target(%dma_start3A_461 : memref<128xf32, #tpu.memory_space<vmem>>) offsets(%dma_start3A_464 : memref<128xi32, #tpu.memory_space<vmem>>) semaphore(%arg9 : memref<!tpu.dma_semaphore, #tpu.memory_space<semaphore_mem>>)
    %dma_wait3A_467 = arith.constant 22 : i32
    %dma_wait3A_468 = arith.constant 0 : i32
    %dma_wait3A_469 = tpu.memref_slice %arg8[%dma_wait3A_468] : memref<256xf32, #tpu.memory_space<vmem>> -> memref<128xf32, #tpu.memory_space<vmem>>
    %dma_wait3A_470 = arith.constant 0 : i32
    %dma_wait3A_471 = tpu.memref_slice %arg7[%dma_wait3A_467, %dma_wait3A_470] : memref<48x128xi32, #tpu.memory_space<vmem>> -> memref<1x128xi32, #tpu.memory_space<vmem>>
    %dma_wait3A_472 = tpu.memref_squeeze %dma_wait3A_471 : memref<1x128xi32, #tpu.memory_space<vmem>> -> memref<128xi32, #tpu.memory_space<vmem>>
    %dma_wait3A_473 = arith.constant 0 : i32
    %dma_wait3A_474 = tpu.memref_slice %arg3[%dma_wait3A_473] : memref<3264000xf32, #tpu.memory_space<hbm>> -> memref<3264000xf32, #tpu.memory_space<hbm>>
    tpu.wait_indirect_dma semaphore(%arg9 : memref<!tpu.dma_semaphore, #tpu.memory_space<semaphore_mem>>) src(%dma_wait3A_474 : memref<3264000xf32, #tpu.memory_space<hbm>>) dst(%dma_wait3A_469 : memref<128xf32, #tpu.memory_space<vmem>>)
    %dma_wait3A_475 = arith.constant 23 : i32
    %dma_wait3A_476 = arith.constant 128 : i32
    %dma_wait3A_477 = tpu.memref_slice %arg8[%dma_wait3A_476] : memref<256xf32, #tpu.memory_space<vmem>> -> memref<128xf32, #tpu.memory_space<vmem>>
    %dma_wait3A_478 = arith.constant 0 : i32
    %dma_wait3A_479 = tpu.memref_slice %arg7[%dma_wait3A_475, %dma_wait3A_478] : memref<48x128xi32, #tpu.memory_space<vmem>> -> memref<1x128xi32, #tpu.memory_space<vmem>>
    %dma_wait3A_480 = tpu.memref_squeeze %dma_wait3A_479 : memref<1x128xi32, #tpu.memory_space<vmem>> -> memref<128xi32, #tpu.memory_space<vmem>>
    %dma_wait3A_481 = arith.constant 0 : i32
    %dma_wait3A_482 = tpu.memref_slice %arg3[%dma_wait3A_481] : memref<3264000xf32, #tpu.memory_space<hbm>> -> memref<3264000xf32, #tpu.memory_space<hbm>>
    tpu.wait_indirect_dma semaphore(%arg9 : memref<!tpu.dma_semaphore, #tpu.memory_space<semaphore_mem>>) src(%dma_wait3A_482 : memref<3264000xf32, #tpu.memory_space<hbm>>) dst(%dma_wait3A_477 : memref<128xf32, #tpu.memory_space<vmem>>)
    %mul3A_483 = arith.constant 8 : i32
    %mul3A_484 = arith.muli %add3A, %mul3A_483 : i32
    %add3A_485 = arith.constant 256 : i32
    %add3A_486 = arith.addi %add3A_485, %mul3A_484 : i32
    %add3A_487 = arith.constant 3 : i32
    %add3A_488 = arith.addi %add3A_486, %add3A_487 : i32
    %mul3A_489 = arith.constant 256 : i32
    %mul3A_490 = arith.muli %add3A_488, %mul3A_489 : i32
    "tpu.region"() ({
      %run_scoped3A = tpu.sem_alloc : memref<!tpu.dma_semaphore, #tpu.memory_space<semaphore_mem>>
      %dma_start3A_971 = tpu.memref_slice %arg6[%mul3A_490] : memref<196608xf32, #tpu.memory_space<hbm>> -> memref<256xf32, #tpu.memory_space<hbm>>
      %dma_start3A_972 = tpu.memref_slice %arg6[%mul3A_490] : memref<196608xf32, #tpu.memory_space<hbm>> -> memref<256xf32, #tpu.memory_space<hbm>>
      tpu.enqueue_dma source(%arg8 : memref<256xf32, #tpu.memory_space<vmem>>) target(%dma_start3A_972 : memref<256xf32, #tpu.memory_space<hbm>>) target_semaphore(%run_scoped3A : memref<!tpu.dma_semaphore, #tpu.memory_space<semaphore_mem>>)
      %dma_wait3A_973 = tpu.memref_slice %arg6[%mul3A_490] : memref<196608xf32, #tpu.memory_space<hbm>> -> memref<256xf32, #tpu.memory_space<hbm>>
      %dma_wait3A_974 = tpu.memref_slice %arg6[%mul3A_490] : memref<196608xf32, #tpu.memory_space<hbm>> -> memref<256xf32, #tpu.memory_space<hbm>>
      tpu.wait_dma2 semaphore(%run_scoped3A : memref<!tpu.dma_semaphore, #tpu.memory_space<semaphore_mem>>) src(%arg8 : memref<256xf32, #tpu.memory_space<vmem>>) dst(%dma_wait3A_974 : memref<256xf32, #tpu.memory_space<hbm>>)
      tpu.yield
    }) : () -> ()
    %dma_start3A_491 = arith.constant 24 : i32
    %dma_start3A_492 = arith.constant 0 : i32
    %dma_start3A_493 = tpu.memref_slice %arg8[%dma_start3A_492] : memref<256xf32, #tpu.memory_space<vmem>> -> memref<128xf32, #tpu.memory_space<vmem>>
    %dma_start3A_494 = arith.constant 0 : i32
    %dma_start3A_495 = tpu.memref_slice %arg7[%dma_start3A_491, %dma_start3A_494] : memref<48x128xi32, #tpu.memory_space<vmem>> -> memref<1x128xi32, #tpu.memory_space<vmem>>
    %dma_start3A_496 = tpu.memref_squeeze %dma_start3A_495 : memref<1x128xi32, #tpu.memory_space<vmem>> -> memref<128xi32, #tpu.memory_space<vmem>>
    %dma_start3A_497 = arith.constant 0 : i32
    %dma_start3A_498 = tpu.memref_slice %arg3[%dma_start3A_497] : memref<3264000xf32, #tpu.memory_space<hbm>> -> memref<3264000xf32, #tpu.memory_space<hbm>>
    tpu.enqueue_indirect_dma source(%dma_start3A_498 : memref<3264000xf32, #tpu.memory_space<hbm>>) target(%dma_start3A_493 : memref<128xf32, #tpu.memory_space<vmem>>) offsets(%dma_start3A_496 : memref<128xi32, #tpu.memory_space<vmem>>) semaphore(%arg9 : memref<!tpu.dma_semaphore, #tpu.memory_space<semaphore_mem>>)
    %dma_start3A_499 = arith.constant 25 : i32
    %dma_start3A_500 = arith.constant 128 : i32
    %dma_start3A_501 = tpu.memref_slice %arg8[%dma_start3A_500] : memref<256xf32, #tpu.memory_space<vmem>> -> memref<128xf32, #tpu.memory_space<vmem>>
    %dma_start3A_502 = arith.constant 0 : i32
    %dma_start3A_503 = tpu.memref_slice %arg7[%dma_start3A_499, %dma_start3A_502] : memref<48x128xi32, #tpu.memory_space<vmem>> -> memref<1x128xi32, #tpu.memory_space<vmem>>
    %dma_start3A_504 = tpu.memref_squeeze %dma_start3A_503 : memref<1x128xi32, #tpu.memory_space<vmem>> -> memref<128xi32, #tpu.memory_space<vmem>>
    %dma_start3A_505 = arith.constant 0 : i32
    %dma_start3A_506 = tpu.memref_slice %arg3[%dma_start3A_505] : memref<3264000xf32, #tpu.memory_space<hbm>> -> memref<3264000xf32, #tpu.memory_space<hbm>>
    tpu.enqueue_indirect_dma source(%dma_start3A_506 : memref<3264000xf32, #tpu.memory_space<hbm>>) target(%dma_start3A_501 : memref<128xf32, #tpu.memory_space<vmem>>) offsets(%dma_start3A_504 : memref<128xi32, #tpu.memory_space<vmem>>) semaphore(%arg9 : memref<!tpu.dma_semaphore, #tpu.memory_space<semaphore_mem>>)
    %dma_wait3A_507 = arith.constant 24 : i32
    %dma_wait3A_508 = arith.constant 0 : i32
    %dma_wait3A_509 = tpu.memref_slice %arg8[%dma_wait3A_508] : memref<256xf32, #tpu.memory_space<vmem>> -> memref<128xf32, #tpu.memory_space<vmem>>
    %dma_wait3A_510 = arith.constant 0 : i32
    %dma_wait3A_511 = tpu.memref_slice %arg7[%dma_wait3A_507, %dma_wait3A_510] : memref<48x128xi32, #tpu.memory_space<vmem>> -> memref<1x128xi32, #tpu.memory_space<vmem>>
    %dma_wait3A_512 = tpu.memref_squeeze %dma_wait3A_511 : memref<1x128xi32, #tpu.memory_space<vmem>> -> memref<128xi32, #tpu.memory_space<vmem>>
    %dma_wait3A_513 = arith.constant 0 : i32
    %dma_wait3A_514 = tpu.memref_slice %arg3[%dma_wait3A_513] : memref<3264000xf32, #tpu.memory_space<hbm>> -> memref<3264000xf32, #tpu.memory_space<hbm>>
    tpu.wait_indirect_dma semaphore(%arg9 : memref<!tpu.dma_semaphore, #tpu.memory_space<semaphore_mem>>) src(%dma_wait3A_514 : memref<3264000xf32, #tpu.memory_space<hbm>>) dst(%dma_wait3A_509 : memref<128xf32, #tpu.memory_space<vmem>>)
    %dma_wait3A_515 = arith.constant 25 : i32
    %dma_wait3A_516 = arith.constant 128 : i32
    %dma_wait3A_517 = tpu.memref_slice %arg8[%dma_wait3A_516] : memref<256xf32, #tpu.memory_space<vmem>> -> memref<128xf32, #tpu.memory_space<vmem>>
    %dma_wait3A_518 = arith.constant 0 : i32
    %dma_wait3A_519 = tpu.memref_slice %arg7[%dma_wait3A_515, %dma_wait3A_518] : memref<48x128xi32, #tpu.memory_space<vmem>> -> memref<1x128xi32, #tpu.memory_space<vmem>>
    %dma_wait3A_520 = tpu.memref_squeeze %dma_wait3A_519 : memref<1x128xi32, #tpu.memory_space<vmem>> -> memref<128xi32, #tpu.memory_space<vmem>>
    %dma_wait3A_521 = arith.constant 0 : i32
    %dma_wait3A_522 = tpu.memref_slice %arg3[%dma_wait3A_521] : memref<3264000xf32, #tpu.memory_space<hbm>> -> memref<3264000xf32, #tpu.memory_space<hbm>>
    tpu.wait_indirect_dma semaphore(%arg9 : memref<!tpu.dma_semaphore, #tpu.memory_space<semaphore_mem>>) src(%dma_wait3A_522 : memref<3264000xf32, #tpu.memory_space<hbm>>) dst(%dma_wait3A_517 : memref<128xf32, #tpu.memory_space<vmem>>)
    %mul3A_523 = arith.constant 8 : i32
    %mul3A_524 = arith.muli %add3A, %mul3A_523 : i32
    %add3A_525 = arith.constant 256 : i32
    %add3A_526 = arith.addi %add3A_525, %mul3A_524 : i32
    %add3A_527 = arith.constant 4 : i32
    %add3A_528 = arith.addi %add3A_526, %add3A_527 : i32
    %mul3A_529 = arith.constant 256 : i32
    %mul3A_530 = arith.muli %add3A_528, %mul3A_529 : i32
    "tpu.region"() ({
      %run_scoped3A = tpu.sem_alloc : memref<!tpu.dma_semaphore, #tpu.memory_space<semaphore_mem>>
      %dma_start3A_971 = tpu.memref_slice %arg6[%mul3A_530] : memref<196608xf32, #tpu.memory_space<hbm>> -> memref<256xf32, #tpu.memory_space<hbm>>
      %dma_start3A_972 = tpu.memref_slice %arg6[%mul3A_530] : memref<196608xf32, #tpu.memory_space<hbm>> -> memref<256xf32, #tpu.memory_space<hbm>>
      tpu.enqueue_dma source(%arg8 : memref<256xf32, #tpu.memory_space<vmem>>) target(%dma_start3A_972 : memref<256xf32, #tpu.memory_space<hbm>>) target_semaphore(%run_scoped3A : memref<!tpu.dma_semaphore, #tpu.memory_space<semaphore_mem>>)
      %dma_wait3A_973 = tpu.memref_slice %arg6[%mul3A_530] : memref<196608xf32, #tpu.memory_space<hbm>> -> memref<256xf32, #tpu.memory_space<hbm>>
      %dma_wait3A_974 = tpu.memref_slice %arg6[%mul3A_530] : memref<196608xf32, #tpu.memory_space<hbm>> -> memref<256xf32, #tpu.memory_space<hbm>>
      tpu.wait_dma2 semaphore(%run_scoped3A : memref<!tpu.dma_semaphore, #tpu.memory_space<semaphore_mem>>) src(%arg8 : memref<256xf32, #tpu.memory_space<vmem>>) dst(%dma_wait3A_974 : memref<256xf32, #tpu.memory_space<hbm>>)
      tpu.yield
    }) : () -> ()
    %dma_start3A_531 = arith.constant 26 : i32
    %dma_start3A_532 = arith.constant 0 : i32
    %dma_start3A_533 = tpu.memref_slice %arg8[%dma_start3A_532] : memref<256xf32, #tpu.memory_space<vmem>> -> memref<128xf32, #tpu.memory_space<vmem>>
    %dma_start3A_534 = arith.constant 0 : i32
    %dma_start3A_535 = tpu.memref_slice %arg7[%dma_start3A_531, %dma_start3A_534] : memref<48x128xi32, #tpu.memory_space<vmem>> -> memref<1x128xi32, #tpu.memory_space<vmem>>
    %dma_start3A_536 = tpu.memref_squeeze %dma_start3A_535 : memref<1x128xi32, #tpu.memory_space<vmem>> -> memref<128xi32, #tpu.memory_space<vmem>>
    %dma_start3A_537 = arith.constant 0 : i32
    %dma_start3A_538 = tpu.memref_slice %arg3[%dma_start3A_537] : memref<3264000xf32, #tpu.memory_space<hbm>> -> memref<3264000xf32, #tpu.memory_space<hbm>>
    tpu.enqueue_indirect_dma source(%dma_start3A_538 : memref<3264000xf32, #tpu.memory_space<hbm>>) target(%dma_start3A_533 : memref<128xf32, #tpu.memory_space<vmem>>) offsets(%dma_start3A_536 : memref<128xi32, #tpu.memory_space<vmem>>) semaphore(%arg9 : memref<!tpu.dma_semaphore, #tpu.memory_space<semaphore_mem>>)
    %dma_start3A_539 = arith.constant 27 : i32
    %dma_start3A_540 = arith.constant 128 : i32
    %dma_start3A_541 = tpu.memref_slice %arg8[%dma_start3A_540] : memref<256xf32, #tpu.memory_space<vmem>> -> memref<128xf32, #tpu.memory_space<vmem>>
    %dma_start3A_542 = arith.constant 0 : i32
    %dma_start3A_543 = tpu.memref_slice %arg7[%dma_start3A_539, %dma_start3A_542] : memref<48x128xi32, #tpu.memory_space<vmem>> -> memref<1x128xi32, #tpu.memory_space<vmem>>
    %dma_start3A_544 = tpu.memref_squeeze %dma_start3A_543 : memref<1x128xi32, #tpu.memory_space<vmem>> -> memref<128xi32, #tpu.memory_space<vmem>>
    %dma_start3A_545 = arith.constant 0 : i32
    %dma_start3A_546 = tpu.memref_slice %arg3[%dma_start3A_545] : memref<3264000xf32, #tpu.memory_space<hbm>> -> memref<3264000xf32, #tpu.memory_space<hbm>>
    tpu.enqueue_indirect_dma source(%dma_start3A_546 : memref<3264000xf32, #tpu.memory_space<hbm>>) target(%dma_start3A_541 : memref<128xf32, #tpu.memory_space<vmem>>) offsets(%dma_start3A_544 : memref<128xi32, #tpu.memory_space<vmem>>) semaphore(%arg9 : memref<!tpu.dma_semaphore, #tpu.memory_space<semaphore_mem>>)
    %dma_wait3A_547 = arith.constant 26 : i32
    %dma_wait3A_548 = arith.constant 0 : i32
    %dma_wait3A_549 = tpu.memref_slice %arg8[%dma_wait3A_548] : memref<256xf32, #tpu.memory_space<vmem>> -> memref<128xf32, #tpu.memory_space<vmem>>
    %dma_wait3A_550 = arith.constant 0 : i32
    %dma_wait3A_551 = tpu.memref_slice %arg7[%dma_wait3A_547, %dma_wait3A_550] : memref<48x128xi32, #tpu.memory_space<vmem>> -> memref<1x128xi32, #tpu.memory_space<vmem>>
    %dma_wait3A_552 = tpu.memref_squeeze %dma_wait3A_551 : memref<1x128xi32, #tpu.memory_space<vmem>> -> memref<128xi32, #tpu.memory_space<vmem>>
    %dma_wait3A_553 = arith.constant 0 : i32
    %dma_wait3A_554 = tpu.memref_slice %arg3[%dma_wait3A_553] : memref<3264000xf32, #tpu.memory_space<hbm>> -> memref<3264000xf32, #tpu.memory_space<hbm>>
    tpu.wait_indirect_dma semaphore(%arg9 : memref<!tpu.dma_semaphore, #tpu.memory_space<semaphore_mem>>) src(%dma_wait3A_554 : memref<3264000xf32, #tpu.memory_space<hbm>>) dst(%dma_wait3A_549 : memref<128xf32, #tpu.memory_space<vmem>>)
    %dma_wait3A_555 = arith.constant 27 : i32
    %dma_wait3A_556 = arith.constant 128 : i32
    %dma_wait3A_557 = tpu.memref_slice %arg8[%dma_wait3A_556] : memref<256xf32, #tpu.memory_space<vmem>> -> memref<128xf32, #tpu.memory_space<vmem>>
    %dma_wait3A_558 = arith.constant 0 : i32
    %dma_wait3A_559 = tpu.memref_slice %arg7[%dma_wait3A_555, %dma_wait3A_558] : memref<48x128xi32, #tpu.memory_space<vmem>> -> memref<1x128xi32, #tpu.memory_space<vmem>>
    %dma_wait3A_560 = tpu.memref_squeeze %dma_wait3A_559 : memref<1x128xi32, #tpu.memory_space<vmem>> -> memref<128xi32, #tpu.memory_space<vmem>>
    %dma_wait3A_561 = arith.constant 0 : i32
    %dma_wait3A_562 = tpu.memref_slice %arg3[%dma_wait3A_561] : memref<3264000xf32, #tpu.memory_space<hbm>> -> memref<3264000xf32, #tpu.memory_space<hbm>>
    tpu.wait_indirect_dma semaphore(%arg9 : memref<!tpu.dma_semaphore, #tpu.memory_space<semaphore_mem>>) src(%dma_wait3A_562 : memref<3264000xf32, #tpu.memory_space<hbm>>) dst(%dma_wait3A_557 : memref<128xf32, #tpu.memory_space<vmem>>)
    %mul3A_563 = arith.constant 8 : i32
    %mul3A_564 = arith.muli %add3A, %mul3A_563 : i32
    %add3A_565 = arith.constant 256 : i32
    %add3A_566 = arith.addi %add3A_565, %mul3A_564 : i32
    %add3A_567 = arith.constant 5 : i32
    %add3A_568 = arith.addi %add3A_566, %add3A_567 : i32
    %mul3A_569 = arith.constant 256 : i32
    %mul3A_570 = arith.muli %add3A_568, %mul3A_569 : i32
    "tpu.region"() ({
      %run_scoped3A = tpu.sem_alloc : memref<!tpu.dma_semaphore, #tpu.memory_space<semaphore_mem>>
      %dma_start3A_971 = tpu.memref_slice %arg6[%mul3A_570] : memref<196608xf32, #tpu.memory_space<hbm>> -> memref<256xf32, #tpu.memory_space<hbm>>
      %dma_start3A_972 = tpu.memref_slice %arg6[%mul3A_570] : memref<196608xf32, #tpu.memory_space<hbm>> -> memref<256xf32, #tpu.memory_space<hbm>>
      tpu.enqueue_dma source(%arg8 : memref<256xf32, #tpu.memory_space<vmem>>) target(%dma_start3A_972 : memref<256xf32, #tpu.memory_space<hbm>>) target_semaphore(%run_scoped3A : memref<!tpu.dma_semaphore, #tpu.memory_space<semaphore_mem>>)
      %dma_wait3A_973 = tpu.memref_slice %arg6[%mul3A_570] : memref<196608xf32, #tpu.memory_space<hbm>> -> memref<256xf32, #tpu.memory_space<hbm>>
      %dma_wait3A_974 = tpu.memref_slice %arg6[%mul3A_570] : memref<196608xf32, #tpu.memory_space<hbm>> -> memref<256xf32, #tpu.memory_space<hbm>>
      tpu.wait_dma2 semaphore(%run_scoped3A : memref<!tpu.dma_semaphore, #tpu.memory_space<semaphore_mem>>) src(%arg8 : memref<256xf32, #tpu.memory_space<vmem>>) dst(%dma_wait3A_974 : memref<256xf32, #tpu.memory_space<hbm>>)
      tpu.yield
    }) : () -> ()
    %dma_start3A_571 = arith.constant 28 : i32
    %dma_start3A_572 = arith.constant 0 : i32
    %dma_start3A_573 = tpu.memref_slice %arg8[%dma_start3A_572] : memref<256xf32, #tpu.memory_space<vmem>> -> memref<128xf32, #tpu.memory_space<vmem>>
    %dma_start3A_574 = arith.constant 0 : i32
    %dma_start3A_575 = tpu.memref_slice %arg7[%dma_start3A_571, %dma_start3A_574] : memref<48x128xi32, #tpu.memory_space<vmem>> -> memref<1x128xi32, #tpu.memory_space<vmem>>
    %dma_start3A_576 = tpu.memref_squeeze %dma_start3A_575 : memref<1x128xi32, #tpu.memory_space<vmem>> -> memref<128xi32, #tpu.memory_space<vmem>>
    %dma_start3A_577 = arith.constant 0 : i32
    %dma_start3A_578 = tpu.memref_slice %arg3[%dma_start3A_577] : memref<3264000xf32, #tpu.memory_space<hbm>> -> memref<3264000xf32, #tpu.memory_space<hbm>>
    tpu.enqueue_indirect_dma source(%dma_start3A_578 : memref<3264000xf32, #tpu.memory_space<hbm>>) target(%dma_start3A_573 : memref<128xf32, #tpu.memory_space<vmem>>) offsets(%dma_start3A_576 : memref<128xi32, #tpu.memory_space<vmem>>) semaphore(%arg9 : memref<!tpu.dma_semaphore, #tpu.memory_space<semaphore_mem>>)
    %dma_start3A_579 = arith.constant 29 : i32
    %dma_start3A_580 = arith.constant 128 : i32
    %dma_start3A_581 = tpu.memref_slice %arg8[%dma_start3A_580] : memref<256xf32, #tpu.memory_space<vmem>> -> memref<128xf32, #tpu.memory_space<vmem>>
    %dma_start3A_582 = arith.constant 0 : i32
    %dma_start3A_583 = tpu.memref_slice %arg7[%dma_start3A_579, %dma_start3A_582] : memref<48x128xi32, #tpu.memory_space<vmem>> -> memref<1x128xi32, #tpu.memory_space<vmem>>
    %dma_start3A_584 = tpu.memref_squeeze %dma_start3A_583 : memref<1x128xi32, #tpu.memory_space<vmem>> -> memref<128xi32, #tpu.memory_space<vmem>>
    %dma_start3A_585 = arith.constant 0 : i32
    %dma_start3A_586 = tpu.memref_slice %arg3[%dma_start3A_585] : memref<3264000xf32, #tpu.memory_space<hbm>> -> memref<3264000xf32, #tpu.memory_space<hbm>>
    tpu.enqueue_indirect_dma source(%dma_start3A_586 : memref<3264000xf32, #tpu.memory_space<hbm>>) target(%dma_start3A_581 : memref<128xf32, #tpu.memory_space<vmem>>) offsets(%dma_start3A_584 : memref<128xi32, #tpu.memory_space<vmem>>) semaphore(%arg9 : memref<!tpu.dma_semaphore, #tpu.memory_space<semaphore_mem>>)
    %dma_wait3A_587 = arith.constant 28 : i32
    %dma_wait3A_588 = arith.constant 0 : i32
    %dma_wait3A_589 = tpu.memref_slice %arg8[%dma_wait3A_588] : memref<256xf32, #tpu.memory_space<vmem>> -> memref<128xf32, #tpu.memory_space<vmem>>
    %dma_wait3A_590 = arith.constant 0 : i32
    %dma_wait3A_591 = tpu.memref_slice %arg7[%dma_wait3A_587, %dma_wait3A_590] : memref<48x128xi32, #tpu.memory_space<vmem>> -> memref<1x128xi32, #tpu.memory_space<vmem>>
    %dma_wait3A_592 = tpu.memref_squeeze %dma_wait3A_591 : memref<1x128xi32, #tpu.memory_space<vmem>> -> memref<128xi32, #tpu.memory_space<vmem>>
    %dma_wait3A_593 = arith.constant 0 : i32
    %dma_wait3A_594 = tpu.memref_slice %arg3[%dma_wait3A_593] : memref<3264000xf32, #tpu.memory_space<hbm>> -> memref<3264000xf32, #tpu.memory_space<hbm>>
    tpu.wait_indirect_dma semaphore(%arg9 : memref<!tpu.dma_semaphore, #tpu.memory_space<semaphore_mem>>) src(%dma_wait3A_594 : memref<3264000xf32, #tpu.memory_space<hbm>>) dst(%dma_wait3A_589 : memref<128xf32, #tpu.memory_space<vmem>>)
    %dma_wait3A_595 = arith.constant 29 : i32
    %dma_wait3A_596 = arith.constant 128 : i32
    %dma_wait3A_597 = tpu.memref_slice %arg8[%dma_wait3A_596] : memref<256xf32, #tpu.memory_space<vmem>> -> memref<128xf32, #tpu.memory_space<vmem>>
    %dma_wait3A_598 = arith.constant 0 : i32
    %dma_wait3A_599 = tpu.memref_slice %arg7[%dma_wait3A_595, %dma_wait3A_598] : memref<48x128xi32, #tpu.memory_space<vmem>> -> memref<1x128xi32, #tpu.memory_space<vmem>>
    %dma_wait3A_600 = tpu.memref_squeeze %dma_wait3A_599 : memref<1x128xi32, #tpu.memory_space<vmem>> -> memref<128xi32, #tpu.memory_space<vmem>>
    %dma_wait3A_601 = arith.constant 0 : i32
    %dma_wait3A_602 = tpu.memref_slice %arg3[%dma_wait3A_601] : memref<3264000xf32, #tpu.memory_space<hbm>> -> memref<3264000xf32, #tpu.memory_space<hbm>>
    tpu.wait_indirect_dma semaphore(%arg9 : memref<!tpu.dma_semaphore, #tpu.memory_space<semaphore_mem>>) src(%dma_wait3A_602 : memref<3264000xf32, #tpu.memory_space<hbm>>) dst(%dma_wait3A_597 : memref<128xf32, #tpu.memory_space<vmem>>)
    %mul3A_603 = arith.constant 8 : i32
    %mul3A_604 = arith.muli %add3A, %mul3A_603 : i32
    %add3A_605 = arith.constant 256 : i32
    %add3A_606 = arith.addi %add3A_605, %mul3A_604 : i32
    %add3A_607 = arith.constant 6 : i32
    %add3A_608 = arith.addi %add3A_606, %add3A_607 : i32
    %mul3A_609 = arith.constant 256 : i32
    %mul3A_610 = arith.muli %add3A_608, %mul3A_609 : i32
    "tpu.region"() ({
      %run_scoped3A = tpu.sem_alloc : memref<!tpu.dma_semaphore, #tpu.memory_space<semaphore_mem>>
      %dma_start3A_971 = tpu.memref_slice %arg6[%mul3A_610] : memref<196608xf32, #tpu.memory_space<hbm>> -> memref<256xf32, #tpu.memory_space<hbm>>
      %dma_start3A_972 = tpu.memref_slice %arg6[%mul3A_610] : memref<196608xf32, #tpu.memory_space<hbm>> -> memref<256xf32, #tpu.memory_space<hbm>>
      tpu.enqueue_dma source(%arg8 : memref<256xf32, #tpu.memory_space<vmem>>) target(%dma_start3A_972 : memref<256xf32, #tpu.memory_space<hbm>>) target_semaphore(%run_scoped3A : memref<!tpu.dma_semaphore, #tpu.memory_space<semaphore_mem>>)
      %dma_wait3A_973 = tpu.memref_slice %arg6[%mul3A_610] : memref<196608xf32, #tpu.memory_space<hbm>> -> memref<256xf32, #tpu.memory_space<hbm>>
      %dma_wait3A_974 = tpu.memref_slice %arg6[%mul3A_610] : memref<196608xf32, #tpu.memory_space<hbm>> -> memref<256xf32, #tpu.memory_space<hbm>>
      tpu.wait_dma2 semaphore(%run_scoped3A : memref<!tpu.dma_semaphore, #tpu.memory_space<semaphore_mem>>) src(%arg8 : memref<256xf32, #tpu.memory_space<vmem>>) dst(%dma_wait3A_974 : memref<256xf32, #tpu.memory_space<hbm>>)
      tpu.yield
    }) : () -> ()
    %dma_start3A_611 = arith.constant 30 : i32
    %dma_start3A_612 = arith.constant 0 : i32
    %dma_start3A_613 = tpu.memref_slice %arg8[%dma_start3A_612] : memref<256xf32, #tpu.memory_space<vmem>> -> memref<128xf32, #tpu.memory_space<vmem>>
    %dma_start3A_614 = arith.constant 0 : i32
    %dma_start3A_615 = tpu.memref_slice %arg7[%dma_start3A_611, %dma_start3A_614] : memref<48x128xi32, #tpu.memory_space<vmem>> -> memref<1x128xi32, #tpu.memory_space<vmem>>
    %dma_start3A_616 = tpu.memref_squeeze %dma_start3A_615 : memref<1x128xi32, #tpu.memory_space<vmem>> -> memref<128xi32, #tpu.memory_space<vmem>>
    %dma_start3A_617 = arith.constant 0 : i32
    %dma_start3A_618 = tpu.memref_slice %arg3[%dma_start3A_617] : memref<3264000xf32, #tpu.memory_space<hbm>> -> memref<3264000xf32, #tpu.memory_space<hbm>>
    tpu.enqueue_indirect_dma source(%dma_start3A_618 : memref<3264000xf32, #tpu.memory_space<hbm>>) target(%dma_start3A_613 : memref<128xf32, #tpu.memory_space<vmem>>) offsets(%dma_start3A_616 : memref<128xi32, #tpu.memory_space<vmem>>) semaphore(%arg9 : memref<!tpu.dma_semaphore, #tpu.memory_space<semaphore_mem>>)
    %dma_start3A_619 = arith.constant 31 : i32
    %dma_start3A_620 = arith.constant 128 : i32
    %dma_start3A_621 = tpu.memref_slice %arg8[%dma_start3A_620] : memref<256xf32, #tpu.memory_space<vmem>> -> memref<128xf32, #tpu.memory_space<vmem>>
    %dma_start3A_622 = arith.constant 0 : i32
    %dma_start3A_623 = tpu.memref_slice %arg7[%dma_start3A_619, %dma_start3A_622] : memref<48x128xi32, #tpu.memory_space<vmem>> -> memref<1x128xi32, #tpu.memory_space<vmem>>
    %dma_start3A_624 = tpu.memref_squeeze %dma_start3A_623 : memref<1x128xi32, #tpu.memory_space<vmem>> -> memref<128xi32, #tpu.memory_space<vmem>>
    %dma_start3A_625 = arith.constant 0 : i32
    %dma_start3A_626 = tpu.memref_slice %arg3[%dma_start3A_625] : memref<3264000xf32, #tpu.memory_space<hbm>> -> memref<3264000xf32, #tpu.memory_space<hbm>>
    tpu.enqueue_indirect_dma source(%dma_start3A_626 : memref<3264000xf32, #tpu.memory_space<hbm>>) target(%dma_start3A_621 : memref<128xf32, #tpu.memory_space<vmem>>) offsets(%dma_start3A_624 : memref<128xi32, #tpu.memory_space<vmem>>) semaphore(%arg9 : memref<!tpu.dma_semaphore, #tpu.memory_space<semaphore_mem>>)
    %dma_wait3A_627 = arith.constant 30 : i32
    %dma_wait3A_628 = arith.constant 0 : i32
    %dma_wait3A_629 = tpu.memref_slice %arg8[%dma_wait3A_628] : memref<256xf32, #tpu.memory_space<vmem>> -> memref<128xf32, #tpu.memory_space<vmem>>
    %dma_wait3A_630 = arith.constant 0 : i32
    %dma_wait3A_631 = tpu.memref_slice %arg7[%dma_wait3A_627, %dma_wait3A_630] : memref<48x128xi32, #tpu.memory_space<vmem>> -> memref<1x128xi32, #tpu.memory_space<vmem>>
    %dma_wait3A_632 = tpu.memref_squeeze %dma_wait3A_631 : memref<1x128xi32, #tpu.memory_space<vmem>> -> memref<128xi32, #tpu.memory_space<vmem>>
    %dma_wait3A_633 = arith.constant 0 : i32
    %dma_wait3A_634 = tpu.memref_slice %arg3[%dma_wait3A_633] : memref<3264000xf32, #tpu.memory_space<hbm>> -> memref<3264000xf32, #tpu.memory_space<hbm>>
    tpu.wait_indirect_dma semaphore(%arg9 : memref<!tpu.dma_semaphore, #tpu.memory_space<semaphore_mem>>) src(%dma_wait3A_634 : memref<3264000xf32, #tpu.memory_space<hbm>>) dst(%dma_wait3A_629 : memref<128xf32, #tpu.memory_space<vmem>>)
    %dma_wait3A_635 = arith.constant 31 : i32
    %dma_wait3A_636 = arith.constant 128 : i32
    %dma_wait3A_637 = tpu.memref_slice %arg8[%dma_wait3A_636] : memref<256xf32, #tpu.memory_space<vmem>> -> memref<128xf32, #tpu.memory_space<vmem>>
    %dma_wait3A_638 = arith.constant 0 : i32
    %dma_wait3A_639 = tpu.memref_slice %arg7[%dma_wait3A_635, %dma_wait3A_638] : memref<48x128xi32, #tpu.memory_space<vmem>> -> memref<1x128xi32, #tpu.memory_space<vmem>>
    %dma_wait3A_640 = tpu.memref_squeeze %dma_wait3A_639 : memref<1x128xi32, #tpu.memory_space<vmem>> -> memref<128xi32, #tpu.memory_space<vmem>>
    %dma_wait3A_641 = arith.constant 0 : i32
    %dma_wait3A_642 = tpu.memref_slice %arg3[%dma_wait3A_641] : memref<3264000xf32, #tpu.memory_space<hbm>> -> memref<3264000xf32, #tpu.memory_space<hbm>>
    tpu.wait_indirect_dma semaphore(%arg9 : memref<!tpu.dma_semaphore, #tpu.memory_space<semaphore_mem>>) src(%dma_wait3A_642 : memref<3264000xf32, #tpu.memory_space<hbm>>) dst(%dma_wait3A_637 : memref<128xf32, #tpu.memory_space<vmem>>)
    %mul3A_643 = arith.constant 8 : i32
    %mul3A_644 = arith.muli %add3A, %mul3A_643 : i32
    %add3A_645 = arith.constant 256 : i32
    %add3A_646 = arith.addi %add3A_645, %mul3A_644 : i32
    %add3A_647 = arith.constant 7 : i32
    %add3A_648 = arith.addi %add3A_646, %add3A_647 : i32
    %mul3A_649 = arith.constant 256 : i32
    %mul3A_650 = arith.muli %add3A_648, %mul3A_649 : i32
    "tpu.region"() ({
      %run_scoped3A = tpu.sem_alloc : memref<!tpu.dma_semaphore, #tpu.memory_space<semaphore_mem>>
      %dma_start3A_971 = tpu.memref_slice %arg6[%mul3A_650] : memref<196608xf32, #tpu.memory_space<hbm>> -> memref<256xf32, #tpu.memory_space<hbm>>
      %dma_start3A_972 = tpu.memref_slice %arg6[%mul3A_650] : memref<196608xf32, #tpu.memory_space<hbm>> -> memref<256xf32, #tpu.memory_space<hbm>>
      tpu.enqueue_dma source(%arg8 : memref<256xf32, #tpu.memory_space<vmem>>) target(%dma_start3A_972 : memref<256xf32, #tpu.memory_space<hbm>>) target_semaphore(%run_scoped3A : memref<!tpu.dma_semaphore, #tpu.memory_space<semaphore_mem>>)
      %dma_wait3A_973 = tpu.memref_slice %arg6[%mul3A_650] : memref<196608xf32, #tpu.memory_space<hbm>> -> memref<256xf32, #tpu.memory_space<hbm>>
      %dma_wait3A_974 = tpu.memref_slice %arg6[%mul3A_650] : memref<196608xf32, #tpu.memory_space<hbm>> -> memref<256xf32, #tpu.memory_space<hbm>>
      tpu.wait_dma2 semaphore(%run_scoped3A : memref<!tpu.dma_semaphore, #tpu.memory_space<semaphore_mem>>) src(%arg8 : memref<256xf32, #tpu.memory_space<vmem>>) dst(%dma_wait3A_974 : memref<256xf32, #tpu.memory_space<hbm>>)
      tpu.yield
    }) : () -> ()
    %dma_start3A_651 = arith.constant 32 : i32
    %dma_start3A_652 = arith.constant 0 : i32
    %dma_start3A_653 = tpu.memref_slice %arg8[%dma_start3A_652] : memref<256xf32, #tpu.memory_space<vmem>> -> memref<128xf32, #tpu.memory_space<vmem>>
    %dma_start3A_654 = arith.constant 0 : i32
    %dma_start3A_655 = tpu.memref_slice %arg7[%dma_start3A_651, %dma_start3A_654] : memref<48x128xi32, #tpu.memory_space<vmem>> -> memref<1x128xi32, #tpu.memory_space<vmem>>
    %dma_start3A_656 = tpu.memref_squeeze %dma_start3A_655 : memref<1x128xi32, #tpu.memory_space<vmem>> -> memref<128xi32, #tpu.memory_space<vmem>>
    %dma_start3A_657 = arith.constant 0 : i32
    %dma_start3A_658 = tpu.memref_slice %arg4[%dma_start3A_657] : memref<816000xf32, #tpu.memory_space<hbm>> -> memref<816000xf32, #tpu.memory_space<hbm>>
    tpu.enqueue_indirect_dma source(%dma_start3A_658 : memref<816000xf32, #tpu.memory_space<hbm>>) target(%dma_start3A_653 : memref<128xf32, #tpu.memory_space<vmem>>) offsets(%dma_start3A_656 : memref<128xi32, #tpu.memory_space<vmem>>) semaphore(%arg9 : memref<!tpu.dma_semaphore, #tpu.memory_space<semaphore_mem>>)
    %dma_start3A_659 = arith.constant 33 : i32
    %dma_start3A_660 = arith.constant 128 : i32
    %dma_start3A_661 = tpu.memref_slice %arg8[%dma_start3A_660] : memref<256xf32, #tpu.memory_space<vmem>> -> memref<128xf32, #tpu.memory_space<vmem>>
    %dma_start3A_662 = arith.constant 0 : i32
    %dma_start3A_663 = tpu.memref_slice %arg7[%dma_start3A_659, %dma_start3A_662] : memref<48x128xi32, #tpu.memory_space<vmem>> -> memref<1x128xi32, #tpu.memory_space<vmem>>
    %dma_start3A_664 = tpu.memref_squeeze %dma_start3A_663 : memref<1x128xi32, #tpu.memory_space<vmem>> -> memref<128xi32, #tpu.memory_space<vmem>>
    %dma_start3A_665 = arith.constant 0 : i32
    %dma_start3A_666 = tpu.memref_slice %arg4[%dma_start3A_665] : memref<816000xf32, #tpu.memory_space<hbm>> -> memref<816000xf32, #tpu.memory_space<hbm>>
    tpu.enqueue_indirect_dma source(%dma_start3A_666 : memref<816000xf32, #tpu.memory_space<hbm>>) target(%dma_start3A_661 : memref<128xf32, #tpu.memory_space<vmem>>) offsets(%dma_start3A_664 : memref<128xi32, #tpu.memory_space<vmem>>) semaphore(%arg9 : memref<!tpu.dma_semaphore, #tpu.memory_space<semaphore_mem>>)
    %dma_wait3A_667 = arith.constant 32 : i32
    %dma_wait3A_668 = arith.constant 0 : i32
    %dma_wait3A_669 = tpu.memref_slice %arg8[%dma_wait3A_668] : memref<256xf32, #tpu.memory_space<vmem>> -> memref<128xf32, #tpu.memory_space<vmem>>
    %dma_wait3A_670 = arith.constant 0 : i32
    %dma_wait3A_671 = tpu.memref_slice %arg7[%dma_wait3A_667, %dma_wait3A_670] : memref<48x128xi32, #tpu.memory_space<vmem>> -> memref<1x128xi32, #tpu.memory_space<vmem>>
    %dma_wait3A_672 = tpu.memref_squeeze %dma_wait3A_671 : memref<1x128xi32, #tpu.memory_space<vmem>> -> memref<128xi32, #tpu.memory_space<vmem>>
    %dma_wait3A_673 = arith.constant 0 : i32
    %dma_wait3A_674 = tpu.memref_slice %arg4[%dma_wait3A_673] : memref<816000xf32, #tpu.memory_space<hbm>> -> memref<816000xf32, #tpu.memory_space<hbm>>
    tpu.wait_indirect_dma semaphore(%arg9 : memref<!tpu.dma_semaphore, #tpu.memory_space<semaphore_mem>>) src(%dma_wait3A_674 : memref<816000xf32, #tpu.memory_space<hbm>>) dst(%dma_wait3A_669 : memref<128xf32, #tpu.memory_space<vmem>>)
    %dma_wait3A_675 = arith.constant 33 : i32
    %dma_wait3A_676 = arith.constant 128 : i32
    %dma_wait3A_677 = tpu.memref_slice %arg8[%dma_wait3A_676] : memref<256xf32, #tpu.memory_space<vmem>> -> memref<128xf32, #tpu.memory_space<vmem>>
    %dma_wait3A_678 = arith.constant 0 : i32
    %dma_wait3A_679 = tpu.memref_slice %arg7[%dma_wait3A_675, %dma_wait3A_678] : memref<48x128xi32, #tpu.memory_space<vmem>> -> memref<1x128xi32, #tpu.memory_space<vmem>>
    %dma_wait3A_680 = tpu.memref_squeeze %dma_wait3A_679 : memref<1x128xi32, #tpu.memory_space<vmem>> -> memref<128xi32, #tpu.memory_space<vmem>>
    %dma_wait3A_681 = arith.constant 0 : i32
    %dma_wait3A_682 = tpu.memref_slice %arg4[%dma_wait3A_681] : memref<816000xf32, #tpu.memory_space<hbm>> -> memref<816000xf32, #tpu.memory_space<hbm>>
    tpu.wait_indirect_dma semaphore(%arg9 : memref<!tpu.dma_semaphore, #tpu.memory_space<semaphore_mem>>) src(%dma_wait3A_682 : memref<816000xf32, #tpu.memory_space<hbm>>) dst(%dma_wait3A_677 : memref<128xf32, #tpu.memory_space<vmem>>)
    %mul3A_683 = arith.constant 8 : i32
    %mul3A_684 = arith.muli %add3A, %mul3A_683 : i32
    %add3A_685 = arith.constant 512 : i32
    %add3A_686 = arith.addi %add3A_685, %mul3A_684 : i32
    %add3A_687 = arith.constant 0 : i32
    %add3A_688 = arith.addi %add3A_686, %add3A_687 : i32
    %mul3A_689 = arith.constant 256 : i32
    %mul3A_690 = arith.muli %add3A_688, %mul3A_689 : i32
    "tpu.region"() ({
      %run_scoped3A = tpu.sem_alloc : memref<!tpu.dma_semaphore, #tpu.memory_space<semaphore_mem>>
      %dma_start3A_971 = tpu.memref_slice %arg6[%mul3A_690] : memref<196608xf32, #tpu.memory_space<hbm>> -> memref<256xf32, #tpu.memory_space<hbm>>
      %dma_start3A_972 = tpu.memref_slice %arg6[%mul3A_690] : memref<196608xf32, #tpu.memory_space<hbm>> -> memref<256xf32, #tpu.memory_space<hbm>>
      tpu.enqueue_dma source(%arg8 : memref<256xf32, #tpu.memory_space<vmem>>) target(%dma_start3A_972 : memref<256xf32, #tpu.memory_space<hbm>>) target_semaphore(%run_scoped3A : memref<!tpu.dma_semaphore, #tpu.memory_space<semaphore_mem>>)
      %dma_wait3A_973 = tpu.memref_slice %arg6[%mul3A_690] : memref<196608xf32, #tpu.memory_space<hbm>> -> memref<256xf32, #tpu.memory_space<hbm>>
      %dma_wait3A_974 = tpu.memref_slice %arg6[%mul3A_690] : memref<196608xf32, #tpu.memory_space<hbm>> -> memref<256xf32, #tpu.memory_space<hbm>>
      tpu.wait_dma2 semaphore(%run_scoped3A : memref<!tpu.dma_semaphore, #tpu.memory_space<semaphore_mem>>) src(%arg8 : memref<256xf32, #tpu.memory_space<vmem>>) dst(%dma_wait3A_974 : memref<256xf32, #tpu.memory_space<hbm>>)
      tpu.yield
    }) : () -> ()
    %dma_start3A_691 = arith.constant 34 : i32
    %dma_start3A_692 = arith.constant 0 : i32
    %dma_start3A_693 = tpu.memref_slice %arg8[%dma_start3A_692] : memref<256xf32, #tpu.memory_space<vmem>> -> memref<128xf32, #tpu.memory_space<vmem>>
    %dma_start3A_694 = arith.constant 0 : i32
    %dma_start3A_695 = tpu.memref_slice %arg7[%dma_start3A_691, %dma_start3A_694] : memref<48x128xi32, #tpu.memory_space<vmem>> -> memref<1x128xi32, #tpu.memory_space<vmem>>
    %dma_start3A_696 = tpu.memref_squeeze %dma_start3A_695 : memref<1x128xi32, #tpu.memory_space<vmem>> -> memref<128xi32, #tpu.memory_space<vmem>>
    %dma_start3A_697 = arith.constant 0 : i32
    %dma_start3A_698 = tpu.memref_slice %arg4[%dma_start3A_697] : memref<816000xf32, #tpu.memory_space<hbm>> -> memref<816000xf32, #tpu.memory_space<hbm>>
    tpu.enqueue_indirect_dma source(%dma_start3A_698 : memref<816000xf32, #tpu.memory_space<hbm>>) target(%dma_start3A_693 : memref<128xf32, #tpu.memory_space<vmem>>) offsets(%dma_start3A_696 : memref<128xi32, #tpu.memory_space<vmem>>) semaphore(%arg9 : memref<!tpu.dma_semaphore, #tpu.memory_space<semaphore_mem>>)
    %dma_start3A_699 = arith.constant 35 : i32
    %dma_start3A_700 = arith.constant 128 : i32
    %dma_start3A_701 = tpu.memref_slice %arg8[%dma_start3A_700] : memref<256xf32, #tpu.memory_space<vmem>> -> memref<128xf32, #tpu.memory_space<vmem>>
    %dma_start3A_702 = arith.constant 0 : i32
    %dma_start3A_703 = tpu.memref_slice %arg7[%dma_start3A_699, %dma_start3A_702] : memref<48x128xi32, #tpu.memory_space<vmem>> -> memref<1x128xi32, #tpu.memory_space<vmem>>
    %dma_start3A_704 = tpu.memref_squeeze %dma_start3A_703 : memref<1x128xi32, #tpu.memory_space<vmem>> -> memref<128xi32, #tpu.memory_space<vmem>>
    %dma_start3A_705 = arith.constant 0 : i32
    %dma_start3A_706 = tpu.memref_slice %arg4[%dma_start3A_705] : memref<816000xf32, #tpu.memory_space<hbm>> -> memref<816000xf32, #tpu.memory_space<hbm>>
    tpu.enqueue_indirect_dma source(%dma_start3A_706 : memref<816000xf32, #tpu.memory_space<hbm>>) target(%dma_start3A_701 : memref<128xf32, #tpu.memory_space<vmem>>) offsets(%dma_start3A_704 : memref<128xi32, #tpu.memory_space<vmem>>) semaphore(%arg9 : memref<!tpu.dma_semaphore, #tpu.memory_space<semaphore_mem>>)
    %dma_wait3A_707 = arith.constant 34 : i32
    %dma_wait3A_708 = arith.constant 0 : i32
    %dma_wait3A_709 = tpu.memref_slice %arg8[%dma_wait3A_708] : memref<256xf32, #tpu.memory_space<vmem>> -> memref<128xf32, #tpu.memory_space<vmem>>
    %dma_wait3A_710 = arith.constant 0 : i32
    %dma_wait3A_711 = tpu.memref_slice %arg7[%dma_wait3A_707, %dma_wait3A_710] : memref<48x128xi32, #tpu.memory_space<vmem>> -> memref<1x128xi32, #tpu.memory_space<vmem>>
    %dma_wait3A_712 = tpu.memref_squeeze %dma_wait3A_711 : memref<1x128xi32, #tpu.memory_space<vmem>> -> memref<128xi32, #tpu.memory_space<vmem>>
    %dma_wait3A_713 = arith.constant 0 : i32
    %dma_wait3A_714 = tpu.memref_slice %arg4[%dma_wait3A_713] : memref<816000xf32, #tpu.memory_space<hbm>> -> memref<816000xf32, #tpu.memory_space<hbm>>
    tpu.wait_indirect_dma semaphore(%arg9 : memref<!tpu.dma_semaphore, #tpu.memory_space<semaphore_mem>>) src(%dma_wait3A_714 : memref<816000xf32, #tpu.memory_space<hbm>>) dst(%dma_wait3A_709 : memref<128xf32, #tpu.memory_space<vmem>>)
    %dma_wait3A_715 = arith.constant 35 : i32
    %dma_wait3A_716 = arith.constant 128 : i32
    %dma_wait3A_717 = tpu.memref_slice %arg8[%dma_wait3A_716] : memref<256xf32, #tpu.memory_space<vmem>> -> memref<128xf32, #tpu.memory_space<vmem>>
    %dma_wait3A_718 = arith.constant 0 : i32
    %dma_wait3A_719 = tpu.memref_slice %arg7[%dma_wait3A_715, %dma_wait3A_718] : memref<48x128xi32, #tpu.memory_space<vmem>> -> memref<1x128xi32, #tpu.memory_space<vmem>>
    %dma_wait3A_720 = tpu.memref_squeeze %dma_wait3A_719 : memref<1x128xi32, #tpu.memory_space<vmem>> -> memref<128xi32, #tpu.memory_space<vmem>>
    %dma_wait3A_721 = arith.constant 0 : i32
    %dma_wait3A_722 = tpu.memref_slice %arg4[%dma_wait3A_721] : memref<816000xf32, #tpu.memory_space<hbm>> -> memref<816000xf32, #tpu.memory_space<hbm>>
    tpu.wait_indirect_dma semaphore(%arg9 : memref<!tpu.dma_semaphore, #tpu.memory_space<semaphore_mem>>) src(%dma_wait3A_722 : memref<816000xf32, #tpu.memory_space<hbm>>) dst(%dma_wait3A_717 : memref<128xf32, #tpu.memory_space<vmem>>)
    %mul3A_723 = arith.constant 8 : i32
    %mul3A_724 = arith.muli %add3A, %mul3A_723 : i32
    %add3A_725 = arith.constant 512 : i32
    %add3A_726 = arith.addi %add3A_725, %mul3A_724 : i32
    %add3A_727 = arith.constant 1 : i32
    %add3A_728 = arith.addi %add3A_726, %add3A_727 : i32
    %mul3A_729 = arith.constant 256 : i32
    %mul3A_730 = arith.muli %add3A_728, %mul3A_729 : i32
    "tpu.region"() ({
      %run_scoped3A = tpu.sem_alloc : memref<!tpu.dma_semaphore, #tpu.memory_space<semaphore_mem>>
      %dma_start3A_971 = tpu.memref_slice %arg6[%mul3A_730] : memref<196608xf32, #tpu.memory_space<hbm>> -> memref<256xf32, #tpu.memory_space<hbm>>
      %dma_start3A_972 = tpu.memref_slice %arg6[%mul3A_730] : memref<196608xf32, #tpu.memory_space<hbm>> -> memref<256xf32, #tpu.memory_space<hbm>>
      tpu.enqueue_dma source(%arg8 : memref<256xf32, #tpu.memory_space<vmem>>) target(%dma_start3A_972 : memref<256xf32, #tpu.memory_space<hbm>>) target_semaphore(%run_scoped3A : memref<!tpu.dma_semaphore, #tpu.memory_space<semaphore_mem>>)
      %dma_wait3A_973 = tpu.memref_slice %arg6[%mul3A_730] : memref<196608xf32, #tpu.memory_space<hbm>> -> memref<256xf32, #tpu.memory_space<hbm>>
      %dma_wait3A_974 = tpu.memref_slice %arg6[%mul3A_730] : memref<196608xf32, #tpu.memory_space<hbm>> -> memref<256xf32, #tpu.memory_space<hbm>>
      tpu.wait_dma2 semaphore(%run_scoped3A : memref<!tpu.dma_semaphore, #tpu.memory_space<semaphore_mem>>) src(%arg8 : memref<256xf32, #tpu.memory_space<vmem>>) dst(%dma_wait3A_974 : memref<256xf32, #tpu.memory_space<hbm>>)
      tpu.yield
    }) : () -> ()
    %dma_start3A_731 = arith.constant 36 : i32
    %dma_start3A_732 = arith.constant 0 : i32
    %dma_start3A_733 = tpu.memref_slice %arg8[%dma_start3A_732] : memref<256xf32, #tpu.memory_space<vmem>> -> memref<128xf32, #tpu.memory_space<vmem>>
    %dma_start3A_734 = arith.constant 0 : i32
    %dma_start3A_735 = tpu.memref_slice %arg7[%dma_start3A_731, %dma_start3A_734] : memref<48x128xi32, #tpu.memory_space<vmem>> -> memref<1x128xi32, #tpu.memory_space<vmem>>
    %dma_start3A_736 = tpu.memref_squeeze %dma_start3A_735 : memref<1x128xi32, #tpu.memory_space<vmem>> -> memref<128xi32, #tpu.memory_space<vmem>>
    %dma_start3A_737 = arith.constant 0 : i32
    %dma_start3A_738 = tpu.memref_slice %arg4[%dma_start3A_737] : memref<816000xf32, #tpu.memory_space<hbm>> -> memref<816000xf32, #tpu.memory_space<hbm>>
    tpu.enqueue_indirect_dma source(%dma_start3A_738 : memref<816000xf32, #tpu.memory_space<hbm>>) target(%dma_start3A_733 : memref<128xf32, #tpu.memory_space<vmem>>) offsets(%dma_start3A_736 : memref<128xi32, #tpu.memory_space<vmem>>) semaphore(%arg9 : memref<!tpu.dma_semaphore, #tpu.memory_space<semaphore_mem>>)
    %dma_start3A_739 = arith.constant 37 : i32
    %dma_start3A_740 = arith.constant 128 : i32
    %dma_start3A_741 = tpu.memref_slice %arg8[%dma_start3A_740] : memref<256xf32, #tpu.memory_space<vmem>> -> memref<128xf32, #tpu.memory_space<vmem>>
    %dma_start3A_742 = arith.constant 0 : i32
    %dma_start3A_743 = tpu.memref_slice %arg7[%dma_start3A_739, %dma_start3A_742] : memref<48x128xi32, #tpu.memory_space<vmem>> -> memref<1x128xi32, #tpu.memory_space<vmem>>
    %dma_start3A_744 = tpu.memref_squeeze %dma_start3A_743 : memref<1x128xi32, #tpu.memory_space<vmem>> -> memref<128xi32, #tpu.memory_space<vmem>>
    %dma_start3A_745 = arith.constant 0 : i32
    %dma_start3A_746 = tpu.memref_slice %arg4[%dma_start3A_745] : memref<816000xf32, #tpu.memory_space<hbm>> -> memref<816000xf32, #tpu.memory_space<hbm>>
    tpu.enqueue_indirect_dma source(%dma_start3A_746 : memref<816000xf32, #tpu.memory_space<hbm>>) target(%dma_start3A_741 : memref<128xf32, #tpu.memory_space<vmem>>) offsets(%dma_start3A_744 : memref<128xi32, #tpu.memory_space<vmem>>) semaphore(%arg9 : memref<!tpu.dma_semaphore, #tpu.memory_space<semaphore_mem>>)
    %dma_wait3A_747 = arith.constant 36 : i32
    %dma_wait3A_748 = arith.constant 0 : i32
    %dma_wait3A_749 = tpu.memref_slice %arg8[%dma_wait3A_748] : memref<256xf32, #tpu.memory_space<vmem>> -> memref<128xf32, #tpu.memory_space<vmem>>
    %dma_wait3A_750 = arith.constant 0 : i32
    %dma_wait3A_751 = tpu.memref_slice %arg7[%dma_wait3A_747, %dma_wait3A_750] : memref<48x128xi32, #tpu.memory_space<vmem>> -> memref<1x128xi32, #tpu.memory_space<vmem>>
    %dma_wait3A_752 = tpu.memref_squeeze %dma_wait3A_751 : memref<1x128xi32, #tpu.memory_space<vmem>> -> memref<128xi32, #tpu.memory_space<vmem>>
    %dma_wait3A_753 = arith.constant 0 : i32
    %dma_wait3A_754 = tpu.memref_slice %arg4[%dma_wait3A_753] : memref<816000xf32, #tpu.memory_space<hbm>> -> memref<816000xf32, #tpu.memory_space<hbm>>
    tpu.wait_indirect_dma semaphore(%arg9 : memref<!tpu.dma_semaphore, #tpu.memory_space<semaphore_mem>>) src(%dma_wait3A_754 : memref<816000xf32, #tpu.memory_space<hbm>>) dst(%dma_wait3A_749 : memref<128xf32, #tpu.memory_space<vmem>>)
    %dma_wait3A_755 = arith.constant 37 : i32
    %dma_wait3A_756 = arith.constant 128 : i32
    %dma_wait3A_757 = tpu.memref_slice %arg8[%dma_wait3A_756] : memref<256xf32, #tpu.memory_space<vmem>> -> memref<128xf32, #tpu.memory_space<vmem>>
    %dma_wait3A_758 = arith.constant 0 : i32
    %dma_wait3A_759 = tpu.memref_slice %arg7[%dma_wait3A_755, %dma_wait3A_758] : memref<48x128xi32, #tpu.memory_space<vmem>> -> memref<1x128xi32, #tpu.memory_space<vmem>>
    %dma_wait3A_760 = tpu.memref_squeeze %dma_wait3A_759 : memref<1x128xi32, #tpu.memory_space<vmem>> -> memref<128xi32, #tpu.memory_space<vmem>>
    %dma_wait3A_761 = arith.constant 0 : i32
    %dma_wait3A_762 = tpu.memref_slice %arg4[%dma_wait3A_761] : memref<816000xf32, #tpu.memory_space<hbm>> -> memref<816000xf32, #tpu.memory_space<hbm>>
    tpu.wait_indirect_dma semaphore(%arg9 : memref<!tpu.dma_semaphore, #tpu.memory_space<semaphore_mem>>) src(%dma_wait3A_762 : memref<816000xf32, #tpu.memory_space<hbm>>) dst(%dma_wait3A_757 : memref<128xf32, #tpu.memory_space<vmem>>)
    %mul3A_763 = arith.constant 8 : i32
    %mul3A_764 = arith.muli %add3A, %mul3A_763 : i32
    %add3A_765 = arith.constant 512 : i32
    %add3A_766 = arith.addi %add3A_765, %mul3A_764 : i32
    %add3A_767 = arith.constant 2 : i32
    %add3A_768 = arith.addi %add3A_766, %add3A_767 : i32
    %mul3A_769 = arith.constant 256 : i32
    %mul3A_770 = arith.muli %add3A_768, %mul3A_769 : i32
    "tpu.region"() ({
      %run_scoped3A = tpu.sem_alloc : memref<!tpu.dma_semaphore, #tpu.memory_space<semaphore_mem>>
      %dma_start3A_971 = tpu.memref_slice %arg6[%mul3A_770] : memref<196608xf32, #tpu.memory_space<hbm>> -> memref<256xf32, #tpu.memory_space<hbm>>
      %dma_start3A_972 = tpu.memref_slice %arg6[%mul3A_770] : memref<196608xf32, #tpu.memory_space<hbm>> -> memref<256xf32, #tpu.memory_space<hbm>>
      tpu.enqueue_dma source(%arg8 : memref<256xf32, #tpu.memory_space<vmem>>) target(%dma_start3A_972 : memref<256xf32, #tpu.memory_space<hbm>>) target_semaphore(%run_scoped3A : memref<!tpu.dma_semaphore, #tpu.memory_space<semaphore_mem>>)
      %dma_wait3A_973 = tpu.memref_slice %arg6[%mul3A_770] : memref<196608xf32, #tpu.memory_space<hbm>> -> memref<256xf32, #tpu.memory_space<hbm>>
      %dma_wait3A_974 = tpu.memref_slice %arg6[%mul3A_770] : memref<196608xf32, #tpu.memory_space<hbm>> -> memref<256xf32, #tpu.memory_space<hbm>>
      tpu.wait_dma2 semaphore(%run_scoped3A : memref<!tpu.dma_semaphore, #tpu.memory_space<semaphore_mem>>) src(%arg8 : memref<256xf32, #tpu.memory_space<vmem>>) dst(%dma_wait3A_974 : memref<256xf32, #tpu.memory_space<hbm>>)
      tpu.yield
    }) : () -> ()
    %dma_start3A_771 = arith.constant 38 : i32
    %dma_start3A_772 = arith.constant 0 : i32
    %dma_start3A_773 = tpu.memref_slice %arg8[%dma_start3A_772] : memref<256xf32, #tpu.memory_space<vmem>> -> memref<128xf32, #tpu.memory_space<vmem>>
    %dma_start3A_774 = arith.constant 0 : i32
    %dma_start3A_775 = tpu.memref_slice %arg7[%dma_start3A_771, %dma_start3A_774] : memref<48x128xi32, #tpu.memory_space<vmem>> -> memref<1x128xi32, #tpu.memory_space<vmem>>
    %dma_start3A_776 = tpu.memref_squeeze %dma_start3A_775 : memref<1x128xi32, #tpu.memory_space<vmem>> -> memref<128xi32, #tpu.memory_space<vmem>>
    %dma_start3A_777 = arith.constant 0 : i32
    %dma_start3A_778 = tpu.memref_slice %arg4[%dma_start3A_777] : memref<816000xf32, #tpu.memory_space<hbm>> -> memref<816000xf32, #tpu.memory_space<hbm>>
    tpu.enqueue_indirect_dma source(%dma_start3A_778 : memref<816000xf32, #tpu.memory_space<hbm>>) target(%dma_start3A_773 : memref<128xf32, #tpu.memory_space<vmem>>) offsets(%dma_start3A_776 : memref<128xi32, #tpu.memory_space<vmem>>) semaphore(%arg9 : memref<!tpu.dma_semaphore, #tpu.memory_space<semaphore_mem>>)
    %dma_start3A_779 = arith.constant 39 : i32
    %dma_start3A_780 = arith.constant 128 : i32
    %dma_start3A_781 = tpu.memref_slice %arg8[%dma_start3A_780] : memref<256xf32, #tpu.memory_space<vmem>> -> memref<128xf32, #tpu.memory_space<vmem>>
    %dma_start3A_782 = arith.constant 0 : i32
    %dma_start3A_783 = tpu.memref_slice %arg7[%dma_start3A_779, %dma_start3A_782] : memref<48x128xi32, #tpu.memory_space<vmem>> -> memref<1x128xi32, #tpu.memory_space<vmem>>
    %dma_start3A_784 = tpu.memref_squeeze %dma_start3A_783 : memref<1x128xi32, #tpu.memory_space<vmem>> -> memref<128xi32, #tpu.memory_space<vmem>>
    %dma_start3A_785 = arith.constant 0 : i32
    %dma_start3A_786 = tpu.memref_slice %arg4[%dma_start3A_785] : memref<816000xf32, #tpu.memory_space<hbm>> -> memref<816000xf32, #tpu.memory_space<hbm>>
    tpu.enqueue_indirect_dma source(%dma_start3A_786 : memref<816000xf32, #tpu.memory_space<hbm>>) target(%dma_start3A_781 : memref<128xf32, #tpu.memory_space<vmem>>) offsets(%dma_start3A_784 : memref<128xi32, #tpu.memory_space<vmem>>) semaphore(%arg9 : memref<!tpu.dma_semaphore, #tpu.memory_space<semaphore_mem>>)
    %dma_wait3A_787 = arith.constant 38 : i32
    %dma_wait3A_788 = arith.constant 0 : i32
    %dma_wait3A_789 = tpu.memref_slice %arg8[%dma_wait3A_788] : memref<256xf32, #tpu.memory_space<vmem>> -> memref<128xf32, #tpu.memory_space<vmem>>
    %dma_wait3A_790 = arith.constant 0 : i32
    %dma_wait3A_791 = tpu.memref_slice %arg7[%dma_wait3A_787, %dma_wait3A_790] : memref<48x128xi32, #tpu.memory_space<vmem>> -> memref<1x128xi32, #tpu.memory_space<vmem>>
    %dma_wait3A_792 = tpu.memref_squeeze %dma_wait3A_791 : memref<1x128xi32, #tpu.memory_space<vmem>> -> memref<128xi32, #tpu.memory_space<vmem>>
    %dma_wait3A_793 = arith.constant 0 : i32
    %dma_wait3A_794 = tpu.memref_slice %arg4[%dma_wait3A_793] : memref<816000xf32, #tpu.memory_space<hbm>> -> memref<816000xf32, #tpu.memory_space<hbm>>
    tpu.wait_indirect_dma semaphore(%arg9 : memref<!tpu.dma_semaphore, #tpu.memory_space<semaphore_mem>>) src(%dma_wait3A_794 : memref<816000xf32, #tpu.memory_space<hbm>>) dst(%dma_wait3A_789 : memref<128xf32, #tpu.memory_space<vmem>>)
    %dma_wait3A_795 = arith.constant 39 : i32
    %dma_wait3A_796 = arith.constant 128 : i32
    %dma_wait3A_797 = tpu.memref_slice %arg8[%dma_wait3A_796] : memref<256xf32, #tpu.memory_space<vmem>> -> memref<128xf32, #tpu.memory_space<vmem>>
    %dma_wait3A_798 = arith.constant 0 : i32
    %dma_wait3A_799 = tpu.memref_slice %arg7[%dma_wait3A_795, %dma_wait3A_798] : memref<48x128xi32, #tpu.memory_space<vmem>> -> memref<1x128xi32, #tpu.memory_space<vmem>>
    %dma_wait3A_800 = tpu.memref_squeeze %dma_wait3A_799 : memref<1x128xi32, #tpu.memory_space<vmem>> -> memref<128xi32, #tpu.memory_space<vmem>>
    %dma_wait3A_801 = arith.constant 0 : i32
    %dma_wait3A_802 = tpu.memref_slice %arg4[%dma_wait3A_801] : memref<816000xf32, #tpu.memory_space<hbm>> -> memref<816000xf32, #tpu.memory_space<hbm>>
    tpu.wait_indirect_dma semaphore(%arg9 : memref<!tpu.dma_semaphore, #tpu.memory_space<semaphore_mem>>) src(%dma_wait3A_802 : memref<816000xf32, #tpu.memory_space<hbm>>) dst(%dma_wait3A_797 : memref<128xf32, #tpu.memory_space<vmem>>)
    %mul3A_803 = arith.constant 8 : i32
    %mul3A_804 = arith.muli %add3A, %mul3A_803 : i32
    %add3A_805 = arith.constant 512 : i32
    %add3A_806 = arith.addi %add3A_805, %mul3A_804 : i32
    %add3A_807 = arith.constant 3 : i32
    %add3A_808 = arith.addi %add3A_806, %add3A_807 : i32
    %mul3A_809 = arith.constant 256 : i32
    %mul3A_810 = arith.muli %add3A_808, %mul3A_809 : i32
    "tpu.region"() ({
      %run_scoped3A = tpu.sem_alloc : memref<!tpu.dma_semaphore, #tpu.memory_space<semaphore_mem>>
      %dma_start3A_971 = tpu.memref_slice %arg6[%mul3A_810] : memref<196608xf32, #tpu.memory_space<hbm>> -> memref<256xf32, #tpu.memory_space<hbm>>
      %dma_start3A_972 = tpu.memref_slice %arg6[%mul3A_810] : memref<196608xf32, #tpu.memory_space<hbm>> -> memref<256xf32, #tpu.memory_space<hbm>>
      tpu.enqueue_dma source(%arg8 : memref<256xf32, #tpu.memory_space<vmem>>) target(%dma_start3A_972 : memref<256xf32, #tpu.memory_space<hbm>>) target_semaphore(%run_scoped3A : memref<!tpu.dma_semaphore, #tpu.memory_space<semaphore_mem>>)
      %dma_wait3A_973 = tpu.memref_slice %arg6[%mul3A_810] : memref<196608xf32, #tpu.memory_space<hbm>> -> memref<256xf32, #tpu.memory_space<hbm>>
      %dma_wait3A_974 = tpu.memref_slice %arg6[%mul3A_810] : memref<196608xf32, #tpu.memory_space<hbm>> -> memref<256xf32, #tpu.memory_space<hbm>>
      tpu.wait_dma2 semaphore(%run_scoped3A : memref<!tpu.dma_semaphore, #tpu.memory_space<semaphore_mem>>) src(%arg8 : memref<256xf32, #tpu.memory_space<vmem>>) dst(%dma_wait3A_974 : memref<256xf32, #tpu.memory_space<hbm>>)
      tpu.yield
    }) : () -> ()
    %dma_start3A_811 = arith.constant 40 : i32
    %dma_start3A_812 = arith.constant 0 : i32
    %dma_start3A_813 = tpu.memref_slice %arg8[%dma_start3A_812] : memref<256xf32, #tpu.memory_space<vmem>> -> memref<128xf32, #tpu.memory_space<vmem>>
    %dma_start3A_814 = arith.constant 0 : i32
    %dma_start3A_815 = tpu.memref_slice %arg7[%dma_start3A_811, %dma_start3A_814] : memref<48x128xi32, #tpu.memory_space<vmem>> -> memref<1x128xi32, #tpu.memory_space<vmem>>
    %dma_start3A_816 = tpu.memref_squeeze %dma_start3A_815 : memref<1x128xi32, #tpu.memory_space<vmem>> -> memref<128xi32, #tpu.memory_space<vmem>>
    %dma_start3A_817 = arith.constant 0 : i32
    %dma_start3A_818 = tpu.memref_slice %arg4[%dma_start3A_817] : memref<816000xf32, #tpu.memory_space<hbm>> -> memref<816000xf32, #tpu.memory_space<hbm>>
    tpu.enqueue_indirect_dma source(%dma_start3A_818 : memref<816000xf32, #tpu.memory_space<hbm>>) target(%dma_start3A_813 : memref<128xf32, #tpu.memory_space<vmem>>) offsets(%dma_start3A_816 : memref<128xi32, #tpu.memory_space<vmem>>) semaphore(%arg9 : memref<!tpu.dma_semaphore, #tpu.memory_space<semaphore_mem>>)
    %dma_start3A_819 = arith.constant 41 : i32
    %dma_start3A_820 = arith.constant 128 : i32
    %dma_start3A_821 = tpu.memref_slice %arg8[%dma_start3A_820] : memref<256xf32, #tpu.memory_space<vmem>> -> memref<128xf32, #tpu.memory_space<vmem>>
    %dma_start3A_822 = arith.constant 0 : i32
    %dma_start3A_823 = tpu.memref_slice %arg7[%dma_start3A_819, %dma_start3A_822] : memref<48x128xi32, #tpu.memory_space<vmem>> -> memref<1x128xi32, #tpu.memory_space<vmem>>
    %dma_start3A_824 = tpu.memref_squeeze %dma_start3A_823 : memref<1x128xi32, #tpu.memory_space<vmem>> -> memref<128xi32, #tpu.memory_space<vmem>>
    %dma_start3A_825 = arith.constant 0 : i32
    %dma_start3A_826 = tpu.memref_slice %arg4[%dma_start3A_825] : memref<816000xf32, #tpu.memory_space<hbm>> -> memref<816000xf32, #tpu.memory_space<hbm>>
    tpu.enqueue_indirect_dma source(%dma_start3A_826 : memref<816000xf32, #tpu.memory_space<hbm>>) target(%dma_start3A_821 : memref<128xf32, #tpu.memory_space<vmem>>) offsets(%dma_start3A_824 : memref<128xi32, #tpu.memory_space<vmem>>) semaphore(%arg9 : memref<!tpu.dma_semaphore, #tpu.memory_space<semaphore_mem>>)
    %dma_wait3A_827 = arith.constant 40 : i32
    %dma_wait3A_828 = arith.constant 0 : i32
    %dma_wait3A_829 = tpu.memref_slice %arg8[%dma_wait3A_828] : memref<256xf32, #tpu.memory_space<vmem>> -> memref<128xf32, #tpu.memory_space<vmem>>
    %dma_wait3A_830 = arith.constant 0 : i32
    %dma_wait3A_831 = tpu.memref_slice %arg7[%dma_wait3A_827, %dma_wait3A_830] : memref<48x128xi32, #tpu.memory_space<vmem>> -> memref<1x128xi32, #tpu.memory_space<vmem>>
    %dma_wait3A_832 = tpu.memref_squeeze %dma_wait3A_831 : memref<1x128xi32, #tpu.memory_space<vmem>> -> memref<128xi32, #tpu.memory_space<vmem>>
    %dma_wait3A_833 = arith.constant 0 : i32
    %dma_wait3A_834 = tpu.memref_slice %arg4[%dma_wait3A_833] : memref<816000xf32, #tpu.memory_space<hbm>> -> memref<816000xf32, #tpu.memory_space<hbm>>
    tpu.wait_indirect_dma semaphore(%arg9 : memref<!tpu.dma_semaphore, #tpu.memory_space<semaphore_mem>>) src(%dma_wait3A_834 : memref<816000xf32, #tpu.memory_space<hbm>>) dst(%dma_wait3A_829 : memref<128xf32, #tpu.memory_space<vmem>>)
    %dma_wait3A_835 = arith.constant 41 : i32
    %dma_wait3A_836 = arith.constant 128 : i32
    %dma_wait3A_837 = tpu.memref_slice %arg8[%dma_wait3A_836] : memref<256xf32, #tpu.memory_space<vmem>> -> memref<128xf32, #tpu.memory_space<vmem>>
    %dma_wait3A_838 = arith.constant 0 : i32
    %dma_wait3A_839 = tpu.memref_slice %arg7[%dma_wait3A_835, %dma_wait3A_838] : memref<48x128xi32, #tpu.memory_space<vmem>> -> memref<1x128xi32, #tpu.memory_space<vmem>>
    %dma_wait3A_840 = tpu.memref_squeeze %dma_wait3A_839 : memref<1x128xi32, #tpu.memory_space<vmem>> -> memref<128xi32, #tpu.memory_space<vmem>>
    %dma_wait3A_841 = arith.constant 0 : i32
    %dma_wait3A_842 = tpu.memref_slice %arg4[%dma_wait3A_841] : memref<816000xf32, #tpu.memory_space<hbm>> -> memref<816000xf32, #tpu.memory_space<hbm>>
    tpu.wait_indirect_dma semaphore(%arg9 : memref<!tpu.dma_semaphore, #tpu.memory_space<semaphore_mem>>) src(%dma_wait3A_842 : memref<816000xf32, #tpu.memory_space<hbm>>) dst(%dma_wait3A_837 : memref<128xf32, #tpu.memory_space<vmem>>)
    %mul3A_843 = arith.constant 8 : i32
    %mul3A_844 = arith.muli %add3A, %mul3A_843 : i32
    %add3A_845 = arith.constant 512 : i32
    %add3A_846 = arith.addi %add3A_845, %mul3A_844 : i32
    %add3A_847 = arith.constant 4 : i32
    %add3A_848 = arith.addi %add3A_846, %add3A_847 : i32
    %mul3A_849 = arith.constant 256 : i32
    %mul3A_850 = arith.muli %add3A_848, %mul3A_849 : i32
    "tpu.region"() ({
      %run_scoped3A = tpu.sem_alloc : memref<!tpu.dma_semaphore, #tpu.memory_space<semaphore_mem>>
      %dma_start3A_971 = tpu.memref_slice %arg6[%mul3A_850] : memref<196608xf32, #tpu.memory_space<hbm>> -> memref<256xf32, #tpu.memory_space<hbm>>
      %dma_start3A_972 = tpu.memref_slice %arg6[%mul3A_850] : memref<196608xf32, #tpu.memory_space<hbm>> -> memref<256xf32, #tpu.memory_space<hbm>>
      tpu.enqueue_dma source(%arg8 : memref<256xf32, #tpu.memory_space<vmem>>) target(%dma_start3A_972 : memref<256xf32, #tpu.memory_space<hbm>>) target_semaphore(%run_scoped3A : memref<!tpu.dma_semaphore, #tpu.memory_space<semaphore_mem>>)
      %dma_wait3A_973 = tpu.memref_slice %arg6[%mul3A_850] : memref<196608xf32, #tpu.memory_space<hbm>> -> memref<256xf32, #tpu.memory_space<hbm>>
      %dma_wait3A_974 = tpu.memref_slice %arg6[%mul3A_850] : memref<196608xf32, #tpu.memory_space<hbm>> -> memref<256xf32, #tpu.memory_space<hbm>>
      tpu.wait_dma2 semaphore(%run_scoped3A : memref<!tpu.dma_semaphore, #tpu.memory_space<semaphore_mem>>) src(%arg8 : memref<256xf32, #tpu.memory_space<vmem>>) dst(%dma_wait3A_974 : memref<256xf32, #tpu.memory_space<hbm>>)
      tpu.yield
    }) : () -> ()
    %dma_start3A_851 = arith.constant 42 : i32
    %dma_start3A_852 = arith.constant 0 : i32
    %dma_start3A_853 = tpu.memref_slice %arg8[%dma_start3A_852] : memref<256xf32, #tpu.memory_space<vmem>> -> memref<128xf32, #tpu.memory_space<vmem>>
    %dma_start3A_854 = arith.constant 0 : i32
    %dma_start3A_855 = tpu.memref_slice %arg7[%dma_start3A_851, %dma_start3A_854] : memref<48x128xi32, #tpu.memory_space<vmem>> -> memref<1x128xi32, #tpu.memory_space<vmem>>
    %dma_start3A_856 = tpu.memref_squeeze %dma_start3A_855 : memref<1x128xi32, #tpu.memory_space<vmem>> -> memref<128xi32, #tpu.memory_space<vmem>>
    %dma_start3A_857 = arith.constant 0 : i32
    %dma_start3A_858 = tpu.memref_slice %arg4[%dma_start3A_857] : memref<816000xf32, #tpu.memory_space<hbm>> -> memref<816000xf32, #tpu.memory_space<hbm>>
    tpu.enqueue_indirect_dma source(%dma_start3A_858 : memref<816000xf32, #tpu.memory_space<hbm>>) target(%dma_start3A_853 : memref<128xf32, #tpu.memory_space<vmem>>) offsets(%dma_start3A_856 : memref<128xi32, #tpu.memory_space<vmem>>) semaphore(%arg9 : memref<!tpu.dma_semaphore, #tpu.memory_space<semaphore_mem>>)
    %dma_start3A_859 = arith.constant 43 : i32
    %dma_start3A_860 = arith.constant 128 : i32
    %dma_start3A_861 = tpu.memref_slice %arg8[%dma_start3A_860] : memref<256xf32, #tpu.memory_space<vmem>> -> memref<128xf32, #tpu.memory_space<vmem>>
    %dma_start3A_862 = arith.constant 0 : i32
    %dma_start3A_863 = tpu.memref_slice %arg7[%dma_start3A_859, %dma_start3A_862] : memref<48x128xi32, #tpu.memory_space<vmem>> -> memref<1x128xi32, #tpu.memory_space<vmem>>
    %dma_start3A_864 = tpu.memref_squeeze %dma_start3A_863 : memref<1x128xi32, #tpu.memory_space<vmem>> -> memref<128xi32, #tpu.memory_space<vmem>>
    %dma_start3A_865 = arith.constant 0 : i32
    %dma_start3A_866 = tpu.memref_slice %arg4[%dma_start3A_865] : memref<816000xf32, #tpu.memory_space<hbm>> -> memref<816000xf32, #tpu.memory_space<hbm>>
    tpu.enqueue_indirect_dma source(%dma_start3A_866 : memref<816000xf32, #tpu.memory_space<hbm>>) target(%dma_start3A_861 : memref<128xf32, #tpu.memory_space<vmem>>) offsets(%dma_start3A_864 : memref<128xi32, #tpu.memory_space<vmem>>) semaphore(%arg9 : memref<!tpu.dma_semaphore, #tpu.memory_space<semaphore_mem>>)
    %dma_wait3A_867 = arith.constant 42 : i32
    %dma_wait3A_868 = arith.constant 0 : i32
    %dma_wait3A_869 = tpu.memref_slice %arg8[%dma_wait3A_868] : memref<256xf32, #tpu.memory_space<vmem>> -> memref<128xf32, #tpu.memory_space<vmem>>
    %dma_wait3A_870 = arith.constant 0 : i32
    %dma_wait3A_871 = tpu.memref_slice %arg7[%dma_wait3A_867, %dma_wait3A_870] : memref<48x128xi32, #tpu.memory_space<vmem>> -> memref<1x128xi32, #tpu.memory_space<vmem>>
    %dma_wait3A_872 = tpu.memref_squeeze %dma_wait3A_871 : memref<1x128xi32, #tpu.memory_space<vmem>> -> memref<128xi32, #tpu.memory_space<vmem>>
    %dma_wait3A_873 = arith.constant 0 : i32
    %dma_wait3A_874 = tpu.memref_slice %arg4[%dma_wait3A_873] : memref<816000xf32, #tpu.memory_space<hbm>> -> memref<816000xf32, #tpu.memory_space<hbm>>
    tpu.wait_indirect_dma semaphore(%arg9 : memref<!tpu.dma_semaphore, #tpu.memory_space<semaphore_mem>>) src(%dma_wait3A_874 : memref<816000xf32, #tpu.memory_space<hbm>>) dst(%dma_wait3A_869 : memref<128xf32, #tpu.memory_space<vmem>>)
    %dma_wait3A_875 = arith.constant 43 : i32
    %dma_wait3A_876 = arith.constant 128 : i32
    %dma_wait3A_877 = tpu.memref_slice %arg8[%dma_wait3A_876] : memref<256xf32, #tpu.memory_space<vmem>> -> memref<128xf32, #tpu.memory_space<vmem>>
    %dma_wait3A_878 = arith.constant 0 : i32
    %dma_wait3A_879 = tpu.memref_slice %arg7[%dma_wait3A_875, %dma_wait3A_878] : memref<48x128xi32, #tpu.memory_space<vmem>> -> memref<1x128xi32, #tpu.memory_space<vmem>>
    %dma_wait3A_880 = tpu.memref_squeeze %dma_wait3A_879 : memref<1x128xi32, #tpu.memory_space<vmem>> -> memref<128xi32, #tpu.memory_space<vmem>>
    %dma_wait3A_881 = arith.constant 0 : i32
    %dma_wait3A_882 = tpu.memref_slice %arg4[%dma_wait3A_881] : memref<816000xf32, #tpu.memory_space<hbm>> -> memref<816000xf32, #tpu.memory_space<hbm>>
    tpu.wait_indirect_dma semaphore(%arg9 : memref<!tpu.dma_semaphore, #tpu.memory_space<semaphore_mem>>) src(%dma_wait3A_882 : memref<816000xf32, #tpu.memory_space<hbm>>) dst(%dma_wait3A_877 : memref<128xf32, #tpu.memory_space<vmem>>)
    %mul3A_883 = arith.constant 8 : i32
    %mul3A_884 = arith.muli %add3A, %mul3A_883 : i32
    %add3A_885 = arith.constant 512 : i32
    %add3A_886 = arith.addi %add3A_885, %mul3A_884 : i32
    %add3A_887 = arith.constant 5 : i32
    %add3A_888 = arith.addi %add3A_886, %add3A_887 : i32
    %mul3A_889 = arith.constant 256 : i32
    %mul3A_890 = arith.muli %add3A_888, %mul3A_889 : i32
    "tpu.region"() ({
      %run_scoped3A = tpu.sem_alloc : memref<!tpu.dma_semaphore, #tpu.memory_space<semaphore_mem>>
      %dma_start3A_971 = tpu.memref_slice %arg6[%mul3A_890] : memref<196608xf32, #tpu.memory_space<hbm>> -> memref<256xf32, #tpu.memory_space<hbm>>
      %dma_start3A_972 = tpu.memref_slice %arg6[%mul3A_890] : memref<196608xf32, #tpu.memory_space<hbm>> -> memref<256xf32, #tpu.memory_space<hbm>>
      tpu.enqueue_dma source(%arg8 : memref<256xf32, #tpu.memory_space<vmem>>) target(%dma_start3A_972 : memref<256xf32, #tpu.memory_space<hbm>>) target_semaphore(%run_scoped3A : memref<!tpu.dma_semaphore, #tpu.memory_space<semaphore_mem>>)
      %dma_wait3A_973 = tpu.memref_slice %arg6[%mul3A_890] : memref<196608xf32, #tpu.memory_space<hbm>> -> memref<256xf32, #tpu.memory_space<hbm>>
      %dma_wait3A_974 = tpu.memref_slice %arg6[%mul3A_890] : memref<196608xf32, #tpu.memory_space<hbm>> -> memref<256xf32, #tpu.memory_space<hbm>>
      tpu.wait_dma2 semaphore(%run_scoped3A : memref<!tpu.dma_semaphore, #tpu.memory_space<semaphore_mem>>) src(%arg8 : memref<256xf32, #tpu.memory_space<vmem>>) dst(%dma_wait3A_974 : memref<256xf32, #tpu.memory_space<hbm>>)
      tpu.yield
    }) : () -> ()
    %dma_start3A_891 = arith.constant 44 : i32
    %dma_start3A_892 = arith.constant 0 : i32
    %dma_start3A_893 = tpu.memref_slice %arg8[%dma_start3A_892] : memref<256xf32, #tpu.memory_space<vmem>> -> memref<128xf32, #tpu.memory_space<vmem>>
    %dma_start3A_894 = arith.constant 0 : i32
    %dma_start3A_895 = tpu.memref_slice %arg7[%dma_start3A_891, %dma_start3A_894] : memref<48x128xi32, #tpu.memory_space<vmem>> -> memref<1x128xi32, #tpu.memory_space<vmem>>
    %dma_start3A_896 = tpu.memref_squeeze %dma_start3A_895 : memref<1x128xi32, #tpu.memory_space<vmem>> -> memref<128xi32, #tpu.memory_space<vmem>>
    %dma_start3A_897 = arith.constant 0 : i32
    %dma_start3A_898 = tpu.memref_slice %arg4[%dma_start3A_897] : memref<816000xf32, #tpu.memory_space<hbm>> -> memref<816000xf32, #tpu.memory_space<hbm>>
    tpu.enqueue_indirect_dma source(%dma_start3A_898 : memref<816000xf32, #tpu.memory_space<hbm>>) target(%dma_start3A_893 : memref<128xf32, #tpu.memory_space<vmem>>) offsets(%dma_start3A_896 : memref<128xi32, #tpu.memory_space<vmem>>) semaphore(%arg9 : memref<!tpu.dma_semaphore, #tpu.memory_space<semaphore_mem>>)
    %dma_start3A_899 = arith.constant 45 : i32
    %dma_start3A_900 = arith.constant 128 : i32
    %dma_start3A_901 = tpu.memref_slice %arg8[%dma_start3A_900] : memref<256xf32, #tpu.memory_space<vmem>> -> memref<128xf32, #tpu.memory_space<vmem>>
    %dma_start3A_902 = arith.constant 0 : i32
    %dma_start3A_903 = tpu.memref_slice %arg7[%dma_start3A_899, %dma_start3A_902] : memref<48x128xi32, #tpu.memory_space<vmem>> -> memref<1x128xi32, #tpu.memory_space<vmem>>
    %dma_start3A_904 = tpu.memref_squeeze %dma_start3A_903 : memref<1x128xi32, #tpu.memory_space<vmem>> -> memref<128xi32, #tpu.memory_space<vmem>>
    %dma_start3A_905 = arith.constant 0 : i32
    %dma_start3A_906 = tpu.memref_slice %arg4[%dma_start3A_905] : memref<816000xf32, #tpu.memory_space<hbm>> -> memref<816000xf32, #tpu.memory_space<hbm>>
    tpu.enqueue_indirect_dma source(%dma_start3A_906 : memref<816000xf32, #tpu.memory_space<hbm>>) target(%dma_start3A_901 : memref<128xf32, #tpu.memory_space<vmem>>) offsets(%dma_start3A_904 : memref<128xi32, #tpu.memory_space<vmem>>) semaphore(%arg9 : memref<!tpu.dma_semaphore, #tpu.memory_space<semaphore_mem>>)
    %dma_wait3A_907 = arith.constant 44 : i32
    %dma_wait3A_908 = arith.constant 0 : i32
    %dma_wait3A_909 = tpu.memref_slice %arg8[%dma_wait3A_908] : memref<256xf32, #tpu.memory_space<vmem>> -> memref<128xf32, #tpu.memory_space<vmem>>
    %dma_wait3A_910 = arith.constant 0 : i32
    %dma_wait3A_911 = tpu.memref_slice %arg7[%dma_wait3A_907, %dma_wait3A_910] : memref<48x128xi32, #tpu.memory_space<vmem>> -> memref<1x128xi32, #tpu.memory_space<vmem>>
    %dma_wait3A_912 = tpu.memref_squeeze %dma_wait3A_911 : memref<1x128xi32, #tpu.memory_space<vmem>> -> memref<128xi32, #tpu.memory_space<vmem>>
    %dma_wait3A_913 = arith.constant 0 : i32
    %dma_wait3A_914 = tpu.memref_slice %arg4[%dma_wait3A_913] : memref<816000xf32, #tpu.memory_space<hbm>> -> memref<816000xf32, #tpu.memory_space<hbm>>
    tpu.wait_indirect_dma semaphore(%arg9 : memref<!tpu.dma_semaphore, #tpu.memory_space<semaphore_mem>>) src(%dma_wait3A_914 : memref<816000xf32, #tpu.memory_space<hbm>>) dst(%dma_wait3A_909 : memref<128xf32, #tpu.memory_space<vmem>>)
    %dma_wait3A_915 = arith.constant 45 : i32
    %dma_wait3A_916 = arith.constant 128 : i32
    %dma_wait3A_917 = tpu.memref_slice %arg8[%dma_wait3A_916] : memref<256xf32, #tpu.memory_space<vmem>> -> memref<128xf32, #tpu.memory_space<vmem>>
    %dma_wait3A_918 = arith.constant 0 : i32
    %dma_wait3A_919 = tpu.memref_slice %arg7[%dma_wait3A_915, %dma_wait3A_918] : memref<48x128xi32, #tpu.memory_space<vmem>> -> memref<1x128xi32, #tpu.memory_space<vmem>>
    %dma_wait3A_920 = tpu.memref_squeeze %dma_wait3A_919 : memref<1x128xi32, #tpu.memory_space<vmem>> -> memref<128xi32, #tpu.memory_space<vmem>>
    %dma_wait3A_921 = arith.constant 0 : i32
    %dma_wait3A_922 = tpu.memref_slice %arg4[%dma_wait3A_921] : memref<816000xf32, #tpu.memory_space<hbm>> -> memref<816000xf32, #tpu.memory_space<hbm>>
    tpu.wait_indirect_dma semaphore(%arg9 : memref<!tpu.dma_semaphore, #tpu.memory_space<semaphore_mem>>) src(%dma_wait3A_922 : memref<816000xf32, #tpu.memory_space<hbm>>) dst(%dma_wait3A_917 : memref<128xf32, #tpu.memory_space<vmem>>)
    %mul3A_923 = arith.constant 8 : i32
    %mul3A_924 = arith.muli %add3A, %mul3A_923 : i32
    %add3A_925 = arith.constant 512 : i32
    %add3A_926 = arith.addi %add3A_925, %mul3A_924 : i32
    %add3A_927 = arith.constant 6 : i32
    %add3A_928 = arith.addi %add3A_926, %add3A_927 : i32
    %mul3A_929 = arith.constant 256 : i32
    %mul3A_930 = arith.muli %add3A_928, %mul3A_929 : i32
    "tpu.region"() ({
      %run_scoped3A = tpu.sem_alloc : memref<!tpu.dma_semaphore, #tpu.memory_space<semaphore_mem>>
      %dma_start3A_971 = tpu.memref_slice %arg6[%mul3A_930] : memref<196608xf32, #tpu.memory_space<hbm>> -> memref<256xf32, #tpu.memory_space<hbm>>
      %dma_start3A_972 = tpu.memref_slice %arg6[%mul3A_930] : memref<196608xf32, #tpu.memory_space<hbm>> -> memref<256xf32, #tpu.memory_space<hbm>>
      tpu.enqueue_dma source(%arg8 : memref<256xf32, #tpu.memory_space<vmem>>) target(%dma_start3A_972 : memref<256xf32, #tpu.memory_space<hbm>>) target_semaphore(%run_scoped3A : memref<!tpu.dma_semaphore, #tpu.memory_space<semaphore_mem>>)
      %dma_wait3A_973 = tpu.memref_slice %arg6[%mul3A_930] : memref<196608xf32, #tpu.memory_space<hbm>> -> memref<256xf32, #tpu.memory_space<hbm>>
      %dma_wait3A_974 = tpu.memref_slice %arg6[%mul3A_930] : memref<196608xf32, #tpu.memory_space<hbm>> -> memref<256xf32, #tpu.memory_space<hbm>>
      tpu.wait_dma2 semaphore(%run_scoped3A : memref<!tpu.dma_semaphore, #tpu.memory_space<semaphore_mem>>) src(%arg8 : memref<256xf32, #tpu.memory_space<vmem>>) dst(%dma_wait3A_974 : memref<256xf32, #tpu.memory_space<hbm>>)
      tpu.yield
    }) : () -> ()
    %dma_start3A_931 = arith.constant 46 : i32
    %dma_start3A_932 = arith.constant 0 : i32
    %dma_start3A_933 = tpu.memref_slice %arg8[%dma_start3A_932] : memref<256xf32, #tpu.memory_space<vmem>> -> memref<128xf32, #tpu.memory_space<vmem>>
    %dma_start3A_934 = arith.constant 0 : i32
    %dma_start3A_935 = tpu.memref_slice %arg7[%dma_start3A_931, %dma_start3A_934] : memref<48x128xi32, #tpu.memory_space<vmem>> -> memref<1x128xi32, #tpu.memory_space<vmem>>
    %dma_start3A_936 = tpu.memref_squeeze %dma_start3A_935 : memref<1x128xi32, #tpu.memory_space<vmem>> -> memref<128xi32, #tpu.memory_space<vmem>>
    %dma_start3A_937 = arith.constant 0 : i32
    %dma_start3A_938 = tpu.memref_slice %arg4[%dma_start3A_937] : memref<816000xf32, #tpu.memory_space<hbm>> -> memref<816000xf32, #tpu.memory_space<hbm>>
    tpu.enqueue_indirect_dma source(%dma_start3A_938 : memref<816000xf32, #tpu.memory_space<hbm>>) target(%dma_start3A_933 : memref<128xf32, #tpu.memory_space<vmem>>) offsets(%dma_start3A_936 : memref<128xi32, #tpu.memory_space<vmem>>) semaphore(%arg9 : memref<!tpu.dma_semaphore, #tpu.memory_space<semaphore_mem>>)
    %dma_start3A_939 = arith.constant 47 : i32
    %dma_start3A_940 = arith.constant 128 : i32
    %dma_start3A_941 = tpu.memref_slice %arg8[%dma_start3A_940] : memref<256xf32, #tpu.memory_space<vmem>> -> memref<128xf32, #tpu.memory_space<vmem>>
    %dma_start3A_942 = arith.constant 0 : i32
    %dma_start3A_943 = tpu.memref_slice %arg7[%dma_start3A_939, %dma_start3A_942] : memref<48x128xi32, #tpu.memory_space<vmem>> -> memref<1x128xi32, #tpu.memory_space<vmem>>
    %dma_start3A_944 = tpu.memref_squeeze %dma_start3A_943 : memref<1x128xi32, #tpu.memory_space<vmem>> -> memref<128xi32, #tpu.memory_space<vmem>>
    %dma_start3A_945 = arith.constant 0 : i32
    %dma_start3A_946 = tpu.memref_slice %arg4[%dma_start3A_945] : memref<816000xf32, #tpu.memory_space<hbm>> -> memref<816000xf32, #tpu.memory_space<hbm>>
    tpu.enqueue_indirect_dma source(%dma_start3A_946 : memref<816000xf32, #tpu.memory_space<hbm>>) target(%dma_start3A_941 : memref<128xf32, #tpu.memory_space<vmem>>) offsets(%dma_start3A_944 : memref<128xi32, #tpu.memory_space<vmem>>) semaphore(%arg9 : memref<!tpu.dma_semaphore, #tpu.memory_space<semaphore_mem>>)
    %dma_wait3A_947 = arith.constant 46 : i32
    %dma_wait3A_948 = arith.constant 0 : i32
    %dma_wait3A_949 = tpu.memref_slice %arg8[%dma_wait3A_948] : memref<256xf32, #tpu.memory_space<vmem>> -> memref<128xf32, #tpu.memory_space<vmem>>
    %dma_wait3A_950 = arith.constant 0 : i32
    %dma_wait3A_951 = tpu.memref_slice %arg7[%dma_wait3A_947, %dma_wait3A_950] : memref<48x128xi32, #tpu.memory_space<vmem>> -> memref<1x128xi32, #tpu.memory_space<vmem>>
    %dma_wait3A_952 = tpu.memref_squeeze %dma_wait3A_951 : memref<1x128xi32, #tpu.memory_space<vmem>> -> memref<128xi32, #tpu.memory_space<vmem>>
    %dma_wait3A_953 = arith.constant 0 : i32
    %dma_wait3A_954 = tpu.memref_slice %arg4[%dma_wait3A_953] : memref<816000xf32, #tpu.memory_space<hbm>> -> memref<816000xf32, #tpu.memory_space<hbm>>
    tpu.wait_indirect_dma semaphore(%arg9 : memref<!tpu.dma_semaphore, #tpu.memory_space<semaphore_mem>>) src(%dma_wait3A_954 : memref<816000xf32, #tpu.memory_space<hbm>>) dst(%dma_wait3A_949 : memref<128xf32, #tpu.memory_space<vmem>>)
    %dma_wait3A_955 = arith.constant 47 : i32
    %dma_wait3A_956 = arith.constant 128 : i32
    %dma_wait3A_957 = tpu.memref_slice %arg8[%dma_wait3A_956] : memref<256xf32, #tpu.memory_space<vmem>> -> memref<128xf32, #tpu.memory_space<vmem>>
    %dma_wait3A_958 = arith.constant 0 : i32
    %dma_wait3A_959 = tpu.memref_slice %arg7[%dma_wait3A_955, %dma_wait3A_958] : memref<48x128xi32, #tpu.memory_space<vmem>> -> memref<1x128xi32, #tpu.memory_space<vmem>>
    %dma_wait3A_960 = tpu.memref_squeeze %dma_wait3A_959 : memref<1x128xi32, #tpu.memory_space<vmem>> -> memref<128xi32, #tpu.memory_space<vmem>>
    %dma_wait3A_961 = arith.constant 0 : i32
    %dma_wait3A_962 = tpu.memref_slice %arg4[%dma_wait3A_961] : memref<816000xf32, #tpu.memory_space<hbm>> -> memref<816000xf32, #tpu.memory_space<hbm>>
    tpu.wait_indirect_dma semaphore(%arg9 : memref<!tpu.dma_semaphore, #tpu.memory_space<semaphore_mem>>) src(%dma_wait3A_962 : memref<816000xf32, #tpu.memory_space<hbm>>) dst(%dma_wait3A_957 : memref<128xf32, #tpu.memory_space<vmem>>)
    %mul3A_963 = arith.constant 8 : i32
    %mul3A_964 = arith.muli %add3A, %mul3A_963 : i32
    %add3A_965 = arith.constant 512 : i32
    %add3A_966 = arith.addi %add3A_965, %mul3A_964 : i32
    %add3A_967 = arith.constant 7 : i32
    %add3A_968 = arith.addi %add3A_966, %add3A_967 : i32
    %mul3A_969 = arith.constant 256 : i32
    %mul3A_970 = arith.muli %add3A_968, %mul3A_969 : i32
    "tpu.region"() ({
      %run_scoped3A = tpu.sem_alloc : memref<!tpu.dma_semaphore, #tpu.memory_space<semaphore_mem>>
      %dma_start3A_971 = tpu.memref_slice %arg6[%mul3A_970] : memref<196608xf32, #tpu.memory_space<hbm>> -> memref<256xf32, #tpu.memory_space<hbm>>
      %dma_start3A_972 = tpu.memref_slice %arg6[%mul3A_970] : memref<196608xf32, #tpu.memory_space<hbm>> -> memref<256xf32, #tpu.memory_space<hbm>>
      tpu.enqueue_dma source(%arg8 : memref<256xf32, #tpu.memory_space<vmem>>) target(%dma_start3A_972 : memref<256xf32, #tpu.memory_space<hbm>>) target_semaphore(%run_scoped3A : memref<!tpu.dma_semaphore, #tpu.memory_space<semaphore_mem>>)
      %dma_wait3A_973 = tpu.memref_slice %arg6[%mul3A_970] : memref<196608xf32, #tpu.memory_space<hbm>> -> memref<256xf32, #tpu.memory_space<hbm>>
      %dma_wait3A_974 = tpu.memref_slice %arg6[%mul3A_970] : memref<196608xf32, #tpu.memory_space<hbm>> -> memref<256xf32, #tpu.memory_space<hbm>>
      tpu.wait_dma2 semaphore(%run_scoped3A : memref<!tpu.dma_semaphore, #tpu.memory_space<semaphore_mem>>) src(%arg8 : memref<256xf32, #tpu.memory_space<vmem>>) dst(%dma_wait3A_974 : memref<256xf32, #tpu.memory_space<hbm>>)
      tpu.yield
    }) : () -> ()
    return
  }
}

module attributes {stable_mosaic.version = 14 : i64} {
  func.func @_prep_body(%arg0: memref<256x4xf32, #tpu.memory_space<vmem>>, %arg1: memref<768x256xi32, #tpu.memory_space<vmem>>) attributes {dimension_semantics = [], scalar_prefetch = 0 : i64, scratch_operands = 0 : i64, tpu.core_type = #tpu.core_type<tc>} {
    %get3A = arith.constant 0 : index
    %get3A_0 = arith.constant 0 : index
    %get3A_1 = vector.load %arg0[%get3A, %get3A_0] : memref<256x4xf32, #tpu.memory_space<vmem>>, vector<256x4xf32>
    %slice3A = vector.extract_strided_slice %get3A_1 {offsets = [0, 0], sizes = [256, 1], strides = [1, 1]} : vector<256x4xf32> to vector<256x1xf32>
    %slice3A_2 = vector.extract_strided_slice %get3A_1 {offsets = [0, 1], sizes = [256, 1], strides = [1, 1]} : vector<256x4xf32> to vector<256x1xf32>
    %slice3A_3 = vector.extract_strided_slice %get3A_1 {offsets = [0, 2], sizes = [256, 1], strides = [1, 1]} : vector<256x4xf32> to vector<256x1xf32>
    %slice3A_4 = vector.extract_strided_slice %get3A_1 {offsets = [0, 3], sizes = [256, 1], strides = [1, 1]} : vector<256x4xf32> to vector<256x1xf32>
    %iota3A = tpu.iota {dimensions = array<i32: 0>} : vector<256x1xi32>
    %jit3A = arith.constant 32 : i32
    %div3A = vector.broadcast %jit3A : i32 to vector<256x1xi32>
    %div3A_5 = arith.divsi %iota3A, %div3A : vector<256x1xi32>
    %sign3A = arith.constant 0 : i32
    %sign3A_6 = vector.broadcast %sign3A : i32 to vector<256x1xi32>
    %sign3A_7 = arith.cmpi sgt, %iota3A, %sign3A_6 : vector<256x1xi32>
    %sign3A_8 = arith.extui %sign3A_7 : vector<256x1xi1> to vector<256x1xi32>
    %sign3A_9 = arith.constant 0 : i32
    %sign3A_10 = vector.broadcast %sign3A_9 : i32 to vector<256x1xi32>
    %sign3A_11 = arith.cmpi slt, %iota3A, %sign3A_10 : vector<256x1xi32>
    %sign3A_12 = arith.extui %sign3A_11 : vector<256x1xi1> to vector<256x1xi32>
    %sign3A_13 = arith.subi %sign3A_8, %sign3A_12 : vector<256x1xi32>
    %sign3A_14 = arith.constant 0 : i32
    %sign3A_15 = arith.cmpi sgt, %jit3A, %sign3A_14 : i32
    %sign3A_16 = arith.extui %sign3A_15 : i1 to i32
    %sign3A_17 = arith.constant 0 : i32
    %sign3A_18 = arith.cmpi slt, %jit3A, %sign3A_17 : i32
    %sign3A_19 = arith.extui %sign3A_18 : i1 to i32
    %sign3A_20 = arith.subi %sign3A_16, %sign3A_19 : i32
    %ne3A = vector.broadcast %sign3A_20 : i32 to vector<256x1xi32>
    %ne3A_21 = arith.cmpi ne, %sign3A_13, %ne3A : vector<256x1xi32>
    %rem3A = vector.broadcast %jit3A : i32 to vector<256x1xi32>
    %rem3A_22 = arith.remsi %iota3A, %rem3A : vector<256x1xi32>
    %ne3A_23 = arith.constant 0 : i32
    %ne3A_24 = vector.broadcast %ne3A_23 : i32 to vector<256x1xi32>
    %ne3A_25 = arith.cmpi ne, %rem3A_22, %ne3A_24 : vector<256x1xi32>
    %and3A = arith.andi %ne3A_21, %ne3A_25 : vector<256x1xi1>
    %sub3A = arith.constant 1 : i32
    %sub3A_26 = vector.broadcast %sub3A : i32 to vector<256x1xi32>
    %sub3A_27 = arith.subi %div3A_5, %sub3A_26 : vector<256x1xi32>
    %select_n3A = arith.select %and3A, %sub3A_27, %div3A_5 : vector<256x1xi1>, vector<256x1xi32>
    %iota3A_28 = tpu.iota {dimensions = array<i32: 1>} : vector<256x256xi32>
    %add3A = arith.addf %slice3A, %slice3A_3 : vector<256x1xf32>
    %mul3A = arith.constant 5.000000e-01 : f32
    %mul3A_29 = vector.broadcast %mul3A : f32 to vector<256x1xf32>
    %mul3A_30 = arith.mulf %add3A, %mul3A_29 : vector<256x1xf32>
    %div3A_31 = arith.constant 6.400000e+02 : f32
    %div3A_32 = vector.broadcast %div3A_31 : f32 to vector<256x1xf32>
    %div3A_33 = arith.divf %mul3A_30, %div3A_32 : vector<256x1xf32>
    %jit3A_34 = arith.constant 0.000000e+00 : f32
    %jit3A_35 = arith.constant 0.999998986 : f32
    %max3A = vector.broadcast %jit3A_34 : f32 to vector<256x1xf32>
    %max3A_36 = arith.maximumf %max3A, %div3A_33 : vector<256x1xf32>
    %min3A = vector.broadcast %jit3A_35 : f32 to vector<256x1xf32>
    %min3A_37 = arith.minimumf %min3A, %max3A_36 : vector<256x1xf32>
    %add3A_38 = arith.addf %slice3A_2, %slice3A_4 : vector<256x1xf32>
    %mul3A_39 = arith.constant 5.000000e-01 : f32
    %mul3A_40 = vector.broadcast %mul3A_39 : f32 to vector<256x1xf32>
    %mul3A_41 = arith.mulf %add3A_38, %mul3A_40 : vector<256x1xf32>
    %div3A_42 = arith.constant 6.400000e+02 : f32
    %div3A_43 = vector.broadcast %div3A_42 : f32 to vector<256x1xf32>
    %div3A_44 = arith.divf %mul3A_41, %div3A_43 : vector<256x1xf32>
    %jit3A_45 = arith.constant 0.000000e+00 : f32
    %jit3A_46 = arith.constant 0.999998986 : f32
    %max3A_47 = vector.broadcast %jit3A_45 : f32 to vector<256x1xf32>
    %max3A_48 = arith.maximumf %max3A_47, %div3A_44 : vector<256x1xf32>
    %min3A_49 = vector.broadcast %jit3A_46 : f32 to vector<256x1xf32>
    %min3A_50 = arith.minimumf %min3A_49, %max3A_48 : vector<256x1xf32>
    %mul3A_51 = arith.constant 8.000000e+01 : f32
    %mul3A_52 = vector.broadcast %mul3A_51 : f32 to vector<256x1xf32>
    %mul3A_53 = arith.mulf %min3A_37, %mul3A_52 : vector<256x1xf32>
    %floor3A = math.floor %mul3A_53 : vector<256x1xf32>
    %convert_element_type3A = arith.fptosi %floor3A : vector<256x1xf32> to vector<256x1xi32>
    %jit3A_54 = arith.constant 0 : i32
    %jit3A_55 = arith.constant 79 : i32
    %max3A_56 = vector.broadcast %jit3A_54 : i32 to vector<256x1xi32>
    %max3A_57 = arith.maxsi %max3A_56, %convert_element_type3A : vector<256x1xi32>
    %min3A_58 = vector.broadcast %jit3A_55 : i32 to vector<256x1xi32>
    %min3A_59 = arith.minsi %min3A_58, %max3A_57 : vector<256x1xi32>
    %mul3A_60 = arith.constant 8.000000e+01 : f32
    %mul3A_61 = vector.broadcast %mul3A_60 : f32 to vector<256x1xf32>
    %mul3A_62 = arith.mulf %min3A_50, %mul3A_61 : vector<256x1xf32>
    %floor3A_63 = math.floor %mul3A_62 : vector<256x1xf32>
    %convert_element_type3A_64 = arith.fptosi %floor3A_63 : vector<256x1xf32> to vector<256x1xi32>
    %jit3A_65 = arith.constant 0 : i32
    %jit3A_66 = arith.constant 79 : i32
    %max3A_67 = vector.broadcast %jit3A_65 : i32 to vector<256x1xi32>
    %max3A_68 = arith.maxsi %max3A_67, %convert_element_type3A_64 : vector<256x1xi32>
    %min3A_69 = vector.broadcast %jit3A_66 : i32 to vector<256x1xi32>
    %min3A_70 = arith.minsi %min3A_69, %max3A_68 : vector<256x1xi32>
    %mul3A_71 = arith.constant 80 : i32
    %mul3A_72 = vector.broadcast %mul3A_71 : i32 to vector<256x1xi32>
    %mul3A_73 = arith.muli %min3A_70, %mul3A_72 : vector<256x1xi32>
    %add3A_74 = arith.addi %mul3A_73, %min3A_59 : vector<256x1xi32>
    %mul3A_75 = arith.constant 1632000 : i32
    %mul3A_76 = vector.broadcast %mul3A_75 : i32 to vector<256x1xi32>
    %mul3A_77 = arith.muli %select_n3A, %mul3A_76 : vector<256x1xi32>
    %add3A_78 = arith.addi %mul3A_77, %add3A_74 : vector<256x1xi32>
    %mul3A_79 = arith.constant 6400 : i32
    %mul3A_80 = vector.broadcast %mul3A_79 : i32 to vector<256x256xi32>
    %mul3A_81 = arith.muli %iota3A_28, %mul3A_80 : vector<256x256xi32>
    %add3A_82 = vector.broadcast %add3A_78 : vector<256x1xi32> to vector<256x256xi32>
    %add3A_83 = arith.addi %add3A_82, %mul3A_81 : vector<256x256xi32>
    %min3A_84 = arith.constant 13055999 : i32
    %min3A_85 = vector.broadcast %min3A_84 : i32 to vector<256x256xi32>
    %min3A_86 = arith.minsi %add3A_83, %min3A_85 : vector<256x256xi32>
    %swap3A = arith.constant 0 : index
    %swap3A_87 = arith.constant 0 : index
    %swap3A_88 = vector.load %arg1[%swap3A, %swap3A_87] : memref<768x256xi32, #tpu.memory_space<vmem>>, vector<256x256xi32>
    tpu.vector_store %arg1[%swap3A, %swap3A_87], %min3A_86 {strides = array<i32>} : memref<768x256xi32, #tpu.memory_space<vmem>>, vector<256x256xi32>,
    %add3A_89 = arith.addf %slice3A, %slice3A_3 : vector<256x1xf32>
    %mul3A_90 = arith.constant 5.000000e-01 : f32
    %mul3A_91 = vector.broadcast %mul3A_90 : f32 to vector<256x1xf32>
    %mul3A_92 = arith.mulf %add3A_89, %mul3A_91 : vector<256x1xf32>
    %div3A_93 = arith.constant 6.400000e+02 : f32
    %div3A_94 = vector.broadcast %div3A_93 : f32 to vector<256x1xf32>
    %div3A_95 = arith.divf %mul3A_92, %div3A_94 : vector<256x1xf32>
    %jit3A_96 = arith.constant 0.000000e+00 : f32
    %jit3A_97 = arith.constant 0.999998986 : f32
    %max3A_98 = vector.broadcast %jit3A_96 : f32 to vector<256x1xf32>
    %max3A_99 = arith.maximumf %max3A_98, %div3A_95 : vector<256x1xf32>
    %min3A_100 = vector.broadcast %jit3A_97 : f32 to vector<256x1xf32>
    %min3A_101 = arith.minimumf %min3A_100, %max3A_99 : vector<256x1xf32>
    %add3A_102 = arith.addf %slice3A_2, %slice3A_4 : vector<256x1xf32>
    %mul3A_103 = arith.constant 5.000000e-01 : f32
    %mul3A_104 = vector.broadcast %mul3A_103 : f32 to vector<256x1xf32>
    %mul3A_105 = arith.mulf %add3A_102, %mul3A_104 : vector<256x1xf32>
    %div3A_106 = arith.constant 6.400000e+02 : f32
    %div3A_107 = vector.broadcast %div3A_106 : f32 to vector<256x1xf32>
    %div3A_108 = arith.divf %mul3A_105, %div3A_107 : vector<256x1xf32>
    %jit3A_109 = arith.constant 0.000000e+00 : f32
    %jit3A_110 = arith.constant 0.999998986 : f32
    %max3A_111 = vector.broadcast %jit3A_109 : f32 to vector<256x1xf32>
    %max3A_112 = arith.maximumf %max3A_111, %div3A_108 : vector<256x1xf32>
    %min3A_113 = vector.broadcast %jit3A_110 : f32 to vector<256x1xf32>
    %min3A_114 = arith.minimumf %min3A_113, %max3A_112 : vector<256x1xf32>
    %mul3A_115 = arith.constant 4.000000e+01 : f32
    %mul3A_116 = vector.broadcast %mul3A_115 : f32 to vector<256x1xf32>
    %mul3A_117 = arith.mulf %min3A_101, %mul3A_116 : vector<256x1xf32>
    %floor3A_118 = math.floor %mul3A_117 : vector<256x1xf32>
    %convert_element_type3A_119 = arith.fptosi %floor3A_118 : vector<256x1xf32> to vector<256x1xi32>
    %jit3A_120 = arith.constant 0 : i32
    %jit3A_121 = arith.constant 39 : i32
    %max3A_122 = vector.broadcast %jit3A_120 : i32 to vector<256x1xi32>
    %max3A_123 = arith.maxsi %max3A_122, %convert_element_type3A_119 : vector<256x1xi32>
    %min3A_124 = vector.broadcast %jit3A_121 : i32 to vector<256x1xi32>
    %min3A_125 = arith.minsi %min3A_124, %max3A_123 : vector<256x1xi32>
    %mul3A_126 = arith.constant 4.000000e+01 : f32
    %mul3A_127 = vector.broadcast %mul3A_126 : f32 to vector<256x1xf32>
    %mul3A_128 = arith.mulf %min3A_114, %mul3A_127 : vector<256x1xf32>
    %floor3A_129 = math.floor %mul3A_128 : vector<256x1xf32>
    %convert_element_type3A_130 = arith.fptosi %floor3A_129 : vector<256x1xf32> to vector<256x1xi32>
    %jit3A_131 = arith.constant 0 : i32
    %jit3A_132 = arith.constant 39 : i32
    %max3A_133 = vector.broadcast %jit3A_131 : i32 to vector<256x1xi32>
    %max3A_134 = arith.maxsi %max3A_133, %convert_element_type3A_130 : vector<256x1xi32>
    %min3A_135 = vector.broadcast %jit3A_132 : i32 to vector<256x1xi32>
    %min3A_136 = arith.minsi %min3A_135, %max3A_134 : vector<256x1xi32>
    %mul3A_137 = arith.constant 40 : i32
    %mul3A_138 = vector.broadcast %mul3A_137 : i32 to vector<256x1xi32>
    %mul3A_139 = arith.muli %min3A_136, %mul3A_138 : vector<256x1xi32>
    %add3A_140 = arith.addi %mul3A_139, %min3A_125 : vector<256x1xi32>
    %mul3A_141 = arith.constant 408000 : i32
    %mul3A_142 = vector.broadcast %mul3A_141 : i32 to vector<256x1xi32>
    %mul3A_143 = arith.muli %select_n3A, %mul3A_142 : vector<256x1xi32>
    %add3A_144 = arith.addi %mul3A_143, %add3A_140 : vector<256x1xi32>
    %mul3A_145 = arith.constant 1600 : i32
    %mul3A_146 = vector.broadcast %mul3A_145 : i32 to vector<256x256xi32>
    %mul3A_147 = arith.muli %iota3A_28, %mul3A_146 : vector<256x256xi32>
    %add3A_148 = vector.broadcast %add3A_144 : vector<256x1xi32> to vector<256x256xi32>
    %add3A_149 = arith.addi %add3A_148, %mul3A_147 : vector<256x256xi32>
    %min3A_150 = arith.constant 3263999 : i32
    %min3A_151 = vector.broadcast %min3A_150 : i32 to vector<256x256xi32>
    %min3A_152 = arith.minsi %add3A_149, %min3A_151 : vector<256x256xi32>
    %swap3A_153 = arith.constant 256 : index
    %swap3A_154 = arith.constant 0 : index
    %swap3A_155 = vector.load %arg1[%swap3A_153, %swap3A_154] : memref<768x256xi32, #tpu.memory_space<vmem>>, vector<256x256xi32>
    tpu.vector_store %arg1[%swap3A_153, %swap3A_154], %min3A_152 {strides = array<i32>} : memref<768x256xi32, #tpu.memory_space<vmem>>, vector<256x256xi32>,
    %add3A_156 = arith.addf %slice3A, %slice3A_3 : vector<256x1xf32>
    %mul3A_157 = arith.constant 5.000000e-01 : f32
    %mul3A_158 = vector.broadcast %mul3A_157 : f32 to vector<256x1xf32>
    %mul3A_159 = arith.mulf %add3A_156, %mul3A_158 : vector<256x1xf32>
    %div3A_160 = arith.constant 6.400000e+02 : f32
    %div3A_161 = vector.broadcast %div3A_160 : f32 to vector<256x1xf32>
    %div3A_162 = arith.divf %mul3A_159, %div3A_161 : vector<256x1xf32>
    %jit3A_163 = arith.constant 0.000000e+00 : f32
    %jit3A_164 = arith.constant 0.999998986 : f32
    %max3A_165 = vector.broadcast %jit3A_163 : f32 to vector<256x1xf32>
    %max3A_166 = arith.maximumf %max3A_165, %div3A_162 : vector<256x1xf32>
    %min3A_167 = vector.broadcast %jit3A_164 : f32 to vector<256x1xf32>
    %min3A_168 = arith.minimumf %min3A_167, %max3A_166 : vector<256x1xf32>
    %add3A_169 = arith.addf %slice3A_2, %slice3A_4 : vector<256x1xf32>
    %mul3A_170 = arith.constant 5.000000e-01 : f32
    %mul3A_171 = vector.broadcast %mul3A_170 : f32 to vector<256x1xf32>
    %mul3A_172 = arith.mulf %add3A_169, %mul3A_171 : vector<256x1xf32>
    %div3A_173 = arith.constant 6.400000e+02 : f32
    %div3A_174 = vector.broadcast %div3A_173 : f32 to vector<256x1xf32>
    %div3A_175 = arith.divf %mul3A_172, %div3A_174 : vector<256x1xf32>
    %jit3A_176 = arith.constant 0.000000e+00 : f32
    %jit3A_177 = arith.constant 0.999998986 : f32
    %max3A_178 = vector.broadcast %jit3A_176 : f32 to vector<256x1xf32>
    %max3A_179 = arith.maximumf %max3A_178, %div3A_175 : vector<256x1xf32>
    %min3A_180 = vector.broadcast %jit3A_177 : f32 to vector<256x1xf32>
    %min3A_181 = arith.minimumf %min3A_180, %max3A_179 : vector<256x1xf32>
    %mul3A_182 = arith.constant 2.000000e+01 : f32
    %mul3A_183 = vector.broadcast %mul3A_182 : f32 to vector<256x1xf32>
    %mul3A_184 = arith.mulf %min3A_168, %mul3A_183 : vector<256x1xf32>
    %floor3A_185 = math.floor %mul3A_184 : vector<256x1xf32>
    %convert_element_type3A_186 = arith.fptosi %floor3A_185 : vector<256x1xf32> to vector<256x1xi32>
    %jit3A_187 = arith.constant 0 : i32
    %jit3A_188 = arith.constant 19 : i32
    %max3A_189 = vector.broadcast %jit3A_187 : i32 to vector<256x1xi32>
    %max3A_190 = arith.maxsi %max3A_189, %convert_element_type3A_186 : vector<256x1xi32>
    %min3A_191 = vector.broadcast %jit3A_188 : i32 to vector<256x1xi32>
    %min3A_192 = arith.minsi %min3A_191, %max3A_190 : vector<256x1xi32>
    %mul3A_193 = arith.constant 2.000000e+01 : f32
    %mul3A_194 = vector.broadcast %mul3A_193 : f32 to vector<256x1xf32>
    %mul3A_195 = arith.mulf %min3A_181, %mul3A_194 : vector<256x1xf32>
    %floor3A_196 = math.floor %mul3A_195 : vector<256x1xf32>
    %convert_element_type3A_197 = arith.fptosi %floor3A_196 : vector<256x1xf32> to vector<256x1xi32>
    %jit3A_198 = arith.constant 0 : i32
    %jit3A_199 = arith.constant 19 : i32
    %max3A_200 = vector.broadcast %jit3A_198 : i32 to vector<256x1xi32>
    %max3A_201 = arith.maxsi %max3A_200, %convert_element_type3A_197 : vector<256x1xi32>
    %min3A_202 = vector.broadcast %jit3A_199 : i32 to vector<256x1xi32>
    %min3A_203 = arith.minsi %min3A_202, %max3A_201 : vector<256x1xi32>
    %mul3A_204 = arith.constant 20 : i32
    %mul3A_205 = vector.broadcast %mul3A_204 : i32 to vector<256x1xi32>
    %mul3A_206 = arith.muli %min3A_203, %mul3A_205 : vector<256x1xi32>
    %add3A_207 = arith.addi %mul3A_206, %min3A_192 : vector<256x1xi32>
    %mul3A_208 = arith.constant 102000 : i32
    %mul3A_209 = vector.broadcast %mul3A_208 : i32 to vector<256x1xi32>
    %mul3A_210 = arith.muli %select_n3A, %mul3A_209 : vector<256x1xi32>
    %add3A_211 = arith.addi %mul3A_210, %add3A_207 : vector<256x1xi32>
    %mul3A_212 = arith.constant 400 : i32
    %mul3A_213 = vector.broadcast %mul3A_212 : i32 to vector<256x256xi32>
    %mul3A_214 = arith.muli %iota3A_28, %mul3A_213 : vector<256x256xi32>
    %add3A_215 = vector.broadcast %add3A_211 : vector<256x1xi32> to vector<256x256xi32>
    %add3A_216 = arith.addi %add3A_215, %mul3A_214 : vector<256x256xi32>
    %min3A_217 = arith.constant 815999 : i32
    %min3A_218 = vector.broadcast %min3A_217 : i32 to vector<256x256xi32>
    %min3A_219 = arith.minsi %add3A_216, %min3A_218 : vector<256x256xi32>
    %swap3A_220 = arith.constant 512 : index
    %swap3A_221 = arith.constant 0 : index
    %swap3A_222 = vector.load %arg1[%swap3A_220, %swap3A_221] : memref<768x256xi32, #tpu.memory_space<vmem>>, vector<256x256xi32>
    tpu.vector_store %arg1[%swap3A_220, %swap3A_221], %min3A_219 {strides = array<i32>} : memref<768x256xi32, #tpu.memory_space<vmem>>, vector<256x256xi32>,
    return
  }
}

module attributes {stable_mosaic.version = 14 : i64} {
  func.func @_main_body(%arg0: i32, %arg1: memref<1x3x8x6400xf32, #tpu.memory_space<vmem>>, %arg2: memref<1x3x8x1600xf32, #tpu.memory_space<vmem>>, %arg3: memref<1x3x8x400xf32, #tpu.memory_space<vmem>>, %arg4: memref<1x32x4xf32, #tpu.memory_space<vmem>>, %arg5: memref<1x32x1xi32, #tpu.memory_space<vmem>>, %arg6: memref<96x256xf32, #tpu.memory_space<vmem>>, %arg7: memref<256x4xf32, #tpu.memory_space<vmem>>, %arg8: memref<256x1xi32, #tpu.memory_space<vmem>>, %arg9: memref<4x256xf32, #tpu.memory_space<vmem>>, %arg10: memref<1x256xi32, #tpu.memory_space<vmem>>, %arg11: memref<1x128xf32, #tpu.memory_space<vmem>>, %arg12: memref<768x256xf32, #tpu.memory_space<vmem>>) attributes {dimension_semantics = [#tpu.dimension_semantics<arbitrary>], iteration_bounds = array<i64: 8>, scalar_prefetch = 0 : i64, scratch_operands = 1 : i64, tpu.core_type = #tpu.core_type<tc>, window_params = [{transform_indices = @transform_0, window_bounds = array<i64: 1, 3, 8, 6400>}, {transform_indices = @transform_1, window_bounds = array<i64: 1, 3, 8, 1600>}, {transform_indices = @transform_2, window_bounds = array<i64: 1, 3, 8, 400>}, {transform_indices = @transform_3, window_bounds = array<i64: 1, 32, 4>}, {transform_indices = @transform_4, window_bounds = array<i64: 1, 32, 1>}, {transform_indices = @transform_5, window_bounds = array<i64: 96, 256>}, {pipeline_mode = #tpu.pipeline_mode<synchronous>, transform_indices = @transform_6, window_bounds = array<i64: 256, 4>}, {pipeline_mode = #tpu.pipeline_mode<synchronous>, transform_indices = @transform_7, window_bounds = array<i64: 256, 1>}, {pipeline_mode = #tpu.pipeline_mode<synchronous>, transform_indices = @transform_8, window_bounds = array<i64: 4, 256>}, {pipeline_mode = #tpu.pipeline_mode<synchronous>, transform_indices = @transform_9, window_bounds = array<i64: 1, 256>}, {pipeline_mode = #tpu.pipeline_mode<synchronous>, transform_indices = @transform_10, window_bounds = array<i64: 1, 128>}]} {
    %get3A = arith.constant 0 : index
    %get3A_0 = arith.constant 0 : index
    %get3A_1 = vector.load %arg6[%get3A, %get3A_0] : memref<96x256xf32, #tpu.memory_space<vmem>>, vector<96x256xf32>
    %mul3A = arith.constant 96 : i32
    %mul3A_2 = arith.muli %arg0, %mul3A : i32
    %swap3A = arith.index_cast %mul3A_2 : i32 to index
    %swap3A_3 = arith.constant 0 : index
    %swap3A_4 = vector.load %arg12[%swap3A, %swap3A_3] : memref<768x256xf32, #tpu.memory_space<vmem>>, vector<96x256xf32>
    tpu.vector_store %arg12[%swap3A, %swap3A_3], %get3A_1 {strides = array<i32>} : memref<768x256xf32, #tpu.memory_space<vmem>>, vector<96x256xf32>,
    %get3A_5 = arith.constant 0 : index
    %get3A_6 = arith.constant 0 : index
    %get3A_7 = arith.constant 0 : index
    %get3A_8 = vector.load %arg4[%get3A_5, %get3A_6, %get3A_7] : memref<1x32x4xf32, #tpu.memory_space<vmem>>, vector<1x32x4xf32>
    %get3A_9 = vector.shape_cast %get3A_8 : vector<1x32x4xf32> to vector<32x4xf32>
    %get3A_10 = arith.constant 0 : index
    %get3A_11 = arith.constant 0 : index
    %get3A_12 = arith.constant 0 : index
    %get3A_13 = vector.load %arg5[%get3A_10, %get3A_11, %get3A_12] : memref<1x32x1xi32, #tpu.memory_space<vmem>>, vector<1x32x1xi32>
    %get3A_14 = vector.shape_cast %get3A_13 : vector<1x32x1xi32> to vector<32x1xi32>
    %iota3A = tpu.iota {dimensions = array<i32: 1>} : vector<1x128xi32>
    %broadcast_in_dim3A = arith.constant 0.000000e+00 : f32
    %broadcast_in_dim3A_15 = vector.broadcast %broadcast_in_dim3A : f32 to vector<1x128xf32>
    %slice3A = vector.extract_strided_slice %get3A_9 {offsets = [0, 0], sizes = [32, 1], strides = [1, 1]} : vector<32x4xf32> to vector<32x1xf32>
    %slice3A_16 = vector.extract_strided_slice %get3A_9 {offsets = [0, 1], sizes = [32, 1], strides = [1, 1]} : vector<32x4xf32> to vector<32x1xf32>
    %slice3A_17 = vector.extract_strided_slice %get3A_9 {offsets = [0, 2], sizes = [32, 1], strides = [1, 1]} : vector<32x4xf32> to vector<32x1xf32>
    %slice3A_18 = vector.extract_strided_slice %get3A_9 {offsets = [0, 3], sizes = [32, 1], strides = [1, 1]} : vector<32x4xf32> to vector<32x1xf32>
    %sub3A = arith.subf %slice3A_17, %slice3A : vector<32x1xf32>
    %div3A = arith.constant 6.400000e+02 : f32
    %div3A_19 = vector.broadcast %div3A : f32 to vector<32x1xf32>
    %div3A_20 = arith.divf %sub3A, %div3A_19 : vector<32x1xf32>
    %jit3A = arith.constant 9.99999997E-7 : f32
    %jit3A_21 = arith.constant 1.000000e+00 : f32
    %max3A = vector.broadcast %jit3A : f32 to vector<32x1xf32>
    %max3A_22 = arith.maximumf %max3A, %div3A_20 : vector<32x1xf32>
    %min3A = vector.broadcast %jit3A_21 : f32 to vector<32x1xf32>
    %min3A_23 = arith.minimumf %min3A, %max3A_22 : vector<32x1xf32>
    %sub3A_24 = arith.subf %slice3A_18, %slice3A_16 : vector<32x1xf32>
    %div3A_25 = arith.constant 6.400000e+02 : f32
    %div3A_26 = vector.broadcast %div3A_25 : f32 to vector<32x1xf32>
    %div3A_27 = arith.divf %sub3A_24, %div3A_26 : vector<32x1xf32>
    %jit3A_28 = arith.constant 9.99999997E-7 : f32
    %jit3A_29 = arith.constant 1.000000e+00 : f32
    %max3A_30 = vector.broadcast %jit3A_28 : f32 to vector<32x1xf32>
    %max3A_31 = arith.maximumf %max3A_30, %div3A_27 : vector<32x1xf32>
    %min3A_32 = vector.broadcast %jit3A_29 : f32 to vector<32x1xf32>
    %min3A_33 = arith.minimumf %min3A_32, %max3A_31 : vector<32x1xf32>
    %max3A_34 = arith.maximumf %min3A_23, %min3A_33 : vector<32x1xf32>
    %lt3A = arith.constant 1.500000e-01 : f32
    %lt3A_35 = vector.broadcast %lt3A : f32 to vector<32x1xf32>
    %lt3A_36 = arith.cmpf olt, %max3A_34, %lt3A_35 : vector<32x1xf32>
    %lt3A_37 = arith.constant 4.500000e-01 : f32
    %lt3A_38 = vector.broadcast %lt3A_37 : f32 to vector<32x1xf32>
    %lt3A_39 = arith.cmpf olt, %max3A_34, %lt3A_38 : vector<32x1xf32>
    %jit3A_40 = arith.constant 1 : i32
    %jit3A_41 = arith.constant 2 : i32
    %broadcast_in_dim3A_42 = vector.broadcast %jit3A_40 : i32 to vector<32x1xi32>
    %broadcast_in_dim3A_43 = vector.broadcast %jit3A_41 : i32 to vector<32x1xi32>
    %select_n3A = arith.select %lt3A_39, %broadcast_in_dim3A_42, %broadcast_in_dim3A_43 : vector<32x1xi1>, vector<32x1xi32>
    %jit3A_44 = arith.constant 0 : i32
    %broadcast_in_dim3A_45 = vector.broadcast %jit3A_44 : i32 to vector<32x1xi32>
    %select_n3A_46 = arith.select %lt3A_36, %broadcast_in_dim3A_45, %select_n3A : vector<32x1xi1>, vector<32x1xi32>
    %jit3A_47 = arith.constant 0 : i32
    %jit3A_48 = arith.constant 2 : i32
    %max3A_49 = vector.broadcast %jit3A_47 : i32 to vector<32x1xi32>
    %max3A_50 = arith.maxsi %max3A_49, %select_n3A_46 : vector<32x1xi32>
    %min3A_51 = vector.broadcast %jit3A_48 : i32 to vector<32x1xi32>
    %min3A_52 = arith.minsi %min3A_51, %max3A_50 : vector<32x1xi32>
    %ge3A = arith.constant 0 : i32
    %ge3A_53 = vector.broadcast %ge3A : i32 to vector<32x1xi32>
    %ge3A_54 = arith.cmpi sge, %get3A_14, %ge3A_53 : vector<32x1xi32>
    %lt3A_55 = arith.constant 80 : i32
    %lt3A_56 = vector.broadcast %lt3A_55 : i32 to vector<32x1xi32>
    %lt3A_57 = arith.cmpi slt, %get3A_14, %lt3A_56 : vector<32x1xi32>
    %and3A = arith.andi %ge3A_54, %lt3A_57 : vector<32x1xi1>
    %eq3A = arith.constant 0 : i32
    %eq3A_58 = vector.broadcast %eq3A : i32 to vector<32x1xi32>
    %eq3A_59 = arith.cmpi eq, %min3A_52, %eq3A_58 : vector<32x1xi32>
    %and3A_60 = arith.andi %eq3A_59, %and3A : vector<32x1xi1>
    %convert_element_type3A = arith.extui %and3A_60 : vector<32x1xi1> to vector<32x1xi32>
    %convert_element_type3A_61 = arith.sitofp %convert_element_type3A : vector<32x1xi32> to vector<32x1xf32>
    %add3A = arith.addf %slice3A, %slice3A_17 : vector<32x1xf32>
    %mul3A_62 = arith.constant 5.000000e-01 : f32
    %mul3A_63 = vector.broadcast %mul3A_62 : f32 to vector<32x1xf32>
    %mul3A_64 = arith.mulf %add3A, %mul3A_63 : vector<32x1xf32>
    %div3A_65 = arith.constant 6.400000e+02 : f32
    %div3A_66 = vector.broadcast %div3A_65 : f32 to vector<32x1xf32>
    %div3A_67 = arith.divf %mul3A_64, %div3A_66 : vector<32x1xf32>
    %jit3A_68 = arith.constant 0.000000e+00 : f32
    %jit3A_69 = arith.constant 0.999998986 : f32
    %max3A_70 = vector.broadcast %jit3A_68 : f32 to vector<32x1xf32>
    %max3A_71 = arith.maximumf %max3A_70, %div3A_67 : vector<32x1xf32>
    %min3A_72 = vector.broadcast %jit3A_69 : f32 to vector<32x1xf32>
    %min3A_73 = arith.minimumf %min3A_72, %max3A_71 : vector<32x1xf32>
    %add3A_74 = arith.addf %slice3A_16, %slice3A_18 : vector<32x1xf32>
    %mul3A_75 = arith.constant 5.000000e-01 : f32
    %mul3A_76 = vector.broadcast %mul3A_75 : f32 to vector<32x1xf32>
    %mul3A_77 = arith.mulf %add3A_74, %mul3A_76 : vector<32x1xf32>
    %div3A_78 = arith.constant 6.400000e+02 : f32
    %div3A_79 = vector.broadcast %div3A_78 : f32 to vector<32x1xf32>
    %div3A_80 = arith.divf %mul3A_77, %div3A_79 : vector<32x1xf32>
    %jit3A_81 = arith.constant 0.000000e+00 : f32
    %jit3A_82 = arith.constant 0.999998986 : f32
    %max3A_83 = vector.broadcast %jit3A_81 : f32 to vector<32x1xf32>
    %max3A_84 = arith.maximumf %max3A_83, %div3A_80 : vector<32x1xf32>
    %min3A_85 = vector.broadcast %jit3A_82 : f32 to vector<32x1xf32>
    %min3A_86 = arith.minimumf %min3A_85, %max3A_84 : vector<32x1xf32>
    %mul3A_87 = arith.constant 8.000000e+01 : f32
    %mul3A_88 = vector.broadcast %mul3A_87 : f32 to vector<32x1xf32>
    %mul3A_89 = arith.mulf %min3A_73, %mul3A_88 : vector<32x1xf32>
    %floor3A = math.floor %mul3A_89 : vector<32x1xf32>
    %convert_element_type3A_90 = arith.fptosi %floor3A : vector<32x1xf32> to vector<32x1xi32>
    %jit3A_91 = arith.constant 0 : i32
    %jit3A_92 = arith.constant 79 : i32
    %max3A_93 = vector.broadcast %jit3A_91 : i32 to vector<32x1xi32>
    %max3A_94 = arith.maxsi %max3A_93, %convert_element_type3A_90 : vector<32x1xi32>
    %min3A_95 = vector.broadcast %jit3A_92 : i32 to vector<32x1xi32>
    %min3A_96 = arith.minsi %min3A_95, %max3A_94 : vector<32x1xi32>
    %mul3A_97 = arith.constant 8.000000e+01 : f32
    %mul3A_98 = vector.broadcast %mul3A_97 : f32 to vector<32x1xf32>
    %mul3A_99 = arith.mulf %min3A_86, %mul3A_98 : vector<32x1xf32>
    %floor3A_100 = math.floor %mul3A_99 : vector<32x1xf32>
    %convert_element_type3A_101 = arith.fptosi %floor3A_100 : vector<32x1xf32> to vector<32x1xi32>
    %jit3A_102 = arith.constant 0 : i32
    %jit3A_103 = arith.constant 79 : i32
    %max3A_104 = vector.broadcast %jit3A_102 : i32 to vector<32x1xi32>
    %max3A_105 = arith.maxsi %max3A_104, %convert_element_type3A_101 : vector<32x1xi32>
    %min3A_106 = vector.broadcast %jit3A_103 : i32 to vector<32x1xi32>
    %min3A_107 = arith.minsi %min3A_106, %max3A_105 : vector<32x1xi32>
    %mul3A_108 = arith.constant 80 : i32
    %mul3A_109 = vector.broadcast %mul3A_108 : i32 to vector<32x1xi32>
    %mul3A_110 = arith.muli %min3A_107, %mul3A_109 : vector<32x1xi32>
    %add3A_111 = arith.addi %mul3A_110, %min3A_96 : vector<32x1xi32>
    %iota3A_112 = tpu.iota {dimensions = array<i32: 1>} : vector<32x6400xi32>
    %eq3A_113 = vector.broadcast %add3A_111 : vector<32x1xi32> to vector<32x6400xi32>
    %eq3A_114 = arith.cmpi eq, %iota3A_112, %eq3A_113 : vector<32x6400xi32>
    %convert_element_type3A_115 = arith.extui %eq3A_114 : vector<32x6400xi1> to vector<32x6400xi32>
    %convert_element_type3A_116 = arith.sitofp %convert_element_type3A_115 : vector<32x6400xi32> to vector<32x6400xf32>
    %mul3A_117 = vector.broadcast %convert_element_type3A_61 : vector<32x1xf32> to vector<32x6400xf32>
    %mul3A_118 = arith.mulf %convert_element_type3A_116, %mul3A_117 : vector<32x6400xf32>
    %reduce_sum3A = arith.constant dense<0.000000e+00> : vector<6400xf32>
    %reduce_sum3A_119 = vector.multi_reduction <add>, %mul3A_118, %reduce_sum3A [0] : vector<32x6400xf32> to vector<6400xf32>
    %broadcast_in_dim3A_120 = vector.shape_cast %reduce_sum3A_119 : vector<6400xf32> to vector<1x6400xf32>
    %gt3A = arith.constant 5.000000e-01 : f32
    %gt3A_121 = vector.broadcast %gt3A : f32 to vector<1x6400xf32>
    %gt3A_122 = arith.cmpf ogt, %broadcast_in_dim3A_120, %gt3A_121 : vector<1x6400xf32>
    %convert_element_type3A_123 = arith.extui %gt3A_122 : vector<1x6400xi1> to vector<1x6400xi32>
    %convert_element_type3A_124 = arith.sitofp %convert_element_type3A_123 : vector<1x6400xi32> to vector<1x6400xf32>
    %get3A_125 = arith.constant 0 : index
    %get3A_126 = arith.constant 0 : index
    %get3A_127 = arith.constant 4 : index
    %get3A_128 = arith.constant 0 : index
    %get3A_129 = vector.load %arg1[%get3A_125, %get3A_126, %get3A_127, %get3A_128] : memref<1x3x8x6400xf32, #tpu.memory_space<vmem>>, vector<1x1x1x6400xf32>
    %get3A_130 = vector.shape_cast %get3A_129 : vector<1x1x1x6400xf32> to vector<1x6400xf32>
    %max3A_131 = arith.constant 0.000000e+00 : f32
    %max3A_132 = vector.broadcast %max3A_131 : f32 to vector<1x6400xf32>
    %max3A_133 = arith.maximumf %get3A_130, %max3A_132 : vector<1x6400xf32>
    %mul3A_134 = arith.mulf %get3A_130, %convert_element_type3A_124 : vector<1x6400xf32>
    %sub3A_135 = arith.subf %max3A_133, %mul3A_134 : vector<1x6400xf32>
    %abs3A = math.absf %get3A_130 : vector<1x6400xf32>
    %neg3A = arith.constant 0.000000e+00 : f32
    %neg3A_136 = vector.broadcast %neg3A : f32 to vector<1x6400xf32>
    %neg3A_137 = arith.subf %neg3A_136, %abs3A : vector<1x6400xf32>
    %exp3A = math.exp %neg3A_137 : vector<1x6400xf32>
    %log1p3A = math.log1p %exp3A : vector<1x6400xf32>
    %add3A_138 = arith.addf %sub3A_135, %log1p3A : vector<1x6400xf32>
    %logistic3A = arith.negf %get3A_130 : vector<1x6400xf32>
    %logistic3A_139 = math.exp %logistic3A : vector<1x6400xf32>
    %logistic3A_140 = arith.constant 1.000000e+00 : f32
    %logistic3A_141 = vector.broadcast %logistic3A_140 : f32 to vector<1x6400xf32>
    %logistic3A_142 = arith.addf %logistic3A_141, %logistic3A_139 : vector<1x6400xf32>
    %logistic3A_143 = arith.divf %logistic3A_141, %logistic3A_142 : vector<1x6400xf32>
    %mul3A_144 = arith.mulf %logistic3A_143, %convert_element_type3A_124 : vector<1x6400xf32>
    %sub3A_145 = arith.constant 1.000000e+00 : f32
    %sub3A_146 = vector.broadcast %sub3A_145 : f32 to vector<1x6400xf32>
    %sub3A_147 = arith.subf %sub3A_146, %logistic3A_143 : vector<1x6400xf32>
    %sub3A_148 = arith.constant 1.000000e+00 : f32
    %sub3A_149 = vector.broadcast %sub3A_148 : f32 to vector<1x6400xf32>
    %sub3A_150 = arith.subf %sub3A_149, %convert_element_type3A_124 : vector<1x6400xf32>
    %mul3A_151 = arith.mulf %sub3A_147, %sub3A_150 : vector<1x6400xf32>
    %add3A_152 = arith.addf %mul3A_144, %mul3A_151 : vector<1x6400xf32>
    %mul3A_153 = arith.constant 2.500000e-01 : f32
    %mul3A_154 = vector.broadcast %mul3A_153 : f32 to vector<1x6400xf32>
    %mul3A_155 = arith.mulf %mul3A_154, %convert_element_type3A_124 : vector<1x6400xf32>
    %sub3A_156 = arith.constant 1.000000e+00 : f32
    %sub3A_157 = vector.broadcast %sub3A_156 : f32 to vector<1x6400xf32>
    %sub3A_158 = arith.subf %sub3A_157, %convert_element_type3A_124 : vector<1x6400xf32>
    %mul3A_159 = arith.constant 7.500000e-01 : f32
    %mul3A_160 = vector.broadcast %mul3A_159 : f32 to vector<1x6400xf32>
    %mul3A_161 = arith.mulf %mul3A_160, %sub3A_158 : vector<1x6400xf32>
    %add3A_162 = arith.addf %mul3A_155, %mul3A_161 : vector<1x6400xf32>
    %sub3A_163 = arith.constant 1.000000e+00 : f32
    %sub3A_164 = vector.broadcast %sub3A_163 : f32 to vector<1x6400xf32>
    %sub3A_165 = arith.subf %sub3A_164, %add3A_152 : vector<1x6400xf32>
    %mul3A_166 = arith.mulf %add3A_162, %sub3A_165 : vector<1x6400xf32>
    %mul3A_167 = arith.mulf %mul3A_166, %sub3A_165 : vector<1x6400xf32>
    %mul3A_168 = arith.mulf %add3A_138, %mul3A_167 : vector<1x6400xf32>
    %mul3A_169 = arith.mulf %mul3A_168, %convert_element_type3A_124 : vector<1x6400xf32>
    %reduce_sum3A_170 = vector.shape_cast %mul3A_169 : vector<1x6400xf32> to vector<1x1x6400xf32>
    %reduce_sum3A_171 = arith.constant dense<0.000000e+00> : vector<1xf32>
    %reduce_sum3A_172 = vector.multi_reduction <add>, %reduce_sum3A_170, %reduce_sum3A_171 [1, 2] : vector<1x1x6400xf32> to vector<1xf32>
    %reduce_sum3A_173 = vector.shape_cast %reduce_sum3A_172 : vector<1xf32> to vector<1x1x1xf32>
    %reduce_sum3A_174 = vector.extract %reduce_sum3A_173[0, 0, 0] : f32 from vector<1x1x1xf32>
    %add3A_175 = arith.constant 0.000000e+00 : f32
    %add3A_176 = arith.addf %add3A_175, %reduce_sum3A_174 : f32
    %sub3A_177 = arith.constant 1.000000e+00 : f32
    %sub3A_178 = vector.broadcast %sub3A_177 : f32 to vector<1x6400xf32>
    %sub3A_179 = arith.subf %sub3A_178, %convert_element_type3A_124 : vector<1x6400xf32>
    %mul3A_180 = arith.mulf %mul3A_168, %sub3A_179 : vector<1x6400xf32>
    %reduce_sum3A_181 = vector.shape_cast %mul3A_180 : vector<1x6400xf32> to vector<1x1x6400xf32>
    %reduce_sum3A_182 = arith.constant dense<0.000000e+00> : vector<1xf32>
    %reduce_sum3A_183 = vector.multi_reduction <add>, %reduce_sum3A_181, %reduce_sum3A_182 [1, 2] : vector<1x1x6400xf32> to vector<1xf32>
    %reduce_sum3A_184 = vector.shape_cast %reduce_sum3A_183 : vector<1xf32> to vector<1x1x1xf32>
    %reduce_sum3A_185 = vector.extract %reduce_sum3A_184[0, 0, 0] : f32 from vector<1x1x1xf32>
    %add3A_186 = arith.constant 0.000000e+00 : f32
    %add3A_187 = arith.addf %add3A_186, %reduce_sum3A_185 : f32
    %get3A_188 = arith.constant 0 : index
    %get3A_189 = arith.constant 1 : index
    %get3A_190 = arith.constant 4 : index
    %get3A_191 = arith.constant 0 : index
    %get3A_192 = vector.load %arg1[%get3A_188, %get3A_189, %get3A_190, %get3A_191] : memref<1x3x8x6400xf32, #tpu.memory_space<vmem>>, vector<1x1x1x6400xf32>
    %get3A_193 = vector.shape_cast %get3A_192 : vector<1x1x1x6400xf32> to vector<1x6400xf32>
    %max3A_194 = arith.constant 0.000000e+00 : f32
    %max3A_195 = vector.broadcast %max3A_194 : f32 to vector<1x6400xf32>
    %max3A_196 = arith.maximumf %get3A_193, %max3A_195 : vector<1x6400xf32>
    %mul3A_197 = arith.mulf %get3A_193, %convert_element_type3A_124 : vector<1x6400xf32>
    %sub3A_198 = arith.subf %max3A_196, %mul3A_197 : vector<1x6400xf32>
    %abs3A_199 = math.absf %get3A_193 : vector<1x6400xf32>
    %neg3A_200 = arith.constant 0.000000e+00 : f32
    %neg3A_201 = vector.broadcast %neg3A_200 : f32 to vector<1x6400xf32>
    %neg3A_202 = arith.subf %neg3A_201, %abs3A_199 : vector<1x6400xf32>
    %exp3A_203 = math.exp %neg3A_202 : vector<1x6400xf32>
    %log1p3A_204 = math.log1p %exp3A_203 : vector<1x6400xf32>
    %add3A_205 = arith.addf %sub3A_198, %log1p3A_204 : vector<1x6400xf32>
    %logistic3A_206 = arith.negf %get3A_193 : vector<1x6400xf32>
    %logistic3A_207 = math.exp %logistic3A_206 : vector<1x6400xf32>
    %logistic3A_208 = arith.constant 1.000000e+00 : f32
    %logistic3A_209 = vector.broadcast %logistic3A_208 : f32 to vector<1x6400xf32>
    %logistic3A_210 = arith.addf %logistic3A_209, %logistic3A_207 : vector<1x6400xf32>
    %logistic3A_211 = arith.divf %logistic3A_209, %logistic3A_210 : vector<1x6400xf32>
    %mul3A_212 = arith.mulf %logistic3A_211, %convert_element_type3A_124 : vector<1x6400xf32>
    %sub3A_213 = arith.constant 1.000000e+00 : f32
    %sub3A_214 = vector.broadcast %sub3A_213 : f32 to vector<1x6400xf32>
    %sub3A_215 = arith.subf %sub3A_214, %logistic3A_211 : vector<1x6400xf32>
    %sub3A_216 = arith.constant 1.000000e+00 : f32
    %sub3A_217 = vector.broadcast %sub3A_216 : f32 to vector<1x6400xf32>
    %sub3A_218 = arith.subf %sub3A_217, %convert_element_type3A_124 : vector<1x6400xf32>
    %mul3A_219 = arith.mulf %sub3A_215, %sub3A_218 : vector<1x6400xf32>
    %add3A_220 = arith.addf %mul3A_212, %mul3A_219 : vector<1x6400xf32>
    %mul3A_221 = arith.constant 2.500000e-01 : f32
    %mul3A_222 = vector.broadcast %mul3A_221 : f32 to vector<1x6400xf32>
    %mul3A_223 = arith.mulf %mul3A_222, %convert_element_type3A_124 : vector<1x6400xf32>
    %sub3A_224 = arith.constant 1.000000e+00 : f32
    %sub3A_225 = vector.broadcast %sub3A_224 : f32 to vector<1x6400xf32>
    %sub3A_226 = arith.subf %sub3A_225, %convert_element_type3A_124 : vector<1x6400xf32>
    %mul3A_227 = arith.constant 7.500000e-01 : f32
    %mul3A_228 = vector.broadcast %mul3A_227 : f32 to vector<1x6400xf32>
    %mul3A_229 = arith.mulf %mul3A_228, %sub3A_226 : vector<1x6400xf32>
    %add3A_230 = arith.addf %mul3A_223, %mul3A_229 : vector<1x6400xf32>
    %sub3A_231 = arith.constant 1.000000e+00 : f32
    %sub3A_232 = vector.broadcast %sub3A_231 : f32 to vector<1x6400xf32>
    %sub3A_233 = arith.subf %sub3A_232, %add3A_220 : vector<1x6400xf32>
    %mul3A_234 = arith.mulf %add3A_230, %sub3A_233 : vector<1x6400xf32>
    %mul3A_235 = arith.mulf %mul3A_234, %sub3A_233 : vector<1x6400xf32>
    %mul3A_236 = arith.mulf %add3A_205, %mul3A_235 : vector<1x6400xf32>
    %mul3A_237 = arith.mulf %mul3A_236, %convert_element_type3A_124 : vector<1x6400xf32>
    %reduce_sum3A_238 = vector.shape_cast %mul3A_237 : vector<1x6400xf32> to vector<1x1x6400xf32>
    %reduce_sum3A_239 = arith.constant dense<0.000000e+00> : vector<1xf32>
    %reduce_sum3A_240 = vector.multi_reduction <add>, %reduce_sum3A_238, %reduce_sum3A_239 [1, 2] : vector<1x1x6400xf32> to vector<1xf32>
    %reduce_sum3A_241 = vector.shape_cast %reduce_sum3A_240 : vector<1xf32> to vector<1x1x1xf32>
    %reduce_sum3A_242 = vector.extract %reduce_sum3A_241[0, 0, 0] : f32 from vector<1x1x1xf32>
    %add3A_243 = arith.addf %add3A_176, %reduce_sum3A_242 : f32
    %sub3A_244 = arith.constant 1.000000e+00 : f32
    %sub3A_245 = vector.broadcast %sub3A_244 : f32 to vector<1x6400xf32>
    %sub3A_246 = arith.subf %sub3A_245, %convert_element_type3A_124 : vector<1x6400xf32>
    %mul3A_247 = arith.mulf %mul3A_236, %sub3A_246 : vector<1x6400xf32>
    %reduce_sum3A_248 = vector.shape_cast %mul3A_247 : vector<1x6400xf32> to vector<1x1x6400xf32>
    %reduce_sum3A_249 = arith.constant dense<0.000000e+00> : vector<1xf32>
    %reduce_sum3A_250 = vector.multi_reduction <add>, %reduce_sum3A_248, %reduce_sum3A_249 [1, 2] : vector<1x1x6400xf32> to vector<1xf32>
    %reduce_sum3A_251 = vector.shape_cast %reduce_sum3A_250 : vector<1xf32> to vector<1x1x1xf32>
    %reduce_sum3A_252 = vector.extract %reduce_sum3A_251[0, 0, 0] : f32 from vector<1x1x1xf32>
    %add3A_253 = arith.addf %add3A_187, %reduce_sum3A_252 : f32
    %get3A_254 = arith.constant 0 : index
    %get3A_255 = arith.constant 2 : index
    %get3A_256 = arith.constant 4 : index
    %get3A_257 = arith.constant 0 : index
    %get3A_258 = vector.load %arg1[%get3A_254, %get3A_255, %get3A_256, %get3A_257] : memref<1x3x8x6400xf32, #tpu.memory_space<vmem>>, vector<1x1x1x6400xf32>
    %get3A_259 = vector.shape_cast %get3A_258 : vector<1x1x1x6400xf32> to vector<1x6400xf32>
    %max3A_260 = arith.constant 0.000000e+00 : f32
    %max3A_261 = vector.broadcast %max3A_260 : f32 to vector<1x6400xf32>
    %max3A_262 = arith.maximumf %get3A_259, %max3A_261 : vector<1x6400xf32>
    %mul3A_263 = arith.mulf %get3A_259, %convert_element_type3A_124 : vector<1x6400xf32>
    %sub3A_264 = arith.subf %max3A_262, %mul3A_263 : vector<1x6400xf32>
    %abs3A_265 = math.absf %get3A_259 : vector<1x6400xf32>
    %neg3A_266 = arith.constant 0.000000e+00 : f32
    %neg3A_267 = vector.broadcast %neg3A_266 : f32 to vector<1x6400xf32>
    %neg3A_268 = arith.subf %neg3A_267, %abs3A_265 : vector<1x6400xf32>
    %exp3A_269 = math.exp %neg3A_268 : vector<1x6400xf32>
    %log1p3A_270 = math.log1p %exp3A_269 : vector<1x6400xf32>
    %add3A_271 = arith.addf %sub3A_264, %log1p3A_270 : vector<1x6400xf32>
    %logistic3A_272 = arith.negf %get3A_259 : vector<1x6400xf32>
    %logistic3A_273 = math.exp %logistic3A_272 : vector<1x6400xf32>
    %logistic3A_274 = arith.constant 1.000000e+00 : f32
    %logistic3A_275 = vector.broadcast %logistic3A_274 : f32 to vector<1x6400xf32>
    %logistic3A_276 = arith.addf %logistic3A_275, %logistic3A_273 : vector<1x6400xf32>
    %logistic3A_277 = arith.divf %logistic3A_275, %logistic3A_276 : vector<1x6400xf32>
    %mul3A_278 = arith.mulf %logistic3A_277, %convert_element_type3A_124 : vector<1x6400xf32>
    %sub3A_279 = arith.constant 1.000000e+00 : f32
    %sub3A_280 = vector.broadcast %sub3A_279 : f32 to vector<1x6400xf32>
    %sub3A_281 = arith.subf %sub3A_280, %logistic3A_277 : vector<1x6400xf32>
    %sub3A_282 = arith.constant 1.000000e+00 : f32
    %sub3A_283 = vector.broadcast %sub3A_282 : f32 to vector<1x6400xf32>
    %sub3A_284 = arith.subf %sub3A_283, %convert_element_type3A_124 : vector<1x6400xf32>
    %mul3A_285 = arith.mulf %sub3A_281, %sub3A_284 : vector<1x6400xf32>
    %add3A_286 = arith.addf %mul3A_278, %mul3A_285 : vector<1x6400xf32>
    %mul3A_287 = arith.constant 2.500000e-01 : f32
    %mul3A_288 = vector.broadcast %mul3A_287 : f32 to vector<1x6400xf32>
    %mul3A_289 = arith.mulf %mul3A_288, %convert_element_type3A_124 : vector<1x6400xf32>
    %sub3A_290 = arith.constant 1.000000e+00 : f32
    %sub3A_291 = vector.broadcast %sub3A_290 : f32 to vector<1x6400xf32>
    %sub3A_292 = arith.subf %sub3A_291, %convert_element_type3A_124 : vector<1x6400xf32>
    %mul3A_293 = arith.constant 7.500000e-01 : f32
    %mul3A_294 = vector.broadcast %mul3A_293 : f32 to vector<1x6400xf32>
    %mul3A_295 = arith.mulf %mul3A_294, %sub3A_292 : vector<1x6400xf32>
    %add3A_296 = arith.addf %mul3A_289, %mul3A_295 : vector<1x6400xf32>
    %sub3A_297 = arith.constant 1.000000e+00 : f32
    %sub3A_298 = vector.broadcast %sub3A_297 : f32 to vector<1x6400xf32>
    %sub3A_299 = arith.subf %sub3A_298, %add3A_286 : vector<1x6400xf32>
    %mul3A_300 = arith.mulf %add3A_296, %sub3A_299 : vector<1x6400xf32>
    %mul3A_301 = arith.mulf %mul3A_300, %sub3A_299 : vector<1x6400xf32>
    %mul3A_302 = arith.mulf %add3A_271, %mul3A_301 : vector<1x6400xf32>
    %mul3A_303 = arith.mulf %mul3A_302, %convert_element_type3A_124 : vector<1x6400xf32>
    %reduce_sum3A_304 = vector.shape_cast %mul3A_303 : vector<1x6400xf32> to vector<1x1x6400xf32>
    %reduce_sum3A_305 = arith.constant dense<0.000000e+00> : vector<1xf32>
    %reduce_sum3A_306 = vector.multi_reduction <add>, %reduce_sum3A_304, %reduce_sum3A_305 [1, 2] : vector<1x1x6400xf32> to vector<1xf32>
    %reduce_sum3A_307 = vector.shape_cast %reduce_sum3A_306 : vector<1xf32> to vector<1x1x1xf32>
    %reduce_sum3A_308 = vector.extract %reduce_sum3A_307[0, 0, 0] : f32 from vector<1x1x1xf32>
    %add3A_309 = arith.addf %add3A_243, %reduce_sum3A_308 : f32
    %sub3A_310 = arith.constant 1.000000e+00 : f32
    %sub3A_311 = vector.broadcast %sub3A_310 : f32 to vector<1x6400xf32>
    %sub3A_312 = arith.subf %sub3A_311, %convert_element_type3A_124 : vector<1x6400xf32>
    %mul3A_313 = arith.mulf %mul3A_302, %sub3A_312 : vector<1x6400xf32>
    %reduce_sum3A_314 = vector.shape_cast %mul3A_313 : vector<1x6400xf32> to vector<1x1x6400xf32>
    %reduce_sum3A_315 = arith.constant dense<0.000000e+00> : vector<1xf32>
    %reduce_sum3A_316 = vector.multi_reduction <add>, %reduce_sum3A_314, %reduce_sum3A_315 [1, 2] : vector<1x1x6400xf32> to vector<1xf32>
    %reduce_sum3A_317 = vector.shape_cast %reduce_sum3A_316 : vector<1xf32> to vector<1x1x1xf32>
    %reduce_sum3A_318 = vector.extract %reduce_sum3A_317[0, 0, 0] : f32 from vector<1x1x1xf32>
    %add3A_319 = arith.addf %add3A_253, %reduce_sum3A_318 : f32
    %reduce_sum3A_320 = vector.shape_cast %convert_element_type3A_124 : vector<1x6400xf32> to vector<1x1x6400xf32>
    %reduce_sum3A_321 = arith.constant dense<0.000000e+00> : vector<1xf32>
    %reduce_sum3A_322 = vector.multi_reduction <add>, %reduce_sum3A_320, %reduce_sum3A_321 [1, 2] : vector<1x1x6400xf32> to vector<1xf32>
    %reduce_sum3A_323 = vector.shape_cast %reduce_sum3A_322 : vector<1xf32> to vector<1x1x1xf32>
    %reduce_sum3A_324 = vector.extract %reduce_sum3A_323[0, 0, 0] : f32 from vector<1x1x1xf32>
    %mul3A_325 = arith.constant 3.000000e+00 : f32
    %mul3A_326 = arith.mulf %mul3A_325, %reduce_sum3A_324 : f32
    %eq3A_327 = arith.constant 0 : i32
    %eq3A_328 = vector.broadcast %eq3A_327 : i32 to vector<1x128xi32>
    %eq3A_329 = arith.cmpi eq, %iota3A, %eq3A_328 : vector<1x128xi32>
    %jit3A_330 = arith.constant 0.000000e+00 : f32
    %broadcast_in_dim3A_331 = vector.broadcast %add3A_309 : f32 to vector<1x128xf32>
    %broadcast_in_dim3A_332 = vector.broadcast %jit3A_330 : f32 to vector<1x128xf32>
    %select_n3A_333 = arith.select %eq3A_329, %broadcast_in_dim3A_331, %broadcast_in_dim3A_332 : vector<1x128xi1>, vector<1x128xf32>
    %add3A_334 = arith.addf %broadcast_in_dim3A_15, %select_n3A_333 : vector<1x128xf32>
    %eq3A_335 = arith.constant 1 : i32
    %eq3A_336 = vector.broadcast %eq3A_335 : i32 to vector<1x128xi32>
    %eq3A_337 = arith.cmpi eq, %iota3A, %eq3A_336 : vector<1x128xi32>
    %jit3A_338 = arith.constant 0.000000e+00 : f32
    %broadcast_in_dim3A_339 = vector.broadcast %add3A_319 : f32 to vector<1x128xf32>
    %broadcast_in_dim3A_340 = vector.broadcast %jit3A_338 : f32 to vector<1x128xf32>
    %select_n3A_341 = arith.select %eq3A_337, %broadcast_in_dim3A_339, %broadcast_in_dim3A_340 : vector<1x128xi1>, vector<1x128xf32>
    %add3A_342 = arith.addf %add3A_334, %select_n3A_341 : vector<1x128xf32>
    %eq3A_343 = arith.constant 2 : i32
    %eq3A_344 = vector.broadcast %eq3A_343 : i32 to vector<1x128xi32>
    %eq3A_345 = arith.cmpi eq, %iota3A, %eq3A_344 : vector<1x128xi32>
    %jit3A_346 = arith.constant 0.000000e+00 : f32
    %broadcast_in_dim3A_347 = vector.broadcast %mul3A_326 : f32 to vector<1x128xf32>
    %broadcast_in_dim3A_348 = vector.broadcast %jit3A_346 : f32 to vector<1x128xf32>
    %select_n3A_349 = arith.select %eq3A_345, %broadcast_in_dim3A_347, %broadcast_in_dim3A_348 : vector<1x128xi1>, vector<1x128xf32>
    %add3A_350 = arith.addf %add3A_342, %select_n3A_349 : vector<1x128xf32>
    %slice3A_351 = vector.extract_strided_slice %get3A_9 {offsets = [0, 0], sizes = [32, 1], strides = [1, 1]} : vector<32x4xf32> to vector<32x1xf32>
    %slice3A_352 = vector.extract_strided_slice %get3A_9 {offsets = [0, 1], sizes = [32, 1], strides = [1, 1]} : vector<32x4xf32> to vector<32x1xf32>
    %slice3A_353 = vector.extract_strided_slice %get3A_9 {offsets = [0, 2], sizes = [32, 1], strides = [1, 1]} : vector<32x4xf32> to vector<32x1xf32>
    %slice3A_354 = vector.extract_strided_slice %get3A_9 {offsets = [0, 3], sizes = [32, 1], strides = [1, 1]} : vector<32x4xf32> to vector<32x1xf32>
    %sub3A_355 = arith.subf %slice3A_353, %slice3A_351 : vector<32x1xf32>
    %div3A_356 = arith.constant 6.400000e+02 : f32
    %div3A_357 = vector.broadcast %div3A_356 : f32 to vector<32x1xf32>
    %div3A_358 = arith.divf %sub3A_355, %div3A_357 : vector<32x1xf32>
    %jit3A_359 = arith.constant 9.99999997E-7 : f32
    %jit3A_360 = arith.constant 1.000000e+00 : f32
    %max3A_361 = vector.broadcast %jit3A_359 : f32 to vector<32x1xf32>
    %max3A_362 = arith.maximumf %max3A_361, %div3A_358 : vector<32x1xf32>
    %min3A_363 = vector.broadcast %jit3A_360 : f32 to vector<32x1xf32>
    %min3A_364 = arith.minimumf %min3A_363, %max3A_362 : vector<32x1xf32>
    %sub3A_365 = arith.subf %slice3A_354, %slice3A_352 : vector<32x1xf32>
    %div3A_366 = arith.constant 6.400000e+02 : f32
    %div3A_367 = vector.broadcast %div3A_366 : f32 to vector<32x1xf32>
    %div3A_368 = arith.divf %sub3A_365, %div3A_367 : vector<32x1xf32>
    %jit3A_369 = arith.constant 9.99999997E-7 : f32
    %jit3A_370 = arith.constant 1.000000e+00 : f32
    %max3A_371 = vector.broadcast %jit3A_369 : f32 to vector<32x1xf32>
    %max3A_372 = arith.maximumf %max3A_371, %div3A_368 : vector<32x1xf32>
    %min3A_373 = vector.broadcast %jit3A_370 : f32 to vector<32x1xf32>
    %min3A_374 = arith.minimumf %min3A_373, %max3A_372 : vector<32x1xf32>
    %max3A_375 = arith.maximumf %min3A_364, %min3A_374 : vector<32x1xf32>
    %lt3A_376 = arith.constant 1.500000e-01 : f32
    %lt3A_377 = vector.broadcast %lt3A_376 : f32 to vector<32x1xf32>
    %lt3A_378 = arith.cmpf olt, %max3A_375, %lt3A_377 : vector<32x1xf32>
    %lt3A_379 = arith.constant 4.500000e-01 : f32
    %lt3A_380 = vector.broadcast %lt3A_379 : f32 to vector<32x1xf32>
    %lt3A_381 = arith.cmpf olt, %max3A_375, %lt3A_380 : vector<32x1xf32>
    %jit3A_382 = arith.constant 1 : i32
    %jit3A_383 = arith.constant 2 : i32
    %broadcast_in_dim3A_384 = vector.broadcast %jit3A_382 : i32 to vector<32x1xi32>
    %broadcast_in_dim3A_385 = vector.broadcast %jit3A_383 : i32 to vector<32x1xi32>
    %select_n3A_386 = arith.select %lt3A_381, %broadcast_in_dim3A_384, %broadcast_in_dim3A_385 : vector<32x1xi1>, vector<32x1xi32>
    %jit3A_387 = arith.constant 0 : i32
    %broadcast_in_dim3A_388 = vector.broadcast %jit3A_387 : i32 to vector<32x1xi32>
    %select_n3A_389 = arith.select %lt3A_378, %broadcast_in_dim3A_388, %select_n3A_386 : vector<32x1xi1>, vector<32x1xi32>
    %jit3A_390 = arith.constant 0 : i32
    %jit3A_391 = arith.constant 2 : i32
    %max3A_392 = vector.broadcast %jit3A_390 : i32 to vector<32x1xi32>
    %max3A_393 = arith.maxsi %max3A_392, %select_n3A_389 : vector<32x1xi32>
    %min3A_394 = vector.broadcast %jit3A_391 : i32 to vector<32x1xi32>
    %min3A_395 = arith.minsi %min3A_394, %max3A_393 : vector<32x1xi32>
    %ge3A_396 = arith.constant 0 : i32
    %ge3A_397 = vector.broadcast %ge3A_396 : i32 to vector<32x1xi32>
    %ge3A_398 = arith.cmpi sge, %get3A_14, %ge3A_397 : vector<32x1xi32>
    %lt3A_399 = arith.constant 80 : i32
    %lt3A_400 = vector.broadcast %lt3A_399 : i32 to vector<32x1xi32>
    %lt3A_401 = arith.cmpi slt, %get3A_14, %lt3A_400 : vector<32x1xi32>
    %and3A_402 = arith.andi %ge3A_398, %lt3A_401 : vector<32x1xi1>
    %eq3A_403 = arith.constant 1 : i32
    %eq3A_404 = vector.broadcast %eq3A_403 : i32 to vector<32x1xi32>
    %eq3A_405 = arith.cmpi eq, %min3A_395, %eq3A_404 : vector<32x1xi32>
    %and3A_406 = arith.andi %eq3A_405, %and3A_402 : vector<32x1xi1>
    %convert_element_type3A_407 = arith.extui %and3A_406 : vector<32x1xi1> to vector<32x1xi32>
    %convert_element_type3A_408 = arith.sitofp %convert_element_type3A_407 : vector<32x1xi32> to vector<32x1xf32>
    %add3A_409 = arith.addf %slice3A_351, %slice3A_353 : vector<32x1xf32>
    %mul3A_410 = arith.constant 5.000000e-01 : f32
    %mul3A_411 = vector.broadcast %mul3A_410 : f32 to vector<32x1xf32>
    %mul3A_412 = arith.mulf %add3A_409, %mul3A_411 : vector<32x1xf32>
    %div3A_413 = arith.constant 6.400000e+02 : f32
    %div3A_414 = vector.broadcast %div3A_413 : f32 to vector<32x1xf32>
    %div3A_415 = arith.divf %mul3A_412, %div3A_414 : vector<32x1xf32>
    %jit3A_416 = arith.constant 0.000000e+00 : f32
    %jit3A_417 = arith.constant 0.999998986 : f32
    %max3A_418 = vector.broadcast %jit3A_416 : f32 to vector<32x1xf32>
    %max3A_419 = arith.maximumf %max3A_418, %div3A_415 : vector<32x1xf32>
    %min3A_420 = vector.broadcast %jit3A_417 : f32 to vector<32x1xf32>
    %min3A_421 = arith.minimumf %min3A_420, %max3A_419 : vector<32x1xf32>
    %add3A_422 = arith.addf %slice3A_352, %slice3A_354 : vector<32x1xf32>
    %mul3A_423 = arith.constant 5.000000e-01 : f32
    %mul3A_424 = vector.broadcast %mul3A_423 : f32 to vector<32x1xf32>
    %mul3A_425 = arith.mulf %add3A_422, %mul3A_424 : vector<32x1xf32>
    %div3A_426 = arith.constant 6.400000e+02 : f32
    %div3A_427 = vector.broadcast %div3A_426 : f32 to vector<32x1xf32>
    %div3A_428 = arith.divf %mul3A_425, %div3A_427 : vector<32x1xf32>
    %jit3A_429 = arith.constant 0.000000e+00 : f32
    %jit3A_430 = arith.constant 0.999998986 : f32
    %max3A_431 = vector.broadcast %jit3A_429 : f32 to vector<32x1xf32>
    %max3A_432 = arith.maximumf %max3A_431, %div3A_428 : vector<32x1xf32>
    %min3A_433 = vector.broadcast %jit3A_430 : f32 to vector<32x1xf32>
    %min3A_434 = arith.minimumf %min3A_433, %max3A_432 : vector<32x1xf32>
    %mul3A_435 = arith.constant 4.000000e+01 : f32
    %mul3A_436 = vector.broadcast %mul3A_435 : f32 to vector<32x1xf32>
    %mul3A_437 = arith.mulf %min3A_421, %mul3A_436 : vector<32x1xf32>
    %floor3A_438 = math.floor %mul3A_437 : vector<32x1xf32>
    %convert_element_type3A_439 = arith.fptosi %floor3A_438 : vector<32x1xf32> to vector<32x1xi32>
    %jit3A_440 = arith.constant 0 : i32
    %jit3A_441 = arith.constant 39 : i32
    %max3A_442 = vector.broadcast %jit3A_440 : i32 to vector<32x1xi32>
    %max3A_443 = arith.maxsi %max3A_442, %convert_element_type3A_439 : vector<32x1xi32>
    %min3A_444 = vector.broadcast %jit3A_441 : i32 to vector<32x1xi32>
    %min3A_445 = arith.minsi %min3A_444, %max3A_443 : vector<32x1xi32>
    %mul3A_446 = arith.constant 4.000000e+01 : f32
    %mul3A_447 = vector.broadcast %mul3A_446 : f32 to vector<32x1xf32>
    %mul3A_448 = arith.mulf %min3A_434, %mul3A_447 : vector<32x1xf32>
    %floor3A_449 = math.floor %mul3A_448 : vector<32x1xf32>
    %convert_element_type3A_450 = arith.fptosi %floor3A_449 : vector<32x1xf32> to vector<32x1xi32>
    %jit3A_451 = arith.constant 0 : i32
    %jit3A_452 = arith.constant 39 : i32
    %max3A_453 = vector.broadcast %jit3A_451 : i32 to vector<32x1xi32>
    %max3A_454 = arith.maxsi %max3A_453, %convert_element_type3A_450 : vector<32x1xi32>
    %min3A_455 = vector.broadcast %jit3A_452 : i32 to vector<32x1xi32>
    %min3A_456 = arith.minsi %min3A_455, %max3A_454 : vector<32x1xi32>
    %mul3A_457 = arith.constant 40 : i32
    %mul3A_458 = vector.broadcast %mul3A_457 : i32 to vector<32x1xi32>
    %mul3A_459 = arith.muli %min3A_456, %mul3A_458 : vector<32x1xi32>
    %add3A_460 = arith.addi %mul3A_459, %min3A_445 : vector<32x1xi32>
    %iota3A_461 = tpu.iota {dimensions = array<i32: 1>} : vector<32x1600xi32>
    %eq3A_462 = vector.broadcast %add3A_460 : vector<32x1xi32> to vector<32x1600xi32>
    %eq3A_463 = arith.cmpi eq, %iota3A_461, %eq3A_462 : vector<32x1600xi32>
    %convert_element_type3A_464 = arith.extui %eq3A_463 : vector<32x1600xi1> to vector<32x1600xi32>
    %convert_element_type3A_465 = arith.sitofp %convert_element_type3A_464 : vector<32x1600xi32> to vector<32x1600xf32>
    %mul3A_466 = vector.broadcast %convert_element_type3A_408 : vector<32x1xf32> to vector<32x1600xf32>
    %mul3A_467 = arith.mulf %convert_element_type3A_465, %mul3A_466 : vector<32x1600xf32>
    %reduce_sum3A_468 = arith.constant dense<0.000000e+00> : vector<1600xf32>
    %reduce_sum3A_469 = vector.multi_reduction <add>, %mul3A_467, %reduce_sum3A_468 [0] : vector<32x1600xf32> to vector<1600xf32>
    %broadcast_in_dim3A_470 = vector.shape_cast %reduce_sum3A_469 : vector<1600xf32> to vector<1x1600xf32>
    %gt3A_471 = arith.constant 5.000000e-01 : f32
    %gt3A_472 = vector.broadcast %gt3A_471 : f32 to vector<1x1600xf32>
    %gt3A_473 = arith.cmpf ogt, %broadcast_in_dim3A_470, %gt3A_472 : vector<1x1600xf32>
    %convert_element_type3A_474 = arith.extui %gt3A_473 : vector<1x1600xi1> to vector<1x1600xi32>
    %convert_element_type3A_475 = arith.sitofp %convert_element_type3A_474 : vector<1x1600xi32> to vector<1x1600xf32>
    %get3A_476 = arith.constant 0 : index
    %get3A_477 = arith.constant 0 : index
    %get3A_478 = arith.constant 4 : index
    %get3A_479 = arith.constant 0 : index
    %get3A_480 = vector.load %arg2[%get3A_476, %get3A_477, %get3A_478, %get3A_479] : memref<1x3x8x1600xf32, #tpu.memory_space<vmem>>, vector<1x1x1x1600xf32>
    %get3A_481 = vector.shape_cast %get3A_480 : vector<1x1x1x1600xf32> to vector<1x1600xf32>
    %max3A_482 = arith.constant 0.000000e+00 : f32
    %max3A_483 = vector.broadcast %max3A_482 : f32 to vector<1x1600xf32>
    %max3A_484 = arith.maximumf %get3A_481, %max3A_483 : vector<1x1600xf32>
    %mul3A_485 = arith.mulf %get3A_481, %convert_element_type3A_475 : vector<1x1600xf32>
    %sub3A_486 = arith.subf %max3A_484, %mul3A_485 : vector<1x1600xf32>
    %abs3A_487 = math.absf %get3A_481 : vector<1x1600xf32>
    %neg3A_488 = arith.constant 0.000000e+00 : f32
    %neg3A_489 = vector.broadcast %neg3A_488 : f32 to vector<1x1600xf32>
    %neg3A_490 = arith.subf %neg3A_489, %abs3A_487 : vector<1x1600xf32>
    %exp3A_491 = math.exp %neg3A_490 : vector<1x1600xf32>
    %log1p3A_492 = math.log1p %exp3A_491 : vector<1x1600xf32>
    %add3A_493 = arith.addf %sub3A_486, %log1p3A_492 : vector<1x1600xf32>
    %logistic3A_494 = arith.negf %get3A_481 : vector<1x1600xf32>
    %logistic3A_495 = math.exp %logistic3A_494 : vector<1x1600xf32>
    %logistic3A_496 = arith.constant 1.000000e+00 : f32
    %logistic3A_497 = vector.broadcast %logistic3A_496 : f32 to vector<1x1600xf32>
    %logistic3A_498 = arith.addf %logistic3A_497, %logistic3A_495 : vector<1x1600xf32>
    %logistic3A_499 = arith.divf %logistic3A_497, %logistic3A_498 : vector<1x1600xf32>
    %mul3A_500 = arith.mulf %logistic3A_499, %convert_element_type3A_475 : vector<1x1600xf32>
    %sub3A_501 = arith.constant 1.000000e+00 : f32
    %sub3A_502 = vector.broadcast %sub3A_501 : f32 to vector<1x1600xf32>
    %sub3A_503 = arith.subf %sub3A_502, %logistic3A_499 : vector<1x1600xf32>
    %sub3A_504 = arith.constant 1.000000e+00 : f32
    %sub3A_505 = vector.broadcast %sub3A_504 : f32 to vector<1x1600xf32>
    %sub3A_506 = arith.subf %sub3A_505, %convert_element_type3A_475 : vector<1x1600xf32>
    %mul3A_507 = arith.mulf %sub3A_503, %sub3A_506 : vector<1x1600xf32>
    %add3A_508 = arith.addf %mul3A_500, %mul3A_507 : vector<1x1600xf32>
    %mul3A_509 = arith.constant 2.500000e-01 : f32
    %mul3A_510 = vector.broadcast %mul3A_509 : f32 to vector<1x1600xf32>
    %mul3A_511 = arith.mulf %mul3A_510, %convert_element_type3A_475 : vector<1x1600xf32>
    %sub3A_512 = arith.constant 1.000000e+00 : f32
    %sub3A_513 = vector.broadcast %sub3A_512 : f32 to vector<1x1600xf32>
    %sub3A_514 = arith.subf %sub3A_513, %convert_element_type3A_475 : vector<1x1600xf32>
    %mul3A_515 = arith.constant 7.500000e-01 : f32
    %mul3A_516 = vector.broadcast %mul3A_515 : f32 to vector<1x1600xf32>
    %mul3A_517 = arith.mulf %mul3A_516, %sub3A_514 : vector<1x1600xf32>
    %add3A_518 = arith.addf %mul3A_511, %mul3A_517 : vector<1x1600xf32>
    %sub3A_519 = arith.constant 1.000000e+00 : f32
    %sub3A_520 = vector.broadcast %sub3A_519 : f32 to vector<1x1600xf32>
    %sub3A_521 = arith.subf %sub3A_520, %add3A_508 : vector<1x1600xf32>
    %mul3A_522 = arith.mulf %add3A_518, %sub3A_521 : vector<1x1600xf32>
    %mul3A_523 = arith.mulf %mul3A_522, %sub3A_521 : vector<1x1600xf32>
    %mul3A_524 = arith.mulf %add3A_493, %mul3A_523 : vector<1x1600xf32>
    %mul3A_525 = arith.mulf %mul3A_524, %convert_element_type3A_475 : vector<1x1600xf32>
    %reduce_sum3A_526 = vector.shape_cast %mul3A_525 : vector<1x1600xf32> to vector<1x1x1600xf32>
    %reduce_sum3A_527 = arith.constant dense<0.000000e+00> : vector<1xf32>
    %reduce_sum3A_528 = vector.multi_reduction <add>, %reduce_sum3A_526, %reduce_sum3A_527 [1, 2] : vector<1x1x1600xf32> to vector<1xf32>
    %reduce_sum3A_529 = vector.shape_cast %reduce_sum3A_528 : vector<1xf32> to vector<1x1x1xf32>
    %reduce_sum3A_530 = vector.extract %reduce_sum3A_529[0, 0, 0] : f32 from vector<1x1x1xf32>
    %add3A_531 = arith.constant 0.000000e+00 : f32
    %add3A_532 = arith.addf %add3A_531, %reduce_sum3A_530 : f32
    %sub3A_533 = arith.constant 1.000000e+00 : f32
    %sub3A_534 = vector.broadcast %sub3A_533 : f32 to vector<1x1600xf32>
    %sub3A_535 = arith.subf %sub3A_534, %convert_element_type3A_475 : vector<1x1600xf32>
    %mul3A_536 = arith.mulf %mul3A_524, %sub3A_535 : vector<1x1600xf32>
    %reduce_sum3A_537 = vector.shape_cast %mul3A_536 : vector<1x1600xf32> to vector<1x1x1600xf32>
    %reduce_sum3A_538 = arith.constant dense<0.000000e+00> : vector<1xf32>
    %reduce_sum3A_539 = vector.multi_reduction <add>, %reduce_sum3A_537, %reduce_sum3A_538 [1, 2] : vector<1x1x1600xf32> to vector<1xf32>
    %reduce_sum3A_540 = vector.shape_cast %reduce_sum3A_539 : vector<1xf32> to vector<1x1x1xf32>
    %reduce_sum3A_541 = vector.extract %reduce_sum3A_540[0, 0, 0] : f32 from vector<1x1x1xf32>
    %add3A_542 = arith.constant 0.000000e+00 : f32
    %add3A_543 = arith.addf %add3A_542, %reduce_sum3A_541 : f32
    %get3A_544 = arith.constant 0 : index
    %get3A_545 = arith.constant 1 : index
    %get3A_546 = arith.constant 4 : index
    %get3A_547 = arith.constant 0 : index
    %get3A_548 = vector.load %arg2[%get3A_544, %get3A_545, %get3A_546, %get3A_547] : memref<1x3x8x1600xf32, #tpu.memory_space<vmem>>, vector<1x1x1x1600xf32>
    %get3A_549 = vector.shape_cast %get3A_548 : vector<1x1x1x1600xf32> to vector<1x1600xf32>
    %max3A_550 = arith.constant 0.000000e+00 : f32
    %max3A_551 = vector.broadcast %max3A_550 : f32 to vector<1x1600xf32>
    %max3A_552 = arith.maximumf %get3A_549, %max3A_551 : vector<1x1600xf32>
    %mul3A_553 = arith.mulf %get3A_549, %convert_element_type3A_475 : vector<1x1600xf32>
    %sub3A_554 = arith.subf %max3A_552, %mul3A_553 : vector<1x1600xf32>
    %abs3A_555 = math.absf %get3A_549 : vector<1x1600xf32>
    %neg3A_556 = arith.constant 0.000000e+00 : f32
    %neg3A_557 = vector.broadcast %neg3A_556 : f32 to vector<1x1600xf32>
    %neg3A_558 = arith.subf %neg3A_557, %abs3A_555 : vector<1x1600xf32>
    %exp3A_559 = math.exp %neg3A_558 : vector<1x1600xf32>
    %log1p3A_560 = math.log1p %exp3A_559 : vector<1x1600xf32>
    %add3A_561 = arith.addf %sub3A_554, %log1p3A_560 : vector<1x1600xf32>
    %logistic3A_562 = arith.negf %get3A_549 : vector<1x1600xf32>
    %logistic3A_563 = math.exp %logistic3A_562 : vector<1x1600xf32>
    %logistic3A_564 = arith.constant 1.000000e+00 : f32
    %logistic3A_565 = vector.broadcast %logistic3A_564 : f32 to vector<1x1600xf32>
    %logistic3A_566 = arith.addf %logistic3A_565, %logistic3A_563 : vector<1x1600xf32>
    %logistic3A_567 = arith.divf %logistic3A_565, %logistic3A_566 : vector<1x1600xf32>
    %mul3A_568 = arith.mulf %logistic3A_567, %convert_element_type3A_475 : vector<1x1600xf32>
    %sub3A_569 = arith.constant 1.000000e+00 : f32
    %sub3A_570 = vector.broadcast %sub3A_569 : f32 to vector<1x1600xf32>
    %sub3A_571 = arith.subf %sub3A_570, %logistic3A_567 : vector<1x1600xf32>
    %sub3A_572 = arith.constant 1.000000e+00 : f32
    %sub3A_573 = vector.broadcast %sub3A_572 : f32 to vector<1x1600xf32>
    %sub3A_574 = arith.subf %sub3A_573, %convert_element_type3A_475 : vector<1x1600xf32>
    %mul3A_575 = arith.mulf %sub3A_571, %sub3A_574 : vector<1x1600xf32>
    %add3A_576 = arith.addf %mul3A_568, %mul3A_575 : vector<1x1600xf32>
    %mul3A_577 = arith.constant 2.500000e-01 : f32
    %mul3A_578 = vector.broadcast %mul3A_577 : f32 to vector<1x1600xf32>
    %mul3A_579 = arith.mulf %mul3A_578, %convert_element_type3A_475 : vector<1x1600xf32>
    %sub3A_580 = arith.constant 1.000000e+00 : f32
    %sub3A_581 = vector.broadcast %sub3A_580 : f32 to vector<1x1600xf32>
    %sub3A_582 = arith.subf %sub3A_581, %convert_element_type3A_475 : vector<1x1600xf32>
    %mul3A_583 = arith.constant 7.500000e-01 : f32
    %mul3A_584 = vector.broadcast %mul3A_583 : f32 to vector<1x1600xf32>
    %mul3A_585 = arith.mulf %mul3A_584, %sub3A_582 : vector<1x1600xf32>
    %add3A_586 = arith.addf %mul3A_579, %mul3A_585 : vector<1x1600xf32>
    %sub3A_587 = arith.constant 1.000000e+00 : f32
    %sub3A_588 = vector.broadcast %sub3A_587 : f32 to vector<1x1600xf32>
    %sub3A_589 = arith.subf %sub3A_588, %add3A_576 : vector<1x1600xf32>
    %mul3A_590 = arith.mulf %add3A_586, %sub3A_589 : vector<1x1600xf32>
    %mul3A_591 = arith.mulf %mul3A_590, %sub3A_589 : vector<1x1600xf32>
    %mul3A_592 = arith.mulf %add3A_561, %mul3A_591 : vector<1x1600xf32>
    %mul3A_593 = arith.mulf %mul3A_592, %convert_element_type3A_475 : vector<1x1600xf32>
    %reduce_sum3A_594 = vector.shape_cast %mul3A_593 : vector<1x1600xf32> to vector<1x1x1600xf32>
    %reduce_sum3A_595 = arith.constant dense<0.000000e+00> : vector<1xf32>
    %reduce_sum3A_596 = vector.multi_reduction <add>, %reduce_sum3A_594, %reduce_sum3A_595 [1, 2] : vector<1x1x1600xf32> to vector<1xf32>
    %reduce_sum3A_597 = vector.shape_cast %reduce_sum3A_596 : vector<1xf32> to vector<1x1x1xf32>
    %reduce_sum3A_598 = vector.extract %reduce_sum3A_597[0, 0, 0] : f32 from vector<1x1x1xf32>
    %add3A_599 = arith.addf %add3A_532, %reduce_sum3A_598 : f32
    %sub3A_600 = arith.constant 1.000000e+00 : f32
    %sub3A_601 = vector.broadcast %sub3A_600 : f32 to vector<1x1600xf32>
    %sub3A_602 = arith.subf %sub3A_601, %convert_element_type3A_475 : vector<1x1600xf32>
    %mul3A_603 = arith.mulf %mul3A_592, %sub3A_602 : vector<1x1600xf32>
    %reduce_sum3A_604 = vector.shape_cast %mul3A_603 : vector<1x1600xf32> to vector<1x1x1600xf32>
    %reduce_sum3A_605 = arith.constant dense<0.000000e+00> : vector<1xf32>
    %reduce_sum3A_606 = vector.multi_reduction <add>, %reduce_sum3A_604, %reduce_sum3A_605 [1, 2] : vector<1x1x1600xf32> to vector<1xf32>
    %reduce_sum3A_607 = vector.shape_cast %reduce_sum3A_606 : vector<1xf32> to vector<1x1x1xf32>
    %reduce_sum3A_608 = vector.extract %reduce_sum3A_607[0, 0, 0] : f32 from vector<1x1x1xf32>
    %add3A_609 = arith.addf %add3A_543, %reduce_sum3A_608 : f32
    %get3A_610 = arith.constant 0 : index
    %get3A_611 = arith.constant 2 : index
    %get3A_612 = arith.constant 4 : index
    %get3A_613 = arith.constant 0 : index
    %get3A_614 = vector.load %arg2[%get3A_610, %get3A_611, %get3A_612, %get3A_613] : memref<1x3x8x1600xf32, #tpu.memory_space<vmem>>, vector<1x1x1x1600xf32>
    %get3A_615 = vector.shape_cast %get3A_614 : vector<1x1x1x1600xf32> to vector<1x1600xf32>
    %max3A_616 = arith.constant 0.000000e+00 : f32
    %max3A_617 = vector.broadcast %max3A_616 : f32 to vector<1x1600xf32>
    %max3A_618 = arith.maximumf %get3A_615, %max3A_617 : vector<1x1600xf32>
    %mul3A_619 = arith.mulf %get3A_615, %convert_element_type3A_475 : vector<1x1600xf32>
    %sub3A_620 = arith.subf %max3A_618, %mul3A_619 : vector<1x1600xf32>
    %abs3A_621 = math.absf %get3A_615 : vector<1x1600xf32>
    %neg3A_622 = arith.constant 0.000000e+00 : f32
    %neg3A_623 = vector.broadcast %neg3A_622 : f32 to vector<1x1600xf32>
    %neg3A_624 = arith.subf %neg3A_623, %abs3A_621 : vector<1x1600xf32>
    %exp3A_625 = math.exp %neg3A_624 : vector<1x1600xf32>
    %log1p3A_626 = math.log1p %exp3A_625 : vector<1x1600xf32>
    %add3A_627 = arith.addf %sub3A_620, %log1p3A_626 : vector<1x1600xf32>
    %logistic3A_628 = arith.negf %get3A_615 : vector<1x1600xf32>
    %logistic3A_629 = math.exp %logistic3A_628 : vector<1x1600xf32>
    %logistic3A_630 = arith.constant 1.000000e+00 : f32
    %logistic3A_631 = vector.broadcast %logistic3A_630 : f32 to vector<1x1600xf32>
    %logistic3A_632 = arith.addf %logistic3A_631, %logistic3A_629 : vector<1x1600xf32>
    %logistic3A_633 = arith.divf %logistic3A_631, %logistic3A_632 : vector<1x1600xf32>
    %mul3A_634 = arith.mulf %logistic3A_633, %convert_element_type3A_475 : vector<1x1600xf32>
    %sub3A_635 = arith.constant 1.000000e+00 : f32
    %sub3A_636 = vector.broadcast %sub3A_635 : f32 to vector<1x1600xf32>
    %sub3A_637 = arith.subf %sub3A_636, %logistic3A_633 : vector<1x1600xf32>
    %sub3A_638 = arith.constant 1.000000e+00 : f32
    %sub3A_639 = vector.broadcast %sub3A_638 : f32 to vector<1x1600xf32>
    %sub3A_640 = arith.subf %sub3A_639, %convert_element_type3A_475 : vector<1x1600xf32>
    %mul3A_641 = arith.mulf %sub3A_637, %sub3A_640 : vector<1x1600xf32>
    %add3A_642 = arith.addf %mul3A_634, %mul3A_641 : vector<1x1600xf32>
    %mul3A_643 = arith.constant 2.500000e-01 : f32
    %mul3A_644 = vector.broadcast %mul3A_643 : f32 to vector<1x1600xf32>
    %mul3A_645 = arith.mulf %mul3A_644, %convert_element_type3A_475 : vector<1x1600xf32>
    %sub3A_646 = arith.constant 1.000000e+00 : f32
    %sub3A_647 = vector.broadcast %sub3A_646 : f32 to vector<1x1600xf32>
    %sub3A_648 = arith.subf %sub3A_647, %convert_element_type3A_475 : vector<1x1600xf32>
    %mul3A_649 = arith.constant 7.500000e-01 : f32
    %mul3A_650 = vector.broadcast %mul3A_649 : f32 to vector<1x1600xf32>
    %mul3A_651 = arith.mulf %mul3A_650, %sub3A_648 : vector<1x1600xf32>
    %add3A_652 = arith.addf %mul3A_645, %mul3A_651 : vector<1x1600xf32>
    %sub3A_653 = arith.constant 1.000000e+00 : f32
    %sub3A_654 = vector.broadcast %sub3A_653 : f32 to vector<1x1600xf32>
    %sub3A_655 = arith.subf %sub3A_654, %add3A_642 : vector<1x1600xf32>
    %mul3A_656 = arith.mulf %add3A_652, %sub3A_655 : vector<1x1600xf32>
    %mul3A_657 = arith.mulf %mul3A_656, %sub3A_655 : vector<1x1600xf32>
    %mul3A_658 = arith.mulf %add3A_627, %mul3A_657 : vector<1x1600xf32>
    %mul3A_659 = arith.mulf %mul3A_658, %convert_element_type3A_475 : vector<1x1600xf32>
    %reduce_sum3A_660 = vector.shape_cast %mul3A_659 : vector<1x1600xf32> to vector<1x1x1600xf32>
    %reduce_sum3A_661 = arith.constant dense<0.000000e+00> : vector<1xf32>
    %reduce_sum3A_662 = vector.multi_reduction <add>, %reduce_sum3A_660, %reduce_sum3A_661 [1, 2] : vector<1x1x1600xf32> to vector<1xf32>
    %reduce_sum3A_663 = vector.shape_cast %reduce_sum3A_662 : vector<1xf32> to vector<1x1x1xf32>
    %reduce_sum3A_664 = vector.extract %reduce_sum3A_663[0, 0, 0] : f32 from vector<1x1x1xf32>
    %add3A_665 = arith.addf %add3A_599, %reduce_sum3A_664 : f32
    %sub3A_666 = arith.constant 1.000000e+00 : f32
    %sub3A_667 = vector.broadcast %sub3A_666 : f32 to vector<1x1600xf32>
    %sub3A_668 = arith.subf %sub3A_667, %convert_element_type3A_475 : vector<1x1600xf32>
    %mul3A_669 = arith.mulf %mul3A_658, %sub3A_668 : vector<1x1600xf32>
    %reduce_sum3A_670 = vector.shape_cast %mul3A_669 : vector<1x1600xf32> to vector<1x1x1600xf32>
    %reduce_sum3A_671 = arith.constant dense<0.000000e+00> : vector<1xf32>
    %reduce_sum3A_672 = vector.multi_reduction <add>, %reduce_sum3A_670, %reduce_sum3A_671 [1, 2] : vector<1x1x1600xf32> to vector<1xf32>
    %reduce_sum3A_673 = vector.shape_cast %reduce_sum3A_672 : vector<1xf32> to vector<1x1x1xf32>
    %reduce_sum3A_674 = vector.extract %reduce_sum3A_673[0, 0, 0] : f32 from vector<1x1x1xf32>
    %add3A_675 = arith.addf %add3A_609, %reduce_sum3A_674 : f32
    %reduce_sum3A_676 = vector.shape_cast %convert_element_type3A_475 : vector<1x1600xf32> to vector<1x1x1600xf32>
    %reduce_sum3A_677 = arith.constant dense<0.000000e+00> : vector<1xf32>
    %reduce_sum3A_678 = vector.multi_reduction <add>, %reduce_sum3A_676, %reduce_sum3A_677 [1, 2] : vector<1x1x1600xf32> to vector<1xf32>
    %reduce_sum3A_679 = vector.shape_cast %reduce_sum3A_678 : vector<1xf32> to vector<1x1x1xf32>
    %reduce_sum3A_680 = vector.extract %reduce_sum3A_679[0, 0, 0] : f32 from vector<1x1x1xf32>
    %mul3A_681 = arith.constant 3.000000e+00 : f32
    %mul3A_682 = arith.mulf %mul3A_681, %reduce_sum3A_680 : f32
    %eq3A_683 = arith.constant 3 : i32
    %eq3A_684 = vector.broadcast %eq3A_683 : i32 to vector<1x128xi32>
    %eq3A_685 = arith.cmpi eq, %iota3A, %eq3A_684 : vector<1x128xi32>
    %jit3A_686 = arith.constant 0.000000e+00 : f32
    %broadcast_in_dim3A_687 = vector.broadcast %add3A_665 : f32 to vector<1x128xf32>
    %broadcast_in_dim3A_688 = vector.broadcast %jit3A_686 : f32 to vector<1x128xf32>
    %select_n3A_689 = arith.select %eq3A_685, %broadcast_in_dim3A_687, %broadcast_in_dim3A_688 : vector<1x128xi1>, vector<1x128xf32>
    %add3A_690 = arith.addf %add3A_350, %select_n3A_689 : vector<1x128xf32>
    %eq3A_691 = arith.constant 4 : i32
    %eq3A_692 = vector.broadcast %eq3A_691 : i32 to vector<1x128xi32>
    %eq3A_693 = arith.cmpi eq, %iota3A, %eq3A_692 : vector<1x128xi32>
    %jit3A_694 = arith.constant 0.000000e+00 : f32
    %broadcast_in_dim3A_695 = vector.broadcast %add3A_675 : f32 to vector<1x128xf32>
    %broadcast_in_dim3A_696 = vector.broadcast %jit3A_694 : f32 to vector<1x128xf32>
    %select_n3A_697 = arith.select %eq3A_693, %broadcast_in_dim3A_695, %broadcast_in_dim3A_696 : vector<1x128xi1>, vector<1x128xf32>
    %add3A_698 = arith.addf %add3A_690, %select_n3A_697 : vector<1x128xf32>
    %eq3A_699 = arith.constant 5 : i32
    %eq3A_700 = vector.broadcast %eq3A_699 : i32 to vector<1x128xi32>
    %eq3A_701 = arith.cmpi eq, %iota3A, %eq3A_700 : vector<1x128xi32>
    %jit3A_702 = arith.constant 0.000000e+00 : f32
    %broadcast_in_dim3A_703 = vector.broadcast %mul3A_682 : f32 to vector<1x128xf32>
    %broadcast_in_dim3A_704 = vector.broadcast %jit3A_702 : f32 to vector<1x128xf32>
    %select_n3A_705 = arith.select %eq3A_701, %broadcast_in_dim3A_703, %broadcast_in_dim3A_704 : vector<1x128xi1>, vector<1x128xf32>
    %add3A_706 = arith.addf %add3A_698, %select_n3A_705 : vector<1x128xf32>
    %slice3A_707 = vector.extract_strided_slice %get3A_9 {offsets = [0, 0], sizes = [32, 1], strides = [1, 1]} : vector<32x4xf32> to vector<32x1xf32>
    %slice3A_708 = vector.extract_strided_slice %get3A_9 {offsets = [0, 1], sizes = [32, 1], strides = [1, 1]} : vector<32x4xf32> to vector<32x1xf32>
    %slice3A_709 = vector.extract_strided_slice %get3A_9 {offsets = [0, 2], sizes = [32, 1], strides = [1, 1]} : vector<32x4xf32> to vector<32x1xf32>
    %slice3A_710 = vector.extract_strided_slice %get3A_9 {offsets = [0, 3], sizes = [32, 1], strides = [1, 1]} : vector<32x4xf32> to vector<32x1xf32>
    %sub3A_711 = arith.subf %slice3A_709, %slice3A_707 : vector<32x1xf32>
    %div3A_712 = arith.constant 6.400000e+02 : f32
    %div3A_713 = vector.broadcast %div3A_712 : f32 to vector<32x1xf32>
    %div3A_714 = arith.divf %sub3A_711, %div3A_713 : vector<32x1xf32>
    %jit3A_715 = arith.constant 9.99999997E-7 : f32
    %jit3A_716 = arith.constant 1.000000e+00 : f32
    %max3A_717 = vector.broadcast %jit3A_715 : f32 to vector<32x1xf32>
    %max3A_718 = arith.maximumf %max3A_717, %div3A_714 : vector<32x1xf32>
    %min3A_719 = vector.broadcast %jit3A_716 : f32 to vector<32x1xf32>
    %min3A_720 = arith.minimumf %min3A_719, %max3A_718 : vector<32x1xf32>
    %sub3A_721 = arith.subf %slice3A_710, %slice3A_708 : vector<32x1xf32>
    %div3A_722 = arith.constant 6.400000e+02 : f32
    %div3A_723 = vector.broadcast %div3A_722 : f32 to vector<32x1xf32>
    %div3A_724 = arith.divf %sub3A_721, %div3A_723 : vector<32x1xf32>
    %jit3A_725 = arith.constant 9.99999997E-7 : f32
    %jit3A_726 = arith.constant 1.000000e+00 : f32
    %max3A_727 = vector.broadcast %jit3A_725 : f32 to vector<32x1xf32>
    %max3A_728 = arith.maximumf %max3A_727, %div3A_724 : vector<32x1xf32>
    %min3A_729 = vector.broadcast %jit3A_726 : f32 to vector<32x1xf32>
    %min3A_730 = arith.minimumf %min3A_729, %max3A_728 : vector<32x1xf32>
    %max3A_731 = arith.maximumf %min3A_720, %min3A_730 : vector<32x1xf32>
    %lt3A_732 = arith.constant 1.500000e-01 : f32
    %lt3A_733 = vector.broadcast %lt3A_732 : f32 to vector<32x1xf32>
    %lt3A_734 = arith.cmpf olt, %max3A_731, %lt3A_733 : vector<32x1xf32>
    %lt3A_735 = arith.constant 4.500000e-01 : f32
    %lt3A_736 = vector.broadcast %lt3A_735 : f32 to vector<32x1xf32>
    %lt3A_737 = arith.cmpf olt, %max3A_731, %lt3A_736 : vector<32x1xf32>
    %jit3A_738 = arith.constant 1 : i32
    %jit3A_739 = arith.constant 2 : i32
    %broadcast_in_dim3A_740 = vector.broadcast %jit3A_738 : i32 to vector<32x1xi32>
    %broadcast_in_dim3A_741 = vector.broadcast %jit3A_739 : i32 to vector<32x1xi32>
    %select_n3A_742 = arith.select %lt3A_737, %broadcast_in_dim3A_740, %broadcast_in_dim3A_741 : vector<32x1xi1>, vector<32x1xi32>
    %jit3A_743 = arith.constant 0 : i32
    %broadcast_in_dim3A_744 = vector.broadcast %jit3A_743 : i32 to vector<32x1xi32>
    %select_n3A_745 = arith.select %lt3A_734, %broadcast_in_dim3A_744, %select_n3A_742 : vector<32x1xi1>, vector<32x1xi32>
    %jit3A_746 = arith.constant 0 : i32
    %jit3A_747 = arith.constant 2 : i32
    %max3A_748 = vector.broadcast %jit3A_746 : i32 to vector<32x1xi32>
    %max3A_749 = arith.maxsi %max3A_748, %select_n3A_745 : vector<32x1xi32>
    %min3A_750 = vector.broadcast %jit3A_747 : i32 to vector<32x1xi32>
    %min3A_751 = arith.minsi %min3A_750, %max3A_749 : vector<32x1xi32>
    %ge3A_752 = arith.constant 0 : i32
    %ge3A_753 = vector.broadcast %ge3A_752 : i32 to vector<32x1xi32>
    %ge3A_754 = arith.cmpi sge, %get3A_14, %ge3A_753 : vector<32x1xi32>
    %lt3A_755 = arith.constant 80 : i32
    %lt3A_756 = vector.broadcast %lt3A_755 : i32 to vector<32x1xi32>
    %lt3A_757 = arith.cmpi slt, %get3A_14, %lt3A_756 : vector<32x1xi32>
    %and3A_758 = arith.andi %ge3A_754, %lt3A_757 : vector<32x1xi1>
    %eq3A_759 = arith.constant 2 : i32
    %eq3A_760 = vector.broadcast %eq3A_759 : i32 to vector<32x1xi32>
    %eq3A_761 = arith.cmpi eq, %min3A_751, %eq3A_760 : vector<32x1xi32>
    %and3A_762 = arith.andi %eq3A_761, %and3A_758 : vector<32x1xi1>
    %convert_element_type3A_763 = arith.extui %and3A_762 : vector<32x1xi1> to vector<32x1xi32>
    %convert_element_type3A_764 = arith.sitofp %convert_element_type3A_763 : vector<32x1xi32> to vector<32x1xf32>
    %add3A_765 = arith.addf %slice3A_707, %slice3A_709 : vector<32x1xf32>
    %mul3A_766 = arith.constant 5.000000e-01 : f32
    %mul3A_767 = vector.broadcast %mul3A_766 : f32 to vector<32x1xf32>
    %mul3A_768 = arith.mulf %add3A_765, %mul3A_767 : vector<32x1xf32>
    %div3A_769 = arith.constant 6.400000e+02 : f32
    %div3A_770 = vector.broadcast %div3A_769 : f32 to vector<32x1xf32>
    %div3A_771 = arith.divf %mul3A_768, %div3A_770 : vector<32x1xf32>
    %jit3A_772 = arith.constant 0.000000e+00 : f32
    %jit3A_773 = arith.constant 0.999998986 : f32
    %max3A_774 = vector.broadcast %jit3A_772 : f32 to vector<32x1xf32>
    %max3A_775 = arith.maximumf %max3A_774, %div3A_771 : vector<32x1xf32>
    %min3A_776 = vector.broadcast %jit3A_773 : f32 to vector<32x1xf32>
    %min3A_777 = arith.minimumf %min3A_776, %max3A_775 : vector<32x1xf32>
    %add3A_778 = arith.addf %slice3A_708, %slice3A_710 : vector<32x1xf32>
    %mul3A_779 = arith.constant 5.000000e-01 : f32
    %mul3A_780 = vector.broadcast %mul3A_779 : f32 to vector<32x1xf32>
    %mul3A_781 = arith.mulf %add3A_778, %mul3A_780 : vector<32x1xf32>
    %div3A_782 = arith.constant 6.400000e+02 : f32
    %div3A_783 = vector.broadcast %div3A_782 : f32 to vector<32x1xf32>
    %div3A_784 = arith.divf %mul3A_781, %div3A_783 : vector<32x1xf32>
    %jit3A_785 = arith.constant 0.000000e+00 : f32
    %jit3A_786 = arith.constant 0.999998986 : f32
    %max3A_787 = vector.broadcast %jit3A_785 : f32 to vector<32x1xf32>
    %max3A_788 = arith.maximumf %max3A_787, %div3A_784 : vector<32x1xf32>
    %min3A_789 = vector.broadcast %jit3A_786 : f32 to vector<32x1xf32>
    %min3A_790 = arith.minimumf %min3A_789, %max3A_788 : vector<32x1xf32>
    %mul3A_791 = arith.constant 2.000000e+01 : f32
    %mul3A_792 = vector.broadcast %mul3A_791 : f32 to vector<32x1xf32>
    %mul3A_793 = arith.mulf %min3A_777, %mul3A_792 : vector<32x1xf32>
    %floor3A_794 = math.floor %mul3A_793 : vector<32x1xf32>
    %convert_element_type3A_795 = arith.fptosi %floor3A_794 : vector<32x1xf32> to vector<32x1xi32>
    %jit3A_796 = arith.constant 0 : i32
    %jit3A_797 = arith.constant 19 : i32
    %max3A_798 = vector.broadcast %jit3A_796 : i32 to vector<32x1xi32>
    %max3A_799 = arith.maxsi %max3A_798, %convert_element_type3A_795 : vector<32x1xi32>
    %min3A_800 = vector.broadcast %jit3A_797 : i32 to vector<32x1xi32>
    %min3A_801 = arith.minsi %min3A_800, %max3A_799 : vector<32x1xi32>
    %mul3A_802 = arith.constant 2.000000e+01 : f32
    %mul3A_803 = vector.broadcast %mul3A_802 : f32 to vector<32x1xf32>
    %mul3A_804 = arith.mulf %min3A_790, %mul3A_803 : vector<32x1xf32>
    %floor3A_805 = math.floor %mul3A_804 : vector<32x1xf32>
    %convert_element_type3A_806 = arith.fptosi %floor3A_805 : vector<32x1xf32> to vector<32x1xi32>
    %jit3A_807 = arith.constant 0 : i32
    %jit3A_808 = arith.constant 19 : i32
    %max3A_809 = vector.broadcast %jit3A_807 : i32 to vector<32x1xi32>
    %max3A_810 = arith.maxsi %max3A_809, %convert_element_type3A_806 : vector<32x1xi32>
    %min3A_811 = vector.broadcast %jit3A_808 : i32 to vector<32x1xi32>
    %min3A_812 = arith.minsi %min3A_811, %max3A_810 : vector<32x1xi32>
    %mul3A_813 = arith.constant 20 : i32
    %mul3A_814 = vector.broadcast %mul3A_813 : i32 to vector<32x1xi32>
    %mul3A_815 = arith.muli %min3A_812, %mul3A_814 : vector<32x1xi32>
    %add3A_816 = arith.addi %mul3A_815, %min3A_801 : vector<32x1xi32>
    %iota3A_817 = tpu.iota {dimensions = array<i32: 1>} : vector<32x400xi32>
    %eq3A_818 = vector.broadcast %add3A_816 : vector<32x1xi32> to vector<32x400xi32>
    %eq3A_819 = arith.cmpi eq, %iota3A_817, %eq3A_818 : vector<32x400xi32>
    %convert_element_type3A_820 = arith.extui %eq3A_819 : vector<32x400xi1> to vector<32x400xi32>
    %convert_element_type3A_821 = arith.sitofp %convert_element_type3A_820 : vector<32x400xi32> to vector<32x400xf32>
    %mul3A_822 = vector.broadcast %convert_element_type3A_764 : vector<32x1xf32> to vector<32x400xf32>
    %mul3A_823 = arith.mulf %convert_element_type3A_821, %mul3A_822 : vector<32x400xf32>
    %reduce_sum3A_824 = arith.constant dense<0.000000e+00> : vector<400xf32>
    %reduce_sum3A_825 = vector.multi_reduction <add>, %mul3A_823, %reduce_sum3A_824 [0] : vector<32x400xf32> to vector<400xf32>
    %broadcast_in_dim3A_826 = vector.shape_cast %reduce_sum3A_825 : vector<400xf32> to vector<1x400xf32>
    %gt3A_827 = arith.constant 5.000000e-01 : f32
    %gt3A_828 = vector.broadcast %gt3A_827 : f32 to vector<1x400xf32>
    %gt3A_829 = arith.cmpf ogt, %broadcast_in_dim3A_826, %gt3A_828 : vector<1x400xf32>
    %convert_element_type3A_830 = arith.extui %gt3A_829 : vector<1x400xi1> to vector<1x400xi32>
    %convert_element_type3A_831 = arith.sitofp %convert_element_type3A_830 : vector<1x400xi32> to vector<1x400xf32>
    %get3A_832 = arith.constant 0 : index
    %get3A_833 = arith.constant 0 : index
    %get3A_834 = arith.constant 4 : index
    %get3A_835 = arith.constant 0 : index
    %get3A_836 = vector.load %arg3[%get3A_832, %get3A_833, %get3A_834, %get3A_835] : memref<1x3x8x400xf32, #tpu.memory_space<vmem>>, vector<1x1x1x400xf32>
    %get3A_837 = vector.shape_cast %get3A_836 : vector<1x1x1x400xf32> to vector<1x400xf32>
    %max3A_838 = arith.constant 0.000000e+00 : f32
    %max3A_839 = vector.broadcast %max3A_838 : f32 to vector<1x400xf32>
    %max3A_840 = arith.maximumf %get3A_837, %max3A_839 : vector<1x400xf32>
    %mul3A_841 = arith.mulf %get3A_837, %convert_element_type3A_831 : vector<1x400xf32>
    %sub3A_842 = arith.subf %max3A_840, %mul3A_841 : vector<1x400xf32>
    %abs3A_843 = math.absf %get3A_837 : vector<1x400xf32>
    %neg3A_844 = arith.constant 0.000000e+00 : f32
    %neg3A_845 = vector.broadcast %neg3A_844 : f32 to vector<1x400xf32>
    %neg3A_846 = arith.subf %neg3A_845, %abs3A_843 : vector<1x400xf32>
    %exp3A_847 = math.exp %neg3A_846 : vector<1x400xf32>
    %log1p3A_848 = math.log1p %exp3A_847 : vector<1x400xf32>
    %add3A_849 = arith.addf %sub3A_842, %log1p3A_848 : vector<1x400xf32>
    %logistic3A_850 = arith.negf %get3A_837 : vector<1x400xf32>
    %logistic3A_851 = math.exp %logistic3A_850 : vector<1x400xf32>
    %logistic3A_852 = arith.constant 1.000000e+00 : f32
    %logistic3A_853 = vector.broadcast %logistic3A_852 : f32 to vector<1x400xf32>
    %logistic3A_854 = arith.addf %logistic3A_853, %logistic3A_851 : vector<1x400xf32>
    %logistic3A_855 = arith.divf %logistic3A_853, %logistic3A_854 : vector<1x400xf32>
    %mul3A_856 = arith.mulf %logistic3A_855, %convert_element_type3A_831 : vector<1x400xf32>
    %sub3A_857 = arith.constant 1.000000e+00 : f32
    %sub3A_858 = vector.broadcast %sub3A_857 : f32 to vector<1x400xf32>
    %sub3A_859 = arith.subf %sub3A_858, %logistic3A_855 : vector<1x400xf32>
    %sub3A_860 = arith.constant 1.000000e+00 : f32
    %sub3A_861 = vector.broadcast %sub3A_860 : f32 to vector<1x400xf32>
    %sub3A_862 = arith.subf %sub3A_861, %convert_element_type3A_831 : vector<1x400xf32>
    %mul3A_863 = arith.mulf %sub3A_859, %sub3A_862 : vector<1x400xf32>
    %add3A_864 = arith.addf %mul3A_856, %mul3A_863 : vector<1x400xf32>
    %mul3A_865 = arith.constant 2.500000e-01 : f32
    %mul3A_866 = vector.broadcast %mul3A_865 : f32 to vector<1x400xf32>
    %mul3A_867 = arith.mulf %mul3A_866, %convert_element_type3A_831 : vector<1x400xf32>
    %sub3A_868 = arith.constant 1.000000e+00 : f32
    %sub3A_869 = vector.broadcast %sub3A_868 : f32 to vector<1x400xf32>
    %sub3A_870 = arith.subf %sub3A_869, %convert_element_type3A_831 : vector<1x400xf32>
    %mul3A_871 = arith.constant 7.500000e-01 : f32
    %mul3A_872 = vector.broadcast %mul3A_871 : f32 to vector<1x400xf32>
    %mul3A_873 = arith.mulf %mul3A_872, %sub3A_870 : vector<1x400xf32>
    %add3A_874 = arith.addf %mul3A_867, %mul3A_873 : vector<1x400xf32>
    %sub3A_875 = arith.constant 1.000000e+00 : f32
    %sub3A_876 = vector.broadcast %sub3A_875 : f32 to vector<1x400xf32>
    %sub3A_877 = arith.subf %sub3A_876, %add3A_864 : vector<1x400xf32>
    %mul3A_878 = arith.mulf %add3A_874, %sub3A_877 : vector<1x400xf32>
    %mul3A_879 = arith.mulf %mul3A_878, %sub3A_877 : vector<1x400xf32>
    %mul3A_880 = arith.mulf %add3A_849, %mul3A_879 : vector<1x400xf32>
    %mul3A_881 = arith.mulf %mul3A_880, %convert_element_type3A_831 : vector<1x400xf32>
    %reduce_sum3A_882 = vector.shape_cast %mul3A_881 : vector<1x400xf32> to vector<1x1x400xf32>
    %reduce_sum3A_883 = arith.constant dense<0.000000e+00> : vector<1xf32>
    %reduce_sum3A_884 = vector.multi_reduction <add>, %reduce_sum3A_882, %reduce_sum3A_883 [1, 2] : vector<1x1x400xf32> to vector<1xf32>
    %reduce_sum3A_885 = vector.shape_cast %reduce_sum3A_884 : vector<1xf32> to vector<1x1x1xf32>
    %reduce_sum3A_886 = vector.extract %reduce_sum3A_885[0, 0, 0] : f32 from vector<1x1x1xf32>
    %add3A_887 = arith.constant 0.000000e+00 : f32
    %add3A_888 = arith.addf %add3A_887, %reduce_sum3A_886 : f32
    %sub3A_889 = arith.constant 1.000000e+00 : f32
    %sub3A_890 = vector.broadcast %sub3A_889 : f32 to vector<1x400xf32>
    %sub3A_891 = arith.subf %sub3A_890, %convert_element_type3A_831 : vector<1x400xf32>
    %mul3A_892 = arith.mulf %mul3A_880, %sub3A_891 : vector<1x400xf32>
    %reduce_sum3A_893 = vector.shape_cast %mul3A_892 : vector<1x400xf32> to vector<1x1x400xf32>
    %reduce_sum3A_894 = arith.constant dense<0.000000e+00> : vector<1xf32>
    %reduce_sum3A_895 = vector.multi_reduction <add>, %reduce_sum3A_893, %reduce_sum3A_894 [1, 2] : vector<1x1x400xf32> to vector<1xf32>
    %reduce_sum3A_896 = vector.shape_cast %reduce_sum3A_895 : vector<1xf32> to vector<1x1x1xf32>
    %reduce_sum3A_897 = vector.extract %reduce_sum3A_896[0, 0, 0] : f32 from vector<1x1x1xf32>
    %add3A_898 = arith.constant 0.000000e+00 : f32
    %add3A_899 = arith.addf %add3A_898, %reduce_sum3A_897 : f32
    %get3A_900 = arith.constant 0 : index
    %get3A_901 = arith.constant 1 : index
    %get3A_902 = arith.constant 4 : index
    %get3A_903 = arith.constant 0 : index
    %get3A_904 = vector.load %arg3[%get3A_900, %get3A_901, %get3A_902, %get3A_903] : memref<1x3x8x400xf32, #tpu.memory_space<vmem>>, vector<1x1x1x400xf32>
    %get3A_905 = vector.shape_cast %get3A_904 : vector<1x1x1x400xf32> to vector<1x400xf32>
    %max3A_906 = arith.constant 0.000000e+00 : f32
    %max3A_907 = vector.broadcast %max3A_906 : f32 to vector<1x400xf32>
    %max3A_908 = arith.maximumf %get3A_905, %max3A_907 : vector<1x400xf32>
    %mul3A_909 = arith.mulf %get3A_905, %convert_element_type3A_831 : vector<1x400xf32>
    %sub3A_910 = arith.subf %max3A_908, %mul3A_909 : vector<1x400xf32>
    %abs3A_911 = math.absf %get3A_905 : vector<1x400xf32>
    %neg3A_912 = arith.constant 0.000000e+00 : f32
    %neg3A_913 = vector.broadcast %neg3A_912 : f32 to vector<1x400xf32>
    %neg3A_914 = arith.subf %neg3A_913, %abs3A_911 : vector<1x400xf32>
    %exp3A_915 = math.exp %neg3A_914 : vector<1x400xf32>
    %log1p3A_916 = math.log1p %exp3A_915 : vector<1x400xf32>
    %add3A_917 = arith.addf %sub3A_910, %log1p3A_916 : vector<1x400xf32>
    %logistic3A_918 = arith.negf %get3A_905 : vector<1x400xf32>
    %logistic3A_919 = math.exp %logistic3A_918 : vector<1x400xf32>
    %logistic3A_920 = arith.constant 1.000000e+00 : f32
    %logistic3A_921 = vector.broadcast %logistic3A_920 : f32 to vector<1x400xf32>
    %logistic3A_922 = arith.addf %logistic3A_921, %logistic3A_919 : vector<1x400xf32>
    %logistic3A_923 = arith.divf %logistic3A_921, %logistic3A_922 : vector<1x400xf32>
    %mul3A_924 = arith.mulf %logistic3A_923, %convert_element_type3A_831 : vector<1x400xf32>
    %sub3A_925 = arith.constant 1.000000e+00 : f32
    %sub3A_926 = vector.broadcast %sub3A_925 : f32 to vector<1x400xf32>
    %sub3A_927 = arith.subf %sub3A_926, %logistic3A_923 : vector<1x400xf32>
    %sub3A_928 = arith.constant 1.000000e+00 : f32
    %sub3A_929 = vector.broadcast %sub3A_928 : f32 to vector<1x400xf32>
    %sub3A_930 = arith.subf %sub3A_929, %convert_element_type3A_831 : vector<1x400xf32>
    %mul3A_931 = arith.mulf %sub3A_927, %sub3A_930 : vector<1x400xf32>
    %add3A_932 = arith.addf %mul3A_924, %mul3A_931 : vector<1x400xf32>
    %mul3A_933 = arith.constant 2.500000e-01 : f32
    %mul3A_934 = vector.broadcast %mul3A_933 : f32 to vector<1x400xf32>
    %mul3A_935 = arith.mulf %mul3A_934, %convert_element_type3A_831 : vector<1x400xf32>
    %sub3A_936 = arith.constant 1.000000e+00 : f32
    %sub3A_937 = vector.broadcast %sub3A_936 : f32 to vector<1x400xf32>
    %sub3A_938 = arith.subf %sub3A_937, %convert_element_type3A_831 : vector<1x400xf32>
    %mul3A_939 = arith.constant 7.500000e-01 : f32
    %mul3A_940 = vector.broadcast %mul3A_939 : f32 to vector<1x400xf32>
    %mul3A_941 = arith.mulf %mul3A_940, %sub3A_938 : vector<1x400xf32>
    %add3A_942 = arith.addf %mul3A_935, %mul3A_941 : vector<1x400xf32>
    %sub3A_943 = arith.constant 1.000000e+00 : f32
    %sub3A_944 = vector.broadcast %sub3A_943 : f32 to vector<1x400xf32>
    %sub3A_945 = arith.subf %sub3A_944, %add3A_932 : vector<1x400xf32>
    %mul3A_946 = arith.mulf %add3A_942, %sub3A_945 : vector<1x400xf32>
    %mul3A_947 = arith.mulf %mul3A_946, %sub3A_945 : vector<1x400xf32>
    %mul3A_948 = arith.mulf %add3A_917, %mul3A_947 : vector<1x400xf32>
    %mul3A_949 = arith.mulf %mul3A_948, %convert_element_type3A_831 : vector<1x400xf32>
    %reduce_sum3A_950 = vector.shape_cast %mul3A_949 : vector<1x400xf32> to vector<1x1x400xf32>
    %reduce_sum3A_951 = arith.constant dense<0.000000e+00> : vector<1xf32>
    %reduce_sum3A_952 = vector.multi_reduction <add>, %reduce_sum3A_950, %reduce_sum3A_951 [1, 2] : vector<1x1x400xf32> to vector<1xf32>
    %reduce_sum3A_953 = vector.shape_cast %reduce_sum3A_952 : vector<1xf32> to vector<1x1x1xf32>
    %reduce_sum3A_954 = vector.extract %reduce_sum3A_953[0, 0, 0] : f32 from vector<1x1x1xf32>
    %add3A_955 = arith.addf %add3A_888, %reduce_sum3A_954 : f32
    %sub3A_956 = arith.constant 1.000000e+00 : f32
    %sub3A_957 = vector.broadcast %sub3A_956 : f32 to vector<1x400xf32>
    %sub3A_958 = arith.subf %sub3A_957, %convert_element_type3A_831 : vector<1x400xf32>
    %mul3A_959 = arith.mulf %mul3A_948, %sub3A_958 : vector<1x400xf32>
    %reduce_sum3A_960 = vector.shape_cast %mul3A_959 : vector<1x400xf32> to vector<1x1x400xf32>
    %reduce_sum3A_961 = arith.constant dense<0.000000e+00> : vector<1xf32>
    %reduce_sum3A_962 = vector.multi_reduction <add>, %reduce_sum3A_960, %reduce_sum3A_961 [1, 2] : vector<1x1x400xf32> to vector<1xf32>
    %reduce_sum3A_963 = vector.shape_cast %reduce_sum3A_962 : vector<1xf32> to vector<1x1x1xf32>
    %reduce_sum3A_964 = vector.extract %reduce_sum3A_963[0, 0, 0] : f32 from vector<1x1x1xf32>
    %add3A_965 = arith.addf %add3A_899, %reduce_sum3A_964 : f32
    %get3A_966 = arith.constant 0 : index
    %get3A_967 = arith.constant 2 : index
    %get3A_968 = arith.constant 4 : index
    %get3A_969 = arith.constant 0 : index
    %get3A_970 = vector.load %arg3[%get3A_966, %get3A_967, %get3A_968, %get3A_969] : memref<1x3x8x400xf32, #tpu.memory_space<vmem>>, vector<1x1x1x400xf32>
    %get3A_971 = vector.shape_cast %get3A_970 : vector<1x1x1x400xf32> to vector<1x400xf32>
    %max3A_972 = arith.constant 0.000000e+00 : f32
    %max3A_973 = vector.broadcast %max3A_972 : f32 to vector<1x400xf32>
    %max3A_974 = arith.maximumf %get3A_971, %max3A_973 : vector<1x400xf32>
    %mul3A_975 = arith.mulf %get3A_971, %convert_element_type3A_831 : vector<1x400xf32>
    %sub3A_976 = arith.subf %max3A_974, %mul3A_975 : vector<1x400xf32>
    %abs3A_977 = math.absf %get3A_971 : vector<1x400xf32>
    %neg3A_978 = arith.constant 0.000000e+00 : f32
    %neg3A_979 = vector.broadcast %neg3A_978 : f32 to vector<1x400xf32>
    %neg3A_980 = arith.subf %neg3A_979, %abs3A_977 : vector<1x400xf32>
    %exp3A_981 = math.exp %neg3A_980 : vector<1x400xf32>
    %log1p3A_982 = math.log1p %exp3A_981 : vector<1x400xf32>
    %add3A_983 = arith.addf %sub3A_976, %log1p3A_982 : vector<1x400xf32>
    %logistic3A_984 = arith.negf %get3A_971 : vector<1x400xf32>
    %logistic3A_985 = math.exp %logistic3A_984 : vector<1x400xf32>
    %logistic3A_986 = arith.constant 1.000000e+00 : f32
    %logistic3A_987 = vector.broadcast %logistic3A_986 : f32 to vector<1x400xf32>
    %logistic3A_988 = arith.addf %logistic3A_987, %logistic3A_985 : vector<1x400xf32>
    %logistic3A_989 = arith.divf %logistic3A_987, %logistic3A_988 : vector<1x400xf32>
    %mul3A_990 = arith.mulf %logistic3A_989, %convert_element_type3A_831 : vector<1x400xf32>
    %sub3A_991 = arith.constant 1.000000e+00 : f32
    %sub3A_992 = vector.broadcast %sub3A_991 : f32 to vector<1x400xf32>
    %sub3A_993 = arith.subf %sub3A_992, %logistic3A_989 : vector<1x400xf32>
    %sub3A_994 = arith.constant 1.000000e+00 : f32
    %sub3A_995 = vector.broadcast %sub3A_994 : f32 to vector<1x400xf32>
    %sub3A_996 = arith.subf %sub3A_995, %convert_element_type3A_831 : vector<1x400xf32>
    %mul3A_997 = arith.mulf %sub3A_993, %sub3A_996 : vector<1x400xf32>
    %add3A_998 = arith.addf %mul3A_990, %mul3A_997 : vector<1x400xf32>
    %mul3A_999 = arith.constant 2.500000e-01 : f32
    %mul3A_1000 = vector.broadcast %mul3A_999 : f32 to vector<1x400xf32>
    %mul3A_1001 = arith.mulf %mul3A_1000, %convert_element_type3A_831 : vector<1x400xf32>
    %sub3A_1002 = arith.constant 1.000000e+00 : f32
    %sub3A_1003 = vector.broadcast %sub3A_1002 : f32 to vector<1x400xf32>
    %sub3A_1004 = arith.subf %sub3A_1003, %convert_element_type3A_831 : vector<1x400xf32>
    %mul3A_1005 = arith.constant 7.500000e-01 : f32
    %mul3A_1006 = vector.broadcast %mul3A_1005 : f32 to vector<1x400xf32>
    %mul3A_1007 = arith.mulf %mul3A_1006, %sub3A_1004 : vector<1x400xf32>
    %add3A_1008 = arith.addf %mul3A_1001, %mul3A_1007 : vector<1x400xf32>
    %sub3A_1009 = arith.constant 1.000000e+00 : f32
    %sub3A_1010 = vector.broadcast %sub3A_1009 : f32 to vector<1x400xf32>
    %sub3A_1011 = arith.subf %sub3A_1010, %add3A_998 : vector<1x400xf32>
    %mul3A_1012 = arith.mulf %add3A_1008, %sub3A_1011 : vector<1x400xf32>
    %mul3A_1013 = arith.mulf %mul3A_1012, %sub3A_1011 : vector<1x400xf32>
    %mul3A_1014 = arith.mulf %add3A_983, %mul3A_1013 : vector<1x400xf32>
    %mul3A_1015 = arith.mulf %mul3A_1014, %convert_element_type3A_831 : vector<1x400xf32>
    %reduce_sum3A_1016 = vector.shape_cast %mul3A_1015 : vector<1x400xf32> to vector<1x1x400xf32>
    %reduce_sum3A_1017 = arith.constant dense<0.000000e+00> : vector<1xf32>
    %reduce_sum3A_1018 = vector.multi_reduction <add>, %reduce_sum3A_1016, %reduce_sum3A_1017 [1, 2] : vector<1x1x400xf32> to vector<1xf32>
    %reduce_sum3A_1019 = vector.shape_cast %reduce_sum3A_1018 : vector<1xf32> to vector<1x1x1xf32>
    %reduce_sum3A_1020 = vector.extract %reduce_sum3A_1019[0, 0, 0] : f32 from vector<1x1x1xf32>
    %add3A_1021 = arith.addf %add3A_955, %reduce_sum3A_1020 : f32
    %sub3A_1022 = arith.constant 1.000000e+00 : f32
    %sub3A_1023 = vector.broadcast %sub3A_1022 : f32 to vector<1x400xf32>
    %sub3A_1024 = arith.subf %sub3A_1023, %convert_element_type3A_831 : vector<1x400xf32>
    %mul3A_1025 = arith.mulf %mul3A_1014, %sub3A_1024 : vector<1x400xf32>
    %reduce_sum3A_1026 = vector.shape_cast %mul3A_1025 : vector<1x400xf32> to vector<1x1x400xf32>
    %reduce_sum3A_1027 = arith.constant dense<0.000000e+00> : vector<1xf32>
    %reduce_sum3A_1028 = vector.multi_reduction <add>, %reduce_sum3A_1026, %reduce_sum3A_1027 [1, 2] : vector<1x1x400xf32> to vector<1xf32>
    %reduce_sum3A_1029 = vector.shape_cast %reduce_sum3A_1028 : vector<1xf32> to vector<1x1x1xf32>
    %reduce_sum3A_1030 = vector.extract %reduce_sum3A_1029[0, 0, 0] : f32 from vector<1x1x1xf32>
    %add3A_1031 = arith.addf %add3A_965, %reduce_sum3A_1030 : f32
    %reduce_sum3A_1032 = vector.shape_cast %convert_element_type3A_831 : vector<1x400xf32> to vector<1x1x400xf32>
    %reduce_sum3A_1033 = arith.constant dense<0.000000e+00> : vector<1xf32>
    %reduce_sum3A_1034 = vector.multi_reduction <add>, %reduce_sum3A_1032, %reduce_sum3A_1033 [1, 2] : vector<1x1x400xf32> to vector<1xf32>
    %reduce_sum3A_1035 = vector.shape_cast %reduce_sum3A_1034 : vector<1xf32> to vector<1x1x1xf32>
    %reduce_sum3A_1036 = vector.extract %reduce_sum3A_1035[0, 0, 0] : f32 from vector<1x1x1xf32>
    %mul3A_1037 = arith.constant 3.000000e+00 : f32
    %mul3A_1038 = arith.mulf %mul3A_1037, %reduce_sum3A_1036 : f32
    %eq3A_1039 = arith.constant 6 : i32
    %eq3A_1040 = vector.broadcast %eq3A_1039 : i32 to vector<1x128xi32>
    %eq3A_1041 = arith.cmpi eq, %iota3A, %eq3A_1040 : vector<1x128xi32>
    %jit3A_1042 = arith.constant 0.000000e+00 : f32
    %broadcast_in_dim3A_1043 = vector.broadcast %add3A_1021 : f32 to vector<1x128xf32>
    %broadcast_in_dim3A_1044 = vector.broadcast %jit3A_1042 : f32 to vector<1x128xf32>
    %select_n3A_1045 = arith.select %eq3A_1041, %broadcast_in_dim3A_1043, %broadcast_in_dim3A_1044 : vector<1x128xi1>, vector<1x128xf32>
    %add3A_1046 = arith.addf %add3A_706, %select_n3A_1045 : vector<1x128xf32>
    %eq3A_1047 = arith.constant 7 : i32
    %eq3A_1048 = vector.broadcast %eq3A_1047 : i32 to vector<1x128xi32>
    %eq3A_1049 = arith.cmpi eq, %iota3A, %eq3A_1048 : vector<1x128xi32>
    %jit3A_1050 = arith.constant 0.000000e+00 : f32
    %broadcast_in_dim3A_1051 = vector.broadcast %add3A_1031 : f32 to vector<1x128xf32>
    %broadcast_in_dim3A_1052 = vector.broadcast %jit3A_1050 : f32 to vector<1x128xf32>
    %select_n3A_1053 = arith.select %eq3A_1049, %broadcast_in_dim3A_1051, %broadcast_in_dim3A_1052 : vector<1x128xi1>, vector<1x128xf32>
    %add3A_1054 = arith.addf %add3A_1046, %select_n3A_1053 : vector<1x128xf32>
    %eq3A_1055 = arith.constant 8 : i32
    %eq3A_1056 = vector.broadcast %eq3A_1055 : i32 to vector<1x128xi32>
    %eq3A_1057 = arith.cmpi eq, %iota3A, %eq3A_1056 : vector<1x128xi32>
    %jit3A_1058 = arith.constant 0.000000e+00 : f32
    %broadcast_in_dim3A_1059 = vector.broadcast %mul3A_1038 : f32 to vector<1x128xf32>
    %broadcast_in_dim3A_1060 = vector.broadcast %jit3A_1058 : f32 to vector<1x128xf32>
    %select_n3A_1061 = arith.select %eq3A_1057, %broadcast_in_dim3A_1059, %broadcast_in_dim3A_1060 : vector<1x128xi1>, vector<1x128xf32>
    %add3A_1062 = arith.addf %add3A_1054, %select_n3A_1061 : vector<1x128xf32>
    %eq3A_1063 = arith.constant 0 : i32
    %eq3A_1064 = arith.cmpi eq, %arg0, %eq3A_1063 : i32
    %convert_element_type3A_1065 = arith.extui %eq3A_1064 : i1 to i32
    %cond3A = arith.constant 0 : i32
    %cond3A_1066 = arith.cmpi ne, %convert_element_type3A_1065, %cond3A : i32
    scf.if %cond3A_1066 {
      %broadcast_in_dim3A_1079 = arith.constant 0.000000e+00 : f32
      %broadcast_in_dim3A_1080 = vector.broadcast %broadcast_in_dim3A_1079 : f32 to vector<1x128xf32>
      %swap3A_1081 = arith.constant 0 : index
      %swap3A_1082 = arith.constant 0 : index
      %swap3A_1083 = vector.load %arg11[%swap3A_1081, %swap3A_1082] : memref<1x128xf32, #tpu.memory_space<vmem>>, vector<1x128xf32>
      tpu.vector_store %arg11[%swap3A_1081, %swap3A_1082], %broadcast_in_dim3A_1080 {strides = array<i32>} : memref<1x128xf32, #tpu.memory_space<vmem>>, vector<1x128xf32>,
    } else {
    }
    %get3A_1067 = arith.constant 0 : index
    %get3A_1068 = arith.constant 0 : index
    %get3A_1069 = vector.load %arg11[%get3A_1067, %get3A_1068] : memref<1x128xf32, #tpu.memory_space<vmem>>, vector<1x128xf32>
    %add3A_1070 = arith.addf %get3A_1069, %add3A_1062 : vector<1x128xf32>
    %swap3A_1071 = arith.constant 0 : index
    %swap3A_1072 = arith.constant 0 : index
    %swap3A_1073 = vector.load %arg11[%swap3A_1071, %swap3A_1072] : memref<1x128xf32, #tpu.memory_space<vmem>>, vector<1x128xf32>
    tpu.vector_store %arg11[%swap3A_1071, %swap3A_1072], %add3A_1070 {strides = array<i32>} : memref<1x128xf32, #tpu.memory_space<vmem>>, vector<1x128xf32>,
    %eq3A_1074 = arith.constant 7 : i32
    %eq3A_1075 = arith.cmpi eq, %arg0, %eq3A_1074 : i32
    %convert_element_type3A_1076 = arith.extui %eq3A_1075 : i1 to i32
    %cond3A_1077 = arith.constant 0 : i32
    %cond3A_1078 = arith.cmpi ne, %convert_element_type3A_1076, %cond3A_1077 : i32
    scf.if %cond3A_1078 {
      %get3A_1079 = arith.constant 0 : index
      %get3A_1080 = arith.constant 0 : index
      %get3A_1081 = vector.load %arg12[%get3A_1079, %get3A_1080] : memref<768x256xf32, #tpu.memory_space<vmem>>, vector<768x256xf32>
      %get3A_1082 = arith.constant 0 : index
      %get3A_1083 = arith.constant 0 : index
      %get3A_1084 = vector.load %arg7[%get3A_1082, %get3A_1083] : memref<256x4xf32, #tpu.memory_space<vmem>>, vector<256x4xf32>
      %get3A_1085 = arith.constant 0 : index
      %get3A_1086 = arith.constant 0 : index
      %get3A_1087 = vector.load %arg8[%get3A_1085, %get3A_1086] : memref<256x1xi32, #tpu.memory_space<vmem>>, vector<256x1xi32>
      %get3A_1088 = arith.constant 0 : index
      %get3A_1089 = arith.constant 0 : index
      %get3A_1090 = vector.load %arg9[%get3A_1088, %get3A_1089] : memref<4x256xf32, #tpu.memory_space<vmem>>, vector<4x256xf32>
      %get3A_1091 = arith.constant 0 : index
      %get3A_1092 = arith.constant 0 : index
      %get3A_1093 = vector.load %arg10[%get3A_1091, %get3A_1092] : memref<1x256xi32, #tpu.memory_space<vmem>>, vector<1x256xi32>
      %slice3A_1094 = vector.extract_strided_slice %get3A_1084 {offsets = [0, 0], sizes = [256, 1], strides = [1, 1]} : vector<256x4xf32> to vector<256x1xf32>
      %slice3A_1095 = vector.extract_strided_slice %get3A_1084 {offsets = [0, 1], sizes = [256, 1], strides = [1, 1]} : vector<256x4xf32> to vector<256x1xf32>
      %slice3A_1096 = vector.extract_strided_slice %get3A_1084 {offsets = [0, 2], sizes = [256, 1], strides = [1, 1]} : vector<256x4xf32> to vector<256x1xf32>
      %slice3A_1097 = vector.extract_strided_slice %get3A_1084 {offsets = [0, 3], sizes = [256, 1], strides = [1, 1]} : vector<256x4xf32> to vector<256x1xf32>
      %iota3A_1098 = tpu.iota {dimensions = array<i32: 0>} : vector<256x1xi32>
      %jit3A_1099 = arith.constant 32 : i32
      %div3A_1100 = vector.broadcast %jit3A_1099 : i32 to vector<256x1xi32>
      %div3A_1101 = arith.divsi %iota3A_1098, %div3A_1100 : vector<256x1xi32>
      %sign3A = arith.constant 0 : i32
      %sign3A_1102 = vector.broadcast %sign3A : i32 to vector<256x1xi32>
      %sign3A_1103 = arith.cmpi sgt, %iota3A_1098, %sign3A_1102 : vector<256x1xi32>
      %sign3A_1104 = arith.extui %sign3A_1103 : vector<256x1xi1> to vector<256x1xi32>
      %sign3A_1105 = arith.constant 0 : i32
      %sign3A_1106 = vector.broadcast %sign3A_1105 : i32 to vector<256x1xi32>
      %sign3A_1107 = arith.cmpi slt, %iota3A_1098, %sign3A_1106 : vector<256x1xi32>
      %sign3A_1108 = arith.extui %sign3A_1107 : vector<256x1xi1> to vector<256x1xi32>
      %sign3A_1109 = arith.subi %sign3A_1104, %sign3A_1108 : vector<256x1xi32>
      %sign3A_1110 = arith.constant 0 : i32
      %sign3A_1111 = arith.cmpi sgt, %jit3A_1099, %sign3A_1110 : i32
      %sign3A_1112 = arith.extui %sign3A_1111 : i1 to i32
      %sign3A_1113 = arith.constant 0 : i32
      %sign3A_1114 = arith.cmpi slt, %jit3A_1099, %sign3A_1113 : i32
      %sign3A_1115 = arith.extui %sign3A_1114 : i1 to i32
      %sign3A_1116 = arith.subi %sign3A_1112, %sign3A_1115 : i32
      %ne3A = vector.broadcast %sign3A_1116 : i32 to vector<256x1xi32>
      %ne3A_1117 = arith.cmpi ne, %sign3A_1109, %ne3A : vector<256x1xi32>
      %rem3A = vector.broadcast %jit3A_1099 : i32 to vector<256x1xi32>
      %rem3A_1118 = arith.remsi %iota3A_1098, %rem3A : vector<256x1xi32>
      %ne3A_1119 = arith.constant 0 : i32
      %ne3A_1120 = vector.broadcast %ne3A_1119 : i32 to vector<256x1xi32>
      %ne3A_1121 = arith.cmpi ne, %rem3A_1118, %ne3A_1120 : vector<256x1xi32>
      %and3A_1122 = arith.andi %ne3A_1117, %ne3A_1121 : vector<256x1xi1>
      %sub3A_1123 = arith.constant 1 : i32
      %sub3A_1124 = vector.broadcast %sub3A_1123 : i32 to vector<256x1xi32>
      %sub3A_1125 = arith.subi %div3A_1101, %sub3A_1124 : vector<256x1xi32>
      %select_n3A_1126 = arith.select %and3A_1122, %sub3A_1125, %div3A_1101 : vector<256x1xi1>, vector<256x1xi32>
      %sub3A_1127 = arith.subf %slice3A_1096, %slice3A_1094 : vector<256x1xf32>
      %div3A_1128 = arith.constant 6.400000e+02 : f32
      %div3A_1129 = vector.broadcast %div3A_1128 : f32 to vector<256x1xf32>
      %div3A_1130 = arith.divf %sub3A_1127, %div3A_1129 : vector<256x1xf32>
      %jit3A_1131 = arith.constant 9.99999997E-7 : f32
      %jit3A_1132 = arith.constant 1.000000e+00 : f32
      %max3A_1133 = vector.broadcast %jit3A_1131 : f32 to vector<256x1xf32>
      %max3A_1134 = arith.maximumf %max3A_1133, %div3A_1130 : vector<256x1xf32>
      %min3A_1135 = vector.broadcast %jit3A_1132 : f32 to vector<256x1xf32>
      %min3A_1136 = arith.minimumf %min3A_1135, %max3A_1134 : vector<256x1xf32>
      %sub3A_1137 = arith.subf %slice3A_1097, %slice3A_1095 : vector<256x1xf32>
      %div3A_1138 = arith.constant 6.400000e+02 : f32
      %div3A_1139 = vector.broadcast %div3A_1138 : f32 to vector<256x1xf32>
      %div3A_1140 = arith.divf %sub3A_1137, %div3A_1139 : vector<256x1xf32>
      %jit3A_1141 = arith.constant 9.99999997E-7 : f32
      %jit3A_1142 = arith.constant 1.000000e+00 : f32
      %max3A_1143 = vector.broadcast %jit3A_1141 : f32 to vector<256x1xf32>
      %max3A_1144 = arith.maximumf %max3A_1143, %div3A_1140 : vector<256x1xf32>
      %min3A_1145 = vector.broadcast %jit3A_1142 : f32 to vector<256x1xf32>
      %min3A_1146 = arith.minimumf %min3A_1145, %max3A_1144 : vector<256x1xf32>
      %max3A_1147 = arith.maximumf %min3A_1136, %min3A_1146 : vector<256x1xf32>
      %lt3A_1148 = arith.constant 1.500000e-01 : f32
      %lt3A_1149 = vector.broadcast %lt3A_1148 : f32 to vector<256x1xf32>
      %lt3A_1150 = arith.cmpf olt, %max3A_1147, %lt3A_1149 : vector<256x1xf32>
      %lt3A_1151 = arith.constant 4.500000e-01 : f32
      %lt3A_1152 = vector.broadcast %lt3A_1151 : f32 to vector<256x1xf32>
      %lt3A_1153 = arith.cmpf olt, %max3A_1147, %lt3A_1152 : vector<256x1xf32>
      %jit3A_1154 = arith.constant 1 : i32
      %jit3A_1155 = arith.constant 2 : i32
      %broadcast_in_dim3A_1156 = vector.broadcast %jit3A_1154 : i32 to vector<256x1xi32>
      %broadcast_in_dim3A_1157 = vector.broadcast %jit3A_1155 : i32 to vector<256x1xi32>
      %select_n3A_1158 = arith.select %lt3A_1153, %broadcast_in_dim3A_1156, %broadcast_in_dim3A_1157 : vector<256x1xi1>, vector<256x1xi32>
      %jit3A_1159 = arith.constant 0 : i32
      %broadcast_in_dim3A_1160 = vector.broadcast %jit3A_1159 : i32 to vector<256x1xi32>
      %select_n3A_1161 = arith.select %lt3A_1150, %broadcast_in_dim3A_1160, %select_n3A_1158 : vector<256x1xi1>, vector<256x1xi32>
      %jit3A_1162 = arith.constant 0 : i32
      %jit3A_1163 = arith.constant 2 : i32
      %max3A_1164 = vector.broadcast %jit3A_1162 : i32 to vector<256x1xi32>
      %max3A_1165 = arith.maxsi %max3A_1164, %select_n3A_1161 : vector<256x1xi32>
      %min3A_1166 = vector.broadcast %jit3A_1163 : i32 to vector<256x1xi32>
      %min3A_1167 = arith.minsi %min3A_1166, %max3A_1165 : vector<256x1xi32>
      %ge3A_1168 = arith.constant 0 : i32
      %ge3A_1169 = vector.broadcast %ge3A_1168 : i32 to vector<256x1xi32>
      %ge3A_1170 = arith.cmpi sge, %get3A_1087, %ge3A_1169 : vector<256x1xi32>
      %lt3A_1171 = arith.constant 80 : i32
      %lt3A_1172 = vector.broadcast %lt3A_1171 : i32 to vector<256x1xi32>
      %lt3A_1173 = arith.cmpi slt, %get3A_1087, %lt3A_1172 : vector<256x1xi32>
      %and3A_1174 = arith.andi %ge3A_1170, %lt3A_1173 : vector<256x1xi1>
      %convert_element_type3A_1175 = arith.extui %and3A_1174 : vector<256x1xi1> to vector<256x1xi32>
      %convert_element_type3A_1176 = arith.sitofp %convert_element_type3A_1175 : vector<256x1xi32> to vector<256x1xf32>
      %add3A_1177 = arith.addf %slice3A_1094, %slice3A_1096 : vector<256x1xf32>
      %mul3A_1178 = arith.constant 5.000000e-01 : f32
      %mul3A_1179 = vector.broadcast %mul3A_1178 : f32 to vector<256x1xf32>
      %mul3A_1180 = arith.mulf %add3A_1177, %mul3A_1179 : vector<256x1xf32>
      %div3A_1181 = arith.constant 6.400000e+02 : f32
      %div3A_1182 = vector.broadcast %div3A_1181 : f32 to vector<256x1xf32>
      %div3A_1183 = arith.divf %mul3A_1180, %div3A_1182 : vector<256x1xf32>
      %jit3A_1184 = arith.constant 0.000000e+00 : f32
      %jit3A_1185 = arith.constant 0.999998986 : f32
      %max3A_1186 = vector.broadcast %jit3A_1184 : f32 to vector<256x1xf32>
      %max3A_1187 = arith.maximumf %max3A_1186, %div3A_1183 : vector<256x1xf32>
      %min3A_1188 = vector.broadcast %jit3A_1185 : f32 to vector<256x1xf32>
      %min3A_1189 = arith.minimumf %min3A_1188, %max3A_1187 : vector<256x1xf32>
      %add3A_1190 = arith.addf %slice3A_1095, %slice3A_1097 : vector<256x1xf32>
      %mul3A_1191 = arith.constant 5.000000e-01 : f32
      %mul3A_1192 = vector.broadcast %mul3A_1191 : f32 to vector<256x1xf32>
      %mul3A_1193 = arith.mulf %add3A_1190, %mul3A_1192 : vector<256x1xf32>
      %div3A_1194 = arith.constant 6.400000e+02 : f32
      %div3A_1195 = vector.broadcast %div3A_1194 : f32 to vector<256x1xf32>
      %div3A_1196 = arith.divf %mul3A_1193, %div3A_1195 : vector<256x1xf32>
      %jit3A_1197 = arith.constant 0.000000e+00 : f32
      %jit3A_1198 = arith.constant 0.999998986 : f32
      %max3A_1199 = vector.broadcast %jit3A_1197 : f32 to vector<256x1xf32>
      %max3A_1200 = arith.maximumf %max3A_1199, %div3A_1196 : vector<256x1xf32>
      %min3A_1201 = vector.broadcast %jit3A_1198 : f32 to vector<256x1xf32>
      %min3A_1202 = arith.minimumf %min3A_1201, %max3A_1200 : vector<256x1xf32>
      %mul3A_1203 = arith.constant 8.000000e+01 : f32
      %mul3A_1204 = vector.broadcast %mul3A_1203 : f32 to vector<256x1xf32>
      %mul3A_1205 = arith.mulf %min3A_1189, %mul3A_1204 : vector<256x1xf32>
      %floor3A_1206 = math.floor %mul3A_1205 : vector<256x1xf32>
      %convert_element_type3A_1207 = arith.fptosi %floor3A_1206 : vector<256x1xf32> to vector<256x1xi32>
      %jit3A_1208 = arith.constant 0 : i32
      %jit3A_1209 = arith.constant 79 : i32
      %max3A_1210 = vector.broadcast %jit3A_1208 : i32 to vector<256x1xi32>
      %max3A_1211 = arith.maxsi %max3A_1210, %convert_element_type3A_1207 : vector<256x1xi32>
      %min3A_1212 = vector.broadcast %jit3A_1209 : i32 to vector<256x1xi32>
      %min3A_1213 = arith.minsi %min3A_1212, %max3A_1211 : vector<256x1xi32>
      %mul3A_1214 = arith.constant 8.000000e+01 : f32
      %mul3A_1215 = vector.broadcast %mul3A_1214 : f32 to vector<256x1xf32>
      %mul3A_1216 = arith.mulf %min3A_1202, %mul3A_1215 : vector<256x1xf32>
      %floor3A_1217 = math.floor %mul3A_1216 : vector<256x1xf32>
      %convert_element_type3A_1218 = arith.fptosi %floor3A_1217 : vector<256x1xf32> to vector<256x1xi32>
      %jit3A_1219 = arith.constant 0 : i32
      %jit3A_1220 = arith.constant 79 : i32
      %max3A_1221 = vector.broadcast %jit3A_1219 : i32 to vector<256x1xi32>
      %max3A_1222 = arith.maxsi %max3A_1221, %convert_element_type3A_1218 : vector<256x1xi32>
      %min3A_1223 = vector.broadcast %jit3A_1220 : i32 to vector<256x1xi32>
      %min3A_1224 = arith.minsi %min3A_1223, %max3A_1222 : vector<256x1xi32>
      %mul3A_1225 = arith.constant 80 : i32
      %mul3A_1226 = vector.broadcast %mul3A_1225 : i32 to vector<256x1xi32>
      %mul3A_1227 = arith.muli %min3A_1224, %mul3A_1226 : vector<256x1xi32>
      %add3A_1228 = arith.addi %mul3A_1227, %min3A_1213 : vector<256x1xi32>
      %add3A_1229 = arith.addf %slice3A_1094, %slice3A_1096 : vector<256x1xf32>
      %mul3A_1230 = arith.constant 5.000000e-01 : f32
      %mul3A_1231 = vector.broadcast %mul3A_1230 : f32 to vector<256x1xf32>
      %mul3A_1232 = arith.mulf %add3A_1229, %mul3A_1231 : vector<256x1xf32>
      %div3A_1233 = arith.constant 6.400000e+02 : f32
      %div3A_1234 = vector.broadcast %div3A_1233 : f32 to vector<256x1xf32>
      %div3A_1235 = arith.divf %mul3A_1232, %div3A_1234 : vector<256x1xf32>
      %jit3A_1236 = arith.constant 0.000000e+00 : f32
      %jit3A_1237 = arith.constant 0.999998986 : f32
      %max3A_1238 = vector.broadcast %jit3A_1236 : f32 to vector<256x1xf32>
      %max3A_1239 = arith.maximumf %max3A_1238, %div3A_1235 : vector<256x1xf32>
      %min3A_1240 = vector.broadcast %jit3A_1237 : f32 to vector<256x1xf32>
      %min3A_1241 = arith.minimumf %min3A_1240, %max3A_1239 : vector<256x1xf32>
      %add3A_1242 = arith.addf %slice3A_1095, %slice3A_1097 : vector<256x1xf32>
      %mul3A_1243 = arith.constant 5.000000e-01 : f32
      %mul3A_1244 = vector.broadcast %mul3A_1243 : f32 to vector<256x1xf32>
      %mul3A_1245 = arith.mulf %add3A_1242, %mul3A_1244 : vector<256x1xf32>
      %div3A_1246 = arith.constant 6.400000e+02 : f32
      %div3A_1247 = vector.broadcast %div3A_1246 : f32 to vector<256x1xf32>
      %div3A_1248 = arith.divf %mul3A_1245, %div3A_1247 : vector<256x1xf32>
      %jit3A_1249 = arith.constant 0.000000e+00 : f32
      %jit3A_1250 = arith.constant 0.999998986 : f32
      %max3A_1251 = vector.broadcast %jit3A_1249 : f32 to vector<256x1xf32>
      %max3A_1252 = arith.maximumf %max3A_1251, %div3A_1248 : vector<256x1xf32>
      %min3A_1253 = vector.broadcast %jit3A_1250 : f32 to vector<256x1xf32>
      %min3A_1254 = arith.minimumf %min3A_1253, %max3A_1252 : vector<256x1xf32>
      %mul3A_1255 = arith.constant 4.000000e+01 : f32
      %mul3A_1256 = vector.broadcast %mul3A_1255 : f32 to vector<256x1xf32>
      %mul3A_1257 = arith.mulf %min3A_1241, %mul3A_1256 : vector<256x1xf32>
      %floor3A_1258 = math.floor %mul3A_1257 : vector<256x1xf32>
      %convert_element_type3A_1259 = arith.fptosi %floor3A_1258 : vector<256x1xf32> to vector<256x1xi32>
      %jit3A_1260 = arith.constant 0 : i32
      %jit3A_1261 = arith.constant 39 : i32
      %max3A_1262 = vector.broadcast %jit3A_1260 : i32 to vector<256x1xi32>
      %max3A_1263 = arith.maxsi %max3A_1262, %convert_element_type3A_1259 : vector<256x1xi32>
      %min3A_1264 = vector.broadcast %jit3A_1261 : i32 to vector<256x1xi32>
      %min3A_1265 = arith.minsi %min3A_1264, %max3A_1263 : vector<256x1xi32>
      %mul3A_1266 = arith.constant 4.000000e+01 : f32
      %mul3A_1267 = vector.broadcast %mul3A_1266 : f32 to vector<256x1xf32>
      %mul3A_1268 = arith.mulf %min3A_1254, %mul3A_1267 : vector<256x1xf32>
      %floor3A_1269 = math.floor %mul3A_1268 : vector<256x1xf32>
      %convert_element_type3A_1270 = arith.fptosi %floor3A_1269 : vector<256x1xf32> to vector<256x1xi32>
      %jit3A_1271 = arith.constant 0 : i32
      %jit3A_1272 = arith.constant 39 : i32
      %max3A_1273 = vector.broadcast %jit3A_1271 : i32 to vector<256x1xi32>
      %max3A_1274 = arith.maxsi %max3A_1273, %convert_element_type3A_1270 : vector<256x1xi32>
      %min3A_1275 = vector.broadcast %jit3A_1272 : i32 to vector<256x1xi32>
      %min3A_1276 = arith.minsi %min3A_1275, %max3A_1274 : vector<256x1xi32>
      %mul3A_1277 = arith.constant 40 : i32
      %mul3A_1278 = vector.broadcast %mul3A_1277 : i32 to vector<256x1xi32>
      %mul3A_1279 = arith.muli %min3A_1276, %mul3A_1278 : vector<256x1xi32>
      %add3A_1280 = arith.addi %mul3A_1279, %min3A_1265 : vector<256x1xi32>
      %add3A_1281 = arith.addf %slice3A_1094, %slice3A_1096 : vector<256x1xf32>
      %mul3A_1282 = arith.constant 5.000000e-01 : f32
      %mul3A_1283 = vector.broadcast %mul3A_1282 : f32 to vector<256x1xf32>
      %mul3A_1284 = arith.mulf %add3A_1281, %mul3A_1283 : vector<256x1xf32>
      %div3A_1285 = arith.constant 6.400000e+02 : f32
      %div3A_1286 = vector.broadcast %div3A_1285 : f32 to vector<256x1xf32>
      %div3A_1287 = arith.divf %mul3A_1284, %div3A_1286 : vector<256x1xf32>
      %jit3A_1288 = arith.constant 0.000000e+00 : f32
      %jit3A_1289 = arith.constant 0.999998986 : f32
      %max3A_1290 = vector.broadcast %jit3A_1288 : f32 to vector<256x1xf32>
      %max3A_1291 = arith.maximumf %max3A_1290, %div3A_1287 : vector<256x1xf32>
      %min3A_1292 = vector.broadcast %jit3A_1289 : f32 to vector<256x1xf32>
      %min3A_1293 = arith.minimumf %min3A_1292, %max3A_1291 : vector<256x1xf32>
      %add3A_1294 = arith.addf %slice3A_1095, %slice3A_1097 : vector<256x1xf32>
      %mul3A_1295 = arith.constant 5.000000e-01 : f32
      %mul3A_1296 = vector.broadcast %mul3A_1295 : f32 to vector<256x1xf32>
      %mul3A_1297 = arith.mulf %add3A_1294, %mul3A_1296 : vector<256x1xf32>
      %div3A_1298 = arith.constant 6.400000e+02 : f32
      %div3A_1299 = vector.broadcast %div3A_1298 : f32 to vector<256x1xf32>
      %div3A_1300 = arith.divf %mul3A_1297, %div3A_1299 : vector<256x1xf32>
      %jit3A_1301 = arith.constant 0.000000e+00 : f32
      %jit3A_1302 = arith.constant 0.999998986 : f32
      %max3A_1303 = vector.broadcast %jit3A_1301 : f32 to vector<256x1xf32>
      %max3A_1304 = arith.maximumf %max3A_1303, %div3A_1300 : vector<256x1xf32>
      %min3A_1305 = vector.broadcast %jit3A_1302 : f32 to vector<256x1xf32>
      %min3A_1306 = arith.minimumf %min3A_1305, %max3A_1304 : vector<256x1xf32>
      %mul3A_1307 = arith.constant 2.000000e+01 : f32
      %mul3A_1308 = vector.broadcast %mul3A_1307 : f32 to vector<256x1xf32>
      %mul3A_1309 = arith.mulf %min3A_1293, %mul3A_1308 : vector<256x1xf32>
      %floor3A_1310 = math.floor %mul3A_1309 : vector<256x1xf32>
      %convert_element_type3A_1311 = arith.fptosi %floor3A_1310 : vector<256x1xf32> to vector<256x1xi32>
      %jit3A_1312 = arith.constant 0 : i32
      %jit3A_1313 = arith.constant 19 : i32
      %max3A_1314 = vector.broadcast %jit3A_1312 : i32 to vector<256x1xi32>
      %max3A_1315 = arith.maxsi %max3A_1314, %convert_element_type3A_1311 : vector<256x1xi32>
      %min3A_1316 = vector.broadcast %jit3A_1313 : i32 to vector<256x1xi32>
      %min3A_1317 = arith.minsi %min3A_1316, %max3A_1315 : vector<256x1xi32>
      %mul3A_1318 = arith.constant 2.000000e+01 : f32
      %mul3A_1319 = vector.broadcast %mul3A_1318 : f32 to vector<256x1xf32>
      %mul3A_1320 = arith.mulf %min3A_1306, %mul3A_1319 : vector<256x1xf32>
      %floor3A_1321 = math.floor %mul3A_1320 : vector<256x1xf32>
      %convert_element_type3A_1322 = arith.fptosi %floor3A_1321 : vector<256x1xf32> to vector<256x1xi32>
      %jit3A_1323 = arith.constant 0 : i32
      %jit3A_1324 = arith.constant 19 : i32
      %max3A_1325 = vector.broadcast %jit3A_1323 : i32 to vector<256x1xi32>
      %max3A_1326 = arith.maxsi %max3A_1325, %convert_element_type3A_1322 : vector<256x1xi32>
      %min3A_1327 = vector.broadcast %jit3A_1324 : i32 to vector<256x1xi32>
      %min3A_1328 = arith.minsi %min3A_1327, %max3A_1326 : vector<256x1xi32>
      %mul3A_1329 = arith.constant 20 : i32
      %mul3A_1330 = vector.broadcast %mul3A_1329 : i32 to vector<256x1xi32>
      %mul3A_1331 = arith.muli %min3A_1328, %mul3A_1330 : vector<256x1xi32>
      %add3A_1332 = arith.addi %mul3A_1331, %min3A_1317 : vector<256x1xi32>
      %eq3A_1333 = arith.constant 0 : i32
      %eq3A_1334 = vector.broadcast %eq3A_1333 : i32 to vector<256x1xi32>
      %eq3A_1335 = arith.cmpi eq, %min3A_1167, %eq3A_1334 : vector<256x1xi32>
      %eq3A_1336 = arith.constant 1 : i32
      %eq3A_1337 = vector.broadcast %eq3A_1336 : i32 to vector<256x1xi32>
      %eq3A_1338 = arith.cmpi eq, %min3A_1167, %eq3A_1337 : vector<256x1xi32>
      %select_n3A_1339 = arith.select %eq3A_1338, %add3A_1280, %add3A_1332 : vector<256x1xi1>, vector<256x1xi32>
      %select_n3A_1340 = arith.select %eq3A_1335, %add3A_1228, %select_n3A_1339 : vector<256x1xi1>, vector<256x1xi32>
      %mul3A_1341 = arith.constant 19200 : i32
      %mul3A_1342 = vector.broadcast %mul3A_1341 : i32 to vector<256x1xi32>
      %mul3A_1343 = arith.muli %select_n3A_1126, %mul3A_1342 : vector<256x1xi32>
      %mul3A_1344 = arith.constant 6400 : i32
      %mul3A_1345 = vector.broadcast %mul3A_1344 : i32 to vector<256x1xi32>
      %mul3A_1346 = arith.muli %min3A_1167, %mul3A_1345 : vector<256x1xi32>
      %add3A_1347 = arith.addi %mul3A_1343, %mul3A_1346 : vector<256x1xi32>
      %add3A_1348 = arith.addi %add3A_1347, %select_n3A_1340 : vector<256x1xi32>
      %jit3A_1349 = arith.constant 0 : i32
      %jit3A_1350 = arith.constant 79 : i32
      %max3A_1351 = vector.broadcast %jit3A_1349 : i32 to vector<256x1xi32>
      %max3A_1352 = arith.maxsi %max3A_1351, %get3A_1087 : vector<256x1xi32>
      %min3A_1353 = vector.broadcast %jit3A_1350 : i32 to vector<256x1xi32>
      %min3A_1354 = arith.minsi %min3A_1353, %max3A_1352 : vector<256x1xi32>
      %mul3A_1355 = arith.constant 80 : i32
      %mul3A_1356 = vector.broadcast %mul3A_1355 : i32 to vector<256x1xi32>
      %mul3A_1357 = arith.muli %add3A_1348, %mul3A_1356 : vector<256x1xi32>
      %add3A_1358 = arith.addi %mul3A_1357, %min3A_1354 : vector<256x1xi32>
      %iota3A_1359 = tpu.iota {dimensions = array<i32: 1>} : vector<1x256xi32>
      %jit3A_1360 = arith.constant 32 : i32
      %div3A_1361 = vector.broadcast %jit3A_1360 : i32 to vector<1x256xi32>
      %div3A_1362 = arith.divsi %iota3A_1359, %div3A_1361 : vector<1x256xi32>
      %sign3A_1363 = arith.constant 0 : i32
      %sign3A_1364 = vector.broadcast %sign3A_1363 : i32 to vector<1x256xi32>
      %sign3A_1365 = arith.cmpi sgt, %iota3A_1359, %sign3A_1364 : vector<1x256xi32>
      %sign3A_1366 = arith.extui %sign3A_1365 : vector<1x256xi1> to vector<1x256xi32>
      %sign3A_1367 = arith.constant 0 : i32
      %sign3A_1368 = vector.broadcast %sign3A_1367 : i32 to vector<1x256xi32>
      %sign3A_1369 = arith.cmpi slt, %iota3A_1359, %sign3A_1368 : vector<1x256xi32>
      %sign3A_1370 = arith.extui %sign3A_1369 : vector<1x256xi1> to vector<1x256xi32>
      %sign3A_1371 = arith.subi %sign3A_1366, %sign3A_1370 : vector<1x256xi32>
      %sign3A_1372 = arith.constant 0 : i32
      %sign3A_1373 = arith.cmpi sgt, %jit3A_1360, %sign3A_1372 : i32
      %sign3A_1374 = arith.extui %sign3A_1373 : i1 to i32
      %sign3A_1375 = arith.constant 0 : i32
      %sign3A_1376 = arith.cmpi slt, %jit3A_1360, %sign3A_1375 : i32
      %sign3A_1377 = arith.extui %sign3A_1376 : i1 to i32
      %sign3A_1378 = arith.subi %sign3A_1374, %sign3A_1377 : i32
      %ne3A_1379 = vector.broadcast %sign3A_1378 : i32 to vector<1x256xi32>
      %ne3A_1380 = arith.cmpi ne, %sign3A_1371, %ne3A_1379 : vector<1x256xi32>
      %rem3A_1381 = vector.broadcast %jit3A_1360 : i32 to vector<1x256xi32>
      %rem3A_1382 = arith.remsi %iota3A_1359, %rem3A_1381 : vector<1x256xi32>
      %ne3A_1383 = arith.constant 0 : i32
      %ne3A_1384 = vector.broadcast %ne3A_1383 : i32 to vector<1x256xi32>
      %ne3A_1385 = arith.cmpi ne, %rem3A_1382, %ne3A_1384 : vector<1x256xi32>
      %and3A_1386 = arith.andi %ne3A_1380, %ne3A_1385 : vector<1x256xi1>
      %sub3A_1387 = arith.constant 1 : i32
      %sub3A_1388 = vector.broadcast %sub3A_1387 : i32 to vector<1x256xi32>
      %sub3A_1389 = arith.subi %div3A_1362, %sub3A_1388 : vector<1x256xi32>
      %select_n3A_1390 = arith.select %and3A_1386, %sub3A_1389, %div3A_1362 : vector<1x256xi1>, vector<1x256xi32>
      %slice3A_1391 = vector.extract_strided_slice %get3A_1090 {offsets = [0, 0], sizes = [1, 256], strides = [1, 1]} : vector<4x256xf32> to vector<1x256xf32>
      %slice3A_1392 = vector.extract_strided_slice %get3A_1090 {offsets = [1, 0], sizes = [1, 256], strides = [1, 1]} : vector<4x256xf32> to vector<1x256xf32>
      %slice3A_1393 = vector.extract_strided_slice %get3A_1090 {offsets = [2, 0], sizes = [1, 256], strides = [1, 1]} : vector<4x256xf32> to vector<1x256xf32>
      %slice3A_1394 = vector.extract_strided_slice %get3A_1090 {offsets = [3, 0], sizes = [1, 256], strides = [1, 1]} : vector<4x256xf32> to vector<1x256xf32>
      %sub3A_1395 = arith.subf %slice3A_1393, %slice3A_1391 : vector<1x256xf32>
      %div3A_1396 = arith.constant 6.400000e+02 : f32
      %div3A_1397 = vector.broadcast %div3A_1396 : f32 to vector<1x256xf32>
      %div3A_1398 = arith.divf %sub3A_1395, %div3A_1397 : vector<1x256xf32>
      %jit3A_1399 = arith.constant 9.99999997E-7 : f32
      %jit3A_1400 = arith.constant 1.000000e+00 : f32
      %max3A_1401 = vector.broadcast %jit3A_1399 : f32 to vector<1x256xf32>
      %max3A_1402 = arith.maximumf %max3A_1401, %div3A_1398 : vector<1x256xf32>
      %min3A_1403 = vector.broadcast %jit3A_1400 : f32 to vector<1x256xf32>
      %min3A_1404 = arith.minimumf %min3A_1403, %max3A_1402 : vector<1x256xf32>
      %sub3A_1405 = arith.subf %slice3A_1394, %slice3A_1392 : vector<1x256xf32>
      %div3A_1406 = arith.constant 6.400000e+02 : f32
      %div3A_1407 = vector.broadcast %div3A_1406 : f32 to vector<1x256xf32>
      %div3A_1408 = arith.divf %sub3A_1405, %div3A_1407 : vector<1x256xf32>
      %jit3A_1409 = arith.constant 9.99999997E-7 : f32
      %jit3A_1410 = arith.constant 1.000000e+00 : f32
      %max3A_1411 = vector.broadcast %jit3A_1409 : f32 to vector<1x256xf32>
      %max3A_1412 = arith.maximumf %max3A_1411, %div3A_1408 : vector<1x256xf32>
      %min3A_1413 = vector.broadcast %jit3A_1410 : f32 to vector<1x256xf32>
      %min3A_1414 = arith.minimumf %min3A_1413, %max3A_1412 : vector<1x256xf32>
      %max3A_1415 = arith.maximumf %min3A_1404, %min3A_1414 : vector<1x256xf32>
      %lt3A_1416 = arith.constant 1.500000e-01 : f32
      %lt3A_1417 = vector.broadcast %lt3A_1416 : f32 to vector<1x256xf32>
      %lt3A_1418 = arith.cmpf olt, %max3A_1415, %lt3A_1417 : vector<1x256xf32>
      %lt3A_1419 = arith.constant 4.500000e-01 : f32
      %lt3A_1420 = vector.broadcast %lt3A_1419 : f32 to vector<1x256xf32>
      %lt3A_1421 = arith.cmpf olt, %max3A_1415, %lt3A_1420 : vector<1x256xf32>
      %jit3A_1422 = arith.constant 1 : i32
      %jit3A_1423 = arith.constant 2 : i32
      %broadcast_in_dim3A_1424 = vector.broadcast %jit3A_1422 : i32 to vector<1x256xi32>
      %broadcast_in_dim3A_1425 = vector.broadcast %jit3A_1423 : i32 to vector<1x256xi32>
      %select_n3A_1426 = arith.select %lt3A_1421, %broadcast_in_dim3A_1424, %broadcast_in_dim3A_1425 : vector<1x256xi1>, vector<1x256xi32>
      %jit3A_1427 = arith.constant 0 : i32
      %broadcast_in_dim3A_1428 = vector.broadcast %jit3A_1427 : i32 to vector<1x256xi32>
      %select_n3A_1429 = arith.select %lt3A_1418, %broadcast_in_dim3A_1428, %select_n3A_1426 : vector<1x256xi1>, vector<1x256xi32>
      %jit3A_1430 = arith.constant 0 : i32
      %jit3A_1431 = arith.constant 2 : i32
      %max3A_1432 = vector.broadcast %jit3A_1430 : i32 to vector<1x256xi32>
      %max3A_1433 = arith.maxsi %max3A_1432, %select_n3A_1429 : vector<1x256xi32>
      %min3A_1434 = vector.broadcast %jit3A_1431 : i32 to vector<1x256xi32>
      %min3A_1435 = arith.minsi %min3A_1434, %max3A_1433 : vector<1x256xi32>
      %ge3A_1436 = arith.constant 0 : i32
      %ge3A_1437 = vector.broadcast %ge3A_1436 : i32 to vector<1x256xi32>
      %ge3A_1438 = arith.cmpi sge, %get3A_1093, %ge3A_1437 : vector<1x256xi32>
      %lt3A_1439 = arith.constant 80 : i32
      %lt3A_1440 = vector.broadcast %lt3A_1439 : i32 to vector<1x256xi32>
      %lt3A_1441 = arith.cmpi slt, %get3A_1093, %lt3A_1440 : vector<1x256xi32>
      %and3A_1442 = arith.andi %ge3A_1438, %lt3A_1441 : vector<1x256xi1>
      %convert_element_type3A_1443 = arith.extui %and3A_1442 : vector<1x256xi1> to vector<1x256xi32>
      %convert_element_type3A_1444 = arith.sitofp %convert_element_type3A_1443 : vector<1x256xi32> to vector<1x256xf32>
      %add3A_1445 = arith.addf %slice3A_1391, %slice3A_1393 : vector<1x256xf32>
      %mul3A_1446 = arith.constant 5.000000e-01 : f32
      %mul3A_1447 = vector.broadcast %mul3A_1446 : f32 to vector<1x256xf32>
      %mul3A_1448 = arith.mulf %add3A_1445, %mul3A_1447 : vector<1x256xf32>
      %div3A_1449 = arith.constant 6.400000e+02 : f32
      %div3A_1450 = vector.broadcast %div3A_1449 : f32 to vector<1x256xf32>
      %div3A_1451 = arith.divf %mul3A_1448, %div3A_1450 : vector<1x256xf32>
      %jit3A_1452 = arith.constant 0.000000e+00 : f32
      %jit3A_1453 = arith.constant 0.999998986 : f32
      %max3A_1454 = vector.broadcast %jit3A_1452 : f32 to vector<1x256xf32>
      %max3A_1455 = arith.maximumf %max3A_1454, %div3A_1451 : vector<1x256xf32>
      %min3A_1456 = vector.broadcast %jit3A_1453 : f32 to vector<1x256xf32>
      %min3A_1457 = arith.minimumf %min3A_1456, %max3A_1455 : vector<1x256xf32>
      %add3A_1458 = arith.addf %slice3A_1392, %slice3A_1394 : vector<1x256xf32>
      %mul3A_1459 = arith.constant 5.000000e-01 : f32
      %mul3A_1460 = vector.broadcast %mul3A_1459 : f32 to vector<1x256xf32>
      %mul3A_1461 = arith.mulf %add3A_1458, %mul3A_1460 : vector<1x256xf32>
      %div3A_1462 = arith.constant 6.400000e+02 : f32
      %div3A_1463 = vector.broadcast %div3A_1462 : f32 to vector<1x256xf32>
      %div3A_1464 = arith.divf %mul3A_1461, %div3A_1463 : vector<1x256xf32>
      %jit3A_1465 = arith.constant 0.000000e+00 : f32
      %jit3A_1466 = arith.constant 0.999998986 : f32
      %max3A_1467 = vector.broadcast %jit3A_1465 : f32 to vector<1x256xf32>
      %max3A_1468 = arith.maximumf %max3A_1467, %div3A_1464 : vector<1x256xf32>
      %min3A_1469 = vector.broadcast %jit3A_1466 : f32 to vector<1x256xf32>
      %min3A_1470 = arith.minimumf %min3A_1469, %max3A_1468 : vector<1x256xf32>
      %mul3A_1471 = arith.constant 8.000000e+01 : f32
      %mul3A_1472 = vector.broadcast %mul3A_1471 : f32 to vector<1x256xf32>
      %mul3A_1473 = arith.mulf %min3A_1457, %mul3A_1472 : vector<1x256xf32>
      %floor3A_1474 = math.floor %mul3A_1473 : vector<1x256xf32>
      %convert_element_type3A_1475 = arith.fptosi %floor3A_1474 : vector<1x256xf32> to vector<1x256xi32>
      %jit3A_1476 = arith.constant 0 : i32
      %jit3A_1477 = arith.constant 79 : i32
      %max3A_1478 = vector.broadcast %jit3A_1476 : i32 to vector<1x256xi32>
      %max3A_1479 = arith.maxsi %max3A_1478, %convert_element_type3A_1475 : vector<1x256xi32>
      %min3A_1480 = vector.broadcast %jit3A_1477 : i32 to vector<1x256xi32>
      %min3A_1481 = arith.minsi %min3A_1480, %max3A_1479 : vector<1x256xi32>
      %mul3A_1482 = arith.constant 8.000000e+01 : f32
      %mul3A_1483 = vector.broadcast %mul3A_1482 : f32 to vector<1x256xf32>
      %mul3A_1484 = arith.mulf %min3A_1470, %mul3A_1483 : vector<1x256xf32>
      %floor3A_1485 = math.floor %mul3A_1484 : vector<1x256xf32>
      %convert_element_type3A_1486 = arith.fptosi %floor3A_1485 : vector<1x256xf32> to vector<1x256xi32>
      %jit3A_1487 = arith.constant 0 : i32
      %jit3A_1488 = arith.constant 79 : i32
      %max3A_1489 = vector.broadcast %jit3A_1487 : i32 to vector<1x256xi32>
      %max3A_1490 = arith.maxsi %max3A_1489, %convert_element_type3A_1486 : vector<1x256xi32>
      %min3A_1491 = vector.broadcast %jit3A_1488 : i32 to vector<1x256xi32>
      %min3A_1492 = arith.minsi %min3A_1491, %max3A_1490 : vector<1x256xi32>
      %mul3A_1493 = arith.constant 80 : i32
      %mul3A_1494 = vector.broadcast %mul3A_1493 : i32 to vector<1x256xi32>
      %mul3A_1495 = arith.muli %min3A_1492, %mul3A_1494 : vector<1x256xi32>
      %add3A_1496 = arith.addi %mul3A_1495, %min3A_1481 : vector<1x256xi32>
      %add3A_1497 = arith.addf %slice3A_1391, %slice3A_1393 : vector<1x256xf32>
      %mul3A_1498 = arith.constant 5.000000e-01 : f32
      %mul3A_1499 = vector.broadcast %mul3A_1498 : f32 to vector<1x256xf32>
      %mul3A_1500 = arith.mulf %add3A_1497, %mul3A_1499 : vector<1x256xf32>
      %div3A_1501 = arith.constant 6.400000e+02 : f32
      %div3A_1502 = vector.broadcast %div3A_1501 : f32 to vector<1x256xf32>
      %div3A_1503 = arith.divf %mul3A_1500, %div3A_1502 : vector<1x256xf32>
      %jit3A_1504 = arith.constant 0.000000e+00 : f32
      %jit3A_1505 = arith.constant 0.999998986 : f32
      %max3A_1506 = vector.broadcast %jit3A_1504 : f32 to vector<1x256xf32>
      %max3A_1507 = arith.maximumf %max3A_1506, %div3A_1503 : vector<1x256xf32>
      %min3A_1508 = vector.broadcast %jit3A_1505 : f32 to vector<1x256xf32>
      %min3A_1509 = arith.minimumf %min3A_1508, %max3A_1507 : vector<1x256xf32>
      %add3A_1510 = arith.addf %slice3A_1392, %slice3A_1394 : vector<1x256xf32>
      %mul3A_1511 = arith.constant 5.000000e-01 : f32
      %mul3A_1512 = vector.broadcast %mul3A_1511 : f32 to vector<1x256xf32>
      %mul3A_1513 = arith.mulf %add3A_1510, %mul3A_1512 : vector<1x256xf32>
      %div3A_1514 = arith.constant 6.400000e+02 : f32
      %div3A_1515 = vector.broadcast %div3A_1514 : f32 to vector<1x256xf32>
      %div3A_1516 = arith.divf %mul3A_1513, %div3A_1515 : vector<1x256xf32>
      %jit3A_1517 = arith.constant 0.000000e+00 : f32
      %jit3A_1518 = arith.constant 0.999998986 : f32
      %max3A_1519 = vector.broadcast %jit3A_1517 : f32 to vector<1x256xf32>
      %max3A_1520 = arith.maximumf %max3A_1519, %div3A_1516 : vector<1x256xf32>
      %min3A_1521 = vector.broadcast %jit3A_1518 : f32 to vector<1x256xf32>
      %min3A_1522 = arith.minimumf %min3A_1521, %max3A_1520 : vector<1x256xf32>
      %mul3A_1523 = arith.constant 4.000000e+01 : f32
      %mul3A_1524 = vector.broadcast %mul3A_1523 : f32 to vector<1x256xf32>
      %mul3A_1525 = arith.mulf %min3A_1509, %mul3A_1524 : vector<1x256xf32>
      %floor3A_1526 = math.floor %mul3A_1525 : vector<1x256xf32>
      %convert_element_type3A_1527 = arith.fptosi %floor3A_1526 : vector<1x256xf32> to vector<1x256xi32>
      %jit3A_1528 = arith.constant 0 : i32
      %jit3A_1529 = arith.constant 39 : i32
      %max3A_1530 = vector.broadcast %jit3A_1528 : i32 to vector<1x256xi32>
      %max3A_1531 = arith.maxsi %max3A_1530, %convert_element_type3A_1527 : vector<1x256xi32>
      %min3A_1532 = vector.broadcast %jit3A_1529 : i32 to vector<1x256xi32>
      %min3A_1533 = arith.minsi %min3A_1532, %max3A_1531 : vector<1x256xi32>
      %mul3A_1534 = arith.constant 4.000000e+01 : f32
      %mul3A_1535 = vector.broadcast %mul3A_1534 : f32 to vector<1x256xf32>
      %mul3A_1536 = arith.mulf %min3A_1522, %mul3A_1535 : vector<1x256xf32>
      %floor3A_1537 = math.floor %mul3A_1536 : vector<1x256xf32>
      %convert_element_type3A_1538 = arith.fptosi %floor3A_1537 : vector<1x256xf32> to vector<1x256xi32>
      %jit3A_1539 = arith.constant 0 : i32
      %jit3A_1540 = arith.constant 39 : i32
      %max3A_1541 = vector.broadcast %jit3A_1539 : i32 to vector<1x256xi32>
      %max3A_1542 = arith.maxsi %max3A_1541, %convert_element_type3A_1538 : vector<1x256xi32>
      %min3A_1543 = vector.broadcast %jit3A_1540 : i32 to vector<1x256xi32>
      %min3A_1544 = arith.minsi %min3A_1543, %max3A_1542 : vector<1x256xi32>
      %mul3A_1545 = arith.constant 40 : i32
      %mul3A_1546 = vector.broadcast %mul3A_1545 : i32 to vector<1x256xi32>
      %mul3A_1547 = arith.muli %min3A_1544, %mul3A_1546 : vector<1x256xi32>
      %add3A_1548 = arith.addi %mul3A_1547, %min3A_1533 : vector<1x256xi32>
      %add3A_1549 = arith.addf %slice3A_1391, %slice3A_1393 : vector<1x256xf32>
      %mul3A_1550 = arith.constant 5.000000e-01 : f32
      %mul3A_1551 = vector.broadcast %mul3A_1550 : f32 to vector<1x256xf32>
      %mul3A_1552 = arith.mulf %add3A_1549, %mul3A_1551 : vector<1x256xf32>
      %div3A_1553 = arith.constant 6.400000e+02 : f32
      %div3A_1554 = vector.broadcast %div3A_1553 : f32 to vector<1x256xf32>
      %div3A_1555 = arith.divf %mul3A_1552, %div3A_1554 : vector<1x256xf32>
      %jit3A_1556 = arith.constant 0.000000e+00 : f32
      %jit3A_1557 = arith.constant 0.999998986 : f32
      %max3A_1558 = vector.broadcast %jit3A_1556 : f32 to vector<1x256xf32>
      %max3A_1559 = arith.maximumf %max3A_1558, %div3A_1555 : vector<1x256xf32>
      %min3A_1560 = vector.broadcast %jit3A_1557 : f32 to vector<1x256xf32>
      %min3A_1561 = arith.minimumf %min3A_1560, %max3A_1559 : vector<1x256xf32>
      %add3A_1562 = arith.addf %slice3A_1392, %slice3A_1394 : vector<1x256xf32>
      %mul3A_1563 = arith.constant 5.000000e-01 : f32
      %mul3A_1564 = vector.broadcast %mul3A_1563 : f32 to vector<1x256xf32>
      %mul3A_1565 = arith.mulf %add3A_1562, %mul3A_1564 : vector<1x256xf32>
      %div3A_1566 = arith.constant 6.400000e+02 : f32
      %div3A_1567 = vector.broadcast %div3A_1566 : f32 to vector<1x256xf32>
      %div3A_1568 = arith.divf %mul3A_1565, %div3A_1567 : vector<1x256xf32>
      %jit3A_1569 = arith.constant 0.000000e+00 : f32
      %jit3A_1570 = arith.constant 0.999998986 : f32
      %max3A_1571 = vector.broadcast %jit3A_1569 : f32 to vector<1x256xf32>
      %max3A_1572 = arith.maximumf %max3A_1571, %div3A_1568 : vector<1x256xf32>
      %min3A_1573 = vector.broadcast %jit3A_1570 : f32 to vector<1x256xf32>
      %min3A_1574 = arith.minimumf %min3A_1573, %max3A_1572 : vector<1x256xf32>
      %mul3A_1575 = arith.constant 2.000000e+01 : f32
      %mul3A_1576 = vector.broadcast %mul3A_1575 : f32 to vector<1x256xf32>
      %mul3A_1577 = arith.mulf %min3A_1561, %mul3A_1576 : vector<1x256xf32>
      %floor3A_1578 = math.floor %mul3A_1577 : vector<1x256xf32>
      %convert_element_type3A_1579 = arith.fptosi %floor3A_1578 : vector<1x256xf32> to vector<1x256xi32>
      %jit3A_1580 = arith.constant 0 : i32
      %jit3A_1581 = arith.constant 19 : i32
      %max3A_1582 = vector.broadcast %jit3A_1580 : i32 to vector<1x256xi32>
      %max3A_1583 = arith.maxsi %max3A_1582, %convert_element_type3A_1579 : vector<1x256xi32>
      %min3A_1584 = vector.broadcast %jit3A_1581 : i32 to vector<1x256xi32>
      %min3A_1585 = arith.minsi %min3A_1584, %max3A_1583 : vector<1x256xi32>
      %mul3A_1586 = arith.constant 2.000000e+01 : f32
      %mul3A_1587 = vector.broadcast %mul3A_1586 : f32 to vector<1x256xf32>
      %mul3A_1588 = arith.mulf %min3A_1574, %mul3A_1587 : vector<1x256xf32>
      %floor3A_1589 = math.floor %mul3A_1588 : vector<1x256xf32>
      %convert_element_type3A_1590 = arith.fptosi %floor3A_1589 : vector<1x256xf32> to vector<1x256xi32>
      %jit3A_1591 = arith.constant 0 : i32
      %jit3A_1592 = arith.constant 19 : i32
      %max3A_1593 = vector.broadcast %jit3A_1591 : i32 to vector<1x256xi32>
      %max3A_1594 = arith.maxsi %max3A_1593, %convert_element_type3A_1590 : vector<1x256xi32>
      %min3A_1595 = vector.broadcast %jit3A_1592 : i32 to vector<1x256xi32>
      %min3A_1596 = arith.minsi %min3A_1595, %max3A_1594 : vector<1x256xi32>
      %mul3A_1597 = arith.constant 20 : i32
      %mul3A_1598 = vector.broadcast %mul3A_1597 : i32 to vector<1x256xi32>
      %mul3A_1599 = arith.muli %min3A_1596, %mul3A_1598 : vector<1x256xi32>
      %add3A_1600 = arith.addi %mul3A_1599, %min3A_1585 : vector<1x256xi32>
      %eq3A_1601 = arith.constant 0 : i32
      %eq3A_1602 = vector.broadcast %eq3A_1601 : i32 to vector<1x256xi32>
      %eq3A_1603 = arith.cmpi eq, %min3A_1435, %eq3A_1602 : vector<1x256xi32>
      %eq3A_1604 = arith.constant 1 : i32
      %eq3A_1605 = vector.broadcast %eq3A_1604 : i32 to vector<1x256xi32>
      %eq3A_1606 = arith.cmpi eq, %min3A_1435, %eq3A_1605 : vector<1x256xi32>
      %select_n3A_1607 = arith.select %eq3A_1606, %add3A_1548, %add3A_1600 : vector<1x256xi1>, vector<1x256xi32>
      %select_n3A_1608 = arith.select %eq3A_1603, %add3A_1496, %select_n3A_1607 : vector<1x256xi1>, vector<1x256xi32>
      %mul3A_1609 = arith.constant 19200 : i32
      %mul3A_1610 = vector.broadcast %mul3A_1609 : i32 to vector<1x256xi32>
      %mul3A_1611 = arith.muli %select_n3A_1390, %mul3A_1610 : vector<1x256xi32>
      %mul3A_1612 = arith.constant 6400 : i32
      %mul3A_1613 = vector.broadcast %mul3A_1612 : i32 to vector<1x256xi32>
      %mul3A_1614 = arith.muli %min3A_1435, %mul3A_1613 : vector<1x256xi32>
      %add3A_1615 = arith.addi %mul3A_1611, %mul3A_1614 : vector<1x256xi32>
      %add3A_1616 = arith.addi %add3A_1615, %select_n3A_1608 : vector<1x256xi32>
      %jit3A_1617 = arith.constant 0 : i32
      %jit3A_1618 = arith.constant 79 : i32
      %max3A_1619 = vector.broadcast %jit3A_1617 : i32 to vector<1x256xi32>
      %max3A_1620 = arith.maxsi %max3A_1619, %get3A_1093 : vector<1x256xi32>
      %min3A_1621 = vector.broadcast %jit3A_1618 : i32 to vector<1x256xi32>
      %min3A_1622 = arith.minsi %min3A_1621, %max3A_1620 : vector<1x256xi32>
      %mul3A_1623 = arith.constant 80 : i32
      %mul3A_1624 = vector.broadcast %mul3A_1623 : i32 to vector<1x256xi32>
      %mul3A_1625 = arith.muli %add3A_1616, %mul3A_1624 : vector<1x256xi32>
      %add3A_1626 = arith.addi %mul3A_1625, %min3A_1622 : vector<1x256xi32>
      %iota3A_1627 = tpu.iota {dimensions = array<i32: 0>} : vector<256x256xi32>
      %iota3A_1628 = tpu.iota {dimensions = array<i32: 1>} : vector<256x256xi32>
      %lt3A_1629 = arith.cmpi slt, %iota3A_1628, %iota3A_1627 : vector<256x256xi32>
      %convert_element_type3A_1630 = arith.extui %lt3A_1629 : vector<256x256xi1> to vector<256x256xi32>
      %convert_element_type3A_1631 = arith.sitofp %convert_element_type3A_1630 : vector<256x256xi32> to vector<256x256xf32>
      %eq3A_1632 = vector.broadcast %add3A_1348 : vector<256x1xi32> to vector<256x256xi32>
      %eq3A_1633 = vector.broadcast %add3A_1616 : vector<1x256xi32> to vector<256x256xi32>
      %eq3A_1634 = arith.cmpi eq, %eq3A_1632, %eq3A_1633 : vector<256x256xi32>
      %and3A_1635 = arith.constant true
      %and3A_1636 = vector.broadcast %and3A_1635 : i1 to vector<256x256xi1>
      %and3A_1637 = arith.andi %eq3A_1634, %and3A_1636 : vector<256x256xi1>
      %convert_element_type3A_1638 = arith.extui %and3A_1637 : vector<256x256xi1> to vector<256x256xi32>
      %convert_element_type3A_1639 = arith.sitofp %convert_element_type3A_1638 : vector<256x256xi32> to vector<256x256xf32>
      %mul3A_1640 = vector.broadcast %convert_element_type3A_1444 : vector<1x256xf32> to vector<256x256xf32>
      %mul3A_1641 = arith.mulf %convert_element_type3A_1639, %mul3A_1640 : vector<256x256xf32>
      %mul3A_1642 = arith.mulf %convert_element_type3A_1631, %mul3A_1641 : vector<256x256xf32>
      %reduce_max3A = arith.constant dense<0xFF800000> : vector<256xf32>
      %reduce_max3A_1643 = vector.multi_reduction <maximumf>, %mul3A_1642, %reduce_max3A [1] : vector<256x256xf32> to vector<256xf32>
      %broadcast_in_dim3A_1644 = vector.shape_cast %reduce_max3A_1643 : vector<256xf32> to vector<256x1xf32>
      %sub3A_1645 = arith.constant 1.000000e+00 : f32
      %sub3A_1646 = vector.broadcast %sub3A_1645 : f32 to vector<256x1xf32>
      %sub3A_1647 = arith.subf %sub3A_1646, %broadcast_in_dim3A_1644 : vector<256x1xf32>
      %mul3A_1648 = arith.mulf %convert_element_type3A_1176, %sub3A_1647 : vector<256x1xf32>
      %eq3A_1649 = vector.broadcast %add3A_1358 : vector<256x1xi32> to vector<256x256xi32>
      %eq3A_1650 = vector.broadcast %add3A_1626 : vector<1x256xi32> to vector<256x256xi32>
      %eq3A_1651 = arith.cmpi eq, %eq3A_1649, %eq3A_1650 : vector<256x256xi32>
      %convert_element_type3A_1652 = arith.extui %eq3A_1651 : vector<256x256xi1> to vector<256x256xi32>
      %convert_element_type3A_1653 = arith.sitofp %convert_element_type3A_1652 : vector<256x256xi32> to vector<256x256xf32>
      %mul3A_1654 = vector.broadcast %convert_element_type3A_1444 : vector<1x256xf32> to vector<256x256xf32>
      %mul3A_1655 = arith.mulf %convert_element_type3A_1653, %mul3A_1654 : vector<256x256xf32>
      %mul3A_1656 = arith.mulf %convert_element_type3A_1631, %mul3A_1655 : vector<256x256xf32>
      %reduce_max3A_1657 = arith.constant dense<0xFF800000> : vector<256xf32>
      %reduce_max3A_1658 = vector.multi_reduction <maximumf>, %mul3A_1656, %reduce_max3A_1657 [1] : vector<256x256xf32> to vector<256xf32>
      %broadcast_in_dim3A_1659 = vector.shape_cast %reduce_max3A_1658 : vector<256xf32> to vector<256x1xf32>
      %sub3A_1660 = arith.constant 1.000000e+00 : f32
      %sub3A_1661 = vector.broadcast %sub3A_1660 : f32 to vector<256x1xf32>
      %sub3A_1662 = arith.subf %sub3A_1661, %broadcast_in_dim3A_1659 : vector<256x1xf32>
      %mul3A_1663 = arith.mulf %convert_element_type3A_1176, %sub3A_1662 : vector<256x1xf32>
      %eq3A_1664 = arith.constant 0 : i32
      %eq3A_1665 = vector.broadcast %eq3A_1664 : i32 to vector<256x1xi32>
      %eq3A_1666 = arith.cmpi eq, %min3A_1167, %eq3A_1665 : vector<256x1xi32>
      %convert_element_type3A_1667 = arith.extui %eq3A_1666 : vector<256x1xi1> to vector<256x1xi32>
      %convert_element_type3A_1668 = arith.sitofp %convert_element_type3A_1667 : vector<256x1xi32> to vector<256x1xf32>
      %eq3A_1669 = arith.constant 1 : i32
      %eq3A_1670 = vector.broadcast %eq3A_1669 : i32 to vector<256x1xi32>
      %eq3A_1671 = arith.cmpi eq, %min3A_1167, %eq3A_1670 : vector<256x1xi32>
      %convert_element_type3A_1672 = arith.extui %eq3A_1671 : vector<256x1xi1> to vector<256x1xi32>
      %convert_element_type3A_1673 = arith.sitofp %convert_element_type3A_1672 : vector<256x1xi32> to vector<256x1xf32>
      %eq3A_1674 = arith.constant 2 : i32
      %eq3A_1675 = vector.broadcast %eq3A_1674 : i32 to vector<256x1xi32>
      %eq3A_1676 = arith.cmpi eq, %min3A_1167, %eq3A_1675 : vector<256x1xi32>
      %convert_element_type3A_1677 = arith.extui %eq3A_1676 : vector<256x1xi1> to vector<256x1xi32>
      %convert_element_type3A_1678 = arith.sitofp %convert_element_type3A_1677 : vector<256x1xi32> to vector<256x1xf32>
      %slice3A_1679 = vector.extract_strided_slice %get3A_1081 {offsets = [0, 0], sizes = [256, 256], strides = [1, 1]} : vector<768x256xf32> to vector<256x256xf32>
      %mul3A_1680 = vector.broadcast %convert_element_type3A_1668 : vector<256x1xf32> to vector<256x256xf32>
      %mul3A_1681 = arith.mulf %mul3A_1680, %slice3A_1679 : vector<256x256xf32>
      %slice3A_1682 = vector.extract_strided_slice %get3A_1081 {offsets = [256, 0], sizes = [256, 256], strides = [1, 1]} : vector<768x256xf32> to vector<256x256xf32>
      %mul3A_1683 = vector.broadcast %convert_element_type3A_1673 : vector<256x1xf32> to vector<256x256xf32>
      %mul3A_1684 = arith.mulf %mul3A_1683, %slice3A_1682 : vector<256x256xf32>
      %add3A_1685 = arith.addf %mul3A_1681, %mul3A_1684 : vector<256x256xf32>
      %slice3A_1686 = vector.extract_strided_slice %get3A_1081 {offsets = [512, 0], sizes = [256, 256], strides = [1, 1]} : vector<768x256xf32> to vector<256x256xf32>
      %mul3A_1687 = vector.broadcast %convert_element_type3A_1678 : vector<256x1xf32> to vector<256x256xf32>
      %mul3A_1688 = arith.mulf %mul3A_1687, %slice3A_1686 : vector<256x256xf32>
      %add3A_1689 = arith.addf %add3A_1685, %mul3A_1688 : vector<256x256xf32>
      %iota3A_1690 = tpu.iota {dimensions = array<i32: 1>} : vector<256x80xi32>
      %eq3A_1691 = vector.broadcast %min3A_1354 : vector<256x1xi32> to vector<256x80xi32>
      %eq3A_1692 = arith.cmpi eq, %iota3A_1690, %eq3A_1691 : vector<256x80xi32>
      %convert_element_type3A_1693 = arith.extui %eq3A_1692 : vector<256x80xi1> to vector<256x80xi32>
      %convert_element_type3A_1694 = arith.sitofp %convert_element_type3A_1693 : vector<256x80xi32> to vector<256x80xf32>
      %broadcast_in_dim3A_1695 = arith.constant 0.000000e+00 : f32
      %broadcast_in_dim3A_1696 = vector.broadcast %broadcast_in_dim3A_1695 : f32 to vector<256x1xf32>
      %broadcast_in_dim3A_1697 = arith.constant 0.000000e+00 : f32
      %broadcast_in_dim3A_1698 = vector.broadcast %broadcast_in_dim3A_1697 : f32 to vector<256x1xf32>
      %sub3A_1699 = arith.subf %slice3A_1096, %slice3A_1094 : vector<256x1xf32>
      %div3A_1700 = arith.constant 6.400000e+02 : f32
      %div3A_1701 = vector.broadcast %div3A_1700 : f32 to vector<256x1xf32>
      %div3A_1702 = arith.divf %sub3A_1699, %div3A_1701 : vector<256x1xf32>
      %jit3A_1703 = arith.constant 9.99999997E-7 : f32
      %jit3A_1704 = arith.constant 1.000000e+00 : f32
      %max3A_1705 = vector.broadcast %jit3A_1703 : f32 to vector<256x1xf32>
      %max3A_1706 = arith.maximumf %max3A_1705, %div3A_1702 : vector<256x1xf32>
      %min3A_1707 = vector.broadcast %jit3A_1704 : f32 to vector<256x1xf32>
      %min3A_1708 = arith.minimumf %min3A_1707, %max3A_1706 : vector<256x1xf32>
      %sub3A_1709 = arith.subf %slice3A_1097, %slice3A_1095 : vector<256x1xf32>
      %div3A_1710 = arith.constant 6.400000e+02 : f32
      %div3A_1711 = vector.broadcast %div3A_1710 : f32 to vector<256x1xf32>
      %div3A_1712 = arith.divf %sub3A_1709, %div3A_1711 : vector<256x1xf32>
      %jit3A_1713 = arith.constant 9.99999997E-7 : f32
      %jit3A_1714 = arith.constant 1.000000e+00 : f32
      %max3A_1715 = vector.broadcast %jit3A_1713 : f32 to vector<256x1xf32>
      %max3A_1716 = arith.maximumf %max3A_1715, %div3A_1712 : vector<256x1xf32>
      %min3A_1717 = vector.broadcast %jit3A_1714 : f32 to vector<256x1xf32>
      %min3A_1718 = arith.minimumf %min3A_1717, %max3A_1716 : vector<256x1xf32>
      %add3A_1719 = arith.addf %slice3A_1094, %slice3A_1096 : vector<256x1xf32>
      %mul3A_1720 = arith.constant 5.000000e-01 : f32
      %mul3A_1721 = vector.broadcast %mul3A_1720 : f32 to vector<256x1xf32>
      %mul3A_1722 = arith.mulf %add3A_1719, %mul3A_1721 : vector<256x1xf32>
      %div3A_1723 = arith.constant 6.400000e+02 : f32
      %div3A_1724 = vector.broadcast %div3A_1723 : f32 to vector<256x1xf32>
      %div3A_1725 = arith.divf %mul3A_1722, %div3A_1724 : vector<256x1xf32>
      %jit3A_1726 = arith.constant 0.000000e+00 : f32
      %jit3A_1727 = arith.constant 0.999998986 : f32
      %max3A_1728 = vector.broadcast %jit3A_1726 : f32 to vector<256x1xf32>
      %max3A_1729 = arith.maximumf %max3A_1728, %div3A_1725 : vector<256x1xf32>
      %min3A_1730 = vector.broadcast %jit3A_1727 : f32 to vector<256x1xf32>
      %min3A_1731 = arith.minimumf %min3A_1730, %max3A_1729 : vector<256x1xf32>
      %add3A_1732 = arith.addf %slice3A_1095, %slice3A_1097 : vector<256x1xf32>
      %mul3A_1733 = arith.constant 5.000000e-01 : f32
      %mul3A_1734 = vector.broadcast %mul3A_1733 : f32 to vector<256x1xf32>
      %mul3A_1735 = arith.mulf %add3A_1732, %mul3A_1734 : vector<256x1xf32>
      %div3A_1736 = arith.constant 6.400000e+02 : f32
      %div3A_1737 = vector.broadcast %div3A_1736 : f32 to vector<256x1xf32>
      %div3A_1738 = arith.divf %mul3A_1735, %div3A_1737 : vector<256x1xf32>
      %jit3A_1739 = arith.constant 0.000000e+00 : f32
      %jit3A_1740 = arith.constant 0.999998986 : f32
      %max3A_1741 = vector.broadcast %jit3A_1739 : f32 to vector<256x1xf32>
      %max3A_1742 = arith.maximumf %max3A_1741, %div3A_1738 : vector<256x1xf32>
      %min3A_1743 = vector.broadcast %jit3A_1740 : f32 to vector<256x1xf32>
      %min3A_1744 = arith.minimumf %min3A_1743, %max3A_1742 : vector<256x1xf32>
      %mul3A_1745 = arith.constant 8.000000e+01 : f32
      %mul3A_1746 = vector.broadcast %mul3A_1745 : f32 to vector<256x1xf32>
      %mul3A_1747 = arith.mulf %min3A_1731, %mul3A_1746 : vector<256x1xf32>
      %floor3A_1748 = math.floor %mul3A_1747 : vector<256x1xf32>
      %convert_element_type3A_1749 = arith.fptosi %floor3A_1748 : vector<256x1xf32> to vector<256x1xi32>
      %jit3A_1750 = arith.constant 0 : i32
      %jit3A_1751 = arith.constant 79 : i32
      %max3A_1752 = vector.broadcast %jit3A_1750 : i32 to vector<256x1xi32>
      %max3A_1753 = arith.maxsi %max3A_1752, %convert_element_type3A_1749 : vector<256x1xi32>
      %min3A_1754 = vector.broadcast %jit3A_1751 : i32 to vector<256x1xi32>
      %min3A_1755 = arith.minsi %min3A_1754, %max3A_1753 : vector<256x1xi32>
      %mul3A_1756 = arith.constant 8.000000e+01 : f32
      %mul3A_1757 = vector.broadcast %mul3A_1756 : f32 to vector<256x1xf32>
      %mul3A_1758 = arith.mulf %min3A_1744, %mul3A_1757 : vector<256x1xf32>
      %floor3A_1759 = math.floor %mul3A_1758 : vector<256x1xf32>
      %convert_element_type3A_1760 = arith.fptosi %floor3A_1759 : vector<256x1xf32> to vector<256x1xi32>
      %jit3A_1761 = arith.constant 0 : i32
      %jit3A_1762 = arith.constant 79 : i32
      %max3A_1763 = vector.broadcast %jit3A_1761 : i32 to vector<256x1xi32>
      %max3A_1764 = arith.maxsi %max3A_1763, %convert_element_type3A_1760 : vector<256x1xi32>
      %min3A_1765 = vector.broadcast %jit3A_1762 : i32 to vector<256x1xi32>
      %min3A_1766 = arith.minsi %min3A_1765, %max3A_1764 : vector<256x1xi32>
      %eq3A_1767 = arith.constant 0 : i32
      %eq3A_1768 = vector.broadcast %eq3A_1767 : i32 to vector<256x1xi32>
      %eq3A_1769 = arith.cmpi eq, %min3A_1167, %eq3A_1768 : vector<256x1xi32>
      %convert_element_type3A_1770 = arith.extui %eq3A_1769 : vector<256x1xi1> to vector<256x1xi32>
      %convert_element_type3A_1771 = arith.sitofp %convert_element_type3A_1770 : vector<256x1xi32> to vector<256x1xf32>
      %slice3A_1772 = vector.extract_strided_slice %add3A_1689 {offsets = [0, 0], sizes = [256, 4], strides = [1, 1]} : vector<256x256xf32> to vector<256x4xf32>
      %slice3A_1773 = vector.extract_strided_slice %slice3A_1772 {offsets = [0, 0], sizes = [256, 2], strides = [1, 1]} : vector<256x4xf32> to vector<256x2xf32>
      %logistic3A_1774 = arith.negf %slice3A_1773 : vector<256x2xf32>
      %logistic3A_1775 = math.exp %logistic3A_1774 : vector<256x2xf32>
      %logistic3A_1776 = arith.constant 1.000000e+00 : f32
      %logistic3A_1777 = vector.broadcast %logistic3A_1776 : f32 to vector<256x2xf32>
      %logistic3A_1778 = arith.addf %logistic3A_1777, %logistic3A_1775 : vector<256x2xf32>
      %logistic3A_1779 = arith.divf %logistic3A_1777, %logistic3A_1778 : vector<256x2xf32>
      %slice3A_1780 = vector.extract_strided_slice %slice3A_1772 {offsets = [0, 2], sizes = [256, 2], strides = [1, 1]} : vector<256x4xf32> to vector<256x2xf32>
      %logistic3A_1781 = arith.negf %slice3A_1780 : vector<256x2xf32>
      %logistic3A_1782 = math.exp %logistic3A_1781 : vector<256x2xf32>
      %logistic3A_1783 = arith.constant 1.000000e+00 : f32
      %logistic3A_1784 = vector.broadcast %logistic3A_1783 : f32 to vector<256x2xf32>
      %logistic3A_1785 = arith.addf %logistic3A_1784, %logistic3A_1782 : vector<256x2xf32>
      %logistic3A_1786 = arith.divf %logistic3A_1784, %logistic3A_1785 : vector<256x2xf32>
      %convert_element_type3A_1787 = arith.sitofp %min3A_1755 : vector<256x1xi32> to vector<256x1xf32>
      %slice3A_1788 = vector.extract_strided_slice %logistic3A_1779 {offsets = [0, 0], sizes = [256, 1], strides = [1, 1]} : vector<256x2xf32> to vector<256x1xf32>
      %add3A_1789 = arith.addf %convert_element_type3A_1787, %slice3A_1788 : vector<256x1xf32>
      %div3A_1790 = arith.constant 8.000000e+01 : f32
      %div3A_1791 = vector.broadcast %div3A_1790 : f32 to vector<256x1xf32>
      %div3A_1792 = arith.divf %add3A_1789, %div3A_1791 : vector<256x1xf32>
      %convert_element_type3A_1793 = arith.sitofp %min3A_1766 : vector<256x1xi32> to vector<256x1xf32>
      %slice3A_1794 = vector.extract_strided_slice %logistic3A_1779 {offsets = [0, 1], sizes = [256, 1], strides = [1, 1]} : vector<256x2xf32> to vector<256x1xf32>
      %add3A_1795 = arith.addf %convert_element_type3A_1793, %slice3A_1794 : vector<256x1xf32>
      %div3A_1796 = arith.constant 8.000000e+01 : f32
      %div3A_1797 = vector.broadcast %div3A_1796 : f32 to vector<256x1xf32>
      %div3A_1798 = arith.divf %add3A_1795, %div3A_1797 : vector<256x1xf32>
      %slice3A_1799 = vector.extract_strided_slice %logistic3A_1786 {offsets = [0, 0], sizes = [256, 1], strides = [1, 1]} : vector<256x2xf32> to vector<256x1xf32>
      %slice3A_1800 = vector.extract_strided_slice %logistic3A_1786 {offsets = [0, 1], sizes = [256, 1], strides = [1, 1]} : vector<256x2xf32> to vector<256x1xf32>
      %mul3A_1801 = arith.constant 5.000000e-01 : f32
      %mul3A_1802 = vector.broadcast %mul3A_1801 : f32 to vector<256x1xf32>
      %mul3A_1803 = arith.mulf %slice3A_1799, %mul3A_1802 : vector<256x1xf32>
      %sub3A_1804 = arith.subf %div3A_1792, %mul3A_1803 : vector<256x1xf32>
      %mul3A_1805 = arith.constant 5.000000e-01 : f32
      %mul3A_1806 = vector.broadcast %mul3A_1805 : f32 to vector<256x1xf32>
      %mul3A_1807 = arith.mulf %slice3A_1800, %mul3A_1806 : vector<256x1xf32>
      %sub3A_1808 = arith.subf %div3A_1798, %mul3A_1807 : vector<256x1xf32>
      %mul3A_1809 = arith.constant 5.000000e-01 : f32
      %mul3A_1810 = vector.broadcast %mul3A_1809 : f32 to vector<256x1xf32>
      %mul3A_1811 = arith.mulf %slice3A_1799, %mul3A_1810 : vector<256x1xf32>
      %add3A_1812 = arith.addf %div3A_1792, %mul3A_1811 : vector<256x1xf32>
      %mul3A_1813 = arith.constant 5.000000e-01 : f32
      %mul3A_1814 = vector.broadcast %mul3A_1813 : f32 to vector<256x1xf32>
      %mul3A_1815 = arith.mulf %slice3A_1800, %mul3A_1814 : vector<256x1xf32>
      %add3A_1816 = arith.addf %div3A_1798, %mul3A_1815 : vector<256x1xf32>
      %mul3A_1817 = arith.constant 5.000000e-01 : f32
      %mul3A_1818 = vector.broadcast %mul3A_1817 : f32 to vector<256x1xf32>
      %mul3A_1819 = arith.mulf %min3A_1708, %mul3A_1818 : vector<256x1xf32>
      %sub3A_1820 = arith.subf %min3A_1731, %mul3A_1819 : vector<256x1xf32>
      %mul3A_1821 = arith.constant 5.000000e-01 : f32
      %mul3A_1822 = vector.broadcast %mul3A_1821 : f32 to vector<256x1xf32>
      %mul3A_1823 = arith.mulf %min3A_1718, %mul3A_1822 : vector<256x1xf32>
      %sub3A_1824 = arith.subf %min3A_1744, %mul3A_1823 : vector<256x1xf32>
      %mul3A_1825 = arith.constant 5.000000e-01 : f32
      %mul3A_1826 = vector.broadcast %mul3A_1825 : f32 to vector<256x1xf32>
      %mul3A_1827 = arith.mulf %min3A_1708, %mul3A_1826 : vector<256x1xf32>
      %add3A_1828 = arith.addf %min3A_1731, %mul3A_1827 : vector<256x1xf32>
      %mul3A_1829 = arith.constant 5.000000e-01 : f32
      %mul3A_1830 = vector.broadcast %mul3A_1829 : f32 to vector<256x1xf32>
      %mul3A_1831 = arith.mulf %min3A_1718, %mul3A_1830 : vector<256x1xf32>
      %add3A_1832 = arith.addf %min3A_1744, %mul3A_1831 : vector<256x1xf32>
      %sub3A_1833 = arith.subf %add3A_1812, %sub3A_1804 : vector<256x1xf32>
      %sub3A_1834 = arith.subf %add3A_1816, %sub3A_1808 : vector<256x1xf32>
      %mul3A_1835 = arith.mulf %sub3A_1833, %sub3A_1834 : vector<256x1xf32>
      %sub3A_1836 = arith.subf %add3A_1828, %sub3A_1820 : vector<256x1xf32>
      %sub3A_1837 = arith.subf %add3A_1832, %sub3A_1824 : vector<256x1xf32>
      %mul3A_1838 = arith.mulf %sub3A_1836, %sub3A_1837 : vector<256x1xf32>
      %min3A_1839 = arith.minimumf %add3A_1812, %add3A_1828 : vector<256x1xf32>
      %max3A_1840 = arith.maximumf %sub3A_1804, %sub3A_1820 : vector<256x1xf32>
      %sub3A_1841 = arith.subf %min3A_1839, %max3A_1840 : vector<256x1xf32>
      %max3A_1842 = arith.constant 0.000000e+00 : f32
      %max3A_1843 = vector.broadcast %max3A_1842 : f32 to vector<256x1xf32>
      %max3A_1844 = arith.maximumf %sub3A_1841, %max3A_1843 : vector<256x1xf32>
      %min3A_1845 = arith.minimumf %add3A_1816, %add3A_1832 : vector<256x1xf32>
      %max3A_1846 = arith.maximumf %sub3A_1808, %sub3A_1824 : vector<256x1xf32>
      %sub3A_1847 = arith.subf %min3A_1845, %max3A_1846 : vector<256x1xf32>
      %max3A_1848 = arith.constant 0.000000e+00 : f32
      %max3A_1849 = vector.broadcast %max3A_1848 : f32 to vector<256x1xf32>
      %max3A_1850 = arith.maximumf %sub3A_1847, %max3A_1849 : vector<256x1xf32>
      %mul3A_1851 = arith.mulf %max3A_1844, %max3A_1850 : vector<256x1xf32>
      %add3A_1852 = arith.addf %mul3A_1835, %mul3A_1838 : vector<256x1xf32>
      %sub3A_1853 = arith.subf %add3A_1852, %mul3A_1851 : vector<256x1xf32>
      %div3A_1854 = arith.divf %mul3A_1851, %sub3A_1853 : vector<256x1xf32>
      %max3A_1855 = arith.maximumf %add3A_1812, %add3A_1828 : vector<256x1xf32>
      %min3A_1856 = arith.minimumf %sub3A_1804, %sub3A_1820 : vector<256x1xf32>
      %sub3A_1857 = arith.subf %max3A_1855, %min3A_1856 : vector<256x1xf32>
      %max3A_1858 = arith.maximumf %add3A_1816, %add3A_1832 : vector<256x1xf32>
      %min3A_1859 = arith.minimumf %sub3A_1808, %sub3A_1824 : vector<256x1xf32>
      %sub3A_1860 = arith.subf %max3A_1858, %min3A_1859 : vector<256x1xf32>
      %max3A_1861 = arith.constant 0.000000e+00 : f32
      %max3A_1862 = vector.broadcast %max3A_1861 : f32 to vector<256x1xf32>
      %max3A_1863 = arith.maximumf %sub3A_1857, %max3A_1862 : vector<256x1xf32>
      %max3A_1864 = arith.constant 0.000000e+00 : f32
      %max3A_1865 = vector.broadcast %max3A_1864 : f32 to vector<256x1xf32>
      %max3A_1866 = arith.maximumf %sub3A_1860, %max3A_1865 : vector<256x1xf32>
      %mul3A_1867 = arith.mulf %max3A_1863, %max3A_1866 : vector<256x1xf32>
      %sub3A_1868 = arith.subf %mul3A_1867, %sub3A_1853 : vector<256x1xf32>
      %div3A_1869 = arith.divf %sub3A_1868, %mul3A_1867 : vector<256x1xf32>
      %sub3A_1870 = arith.subf %div3A_1854, %div3A_1869 : vector<256x1xf32>
      %sub3A_1871 = arith.constant 1.000000e+00 : f32
      %sub3A_1872 = vector.broadcast %sub3A_1871 : f32 to vector<256x1xf32>
      %sub3A_1873 = arith.subf %sub3A_1872, %sub3A_1870 : vector<256x1xf32>
      %mul3A_1874 = arith.mulf %sub3A_1873, %convert_element_type3A_1176 : vector<256x1xf32>
      %mul3A_1875 = arith.mulf %mul3A_1874, %convert_element_type3A_1771 : vector<256x1xf32>
      %reduce_sum3A_1876 = vector.shape_cast %mul3A_1875 : vector<256x1xf32> to vector<1x256x1xf32>
      %reduce_sum3A_1877 = arith.constant dense<0.000000e+00> : vector<1xf32>
      %reduce_sum3A_1878 = vector.multi_reduction <add>, %reduce_sum3A_1876, %reduce_sum3A_1877 [1, 2] : vector<1x256x1xf32> to vector<1xf32>
      %reduce_sum3A_1879 = vector.shape_cast %reduce_sum3A_1878 : vector<1xf32> to vector<1x1x1xf32>
      %reduce_sum3A_1880 = vector.extract %reduce_sum3A_1879[0, 0, 0] : f32 from vector<1x1x1xf32>
      %add3A_1881 = arith.constant 0.000000e+00 : f32
      %add3A_1882 = arith.addf %add3A_1881, %reduce_sum3A_1880 : f32
      %slice3A_1883 = vector.extract_strided_slice %add3A_1689 {offsets = [0, 85], sizes = [256, 4], strides = [1, 1]} : vector<256x256xf32> to vector<256x4xf32>
      %slice3A_1884 = vector.extract_strided_slice %slice3A_1883 {offsets = [0, 0], sizes = [256, 2], strides = [1, 1]} : vector<256x4xf32> to vector<256x2xf32>
      %logistic3A_1885 = arith.negf %slice3A_1884 : vector<256x2xf32>
      %logistic3A_1886 = math.exp %logistic3A_1885 : vector<256x2xf32>
      %logistic3A_1887 = arith.constant 1.000000e+00 : f32
      %logistic3A_1888 = vector.broadcast %logistic3A_1887 : f32 to vector<256x2xf32>
      %logistic3A_1889 = arith.addf %logistic3A_1888, %logistic3A_1886 : vector<256x2xf32>
      %logistic3A_1890 = arith.divf %logistic3A_1888, %logistic3A_1889 : vector<256x2xf32>
      %slice3A_1891 = vector.extract_strided_slice %slice3A_1883 {offsets = [0, 2], sizes = [256, 2], strides = [1, 1]} : vector<256x4xf32> to vector<256x2xf32>
      %logistic3A_1892 = arith.negf %slice3A_1891 : vector<256x2xf32>
      %logistic3A_1893 = math.exp %logistic3A_1892 : vector<256x2xf32>
      %logistic3A_1894 = arith.constant 1.000000e+00 : f32
      %logistic3A_1895 = vector.broadcast %logistic3A_1894 : f32 to vector<256x2xf32>
      %logistic3A_1896 = arith.addf %logistic3A_1895, %logistic3A_1893 : vector<256x2xf32>
      %logistic3A_1897 = arith.divf %logistic3A_1895, %logistic3A_1896 : vector<256x2xf32>
      %convert_element_type3A_1898 = arith.sitofp %min3A_1755 : vector<256x1xi32> to vector<256x1xf32>
      %slice3A_1899 = vector.extract_strided_slice %logistic3A_1890 {offsets = [0, 0], sizes = [256, 1], strides = [1, 1]} : vector<256x2xf32> to vector<256x1xf32>
      %add3A_1900 = arith.addf %convert_element_type3A_1898, %slice3A_1899 : vector<256x1xf32>
      %div3A_1901 = arith.constant 8.000000e+01 : f32
      %div3A_1902 = vector.broadcast %div3A_1901 : f32 to vector<256x1xf32>
      %div3A_1903 = arith.divf %add3A_1900, %div3A_1902 : vector<256x1xf32>
      %convert_element_type3A_1904 = arith.sitofp %min3A_1766 : vector<256x1xi32> to vector<256x1xf32>
      %slice3A_1905 = vector.extract_strided_slice %logistic3A_1890 {offsets = [0, 1], sizes = [256, 1], strides = [1, 1]} : vector<256x2xf32> to vector<256x1xf32>
      %add3A_1906 = arith.addf %convert_element_type3A_1904, %slice3A_1905 : vector<256x1xf32>
      %div3A_1907 = arith.constant 8.000000e+01 : f32
      %div3A_1908 = vector.broadcast %div3A_1907 : f32 to vector<256x1xf32>
      %div3A_1909 = arith.divf %add3A_1906, %div3A_1908 : vector<256x1xf32>
      %slice3A_1910 = vector.extract_strided_slice %logistic3A_1897 {offsets = [0, 0], sizes = [256, 1], strides = [1, 1]} : vector<256x2xf32> to vector<256x1xf32>
      %slice3A_1911 = vector.extract_strided_slice %logistic3A_1897 {offsets = [0, 1], sizes = [256, 1], strides = [1, 1]} : vector<256x2xf32> to vector<256x1xf32>
      %mul3A_1912 = arith.constant 5.000000e-01 : f32
      %mul3A_1913 = vector.broadcast %mul3A_1912 : f32 to vector<256x1xf32>
      %mul3A_1914 = arith.mulf %slice3A_1910, %mul3A_1913 : vector<256x1xf32>
      %sub3A_1915 = arith.subf %div3A_1903, %mul3A_1914 : vector<256x1xf32>
      %mul3A_1916 = arith.constant 5.000000e-01 : f32
      %mul3A_1917 = vector.broadcast %mul3A_1916 : f32 to vector<256x1xf32>
      %mul3A_1918 = arith.mulf %slice3A_1911, %mul3A_1917 : vector<256x1xf32>
      %sub3A_1919 = arith.subf %div3A_1909, %mul3A_1918 : vector<256x1xf32>
      %mul3A_1920 = arith.constant 5.000000e-01 : f32
      %mul3A_1921 = vector.broadcast %mul3A_1920 : f32 to vector<256x1xf32>
      %mul3A_1922 = arith.mulf %slice3A_1910, %mul3A_1921 : vector<256x1xf32>
      %add3A_1923 = arith.addf %div3A_1903, %mul3A_1922 : vector<256x1xf32>
      %mul3A_1924 = arith.constant 5.000000e-01 : f32
      %mul3A_1925 = vector.broadcast %mul3A_1924 : f32 to vector<256x1xf32>
      %mul3A_1926 = arith.mulf %slice3A_1911, %mul3A_1925 : vector<256x1xf32>
      %add3A_1927 = arith.addf %div3A_1909, %mul3A_1926 : vector<256x1xf32>
      %mul3A_1928 = arith.constant 5.000000e-01 : f32
      %mul3A_1929 = vector.broadcast %mul3A_1928 : f32 to vector<256x1xf32>
      %mul3A_1930 = arith.mulf %min3A_1708, %mul3A_1929 : vector<256x1xf32>
      %sub3A_1931 = arith.subf %min3A_1731, %mul3A_1930 : vector<256x1xf32>
      %mul3A_1932 = arith.constant 5.000000e-01 : f32
      %mul3A_1933 = vector.broadcast %mul3A_1932 : f32 to vector<256x1xf32>
      %mul3A_1934 = arith.mulf %min3A_1718, %mul3A_1933 : vector<256x1xf32>
      %sub3A_1935 = arith.subf %min3A_1744, %mul3A_1934 : vector<256x1xf32>
      %mul3A_1936 = arith.constant 5.000000e-01 : f32
      %mul3A_1937 = vector.broadcast %mul3A_1936 : f32 to vector<256x1xf32>
      %mul3A_1938 = arith.mulf %min3A_1708, %mul3A_1937 : vector<256x1xf32>
      %add3A_1939 = arith.addf %min3A_1731, %mul3A_1938 : vector<256x1xf32>
      %mul3A_1940 = arith.constant 5.000000e-01 : f32
      %mul3A_1941 = vector.broadcast %mul3A_1940 : f32 to vector<256x1xf32>
      %mul3A_1942 = arith.mulf %min3A_1718, %mul3A_1941 : vector<256x1xf32>
      %add3A_1943 = arith.addf %min3A_1744, %mul3A_1942 : vector<256x1xf32>
      %sub3A_1944 = arith.subf %add3A_1923, %sub3A_1915 : vector<256x1xf32>
      %sub3A_1945 = arith.subf %add3A_1927, %sub3A_1919 : vector<256x1xf32>
      %mul3A_1946 = arith.mulf %sub3A_1944, %sub3A_1945 : vector<256x1xf32>
      %sub3A_1947 = arith.subf %add3A_1939, %sub3A_1931 : vector<256x1xf32>
      %sub3A_1948 = arith.subf %add3A_1943, %sub3A_1935 : vector<256x1xf32>
      %mul3A_1949 = arith.mulf %sub3A_1947, %sub3A_1948 : vector<256x1xf32>
      %min3A_1950 = arith.minimumf %add3A_1923, %add3A_1939 : vector<256x1xf32>
      %max3A_1951 = arith.maximumf %sub3A_1915, %sub3A_1931 : vector<256x1xf32>
      %sub3A_1952 = arith.subf %min3A_1950, %max3A_1951 : vector<256x1xf32>
      %max3A_1953 = arith.constant 0.000000e+00 : f32
      %max3A_1954 = vector.broadcast %max3A_1953 : f32 to vector<256x1xf32>
      %max3A_1955 = arith.maximumf %sub3A_1952, %max3A_1954 : vector<256x1xf32>
      %min3A_1956 = arith.minimumf %add3A_1927, %add3A_1943 : vector<256x1xf32>
      %max3A_1957 = arith.maximumf %sub3A_1919, %sub3A_1935 : vector<256x1xf32>
      %sub3A_1958 = arith.subf %min3A_1956, %max3A_1957 : vector<256x1xf32>
      %max3A_1959 = arith.constant 0.000000e+00 : f32
      %max3A_1960 = vector.broadcast %max3A_1959 : f32 to vector<256x1xf32>
      %max3A_1961 = arith.maximumf %sub3A_1958, %max3A_1960 : vector<256x1xf32>
      %mul3A_1962 = arith.mulf %max3A_1955, %max3A_1961 : vector<256x1xf32>
      %add3A_1963 = arith.addf %mul3A_1946, %mul3A_1949 : vector<256x1xf32>
      %sub3A_1964 = arith.subf %add3A_1963, %mul3A_1962 : vector<256x1xf32>
      %div3A_1965 = arith.divf %mul3A_1962, %sub3A_1964 : vector<256x1xf32>
      %max3A_1966 = arith.maximumf %add3A_1923, %add3A_1939 : vector<256x1xf32>
      %min3A_1967 = arith.minimumf %sub3A_1915, %sub3A_1931 : vector<256x1xf32>
      %sub3A_1968 = arith.subf %max3A_1966, %min3A_1967 : vector<256x1xf32>
      %max3A_1969 = arith.maximumf %add3A_1927, %add3A_1943 : vector<256x1xf32>
      %min3A_1970 = arith.minimumf %sub3A_1919, %sub3A_1935 : vector<256x1xf32>
      %sub3A_1971 = arith.subf %max3A_1969, %min3A_1970 : vector<256x1xf32>
      %max3A_1972 = arith.constant 0.000000e+00 : f32
      %max3A_1973 = vector.broadcast %max3A_1972 : f32 to vector<256x1xf32>
      %max3A_1974 = arith.maximumf %sub3A_1968, %max3A_1973 : vector<256x1xf32>
      %max3A_1975 = arith.constant 0.000000e+00 : f32
      %max3A_1976 = vector.broadcast %max3A_1975 : f32 to vector<256x1xf32>
      %max3A_1977 = arith.maximumf %sub3A_1971, %max3A_1976 : vector<256x1xf32>
      %mul3A_1978 = arith.mulf %max3A_1974, %max3A_1977 : vector<256x1xf32>
      %sub3A_1979 = arith.subf %mul3A_1978, %sub3A_1964 : vector<256x1xf32>
      %div3A_1980 = arith.divf %sub3A_1979, %mul3A_1978 : vector<256x1xf32>
      %sub3A_1981 = arith.subf %div3A_1965, %div3A_1980 : vector<256x1xf32>
      %sub3A_1982 = arith.constant 1.000000e+00 : f32
      %sub3A_1983 = vector.broadcast %sub3A_1982 : f32 to vector<256x1xf32>
      %sub3A_1984 = arith.subf %sub3A_1983, %sub3A_1981 : vector<256x1xf32>
      %mul3A_1985 = arith.mulf %sub3A_1984, %convert_element_type3A_1176 : vector<256x1xf32>
      %mul3A_1986 = arith.mulf %mul3A_1985, %convert_element_type3A_1771 : vector<256x1xf32>
      %reduce_sum3A_1987 = vector.shape_cast %mul3A_1986 : vector<256x1xf32> to vector<1x256x1xf32>
      %reduce_sum3A_1988 = arith.constant dense<0.000000e+00> : vector<1xf32>
      %reduce_sum3A_1989 = vector.multi_reduction <add>, %reduce_sum3A_1987, %reduce_sum3A_1988 [1, 2] : vector<1x256x1xf32> to vector<1xf32>
      %reduce_sum3A_1990 = vector.shape_cast %reduce_sum3A_1989 : vector<1xf32> to vector<1x1x1xf32>
      %reduce_sum3A_1991 = vector.extract %reduce_sum3A_1990[0, 0, 0] : f32 from vector<1x1x1xf32>
      %add3A_1992 = arith.addf %add3A_1882, %reduce_sum3A_1991 : f32
      %slice3A_1993 = vector.extract_strided_slice %add3A_1689 {offsets = [0, 170], sizes = [256, 4], strides = [1, 1]} : vector<256x256xf32> to vector<256x4xf32>
      %slice3A_1994 = vector.extract_strided_slice %slice3A_1993 {offsets = [0, 0], sizes = [256, 2], strides = [1, 1]} : vector<256x4xf32> to vector<256x2xf32>
      %logistic3A_1995 = arith.negf %slice3A_1994 : vector<256x2xf32>
      %logistic3A_1996 = math.exp %logistic3A_1995 : vector<256x2xf32>
      %logistic3A_1997 = arith.constant 1.000000e+00 : f32
      %logistic3A_1998 = vector.broadcast %logistic3A_1997 : f32 to vector<256x2xf32>
      %logistic3A_1999 = arith.addf %logistic3A_1998, %logistic3A_1996 : vector<256x2xf32>
      %logistic3A_2000 = arith.divf %logistic3A_1998, %logistic3A_1999 : vector<256x2xf32>
      %slice3A_2001 = vector.extract_strided_slice %slice3A_1993 {offsets = [0, 2], sizes = [256, 2], strides = [1, 1]} : vector<256x4xf32> to vector<256x2xf32>
      %logistic3A_2002 = arith.negf %slice3A_2001 : vector<256x2xf32>
      %logistic3A_2003 = math.exp %logistic3A_2002 : vector<256x2xf32>
      %logistic3A_2004 = arith.constant 1.000000e+00 : f32
      %logistic3A_2005 = vector.broadcast %logistic3A_2004 : f32 to vector<256x2xf32>
      %logistic3A_2006 = arith.addf %logistic3A_2005, %logistic3A_2003 : vector<256x2xf32>
      %logistic3A_2007 = arith.divf %logistic3A_2005, %logistic3A_2006 : vector<256x2xf32>
      %convert_element_type3A_2008 = arith.sitofp %min3A_1755 : vector<256x1xi32> to vector<256x1xf32>
      %slice3A_2009 = vector.extract_strided_slice %logistic3A_2000 {offsets = [0, 0], sizes = [256, 1], strides = [1, 1]} : vector<256x2xf32> to vector<256x1xf32>
      %add3A_2010 = arith.addf %convert_element_type3A_2008, %slice3A_2009 : vector<256x1xf32>
      %div3A_2011 = arith.constant 8.000000e+01 : f32
      %div3A_2012 = vector.broadcast %div3A_2011 : f32 to vector<256x1xf32>
      %div3A_2013 = arith.divf %add3A_2010, %div3A_2012 : vector<256x1xf32>
      %convert_element_type3A_2014 = arith.sitofp %min3A_1766 : vector<256x1xi32> to vector<256x1xf32>
      %slice3A_2015 = vector.extract_strided_slice %logistic3A_2000 {offsets = [0, 1], sizes = [256, 1], strides = [1, 1]} : vector<256x2xf32> to vector<256x1xf32>
      %add3A_2016 = arith.addf %convert_element_type3A_2014, %slice3A_2015 : vector<256x1xf32>
      %div3A_2017 = arith.constant 8.000000e+01 : f32
      %div3A_2018 = vector.broadcast %div3A_2017 : f32 to vector<256x1xf32>
      %div3A_2019 = arith.divf %add3A_2016, %div3A_2018 : vector<256x1xf32>
      %slice3A_2020 = vector.extract_strided_slice %logistic3A_2007 {offsets = [0, 0], sizes = [256, 1], strides = [1, 1]} : vector<256x2xf32> to vector<256x1xf32>
      %slice3A_2021 = vector.extract_strided_slice %logistic3A_2007 {offsets = [0, 1], sizes = [256, 1], strides = [1, 1]} : vector<256x2xf32> to vector<256x1xf32>
      %mul3A_2022 = arith.constant 5.000000e-01 : f32
      %mul3A_2023 = vector.broadcast %mul3A_2022 : f32 to vector<256x1xf32>
      %mul3A_2024 = arith.mulf %slice3A_2020, %mul3A_2023 : vector<256x1xf32>
      %sub3A_2025 = arith.subf %div3A_2013, %mul3A_2024 : vector<256x1xf32>
      %mul3A_2026 = arith.constant 5.000000e-01 : f32
      %mul3A_2027 = vector.broadcast %mul3A_2026 : f32 to vector<256x1xf32>
      %mul3A_2028 = arith.mulf %slice3A_2021, %mul3A_2027 : vector<256x1xf32>
      %sub3A_2029 = arith.subf %div3A_2019, %mul3A_2028 : vector<256x1xf32>
      %mul3A_2030 = arith.constant 5.000000e-01 : f32
      %mul3A_2031 = vector.broadcast %mul3A_2030 : f32 to vector<256x1xf32>
      %mul3A_2032 = arith.mulf %slice3A_2020, %mul3A_2031 : vector<256x1xf32>
      %add3A_2033 = arith.addf %div3A_2013, %mul3A_2032 : vector<256x1xf32>
      %mul3A_2034 = arith.constant 5.000000e-01 : f32
      %mul3A_2035 = vector.broadcast %mul3A_2034 : f32 to vector<256x1xf32>
      %mul3A_2036 = arith.mulf %slice3A_2021, %mul3A_2035 : vector<256x1xf32>
      %add3A_2037 = arith.addf %div3A_2019, %mul3A_2036 : vector<256x1xf32>
      %mul3A_2038 = arith.constant 5.000000e-01 : f32
      %mul3A_2039 = vector.broadcast %mul3A_2038 : f32 to vector<256x1xf32>
      %mul3A_2040 = arith.mulf %min3A_1708, %mul3A_2039 : vector<256x1xf32>
      %sub3A_2041 = arith.subf %min3A_1731, %mul3A_2040 : vector<256x1xf32>
      %mul3A_2042 = arith.constant 5.000000e-01 : f32
      %mul3A_2043 = vector.broadcast %mul3A_2042 : f32 to vector<256x1xf32>
      %mul3A_2044 = arith.mulf %min3A_1718, %mul3A_2043 : vector<256x1xf32>
      %sub3A_2045 = arith.subf %min3A_1744, %mul3A_2044 : vector<256x1xf32>
      %mul3A_2046 = arith.constant 5.000000e-01 : f32
      %mul3A_2047 = vector.broadcast %mul3A_2046 : f32 to vector<256x1xf32>
      %mul3A_2048 = arith.mulf %min3A_1708, %mul3A_2047 : vector<256x1xf32>
      %add3A_2049 = arith.addf %min3A_1731, %mul3A_2048 : vector<256x1xf32>
      %mul3A_2050 = arith.constant 5.000000e-01 : f32
      %mul3A_2051 = vector.broadcast %mul3A_2050 : f32 to vector<256x1xf32>
      %mul3A_2052 = arith.mulf %min3A_1718, %mul3A_2051 : vector<256x1xf32>
      %add3A_2053 = arith.addf %min3A_1744, %mul3A_2052 : vector<256x1xf32>
      %sub3A_2054 = arith.subf %add3A_2033, %sub3A_2025 : vector<256x1xf32>
      %sub3A_2055 = arith.subf %add3A_2037, %sub3A_2029 : vector<256x1xf32>
      %mul3A_2056 = arith.mulf %sub3A_2054, %sub3A_2055 : vector<256x1xf32>
      %sub3A_2057 = arith.subf %add3A_2049, %sub3A_2041 : vector<256x1xf32>
      %sub3A_2058 = arith.subf %add3A_2053, %sub3A_2045 : vector<256x1xf32>
      %mul3A_2059 = arith.mulf %sub3A_2057, %sub3A_2058 : vector<256x1xf32>
      %min3A_2060 = arith.minimumf %add3A_2033, %add3A_2049 : vector<256x1xf32>
      %max3A_2061 = arith.maximumf %sub3A_2025, %sub3A_2041 : vector<256x1xf32>
      %sub3A_2062 = arith.subf %min3A_2060, %max3A_2061 : vector<256x1xf32>
      %max3A_2063 = arith.constant 0.000000e+00 : f32
      %max3A_2064 = vector.broadcast %max3A_2063 : f32 to vector<256x1xf32>
      %max3A_2065 = arith.maximumf %sub3A_2062, %max3A_2064 : vector<256x1xf32>
      %min3A_2066 = arith.minimumf %add3A_2037, %add3A_2053 : vector<256x1xf32>
      %max3A_2067 = arith.maximumf %sub3A_2029, %sub3A_2045 : vector<256x1xf32>
      %sub3A_2068 = arith.subf %min3A_2066, %max3A_2067 : vector<256x1xf32>
      %max3A_2069 = arith.constant 0.000000e+00 : f32
      %max3A_2070 = vector.broadcast %max3A_2069 : f32 to vector<256x1xf32>
      %max3A_2071 = arith.maximumf %sub3A_2068, %max3A_2070 : vector<256x1xf32>
      %mul3A_2072 = arith.mulf %max3A_2065, %max3A_2071 : vector<256x1xf32>
      %add3A_2073 = arith.addf %mul3A_2056, %mul3A_2059 : vector<256x1xf32>
      %sub3A_2074 = arith.subf %add3A_2073, %mul3A_2072 : vector<256x1xf32>
      %div3A_2075 = arith.divf %mul3A_2072, %sub3A_2074 : vector<256x1xf32>
      %max3A_2076 = arith.maximumf %add3A_2033, %add3A_2049 : vector<256x1xf32>
      %min3A_2077 = arith.minimumf %sub3A_2025, %sub3A_2041 : vector<256x1xf32>
      %sub3A_2078 = arith.subf %max3A_2076, %min3A_2077 : vector<256x1xf32>
      %max3A_2079 = arith.maximumf %add3A_2037, %add3A_2053 : vector<256x1xf32>
      %min3A_2080 = arith.minimumf %sub3A_2029, %sub3A_2045 : vector<256x1xf32>
      %sub3A_2081 = arith.subf %max3A_2079, %min3A_2080 : vector<256x1xf32>
      %max3A_2082 = arith.constant 0.000000e+00 : f32
      %max3A_2083 = vector.broadcast %max3A_2082 : f32 to vector<256x1xf32>
      %max3A_2084 = arith.maximumf %sub3A_2078, %max3A_2083 : vector<256x1xf32>
      %max3A_2085 = arith.constant 0.000000e+00 : f32
      %max3A_2086 = vector.broadcast %max3A_2085 : f32 to vector<256x1xf32>
      %max3A_2087 = arith.maximumf %sub3A_2081, %max3A_2086 : vector<256x1xf32>
      %mul3A_2088 = arith.mulf %max3A_2084, %max3A_2087 : vector<256x1xf32>
      %sub3A_2089 = arith.subf %mul3A_2088, %sub3A_2074 : vector<256x1xf32>
      %div3A_2090 = arith.divf %sub3A_2089, %mul3A_2088 : vector<256x1xf32>
      %sub3A_2091 = arith.subf %div3A_2075, %div3A_2090 : vector<256x1xf32>
      %sub3A_2092 = arith.constant 1.000000e+00 : f32
      %sub3A_2093 = vector.broadcast %sub3A_2092 : f32 to vector<256x1xf32>
      %sub3A_2094 = arith.subf %sub3A_2093, %sub3A_2091 : vector<256x1xf32>
      %mul3A_2095 = arith.mulf %sub3A_2094, %convert_element_type3A_1176 : vector<256x1xf32>
      %mul3A_2096 = arith.mulf %mul3A_2095, %convert_element_type3A_1771 : vector<256x1xf32>
      %reduce_sum3A_2097 = vector.shape_cast %mul3A_2096 : vector<256x1xf32> to vector<1x256x1xf32>
      %reduce_sum3A_2098 = arith.constant dense<0.000000e+00> : vector<1xf32>
      %reduce_sum3A_2099 = vector.multi_reduction <add>, %reduce_sum3A_2097, %reduce_sum3A_2098 [1, 2] : vector<1x256x1xf32> to vector<1xf32>
      %reduce_sum3A_2100 = vector.shape_cast %reduce_sum3A_2099 : vector<1xf32> to vector<1x1x1xf32>
      %reduce_sum3A_2101 = vector.extract %reduce_sum3A_2100[0, 0, 0] : f32 from vector<1x1x1xf32>
      %add3A_2102 = arith.addf %add3A_1992, %reduce_sum3A_2101 : f32
      %sub3A_2103 = arith.subf %slice3A_1096, %slice3A_1094 : vector<256x1xf32>
      %div3A_2104 = arith.constant 6.400000e+02 : f32
      %div3A_2105 = vector.broadcast %div3A_2104 : f32 to vector<256x1xf32>
      %div3A_2106 = arith.divf %sub3A_2103, %div3A_2105 : vector<256x1xf32>
      %jit3A_2107 = arith.constant 9.99999997E-7 : f32
      %jit3A_2108 = arith.constant 1.000000e+00 : f32
      %max3A_2109 = vector.broadcast %jit3A_2107 : f32 to vector<256x1xf32>
      %max3A_2110 = arith.maximumf %max3A_2109, %div3A_2106 : vector<256x1xf32>
      %min3A_2111 = vector.broadcast %jit3A_2108 : f32 to vector<256x1xf32>
      %min3A_2112 = arith.minimumf %min3A_2111, %max3A_2110 : vector<256x1xf32>
      %sub3A_2113 = arith.subf %slice3A_1097, %slice3A_1095 : vector<256x1xf32>
      %div3A_2114 = arith.constant 6.400000e+02 : f32
      %div3A_2115 = vector.broadcast %div3A_2114 : f32 to vector<256x1xf32>
      %div3A_2116 = arith.divf %sub3A_2113, %div3A_2115 : vector<256x1xf32>
      %jit3A_2117 = arith.constant 9.99999997E-7 : f32
      %jit3A_2118 = arith.constant 1.000000e+00 : f32
      %max3A_2119 = vector.broadcast %jit3A_2117 : f32 to vector<256x1xf32>
      %max3A_2120 = arith.maximumf %max3A_2119, %div3A_2116 : vector<256x1xf32>
      %min3A_2121 = vector.broadcast %jit3A_2118 : f32 to vector<256x1xf32>
      %min3A_2122 = arith.minimumf %min3A_2121, %max3A_2120 : vector<256x1xf32>
      %add3A_2123 = arith.addf %slice3A_1094, %slice3A_1096 : vector<256x1xf32>
      %mul3A_2124 = arith.constant 5.000000e-01 : f32
      %mul3A_2125 = vector.broadcast %mul3A_2124 : f32 to vector<256x1xf32>
      %mul3A_2126 = arith.mulf %add3A_2123, %mul3A_2125 : vector<256x1xf32>
      %div3A_2127 = arith.constant 6.400000e+02 : f32
      %div3A_2128 = vector.broadcast %div3A_2127 : f32 to vector<256x1xf32>
      %div3A_2129 = arith.divf %mul3A_2126, %div3A_2128 : vector<256x1xf32>
      %jit3A_2130 = arith.constant 0.000000e+00 : f32
      %jit3A_2131 = arith.constant 0.999998986 : f32
      %max3A_2132 = vector.broadcast %jit3A_2130 : f32 to vector<256x1xf32>
      %max3A_2133 = arith.maximumf %max3A_2132, %div3A_2129 : vector<256x1xf32>
      %min3A_2134 = vector.broadcast %jit3A_2131 : f32 to vector<256x1xf32>
      %min3A_2135 = arith.minimumf %min3A_2134, %max3A_2133 : vector<256x1xf32>
      %add3A_2136 = arith.addf %slice3A_1095, %slice3A_1097 : vector<256x1xf32>
      %mul3A_2137 = arith.constant 5.000000e-01 : f32
      %mul3A_2138 = vector.broadcast %mul3A_2137 : f32 to vector<256x1xf32>
      %mul3A_2139 = arith.mulf %add3A_2136, %mul3A_2138 : vector<256x1xf32>
      %div3A_2140 = arith.constant 6.400000e+02 : f32
      %div3A_2141 = vector.broadcast %div3A_2140 : f32 to vector<256x1xf32>
      %div3A_2142 = arith.divf %mul3A_2139, %div3A_2141 : vector<256x1xf32>
      %jit3A_2143 = arith.constant 0.000000e+00 : f32
      %jit3A_2144 = arith.constant 0.999998986 : f32
      %max3A_2145 = vector.broadcast %jit3A_2143 : f32 to vector<256x1xf32>
      %max3A_2146 = arith.maximumf %max3A_2145, %div3A_2142 : vector<256x1xf32>
      %min3A_2147 = vector.broadcast %jit3A_2144 : f32 to vector<256x1xf32>
      %min3A_2148 = arith.minimumf %min3A_2147, %max3A_2146 : vector<256x1xf32>
      %mul3A_2149 = arith.constant 4.000000e+01 : f32
      %mul3A_2150 = vector.broadcast %mul3A_2149 : f32 to vector<256x1xf32>
      %mul3A_2151 = arith.mulf %min3A_2135, %mul3A_2150 : vector<256x1xf32>
      %floor3A_2152 = math.floor %mul3A_2151 : vector<256x1xf32>
      %convert_element_type3A_2153 = arith.fptosi %floor3A_2152 : vector<256x1xf32> to vector<256x1xi32>
      %jit3A_2154 = arith.constant 0 : i32
      %jit3A_2155 = arith.constant 39 : i32
      %max3A_2156 = vector.broadcast %jit3A_2154 : i32 to vector<256x1xi32>
      %max3A_2157 = arith.maxsi %max3A_2156, %convert_element_type3A_2153 : vector<256x1xi32>
      %min3A_2158 = vector.broadcast %jit3A_2155 : i32 to vector<256x1xi32>
      %min3A_2159 = arith.minsi %min3A_2158, %max3A_2157 : vector<256x1xi32>
      %mul3A_2160 = arith.constant 4.000000e+01 : f32
      %mul3A_2161 = vector.broadcast %mul3A_2160 : f32 to vector<256x1xf32>
      %mul3A_2162 = arith.mulf %min3A_2148, %mul3A_2161 : vector<256x1xf32>
      %floor3A_2163 = math.floor %mul3A_2162 : vector<256x1xf32>
      %convert_element_type3A_2164 = arith.fptosi %floor3A_2163 : vector<256x1xf32> to vector<256x1xi32>
      %jit3A_2165 = arith.constant 0 : i32
      %jit3A_2166 = arith.constant 39 : i32
      %max3A_2167 = vector.broadcast %jit3A_2165 : i32 to vector<256x1xi32>
      %max3A_2168 = arith.maxsi %max3A_2167, %convert_element_type3A_2164 : vector<256x1xi32>
      %min3A_2169 = vector.broadcast %jit3A_2166 : i32 to vector<256x1xi32>
      %min3A_2170 = arith.minsi %min3A_2169, %max3A_2168 : vector<256x1xi32>
      %eq3A_2171 = arith.constant 1 : i32
      %eq3A_2172 = vector.broadcast %eq3A_2171 : i32 to vector<256x1xi32>
      %eq3A_2173 = arith.cmpi eq, %min3A_1167, %eq3A_2172 : vector<256x1xi32>
      %convert_element_type3A_2174 = arith.extui %eq3A_2173 : vector<256x1xi1> to vector<256x1xi32>
      %convert_element_type3A_2175 = arith.sitofp %convert_element_type3A_2174 : vector<256x1xi32> to vector<256x1xf32>
      %slice3A_2176 = vector.extract_strided_slice %add3A_1689 {offsets = [0, 0], sizes = [256, 4], strides = [1, 1]} : vector<256x256xf32> to vector<256x4xf32>
      %slice3A_2177 = vector.extract_strided_slice %slice3A_2176 {offsets = [0, 0], sizes = [256, 2], strides = [1, 1]} : vector<256x4xf32> to vector<256x2xf32>
      %logistic3A_2178 = arith.negf %slice3A_2177 : vector<256x2xf32>
      %logistic3A_2179 = math.exp %logistic3A_2178 : vector<256x2xf32>
      %logistic3A_2180 = arith.constant 1.000000e+00 : f32
      %logistic3A_2181 = vector.broadcast %logistic3A_2180 : f32 to vector<256x2xf32>
      %logistic3A_2182 = arith.addf %logistic3A_2181, %logistic3A_2179 : vector<256x2xf32>
      %logistic3A_2183 = arith.divf %logistic3A_2181, %logistic3A_2182 : vector<256x2xf32>
      %slice3A_2184 = vector.extract_strided_slice %slice3A_2176 {offsets = [0, 2], sizes = [256, 2], strides = [1, 1]} : vector<256x4xf32> to vector<256x2xf32>
      %logistic3A_2185 = arith.negf %slice3A_2184 : vector<256x2xf32>
      %logistic3A_2186 = math.exp %logistic3A_2185 : vector<256x2xf32>
      %logistic3A_2187 = arith.constant 1.000000e+00 : f32
      %logistic3A_2188 = vector.broadcast %logistic3A_2187 : f32 to vector<256x2xf32>
      %logistic3A_2189 = arith.addf %logistic3A_2188, %logistic3A_2186 : vector<256x2xf32>
      %logistic3A_2190 = arith.divf %logistic3A_2188, %logistic3A_2189 : vector<256x2xf32>
      %convert_element_type3A_2191 = arith.sitofp %min3A_2159 : vector<256x1xi32> to vector<256x1xf32>
      %slice3A_2192 = vector.extract_strided_slice %logistic3A_2183 {offsets = [0, 0], sizes = [256, 1], strides = [1, 1]} : vector<256x2xf32> to vector<256x1xf32>
      %add3A_2193 = arith.addf %convert_element_type3A_2191, %slice3A_2192 : vector<256x1xf32>
      %div3A_2194 = arith.constant 4.000000e+01 : f32
      %div3A_2195 = vector.broadcast %div3A_2194 : f32 to vector<256x1xf32>
      %div3A_2196 = arith.divf %add3A_2193, %div3A_2195 : vector<256x1xf32>
      %convert_element_type3A_2197 = arith.sitofp %min3A_2170 : vector<256x1xi32> to vector<256x1xf32>
      %slice3A_2198 = vector.extract_strided_slice %logistic3A_2183 {offsets = [0, 1], sizes = [256, 1], strides = [1, 1]} : vector<256x2xf32> to vector<256x1xf32>
      %add3A_2199 = arith.addf %convert_element_type3A_2197, %slice3A_2198 : vector<256x1xf32>
      %div3A_2200 = arith.constant 4.000000e+01 : f32
      %div3A_2201 = vector.broadcast %div3A_2200 : f32 to vector<256x1xf32>
      %div3A_2202 = arith.divf %add3A_2199, %div3A_2201 : vector<256x1xf32>
      %slice3A_2203 = vector.extract_strided_slice %logistic3A_2190 {offsets = [0, 0], sizes = [256, 1], strides = [1, 1]} : vector<256x2xf32> to vector<256x1xf32>
      %slice3A_2204 = vector.extract_strided_slice %logistic3A_2190 {offsets = [0, 1], sizes = [256, 1], strides = [1, 1]} : vector<256x2xf32> to vector<256x1xf32>
      %mul3A_2205 = arith.constant 5.000000e-01 : f32
      %mul3A_2206 = vector.broadcast %mul3A_2205 : f32 to vector<256x1xf32>
      %mul3A_2207 = arith.mulf %slice3A_2203, %mul3A_2206 : vector<256x1xf32>
      %sub3A_2208 = arith.subf %div3A_2196, %mul3A_2207 : vector<256x1xf32>
      %mul3A_2209 = arith.constant 5.000000e-01 : f32
      %mul3A_2210 = vector.broadcast %mul3A_2209 : f32 to vector<256x1xf32>
      %mul3A_2211 = arith.mulf %slice3A_2204, %mul3A_2210 : vector<256x1xf32>
      %sub3A_2212 = arith.subf %div3A_2202, %mul3A_2211 : vector<256x1xf32>
      %mul3A_2213 = arith.constant 5.000000e-01 : f32
      %mul3A_2214 = vector.broadcast %mul3A_2213 : f32 to vector<256x1xf32>
      %mul3A_2215 = arith.mulf %slice3A_2203, %mul3A_2214 : vector<256x1xf32>
      %add3A_2216 = arith.addf %div3A_2196, %mul3A_2215 : vector<256x1xf32>
      %mul3A_2217 = arith.constant 5.000000e-01 : f32
      %mul3A_2218 = vector.broadcast %mul3A_2217 : f32 to vector<256x1xf32>
      %mul3A_2219 = arith.mulf %slice3A_2204, %mul3A_2218 : vector<256x1xf32>
      %add3A_2220 = arith.addf %div3A_2202, %mul3A_2219 : vector<256x1xf32>
      %mul3A_2221 = arith.constant 5.000000e-01 : f32
      %mul3A_2222 = vector.broadcast %mul3A_2221 : f32 to vector<256x1xf32>
      %mul3A_2223 = arith.mulf %min3A_2112, %mul3A_2222 : vector<256x1xf32>
      %sub3A_2224 = arith.subf %min3A_2135, %mul3A_2223 : vector<256x1xf32>
      %mul3A_2225 = arith.constant 5.000000e-01 : f32
      %mul3A_2226 = vector.broadcast %mul3A_2225 : f32 to vector<256x1xf32>
      %mul3A_2227 = arith.mulf %min3A_2122, %mul3A_2226 : vector<256x1xf32>
      %sub3A_2228 = arith.subf %min3A_2148, %mul3A_2227 : vector<256x1xf32>
      %mul3A_2229 = arith.constant 5.000000e-01 : f32
      %mul3A_2230 = vector.broadcast %mul3A_2229 : f32 to vector<256x1xf32>
      %mul3A_2231 = arith.mulf %min3A_2112, %mul3A_2230 : vector<256x1xf32>
      %add3A_2232 = arith.addf %min3A_2135, %mul3A_2231 : vector<256x1xf32>
      %mul3A_2233 = arith.constant 5.000000e-01 : f32
      %mul3A_2234 = vector.broadcast %mul3A_2233 : f32 to vector<256x1xf32>
      %mul3A_2235 = arith.mulf %min3A_2122, %mul3A_2234 : vector<256x1xf32>
      %add3A_2236 = arith.addf %min3A_2148, %mul3A_2235 : vector<256x1xf32>
      %sub3A_2237 = arith.subf %add3A_2216, %sub3A_2208 : vector<256x1xf32>
      %sub3A_2238 = arith.subf %add3A_2220, %sub3A_2212 : vector<256x1xf32>
      %mul3A_2239 = arith.mulf %sub3A_2237, %sub3A_2238 : vector<256x1xf32>
      %sub3A_2240 = arith.subf %add3A_2232, %sub3A_2224 : vector<256x1xf32>
      %sub3A_2241 = arith.subf %add3A_2236, %sub3A_2228 : vector<256x1xf32>
      %mul3A_2242 = arith.mulf %sub3A_2240, %sub3A_2241 : vector<256x1xf32>
      %min3A_2243 = arith.minimumf %add3A_2216, %add3A_2232 : vector<256x1xf32>
      %max3A_2244 = arith.maximumf %sub3A_2208, %sub3A_2224 : vector<256x1xf32>
      %sub3A_2245 = arith.subf %min3A_2243, %max3A_2244 : vector<256x1xf32>
      %max3A_2246 = arith.constant 0.000000e+00 : f32
      %max3A_2247 = vector.broadcast %max3A_2246 : f32 to vector<256x1xf32>
      %max3A_2248 = arith.maximumf %sub3A_2245, %max3A_2247 : vector<256x1xf32>
      %min3A_2249 = arith.minimumf %add3A_2220, %add3A_2236 : vector<256x1xf32>
      %max3A_2250 = arith.maximumf %sub3A_2212, %sub3A_2228 : vector<256x1xf32>
      %sub3A_2251 = arith.subf %min3A_2249, %max3A_2250 : vector<256x1xf32>
      %max3A_2252 = arith.constant 0.000000e+00 : f32
      %max3A_2253 = vector.broadcast %max3A_2252 : f32 to vector<256x1xf32>
      %max3A_2254 = arith.maximumf %sub3A_2251, %max3A_2253 : vector<256x1xf32>
      %mul3A_2255 = arith.mulf %max3A_2248, %max3A_2254 : vector<256x1xf32>
      %add3A_2256 = arith.addf %mul3A_2239, %mul3A_2242 : vector<256x1xf32>
      %sub3A_2257 = arith.subf %add3A_2256, %mul3A_2255 : vector<256x1xf32>
      %div3A_2258 = arith.divf %mul3A_2255, %sub3A_2257 : vector<256x1xf32>
      %max3A_2259 = arith.maximumf %add3A_2216, %add3A_2232 : vector<256x1xf32>
      %min3A_2260 = arith.minimumf %sub3A_2208, %sub3A_2224 : vector<256x1xf32>
      %sub3A_2261 = arith.subf %max3A_2259, %min3A_2260 : vector<256x1xf32>
      %max3A_2262 = arith.maximumf %add3A_2220, %add3A_2236 : vector<256x1xf32>
      %min3A_2263 = arith.minimumf %sub3A_2212, %sub3A_2228 : vector<256x1xf32>
      %sub3A_2264 = arith.subf %max3A_2262, %min3A_2263 : vector<256x1xf32>
      %max3A_2265 = arith.constant 0.000000e+00 : f32
      %max3A_2266 = vector.broadcast %max3A_2265 : f32 to vector<256x1xf32>
      %max3A_2267 = arith.maximumf %sub3A_2261, %max3A_2266 : vector<256x1xf32>
      %max3A_2268 = arith.constant 0.000000e+00 : f32
      %max3A_2269 = vector.broadcast %max3A_2268 : f32 to vector<256x1xf32>
      %max3A_2270 = arith.maximumf %sub3A_2264, %max3A_2269 : vector<256x1xf32>
      %mul3A_2271 = arith.mulf %max3A_2267, %max3A_2270 : vector<256x1xf32>
      %sub3A_2272 = arith.subf %mul3A_2271, %sub3A_2257 : vector<256x1xf32>
      %div3A_2273 = arith.divf %sub3A_2272, %mul3A_2271 : vector<256x1xf32>
      %sub3A_2274 = arith.subf %div3A_2258, %div3A_2273 : vector<256x1xf32>
      %sub3A_2275 = arith.constant 1.000000e+00 : f32
      %sub3A_2276 = vector.broadcast %sub3A_2275 : f32 to vector<256x1xf32>
      %sub3A_2277 = arith.subf %sub3A_2276, %sub3A_2274 : vector<256x1xf32>
      %mul3A_2278 = arith.mulf %sub3A_2277, %convert_element_type3A_1176 : vector<256x1xf32>
      %mul3A_2279 = arith.mulf %mul3A_2278, %convert_element_type3A_2175 : vector<256x1xf32>
      %reduce_sum3A_2280 = vector.shape_cast %mul3A_2279 : vector<256x1xf32> to vector<1x256x1xf32>
      %reduce_sum3A_2281 = arith.constant dense<0.000000e+00> : vector<1xf32>
      %reduce_sum3A_2282 = vector.multi_reduction <add>, %reduce_sum3A_2280, %reduce_sum3A_2281 [1, 2] : vector<1x256x1xf32> to vector<1xf32>
      %reduce_sum3A_2283 = vector.shape_cast %reduce_sum3A_2282 : vector<1xf32> to vector<1x1x1xf32>
      %reduce_sum3A_2284 = vector.extract %reduce_sum3A_2283[0, 0, 0] : f32 from vector<1x1x1xf32>
      %add3A_2285 = arith.addf %add3A_2102, %reduce_sum3A_2284 : f32
      %slice3A_2286 = vector.extract_strided_slice %add3A_1689 {offsets = [0, 85], sizes = [256, 4], strides = [1, 1]} : vector<256x256xf32> to vector<256x4xf32>
      %slice3A_2287 = vector.extract_strided_slice %slice3A_2286 {offsets = [0, 0], sizes = [256, 2], strides = [1, 1]} : vector<256x4xf32> to vector<256x2xf32>
      %logistic3A_2288 = arith.negf %slice3A_2287 : vector<256x2xf32>
      %logistic3A_2289 = math.exp %logistic3A_2288 : vector<256x2xf32>
      %logistic3A_2290 = arith.constant 1.000000e+00 : f32
      %logistic3A_2291 = vector.broadcast %logistic3A_2290 : f32 to vector<256x2xf32>
      %logistic3A_2292 = arith.addf %logistic3A_2291, %logistic3A_2289 : vector<256x2xf32>
      %logistic3A_2293 = arith.divf %logistic3A_2291, %logistic3A_2292 : vector<256x2xf32>
      %slice3A_2294 = vector.extract_strided_slice %slice3A_2286 {offsets = [0, 2], sizes = [256, 2], strides = [1, 1]} : vector<256x4xf32> to vector<256x2xf32>
      %logistic3A_2295 = arith.negf %slice3A_2294 : vector<256x2xf32>
      %logistic3A_2296 = math.exp %logistic3A_2295 : vector<256x2xf32>
      %logistic3A_2297 = arith.constant 1.000000e+00 : f32
      %logistic3A_2298 = vector.broadcast %logistic3A_2297 : f32 to vector<256x2xf32>
      %logistic3A_2299 = arith.addf %logistic3A_2298, %logistic3A_2296 : vector<256x2xf32>
      %logistic3A_2300 = arith.divf %logistic3A_2298, %logistic3A_2299 : vector<256x2xf32>
      %convert_element_type3A_2301 = arith.sitofp %min3A_2159 : vector<256x1xi32> to vector<256x1xf32>
      %slice3A_2302 = vector.extract_strided_slice %logistic3A_2293 {offsets = [0, 0], sizes = [256, 1], strides = [1, 1]} : vector<256x2xf32> to vector<256x1xf32>
      %add3A_2303 = arith.addf %convert_element_type3A_2301, %slice3A_2302 : vector<256x1xf32>
      %div3A_2304 = arith.constant 4.000000e+01 : f32
      %div3A_2305 = vector.broadcast %div3A_2304 : f32 to vector<256x1xf32>
      %div3A_2306 = arith.divf %add3A_2303, %div3A_2305 : vector<256x1xf32>
      %convert_element_type3A_2307 = arith.sitofp %min3A_2170 : vector<256x1xi32> to vector<256x1xf32>
      %slice3A_2308 = vector.extract_strided_slice %logistic3A_2293 {offsets = [0, 1], sizes = [256, 1], strides = [1, 1]} : vector<256x2xf32> to vector<256x1xf32>
      %add3A_2309 = arith.addf %convert_element_type3A_2307, %slice3A_2308 : vector<256x1xf32>
      %div3A_2310 = arith.constant 4.000000e+01 : f32
      %div3A_2311 = vector.broadcast %div3A_2310 : f32 to vector<256x1xf32>
      %div3A_2312 = arith.divf %add3A_2309, %div3A_2311 : vector<256x1xf32>
      %slice3A_2313 = vector.extract_strided_slice %logistic3A_2300 {offsets = [0, 0], sizes = [256, 1], strides = [1, 1]} : vector<256x2xf32> to vector<256x1xf32>
      %slice3A_2314 = vector.extract_strided_slice %logistic3A_2300 {offsets = [0, 1], sizes = [256, 1], strides = [1, 1]} : vector<256x2xf32> to vector<256x1xf32>
      %mul3A_2315 = arith.constant 5.000000e-01 : f32
      %mul3A_2316 = vector.broadcast %mul3A_2315 : f32 to vector<256x1xf32>
      %mul3A_2317 = arith.mulf %slice3A_2313, %mul3A_2316 : vector<256x1xf32>
      %sub3A_2318 = arith.subf %div3A_2306, %mul3A_2317 : vector<256x1xf32>
      %mul3A_2319 = arith.constant 5.000000e-01 : f32
      %mul3A_2320 = vector.broadcast %mul3A_2319 : f32 to vector<256x1xf32>
      %mul3A_2321 = arith.mulf %slice3A_2314, %mul3A_2320 : vector<256x1xf32>
      %sub3A_2322 = arith.subf %div3A_2312, %mul3A_2321 : vector<256x1xf32>
      %mul3A_2323 = arith.constant 5.000000e-01 : f32
      %mul3A_2324 = vector.broadcast %mul3A_2323 : f32 to vector<256x1xf32>
      %mul3A_2325 = arith.mulf %slice3A_2313, %mul3A_2324 : vector<256x1xf32>
      %add3A_2326 = arith.addf %div3A_2306, %mul3A_2325 : vector<256x1xf32>
      %mul3A_2327 = arith.constant 5.000000e-01 : f32
      %mul3A_2328 = vector.broadcast %mul3A_2327 : f32 to vector<256x1xf32>
      %mul3A_2329 = arith.mulf %slice3A_2314, %mul3A_2328 : vector<256x1xf32>
      %add3A_2330 = arith.addf %div3A_2312, %mul3A_2329 : vector<256x1xf32>
      %mul3A_2331 = arith.constant 5.000000e-01 : f32
      %mul3A_2332 = vector.broadcast %mul3A_2331 : f32 to vector<256x1xf32>
      %mul3A_2333 = arith.mulf %min3A_2112, %mul3A_2332 : vector<256x1xf32>
      %sub3A_2334 = arith.subf %min3A_2135, %mul3A_2333 : vector<256x1xf32>
      %mul3A_2335 = arith.constant 5.000000e-01 : f32
      %mul3A_2336 = vector.broadcast %mul3A_2335 : f32 to vector<256x1xf32>
      %mul3A_2337 = arith.mulf %min3A_2122, %mul3A_2336 : vector<256x1xf32>
      %sub3A_2338 = arith.subf %min3A_2148, %mul3A_2337 : vector<256x1xf32>
      %mul3A_2339 = arith.constant 5.000000e-01 : f32
      %mul3A_2340 = vector.broadcast %mul3A_2339 : f32 to vector<256x1xf32>
      %mul3A_2341 = arith.mulf %min3A_2112, %mul3A_2340 : vector<256x1xf32>
      %add3A_2342 = arith.addf %min3A_2135, %mul3A_2341 : vector<256x1xf32>
      %mul3A_2343 = arith.constant 5.000000e-01 : f32
      %mul3A_2344 = vector.broadcast %mul3A_2343 : f32 to vector<256x1xf32>
      %mul3A_2345 = arith.mulf %min3A_2122, %mul3A_2344 : vector<256x1xf32>
      %add3A_2346 = arith.addf %min3A_2148, %mul3A_2345 : vector<256x1xf32>
      %sub3A_2347 = arith.subf %add3A_2326, %sub3A_2318 : vector<256x1xf32>
      %sub3A_2348 = arith.subf %add3A_2330, %sub3A_2322 : vector<256x1xf32>
      %mul3A_2349 = arith.mulf %sub3A_2347, %sub3A_2348 : vector<256x1xf32>
      %sub3A_2350 = arith.subf %add3A_2342, %sub3A_2334 : vector<256x1xf32>
      %sub3A_2351 = arith.subf %add3A_2346, %sub3A_2338 : vector<256x1xf32>
      %mul3A_2352 = arith.mulf %sub3A_2350, %sub3A_2351 : vector<256x1xf32>
      %min3A_2353 = arith.minimumf %add3A_2326, %add3A_2342 : vector<256x1xf32>
      %max3A_2354 = arith.maximumf %sub3A_2318, %sub3A_2334 : vector<256x1xf32>
      %sub3A_2355 = arith.subf %min3A_2353, %max3A_2354 : vector<256x1xf32>
      %max3A_2356 = arith.constant 0.000000e+00 : f32
      %max3A_2357 = vector.broadcast %max3A_2356 : f32 to vector<256x1xf32>
      %max3A_2358 = arith.maximumf %sub3A_2355, %max3A_2357 : vector<256x1xf32>
      %min3A_2359 = arith.minimumf %add3A_2330, %add3A_2346 : vector<256x1xf32>
      %max3A_2360 = arith.maximumf %sub3A_2322, %sub3A_2338 : vector<256x1xf32>
      %sub3A_2361 = arith.subf %min3A_2359, %max3A_2360 : vector<256x1xf32>
      %max3A_2362 = arith.constant 0.000000e+00 : f32
      %max3A_2363 = vector.broadcast %max3A_2362 : f32 to vector<256x1xf32>
      %max3A_2364 = arith.maximumf %sub3A_2361, %max3A_2363 : vector<256x1xf32>
      %mul3A_2365 = arith.mulf %max3A_2358, %max3A_2364 : vector<256x1xf32>
      %add3A_2366 = arith.addf %mul3A_2349, %mul3A_2352 : vector<256x1xf32>
      %sub3A_2367 = arith.subf %add3A_2366, %mul3A_2365 : vector<256x1xf32>
      %div3A_2368 = arith.divf %mul3A_2365, %sub3A_2367 : vector<256x1xf32>
      %max3A_2369 = arith.maximumf %add3A_2326, %add3A_2342 : vector<256x1xf32>
      %min3A_2370 = arith.minimumf %sub3A_2318, %sub3A_2334 : vector<256x1xf32>
      %sub3A_2371 = arith.subf %max3A_2369, %min3A_2370 : vector<256x1xf32>
      %max3A_2372 = arith.maximumf %add3A_2330, %add3A_2346 : vector<256x1xf32>
      %min3A_2373 = arith.minimumf %sub3A_2322, %sub3A_2338 : vector<256x1xf32>
      %sub3A_2374 = arith.subf %max3A_2372, %min3A_2373 : vector<256x1xf32>
      %max3A_2375 = arith.constant 0.000000e+00 : f32
      %max3A_2376 = vector.broadcast %max3A_2375 : f32 to vector<256x1xf32>
      %max3A_2377 = arith.maximumf %sub3A_2371, %max3A_2376 : vector<256x1xf32>
      %max3A_2378 = arith.constant 0.000000e+00 : f32
      %max3A_2379 = vector.broadcast %max3A_2378 : f32 to vector<256x1xf32>
      %max3A_2380 = arith.maximumf %sub3A_2374, %max3A_2379 : vector<256x1xf32>
      %mul3A_2381 = arith.mulf %max3A_2377, %max3A_2380 : vector<256x1xf32>
      %sub3A_2382 = arith.subf %mul3A_2381, %sub3A_2367 : vector<256x1xf32>
      %div3A_2383 = arith.divf %sub3A_2382, %mul3A_2381 : vector<256x1xf32>
      %sub3A_2384 = arith.subf %div3A_2368, %div3A_2383 : vector<256x1xf32>
      %sub3A_2385 = arith.constant 1.000000e+00 : f32
      %sub3A_2386 = vector.broadcast %sub3A_2385 : f32 to vector<256x1xf32>
      %sub3A_2387 = arith.subf %sub3A_2386, %sub3A_2384 : vector<256x1xf32>
      %mul3A_2388 = arith.mulf %sub3A_2387, %convert_element_type3A_1176 : vector<256x1xf32>
      %mul3A_2389 = arith.mulf %mul3A_2388, %convert_element_type3A_2175 : vector<256x1xf32>
      %reduce_sum3A_2390 = vector.shape_cast %mul3A_2389 : vector<256x1xf32> to vector<1x256x1xf32>
      %reduce_sum3A_2391 = arith.constant dense<0.000000e+00> : vector<1xf32>
      %reduce_sum3A_2392 = vector.multi_reduction <add>, %reduce_sum3A_2390, %reduce_sum3A_2391 [1, 2] : vector<1x256x1xf32> to vector<1xf32>
      %reduce_sum3A_2393 = vector.shape_cast %reduce_sum3A_2392 : vector<1xf32> to vector<1x1x1xf32>
      %reduce_sum3A_2394 = vector.extract %reduce_sum3A_2393[0, 0, 0] : f32 from vector<1x1x1xf32>
      %add3A_2395 = arith.addf %add3A_2285, %reduce_sum3A_2394 : f32
      %slice3A_2396 = vector.extract_strided_slice %add3A_1689 {offsets = [0, 170], sizes = [256, 4], strides = [1, 1]} : vector<256x256xf32> to vector<256x4xf32>
      %slice3A_2397 = vector.extract_strided_slice %slice3A_2396 {offsets = [0, 0], sizes = [256, 2], strides = [1, 1]} : vector<256x4xf32> to vector<256x2xf32>
      %logistic3A_2398 = arith.negf %slice3A_2397 : vector<256x2xf32>
      %logistic3A_2399 = math.exp %logistic3A_2398 : vector<256x2xf32>
      %logistic3A_2400 = arith.constant 1.000000e+00 : f32
      %logistic3A_2401 = vector.broadcast %logistic3A_2400 : f32 to vector<256x2xf32>
      %logistic3A_2402 = arith.addf %logistic3A_2401, %logistic3A_2399 : vector<256x2xf32>
      %logistic3A_2403 = arith.divf %logistic3A_2401, %logistic3A_2402 : vector<256x2xf32>
      %slice3A_2404 = vector.extract_strided_slice %slice3A_2396 {offsets = [0, 2], sizes = [256, 2], strides = [1, 1]} : vector<256x4xf32> to vector<256x2xf32>
      %logistic3A_2405 = arith.negf %slice3A_2404 : vector<256x2xf32>
      %logistic3A_2406 = math.exp %logistic3A_2405 : vector<256x2xf32>
      %logistic3A_2407 = arith.constant 1.000000e+00 : f32
      %logistic3A_2408 = vector.broadcast %logistic3A_2407 : f32 to vector<256x2xf32>
      %logistic3A_2409 = arith.addf %logistic3A_2408, %logistic3A_2406 : vector<256x2xf32>
      %logistic3A_2410 = arith.divf %logistic3A_2408, %logistic3A_2409 : vector<256x2xf32>
      %convert_element_type3A_2411 = arith.sitofp %min3A_2159 : vector<256x1xi32> to vector<256x1xf32>
      %slice3A_2412 = vector.extract_strided_slice %logistic3A_2403 {offsets = [0, 0], sizes = [256, 1], strides = [1, 1]} : vector<256x2xf32> to vector<256x1xf32>
      %add3A_2413 = arith.addf %convert_element_type3A_2411, %slice3A_2412 : vector<256x1xf32>
      %div3A_2414 = arith.constant 4.000000e+01 : f32
      %div3A_2415 = vector.broadcast %div3A_2414 : f32 to vector<256x1xf32>
      %div3A_2416 = arith.divf %add3A_2413, %div3A_2415 : vector<256x1xf32>
      %convert_element_type3A_2417 = arith.sitofp %min3A_2170 : vector<256x1xi32> to vector<256x1xf32>
      %slice3A_2418 = vector.extract_strided_slice %logistic3A_2403 {offsets = [0, 1], sizes = [256, 1], strides = [1, 1]} : vector<256x2xf32> to vector<256x1xf32>
      %add3A_2419 = arith.addf %convert_element_type3A_2417, %slice3A_2418 : vector<256x1xf32>
      %div3A_2420 = arith.constant 4.000000e+01 : f32
      %div3A_2421 = vector.broadcast %div3A_2420 : f32 to vector<256x1xf32>
      %div3A_2422 = arith.divf %add3A_2419, %div3A_2421 : vector<256x1xf32>
      %slice3A_2423 = vector.extract_strided_slice %logistic3A_2410 {offsets = [0, 0], sizes = [256, 1], strides = [1, 1]} : vector<256x2xf32> to vector<256x1xf32>
      %slice3A_2424 = vector.extract_strided_slice %logistic3A_2410 {offsets = [0, 1], sizes = [256, 1], strides = [1, 1]} : vector<256x2xf32> to vector<256x1xf32>
      %mul3A_2425 = arith.constant 5.000000e-01 : f32
      %mul3A_2426 = vector.broadcast %mul3A_2425 : f32 to vector<256x1xf32>
      %mul3A_2427 = arith.mulf %slice3A_2423, %mul3A_2426 : vector<256x1xf32>
      %sub3A_2428 = arith.subf %div3A_2416, %mul3A_2427 : vector<256x1xf32>
      %mul3A_2429 = arith.constant 5.000000e-01 : f32
      %mul3A_2430 = vector.broadcast %mul3A_2429 : f32 to vector<256x1xf32>
      %mul3A_2431 = arith.mulf %slice3A_2424, %mul3A_2430 : vector<256x1xf32>
      %sub3A_2432 = arith.subf %div3A_2422, %mul3A_2431 : vector<256x1xf32>
      %mul3A_2433 = arith.constant 5.000000e-01 : f32
      %mul3A_2434 = vector.broadcast %mul3A_2433 : f32 to vector<256x1xf32>
      %mul3A_2435 = arith.mulf %slice3A_2423, %mul3A_2434 : vector<256x1xf32>
      %add3A_2436 = arith.addf %div3A_2416, %mul3A_2435 : vector<256x1xf32>
      %mul3A_2437 = arith.constant 5.000000e-01 : f32
      %mul3A_2438 = vector.broadcast %mul3A_2437 : f32 to vector<256x1xf32>
      %mul3A_2439 = arith.mulf %slice3A_2424, %mul3A_2438 : vector<256x1xf32>
      %add3A_2440 = arith.addf %div3A_2422, %mul3A_2439 : vector<256x1xf32>
      %mul3A_2441 = arith.constant 5.000000e-01 : f32
      %mul3A_2442 = vector.broadcast %mul3A_2441 : f32 to vector<256x1xf32>
      %mul3A_2443 = arith.mulf %min3A_2112, %mul3A_2442 : vector<256x1xf32>
      %sub3A_2444 = arith.subf %min3A_2135, %mul3A_2443 : vector<256x1xf32>
      %mul3A_2445 = arith.constant 5.000000e-01 : f32
      %mul3A_2446 = vector.broadcast %mul3A_2445 : f32 to vector<256x1xf32>
      %mul3A_2447 = arith.mulf %min3A_2122, %mul3A_2446 : vector<256x1xf32>
      %sub3A_2448 = arith.subf %min3A_2148, %mul3A_2447 : vector<256x1xf32>
      %mul3A_2449 = arith.constant 5.000000e-01 : f32
      %mul3A_2450 = vector.broadcast %mul3A_2449 : f32 to vector<256x1xf32>
      %mul3A_2451 = arith.mulf %min3A_2112, %mul3A_2450 : vector<256x1xf32>
      %add3A_2452 = arith.addf %min3A_2135, %mul3A_2451 : vector<256x1xf32>
      %mul3A_2453 = arith.constant 5.000000e-01 : f32
      %mul3A_2454 = vector.broadcast %mul3A_2453 : f32 to vector<256x1xf32>
      %mul3A_2455 = arith.mulf %min3A_2122, %mul3A_2454 : vector<256x1xf32>
      %add3A_2456 = arith.addf %min3A_2148, %mul3A_2455 : vector<256x1xf32>
      %sub3A_2457 = arith.subf %add3A_2436, %sub3A_2428 : vector<256x1xf32>
      %sub3A_2458 = arith.subf %add3A_2440, %sub3A_2432 : vector<256x1xf32>
      %mul3A_2459 = arith.mulf %sub3A_2457, %sub3A_2458 : vector<256x1xf32>
      %sub3A_2460 = arith.subf %add3A_2452, %sub3A_2444 : vector<256x1xf32>
      %sub3A_2461 = arith.subf %add3A_2456, %sub3A_2448 : vector<256x1xf32>
      %mul3A_2462 = arith.mulf %sub3A_2460, %sub3A_2461 : vector<256x1xf32>
      %min3A_2463 = arith.minimumf %add3A_2436, %add3A_2452 : vector<256x1xf32>
      %max3A_2464 = arith.maximumf %sub3A_2428, %sub3A_2444 : vector<256x1xf32>
      %sub3A_2465 = arith.subf %min3A_2463, %max3A_2464 : vector<256x1xf32>
      %max3A_2466 = arith.constant 0.000000e+00 : f32
      %max3A_2467 = vector.broadcast %max3A_2466 : f32 to vector<256x1xf32>
      %max3A_2468 = arith.maximumf %sub3A_2465, %max3A_2467 : vector<256x1xf32>
      %min3A_2469 = arith.minimumf %add3A_2440, %add3A_2456 : vector<256x1xf32>
      %max3A_2470 = arith.maximumf %sub3A_2432, %sub3A_2448 : vector<256x1xf32>
      %sub3A_2471 = arith.subf %min3A_2469, %max3A_2470 : vector<256x1xf32>
      %max3A_2472 = arith.constant 0.000000e+00 : f32
      %max3A_2473 = vector.broadcast %max3A_2472 : f32 to vector<256x1xf32>
      %max3A_2474 = arith.maximumf %sub3A_2471, %max3A_2473 : vector<256x1xf32>
      %mul3A_2475 = arith.mulf %max3A_2468, %max3A_2474 : vector<256x1xf32>
      %add3A_2476 = arith.addf %mul3A_2459, %mul3A_2462 : vector<256x1xf32>
      %sub3A_2477 = arith.subf %add3A_2476, %mul3A_2475 : vector<256x1xf32>
      %div3A_2478 = arith.divf %mul3A_2475, %sub3A_2477 : vector<256x1xf32>
      %max3A_2479 = arith.maximumf %add3A_2436, %add3A_2452 : vector<256x1xf32>
      %min3A_2480 = arith.minimumf %sub3A_2428, %sub3A_2444 : vector<256x1xf32>
      %sub3A_2481 = arith.subf %max3A_2479, %min3A_2480 : vector<256x1xf32>
      %max3A_2482 = arith.maximumf %add3A_2440, %add3A_2456 : vector<256x1xf32>
      %min3A_2483 = arith.minimumf %sub3A_2432, %sub3A_2448 : vector<256x1xf32>
      %sub3A_2484 = arith.subf %max3A_2482, %min3A_2483 : vector<256x1xf32>
      %max3A_2485 = arith.constant 0.000000e+00 : f32
      %max3A_2486 = vector.broadcast %max3A_2485 : f32 to vector<256x1xf32>
      %max3A_2487 = arith.maximumf %sub3A_2481, %max3A_2486 : vector<256x1xf32>
      %max3A_2488 = arith.constant 0.000000e+00 : f32
      %max3A_2489 = vector.broadcast %max3A_2488 : f32 to vector<256x1xf32>
      %max3A_2490 = arith.maximumf %sub3A_2484, %max3A_2489 : vector<256x1xf32>
      %mul3A_2491 = arith.mulf %max3A_2487, %max3A_2490 : vector<256x1xf32>
      %sub3A_2492 = arith.subf %mul3A_2491, %sub3A_2477 : vector<256x1xf32>
      %div3A_2493 = arith.divf %sub3A_2492, %mul3A_2491 : vector<256x1xf32>
      %sub3A_2494 = arith.subf %div3A_2478, %div3A_2493 : vector<256x1xf32>
      %sub3A_2495 = arith.constant 1.000000e+00 : f32
      %sub3A_2496 = vector.broadcast %sub3A_2495 : f32 to vector<256x1xf32>
      %sub3A_2497 = arith.subf %sub3A_2496, %sub3A_2494 : vector<256x1xf32>
      %mul3A_2498 = arith.mulf %sub3A_2497, %convert_element_type3A_1176 : vector<256x1xf32>
      %mul3A_2499 = arith.mulf %mul3A_2498, %convert_element_type3A_2175 : vector<256x1xf32>
      %reduce_sum3A_2500 = vector.shape_cast %mul3A_2499 : vector<256x1xf32> to vector<1x256x1xf32>
      %reduce_sum3A_2501 = arith.constant dense<0.000000e+00> : vector<1xf32>
      %reduce_sum3A_2502 = vector.multi_reduction <add>, %reduce_sum3A_2500, %reduce_sum3A_2501 [1, 2] : vector<1x256x1xf32> to vector<1xf32>
      %reduce_sum3A_2503 = vector.shape_cast %reduce_sum3A_2502 : vector<1xf32> to vector<1x1x1xf32>
      %reduce_sum3A_2504 = vector.extract %reduce_sum3A_2503[0, 0, 0] : f32 from vector<1x1x1xf32>
      %add3A_2505 = arith.addf %add3A_2395, %reduce_sum3A_2504 : f32
      %sub3A_2506 = arith.subf %slice3A_1096, %slice3A_1094 : vector<256x1xf32>
      %div3A_2507 = arith.constant 6.400000e+02 : f32
      %div3A_2508 = vector.broadcast %div3A_2507 : f32 to vector<256x1xf32>
      %div3A_2509 = arith.divf %sub3A_2506, %div3A_2508 : vector<256x1xf32>
      %jit3A_2510 = arith.constant 9.99999997E-7 : f32
      %jit3A_2511 = arith.constant 1.000000e+00 : f32
      %max3A_2512 = vector.broadcast %jit3A_2510 : f32 to vector<256x1xf32>
      %max3A_2513 = arith.maximumf %max3A_2512, %div3A_2509 : vector<256x1xf32>
      %min3A_2514 = vector.broadcast %jit3A_2511 : f32 to vector<256x1xf32>
      %min3A_2515 = arith.minimumf %min3A_2514, %max3A_2513 : vector<256x1xf32>
      %sub3A_2516 = arith.subf %slice3A_1097, %slice3A_1095 : vector<256x1xf32>
      %div3A_2517 = arith.constant 6.400000e+02 : f32
      %div3A_2518 = vector.broadcast %div3A_2517 : f32 to vector<256x1xf32>
      %div3A_2519 = arith.divf %sub3A_2516, %div3A_2518 : vector<256x1xf32>
      %jit3A_2520 = arith.constant 9.99999997E-7 : f32
      %jit3A_2521 = arith.constant 1.000000e+00 : f32
      %max3A_2522 = vector.broadcast %jit3A_2520 : f32 to vector<256x1xf32>
      %max3A_2523 = arith.maximumf %max3A_2522, %div3A_2519 : vector<256x1xf32>
      %min3A_2524 = vector.broadcast %jit3A_2521 : f32 to vector<256x1xf32>
      %min3A_2525 = arith.minimumf %min3A_2524, %max3A_2523 : vector<256x1xf32>
      %add3A_2526 = arith.addf %slice3A_1094, %slice3A_1096 : vector<256x1xf32>
      %mul3A_2527 = arith.constant 5.000000e-01 : f32
      %mul3A_2528 = vector.broadcast %mul3A_2527 : f32 to vector<256x1xf32>
      %mul3A_2529 = arith.mulf %add3A_2526, %mul3A_2528 : vector<256x1xf32>
      %div3A_2530 = arith.constant 6.400000e+02 : f32
      %div3A_2531 = vector.broadcast %div3A_2530 : f32 to vector<256x1xf32>
      %div3A_2532 = arith.divf %mul3A_2529, %div3A_2531 : vector<256x1xf32>
      %jit3A_2533 = arith.constant 0.000000e+00 : f32
      %jit3A_2534 = arith.constant 0.999998986 : f32
      %max3A_2535 = vector.broadcast %jit3A_2533 : f32 to vector<256x1xf32>
      %max3A_2536 = arith.maximumf %max3A_2535, %div3A_2532 : vector<256x1xf32>
      %min3A_2537 = vector.broadcast %jit3A_2534 : f32 to vector<256x1xf32>
      %min3A_2538 = arith.minimumf %min3A_2537, %max3A_2536 : vector<256x1xf32>
      %add3A_2539 = arith.addf %slice3A_1095, %slice3A_1097 : vector<256x1xf32>
      %mul3A_2540 = arith.constant 5.000000e-01 : f32
      %mul3A_2541 = vector.broadcast %mul3A_2540 : f32 to vector<256x1xf32>
      %mul3A_2542 = arith.mulf %add3A_2539, %mul3A_2541 : vector<256x1xf32>
      %div3A_2543 = arith.constant 6.400000e+02 : f32
      %div3A_2544 = vector.broadcast %div3A_2543 : f32 to vector<256x1xf32>
      %div3A_2545 = arith.divf %mul3A_2542, %div3A_2544 : vector<256x1xf32>
      %jit3A_2546 = arith.constant 0.000000e+00 : f32
      %jit3A_2547 = arith.constant 0.999998986 : f32
      %max3A_2548 = vector.broadcast %jit3A_2546 : f32 to vector<256x1xf32>
      %max3A_2549 = arith.maximumf %max3A_2548, %div3A_2545 : vector<256x1xf32>
      %min3A_2550 = vector.broadcast %jit3A_2547 : f32 to vector<256x1xf32>
      %min3A_2551 = arith.minimumf %min3A_2550, %max3A_2549 : vector<256x1xf32>
      %mul3A_2552 = arith.constant 2.000000e+01 : f32
      %mul3A_2553 = vector.broadcast %mul3A_2552 : f32 to vector<256x1xf32>
      %mul3A_2554 = arith.mulf %min3A_2538, %mul3A_2553 : vector<256x1xf32>
      %floor3A_2555 = math.floor %mul3A_2554 : vector<256x1xf32>
      %convert_element_type3A_2556 = arith.fptosi %floor3A_2555 : vector<256x1xf32> to vector<256x1xi32>
      %jit3A_2557 = arith.constant 0 : i32
      %jit3A_2558 = arith.constant 19 : i32
      %max3A_2559 = vector.broadcast %jit3A_2557 : i32 to vector<256x1xi32>
      %max3A_2560 = arith.maxsi %max3A_2559, %convert_element_type3A_2556 : vector<256x1xi32>
      %min3A_2561 = vector.broadcast %jit3A_2558 : i32 to vector<256x1xi32>
      %min3A_2562 = arith.minsi %min3A_2561, %max3A_2560 : vector<256x1xi32>
      %mul3A_2563 = arith.constant 2.000000e+01 : f32
      %mul3A_2564 = vector.broadcast %mul3A_2563 : f32 to vector<256x1xf32>
      %mul3A_2565 = arith.mulf %min3A_2551, %mul3A_2564 : vector<256x1xf32>
      %floor3A_2566 = math.floor %mul3A_2565 : vector<256x1xf32>
      %convert_element_type3A_2567 = arith.fptosi %floor3A_2566 : vector<256x1xf32> to vector<256x1xi32>
      %jit3A_2568 = arith.constant 0 : i32
      %jit3A_2569 = arith.constant 19 : i32
      %max3A_2570 = vector.broadcast %jit3A_2568 : i32 to vector<256x1xi32>
      %max3A_2571 = arith.maxsi %max3A_2570, %convert_element_type3A_2567 : vector<256x1xi32>
      %min3A_2572 = vector.broadcast %jit3A_2569 : i32 to vector<256x1xi32>
      %min3A_2573 = arith.minsi %min3A_2572, %max3A_2571 : vector<256x1xi32>
      %eq3A_2574 = arith.constant 2 : i32
      %eq3A_2575 = vector.broadcast %eq3A_2574 : i32 to vector<256x1xi32>
      %eq3A_2576 = arith.cmpi eq, %min3A_1167, %eq3A_2575 : vector<256x1xi32>
      %convert_element_type3A_2577 = arith.extui %eq3A_2576 : vector<256x1xi1> to vector<256x1xi32>
      %convert_element_type3A_2578 = arith.sitofp %convert_element_type3A_2577 : vector<256x1xi32> to vector<256x1xf32>
      %slice3A_2579 = vector.extract_strided_slice %add3A_1689 {offsets = [0, 0], sizes = [256, 4], strides = [1, 1]} : vector<256x256xf32> to vector<256x4xf32>
      %slice3A_2580 = vector.extract_strided_slice %slice3A_2579 {offsets = [0, 0], sizes = [256, 2], strides = [1, 1]} : vector<256x4xf32> to vector<256x2xf32>
      %logistic3A_2581 = arith.negf %slice3A_2580 : vector<256x2xf32>
      %logistic3A_2582 = math.exp %logistic3A_2581 : vector<256x2xf32>
      %logistic3A_2583 = arith.constant 1.000000e+00 : f32
      %logistic3A_2584 = vector.broadcast %logistic3A_2583 : f32 to vector<256x2xf32>
      %logistic3A_2585 = arith.addf %logistic3A_2584, %logistic3A_2582 : vector<256x2xf32>
      %logistic3A_2586 = arith.divf %logistic3A_2584, %logistic3A_2585 : vector<256x2xf32>
      %slice3A_2587 = vector.extract_strided_slice %slice3A_2579 {offsets = [0, 2], sizes = [256, 2], strides = [1, 1]} : vector<256x4xf32> to vector<256x2xf32>
      %logistic3A_2588 = arith.negf %slice3A_2587 : vector<256x2xf32>
      %logistic3A_2589 = math.exp %logistic3A_2588 : vector<256x2xf32>
      %logistic3A_2590 = arith.constant 1.000000e+00 : f32
      %logistic3A_2591 = vector.broadcast %logistic3A_2590 : f32 to vector<256x2xf32>
      %logistic3A_2592 = arith.addf %logistic3A_2591, %logistic3A_2589 : vector<256x2xf32>
      %logistic3A_2593 = arith.divf %logistic3A_2591, %logistic3A_2592 : vector<256x2xf32>
      %convert_element_type3A_2594 = arith.sitofp %min3A_2562 : vector<256x1xi32> to vector<256x1xf32>
      %slice3A_2595 = vector.extract_strided_slice %logistic3A_2586 {offsets = [0, 0], sizes = [256, 1], strides = [1, 1]} : vector<256x2xf32> to vector<256x1xf32>
      %add3A_2596 = arith.addf %convert_element_type3A_2594, %slice3A_2595 : vector<256x1xf32>
      %div3A_2597 = arith.constant 2.000000e+01 : f32
      %div3A_2598 = vector.broadcast %div3A_2597 : f32 to vector<256x1xf32>
      %div3A_2599 = arith.divf %add3A_2596, %div3A_2598 : vector<256x1xf32>
      %convert_element_type3A_2600 = arith.sitofp %min3A_2573 : vector<256x1xi32> to vector<256x1xf32>
      %slice3A_2601 = vector.extract_strided_slice %logistic3A_2586 {offsets = [0, 1], sizes = [256, 1], strides = [1, 1]} : vector<256x2xf32> to vector<256x1xf32>
      %add3A_2602 = arith.addf %convert_element_type3A_2600, %slice3A_2601 : vector<256x1xf32>
      %div3A_2603 = arith.constant 2.000000e+01 : f32
      %div3A_2604 = vector.broadcast %div3A_2603 : f32 to vector<256x1xf32>
      %div3A_2605 = arith.divf %add3A_2602, %div3A_2604 : vector<256x1xf32>
      %slice3A_2606 = vector.extract_strided_slice %logistic3A_2593 {offsets = [0, 0], sizes = [256, 1], strides = [1, 1]} : vector<256x2xf32> to vector<256x1xf32>
      %slice3A_2607 = vector.extract_strided_slice %logistic3A_2593 {offsets = [0, 1], sizes = [256, 1], strides = [1, 1]} : vector<256x2xf32> to vector<256x1xf32>
      %mul3A_2608 = arith.constant 5.000000e-01 : f32
      %mul3A_2609 = vector.broadcast %mul3A_2608 : f32 to vector<256x1xf32>
      %mul3A_2610 = arith.mulf %slice3A_2606, %mul3A_2609 : vector<256x1xf32>
      %sub3A_2611 = arith.subf %div3A_2599, %mul3A_2610 : vector<256x1xf32>
      %mul3A_2612 = arith.constant 5.000000e-01 : f32
      %mul3A_2613 = vector.broadcast %mul3A_2612 : f32 to vector<256x1xf32>
      %mul3A_2614 = arith.mulf %slice3A_2607, %mul3A_2613 : vector<256x1xf32>
      %sub3A_2615 = arith.subf %div3A_2605, %mul3A_2614 : vector<256x1xf32>
      %mul3A_2616 = arith.constant 5.000000e-01 : f32
      %mul3A_2617 = vector.broadcast %mul3A_2616 : f32 to vector<256x1xf32>
      %mul3A_2618 = arith.mulf %slice3A_2606, %mul3A_2617 : vector<256x1xf32>
      %add3A_2619 = arith.addf %div3A_2599, %mul3A_2618 : vector<256x1xf32>
      %mul3A_2620 = arith.constant 5.000000e-01 : f32
      %mul3A_2621 = vector.broadcast %mul3A_2620 : f32 to vector<256x1xf32>
      %mul3A_2622 = arith.mulf %slice3A_2607, %mul3A_2621 : vector<256x1xf32>
      %add3A_2623 = arith.addf %div3A_2605, %mul3A_2622 : vector<256x1xf32>
      %mul3A_2624 = arith.constant 5.000000e-01 : f32
      %mul3A_2625 = vector.broadcast %mul3A_2624 : f32 to vector<256x1xf32>
      %mul3A_2626 = arith.mulf %min3A_2515, %mul3A_2625 : vector<256x1xf32>
      %sub3A_2627 = arith.subf %min3A_2538, %mul3A_2626 : vector<256x1xf32>
      %mul3A_2628 = arith.constant 5.000000e-01 : f32
      %mul3A_2629 = vector.broadcast %mul3A_2628 : f32 to vector<256x1xf32>
      %mul3A_2630 = arith.mulf %min3A_2525, %mul3A_2629 : vector<256x1xf32>
      %sub3A_2631 = arith.subf %min3A_2551, %mul3A_2630 : vector<256x1xf32>
      %mul3A_2632 = arith.constant 5.000000e-01 : f32
      %mul3A_2633 = vector.broadcast %mul3A_2632 : f32 to vector<256x1xf32>
      %mul3A_2634 = arith.mulf %min3A_2515, %mul3A_2633 : vector<256x1xf32>
      %add3A_2635 = arith.addf %min3A_2538, %mul3A_2634 : vector<256x1xf32>
      %mul3A_2636 = arith.constant 5.000000e-01 : f32
      %mul3A_2637 = vector.broadcast %mul3A_2636 : f32 to vector<256x1xf32>
      %mul3A_2638 = arith.mulf %min3A_2525, %mul3A_2637 : vector<256x1xf32>
      %add3A_2639 = arith.addf %min3A_2551, %mul3A_2638 : vector<256x1xf32>
      %sub3A_2640 = arith.subf %add3A_2619, %sub3A_2611 : vector<256x1xf32>
      %sub3A_2641 = arith.subf %add3A_2623, %sub3A_2615 : vector<256x1xf32>
      %mul3A_2642 = arith.mulf %sub3A_2640, %sub3A_2641 : vector<256x1xf32>
      %sub3A_2643 = arith.subf %add3A_2635, %sub3A_2627 : vector<256x1xf32>
      %sub3A_2644 = arith.subf %add3A_2639, %sub3A_2631 : vector<256x1xf32>
      %mul3A_2645 = arith.mulf %sub3A_2643, %sub3A_2644 : vector<256x1xf32>
      %min3A_2646 = arith.minimumf %add3A_2619, %add3A_2635 : vector<256x1xf32>
      %max3A_2647 = arith.maximumf %sub3A_2611, %sub3A_2627 : vector<256x1xf32>
      %sub3A_2648 = arith.subf %min3A_2646, %max3A_2647 : vector<256x1xf32>
      %max3A_2649 = arith.constant 0.000000e+00 : f32
      %max3A_2650 = vector.broadcast %max3A_2649 : f32 to vector<256x1xf32>
      %max3A_2651 = arith.maximumf %sub3A_2648, %max3A_2650 : vector<256x1xf32>
      %min3A_2652 = arith.minimumf %add3A_2623, %add3A_2639 : vector<256x1xf32>
      %max3A_2653 = arith.maximumf %sub3A_2615, %sub3A_2631 : vector<256x1xf32>
      %sub3A_2654 = arith.subf %min3A_2652, %max3A_2653 : vector<256x1xf32>
      %max3A_2655 = arith.constant 0.000000e+00 : f32
      %max3A_2656 = vector.broadcast %max3A_2655 : f32 to vector<256x1xf32>
      %max3A_2657 = arith.maximumf %sub3A_2654, %max3A_2656 : vector<256x1xf32>
      %mul3A_2658 = arith.mulf %max3A_2651, %max3A_2657 : vector<256x1xf32>
      %add3A_2659 = arith.addf %mul3A_2642, %mul3A_2645 : vector<256x1xf32>
      %sub3A_2660 = arith.subf %add3A_2659, %mul3A_2658 : vector<256x1xf32>
      %div3A_2661 = arith.divf %mul3A_2658, %sub3A_2660 : vector<256x1xf32>
      %max3A_2662 = arith.maximumf %add3A_2619, %add3A_2635 : vector<256x1xf32>
      %min3A_2663 = arith.minimumf %sub3A_2611, %sub3A_2627 : vector<256x1xf32>
      %sub3A_2664 = arith.subf %max3A_2662, %min3A_2663 : vector<256x1xf32>
      %max3A_2665 = arith.maximumf %add3A_2623, %add3A_2639 : vector<256x1xf32>
      %min3A_2666 = arith.minimumf %sub3A_2615, %sub3A_2631 : vector<256x1xf32>
      %sub3A_2667 = arith.subf %max3A_2665, %min3A_2666 : vector<256x1xf32>
      %max3A_2668 = arith.constant 0.000000e+00 : f32
      %max3A_2669 = vector.broadcast %max3A_2668 : f32 to vector<256x1xf32>
      %max3A_2670 = arith.maximumf %sub3A_2664, %max3A_2669 : vector<256x1xf32>
      %max3A_2671 = arith.constant 0.000000e+00 : f32
      %max3A_2672 = vector.broadcast %max3A_2671 : f32 to vector<256x1xf32>
      %max3A_2673 = arith.maximumf %sub3A_2667, %max3A_2672 : vector<256x1xf32>
      %mul3A_2674 = arith.mulf %max3A_2670, %max3A_2673 : vector<256x1xf32>
      %sub3A_2675 = arith.subf %mul3A_2674, %sub3A_2660 : vector<256x1xf32>
      %div3A_2676 = arith.divf %sub3A_2675, %mul3A_2674 : vector<256x1xf32>
      %sub3A_2677 = arith.subf %div3A_2661, %div3A_2676 : vector<256x1xf32>
      %sub3A_2678 = arith.constant 1.000000e+00 : f32
      %sub3A_2679 = vector.broadcast %sub3A_2678 : f32 to vector<256x1xf32>
      %sub3A_2680 = arith.subf %sub3A_2679, %sub3A_2677 : vector<256x1xf32>
      %mul3A_2681 = arith.mulf %sub3A_2680, %convert_element_type3A_1176 : vector<256x1xf32>
      %mul3A_2682 = arith.mulf %mul3A_2681, %convert_element_type3A_2578 : vector<256x1xf32>
      %reduce_sum3A_2683 = vector.shape_cast %mul3A_2682 : vector<256x1xf32> to vector<1x256x1xf32>
      %reduce_sum3A_2684 = arith.constant dense<0.000000e+00> : vector<1xf32>
      %reduce_sum3A_2685 = vector.multi_reduction <add>, %reduce_sum3A_2683, %reduce_sum3A_2684 [1, 2] : vector<1x256x1xf32> to vector<1xf32>
      %reduce_sum3A_2686 = vector.shape_cast %reduce_sum3A_2685 : vector<1xf32> to vector<1x1x1xf32>
      %reduce_sum3A_2687 = vector.extract %reduce_sum3A_2686[0, 0, 0] : f32 from vector<1x1x1xf32>
      %add3A_2688 = arith.addf %add3A_2505, %reduce_sum3A_2687 : f32
      %slice3A_2689 = vector.extract_strided_slice %add3A_1689 {offsets = [0, 85], sizes = [256, 4], strides = [1, 1]} : vector<256x256xf32> to vector<256x4xf32>
      %slice3A_2690 = vector.extract_strided_slice %slice3A_2689 {offsets = [0, 0], sizes = [256, 2], strides = [1, 1]} : vector<256x4xf32> to vector<256x2xf32>
      %logistic3A_2691 = arith.negf %slice3A_2690 : vector<256x2xf32>
      %logistic3A_2692 = math.exp %logistic3A_2691 : vector<256x2xf32>
      %logistic3A_2693 = arith.constant 1.000000e+00 : f32
      %logistic3A_2694 = vector.broadcast %logistic3A_2693 : f32 to vector<256x2xf32>
      %logistic3A_2695 = arith.addf %logistic3A_2694, %logistic3A_2692 : vector<256x2xf32>
      %logistic3A_2696 = arith.divf %logistic3A_2694, %logistic3A_2695 : vector<256x2xf32>
      %slice3A_2697 = vector.extract_strided_slice %slice3A_2689 {offsets = [0, 2], sizes = [256, 2], strides = [1, 1]} : vector<256x4xf32> to vector<256x2xf32>
      %logistic3A_2698 = arith.negf %slice3A_2697 : vector<256x2xf32>
      %logistic3A_2699 = math.exp %logistic3A_2698 : vector<256x2xf32>
      %logistic3A_2700 = arith.constant 1.000000e+00 : f32
      %logistic3A_2701 = vector.broadcast %logistic3A_2700 : f32 to vector<256x2xf32>
      %logistic3A_2702 = arith.addf %logistic3A_2701, %logistic3A_2699 : vector<256x2xf32>
      %logistic3A_2703 = arith.divf %logistic3A_2701, %logistic3A_2702 : vector<256x2xf32>
      %convert_element_type3A_2704 = arith.sitofp %min3A_2562 : vector<256x1xi32> to vector<256x1xf32>
      %slice3A_2705 = vector.extract_strided_slice %logistic3A_2696 {offsets = [0, 0], sizes = [256, 1], strides = [1, 1]} : vector<256x2xf32> to vector<256x1xf32>
      %add3A_2706 = arith.addf %convert_element_type3A_2704, %slice3A_2705 : vector<256x1xf32>
      %div3A_2707 = arith.constant 2.000000e+01 : f32
      %div3A_2708 = vector.broadcast %div3A_2707 : f32 to vector<256x1xf32>
      %div3A_2709 = arith.divf %add3A_2706, %div3A_2708 : vector<256x1xf32>
      %convert_element_type3A_2710 = arith.sitofp %min3A_2573 : vector<256x1xi32> to vector<256x1xf32>
      %slice3A_2711 = vector.extract_strided_slice %logistic3A_2696 {offsets = [0, 1], sizes = [256, 1], strides = [1, 1]} : vector<256x2xf32> to vector<256x1xf32>
      %add3A_2712 = arith.addf %convert_element_type3A_2710, %slice3A_2711 : vector<256x1xf32>
      %div3A_2713 = arith.constant 2.000000e+01 : f32
      %div3A_2714 = vector.broadcast %div3A_2713 : f32 to vector<256x1xf32>
      %div3A_2715 = arith.divf %add3A_2712, %div3A_2714 : vector<256x1xf32>
      %slice3A_2716 = vector.extract_strided_slice %logistic3A_2703 {offsets = [0, 0], sizes = [256, 1], strides = [1, 1]} : vector<256x2xf32> to vector<256x1xf32>
      %slice3A_2717 = vector.extract_strided_slice %logistic3A_2703 {offsets = [0, 1], sizes = [256, 1], strides = [1, 1]} : vector<256x2xf32> to vector<256x1xf32>
      %mul3A_2718 = arith.constant 5.000000e-01 : f32
      %mul3A_2719 = vector.broadcast %mul3A_2718 : f32 to vector<256x1xf32>
      %mul3A_2720 = arith.mulf %slice3A_2716, %mul3A_2719 : vector<256x1xf32>
      %sub3A_2721 = arith.subf %div3A_2709, %mul3A_2720 : vector<256x1xf32>
      %mul3A_2722 = arith.constant 5.000000e-01 : f32
      %mul3A_2723 = vector.broadcast %mul3A_2722 : f32 to vector<256x1xf32>
      %mul3A_2724 = arith.mulf %slice3A_2717, %mul3A_2723 : vector<256x1xf32>
      %sub3A_2725 = arith.subf %div3A_2715, %mul3A_2724 : vector<256x1xf32>
      %mul3A_2726 = arith.constant 5.000000e-01 : f32
      %mul3A_2727 = vector.broadcast %mul3A_2726 : f32 to vector<256x1xf32>
      %mul3A_2728 = arith.mulf %slice3A_2716, %mul3A_2727 : vector<256x1xf32>
      %add3A_2729 = arith.addf %div3A_2709, %mul3A_2728 : vector<256x1xf32>
      %mul3A_2730 = arith.constant 5.000000e-01 : f32
      %mul3A_2731 = vector.broadcast %mul3A_2730 : f32 to vector<256x1xf32>
      %mul3A_2732 = arith.mulf %slice3A_2717, %mul3A_2731 : vector<256x1xf32>
      %add3A_2733 = arith.addf %div3A_2715, %mul3A_2732 : vector<256x1xf32>
      %mul3A_2734 = arith.constant 5.000000e-01 : f32
      %mul3A_2735 = vector.broadcast %mul3A_2734 : f32 to vector<256x1xf32>
      %mul3A_2736 = arith.mulf %min3A_2515, %mul3A_2735 : vector<256x1xf32>
      %sub3A_2737 = arith.subf %min3A_2538, %mul3A_2736 : vector<256x1xf32>
      %mul3A_2738 = arith.constant 5.000000e-01 : f32
      %mul3A_2739 = vector.broadcast %mul3A_2738 : f32 to vector<256x1xf32>
      %mul3A_2740 = arith.mulf %min3A_2525, %mul3A_2739 : vector<256x1xf32>
      %sub3A_2741 = arith.subf %min3A_2551, %mul3A_2740 : vector<256x1xf32>
      %mul3A_2742 = arith.constant 5.000000e-01 : f32
      %mul3A_2743 = vector.broadcast %mul3A_2742 : f32 to vector<256x1xf32>
      %mul3A_2744 = arith.mulf %min3A_2515, %mul3A_2743 : vector<256x1xf32>
      %add3A_2745 = arith.addf %min3A_2538, %mul3A_2744 : vector<256x1xf32>
      %mul3A_2746 = arith.constant 5.000000e-01 : f32
      %mul3A_2747 = vector.broadcast %mul3A_2746 : f32 to vector<256x1xf32>
      %mul3A_2748 = arith.mulf %min3A_2525, %mul3A_2747 : vector<256x1xf32>
      %add3A_2749 = arith.addf %min3A_2551, %mul3A_2748 : vector<256x1xf32>
      %sub3A_2750 = arith.subf %add3A_2729, %sub3A_2721 : vector<256x1xf32>
      %sub3A_2751 = arith.subf %add3A_2733, %sub3A_2725 : vector<256x1xf32>
      %mul3A_2752 = arith.mulf %sub3A_2750, %sub3A_2751 : vector<256x1xf32>
      %sub3A_2753 = arith.subf %add3A_2745, %sub3A_2737 : vector<256x1xf32>
      %sub3A_2754 = arith.subf %add3A_2749, %sub3A_2741 : vector<256x1xf32>
      %mul3A_2755 = arith.mulf %sub3A_2753, %sub3A_2754 : vector<256x1xf32>
      %min3A_2756 = arith.minimumf %add3A_2729, %add3A_2745 : vector<256x1xf32>
      %max3A_2757 = arith.maximumf %sub3A_2721, %sub3A_2737 : vector<256x1xf32>
      %sub3A_2758 = arith.subf %min3A_2756, %max3A_2757 : vector<256x1xf32>
      %max3A_2759 = arith.constant 0.000000e+00 : f32
      %max3A_2760 = vector.broadcast %max3A_2759 : f32 to vector<256x1xf32>
      %max3A_2761 = arith.maximumf %sub3A_2758, %max3A_2760 : vector<256x1xf32>
      %min3A_2762 = arith.minimumf %add3A_2733, %add3A_2749 : vector<256x1xf32>
      %max3A_2763 = arith.maximumf %sub3A_2725, %sub3A_2741 : vector<256x1xf32>
      %sub3A_2764 = arith.subf %min3A_2762, %max3A_2763 : vector<256x1xf32>
      %max3A_2765 = arith.constant 0.000000e+00 : f32
      %max3A_2766 = vector.broadcast %max3A_2765 : f32 to vector<256x1xf32>
      %max3A_2767 = arith.maximumf %sub3A_2764, %max3A_2766 : vector<256x1xf32>
      %mul3A_2768 = arith.mulf %max3A_2761, %max3A_2767 : vector<256x1xf32>
      %add3A_2769 = arith.addf %mul3A_2752, %mul3A_2755 : vector<256x1xf32>
      %sub3A_2770 = arith.subf %add3A_2769, %mul3A_2768 : vector<256x1xf32>
      %div3A_2771 = arith.divf %mul3A_2768, %sub3A_2770 : vector<256x1xf32>
      %max3A_2772 = arith.maximumf %add3A_2729, %add3A_2745 : vector<256x1xf32>
      %min3A_2773 = arith.minimumf %sub3A_2721, %sub3A_2737 : vector<256x1xf32>
      %sub3A_2774 = arith.subf %max3A_2772, %min3A_2773 : vector<256x1xf32>
      %max3A_2775 = arith.maximumf %add3A_2733, %add3A_2749 : vector<256x1xf32>
      %min3A_2776 = arith.minimumf %sub3A_2725, %sub3A_2741 : vector<256x1xf32>
      %sub3A_2777 = arith.subf %max3A_2775, %min3A_2776 : vector<256x1xf32>
      %max3A_2778 = arith.constant 0.000000e+00 : f32
      %max3A_2779 = vector.broadcast %max3A_2778 : f32 to vector<256x1xf32>
      %max3A_2780 = arith.maximumf %sub3A_2774, %max3A_2779 : vector<256x1xf32>
      %max3A_2781 = arith.constant 0.000000e+00 : f32
      %max3A_2782 = vector.broadcast %max3A_2781 : f32 to vector<256x1xf32>
      %max3A_2783 = arith.maximumf %sub3A_2777, %max3A_2782 : vector<256x1xf32>
      %mul3A_2784 = arith.mulf %max3A_2780, %max3A_2783 : vector<256x1xf32>
      %sub3A_2785 = arith.subf %mul3A_2784, %sub3A_2770 : vector<256x1xf32>
      %div3A_2786 = arith.divf %sub3A_2785, %mul3A_2784 : vector<256x1xf32>
      %sub3A_2787 = arith.subf %div3A_2771, %div3A_2786 : vector<256x1xf32>
      %sub3A_2788 = arith.constant 1.000000e+00 : f32
      %sub3A_2789 = vector.broadcast %sub3A_2788 : f32 to vector<256x1xf32>
      %sub3A_2790 = arith.subf %sub3A_2789, %sub3A_2787 : vector<256x1xf32>
      %mul3A_2791 = arith.mulf %sub3A_2790, %convert_element_type3A_1176 : vector<256x1xf32>
      %mul3A_2792 = arith.mulf %mul3A_2791, %convert_element_type3A_2578 : vector<256x1xf32>
      %reduce_sum3A_2793 = vector.shape_cast %mul3A_2792 : vector<256x1xf32> to vector<1x256x1xf32>
      %reduce_sum3A_2794 = arith.constant dense<0.000000e+00> : vector<1xf32>
      %reduce_sum3A_2795 = vector.multi_reduction <add>, %reduce_sum3A_2793, %reduce_sum3A_2794 [1, 2] : vector<1x256x1xf32> to vector<1xf32>
      %reduce_sum3A_2796 = vector.shape_cast %reduce_sum3A_2795 : vector<1xf32> to vector<1x1x1xf32>
      %reduce_sum3A_2797 = vector.extract %reduce_sum3A_2796[0, 0, 0] : f32 from vector<1x1x1xf32>
      %add3A_2798 = arith.addf %add3A_2688, %reduce_sum3A_2797 : f32
      %slice3A_2799 = vector.extract_strided_slice %add3A_1689 {offsets = [0, 170], sizes = [256, 4], strides = [1, 1]} : vector<256x256xf32> to vector<256x4xf32>
      %slice3A_2800 = vector.extract_strided_slice %slice3A_2799 {offsets = [0, 0], sizes = [256, 2], strides = [1, 1]} : vector<256x4xf32> to vector<256x2xf32>
      %logistic3A_2801 = arith.negf %slice3A_2800 : vector<256x2xf32>
      %logistic3A_2802 = math.exp %logistic3A_2801 : vector<256x2xf32>
      %logistic3A_2803 = arith.constant 1.000000e+00 : f32
      %logistic3A_2804 = vector.broadcast %logistic3A_2803 : f32 to vector<256x2xf32>
      %logistic3A_2805 = arith.addf %logistic3A_2804, %logistic3A_2802 : vector<256x2xf32>
      %logistic3A_2806 = arith.divf %logistic3A_2804, %logistic3A_2805 : vector<256x2xf32>
      %slice3A_2807 = vector.extract_strided_slice %slice3A_2799 {offsets = [0, 2], sizes = [256, 2], strides = [1, 1]} : vector<256x4xf32> to vector<256x2xf32>
      %logistic3A_2808 = arith.negf %slice3A_2807 : vector<256x2xf32>
      %logistic3A_2809 = math.exp %logistic3A_2808 : vector<256x2xf32>
      %logistic3A_2810 = arith.constant 1.000000e+00 : f32
      %logistic3A_2811 = vector.broadcast %logistic3A_2810 : f32 to vector<256x2xf32>
      %logistic3A_2812 = arith.addf %logistic3A_2811, %logistic3A_2809 : vector<256x2xf32>
      %logistic3A_2813 = arith.divf %logistic3A_2811, %logistic3A_2812 : vector<256x2xf32>
      %convert_element_type3A_2814 = arith.sitofp %min3A_2562 : vector<256x1xi32> to vector<256x1xf32>
      %slice3A_2815 = vector.extract_strided_slice %logistic3A_2806 {offsets = [0, 0], sizes = [256, 1], strides = [1, 1]} : vector<256x2xf32> to vector<256x1xf32>
      %add3A_2816 = arith.addf %convert_element_type3A_2814, %slice3A_2815 : vector<256x1xf32>
      %div3A_2817 = arith.constant 2.000000e+01 : f32
      %div3A_2818 = vector.broadcast %div3A_2817 : f32 to vector<256x1xf32>
      %div3A_2819 = arith.divf %add3A_2816, %div3A_2818 : vector<256x1xf32>
      %convert_element_type3A_2820 = arith.sitofp %min3A_2573 : vector<256x1xi32> to vector<256x1xf32>
      %slice3A_2821 = vector.extract_strided_slice %logistic3A_2806 {offsets = [0, 1], sizes = [256, 1], strides = [1, 1]} : vector<256x2xf32> to vector<256x1xf32>
      %add3A_2822 = arith.addf %convert_element_type3A_2820, %slice3A_2821 : vector<256x1xf32>
      %div3A_2823 = arith.constant 2.000000e+01 : f32
      %div3A_2824 = vector.broadcast %div3A_2823 : f32 to vector<256x1xf32>
      %div3A_2825 = arith.divf %add3A_2822, %div3A_2824 : vector<256x1xf32>
      %slice3A_2826 = vector.extract_strided_slice %logistic3A_2813 {offsets = [0, 0], sizes = [256, 1], strides = [1, 1]} : vector<256x2xf32> to vector<256x1xf32>
      %slice3A_2827 = vector.extract_strided_slice %logistic3A_2813 {offsets = [0, 1], sizes = [256, 1], strides = [1, 1]} : vector<256x2xf32> to vector<256x1xf32>
      %mul3A_2828 = arith.constant 5.000000e-01 : f32
      %mul3A_2829 = vector.broadcast %mul3A_2828 : f32 to vector<256x1xf32>
      %mul3A_2830 = arith.mulf %slice3A_2826, %mul3A_2829 : vector<256x1xf32>
      %sub3A_2831 = arith.subf %div3A_2819, %mul3A_2830 : vector<256x1xf32>
      %mul3A_2832 = arith.constant 5.000000e-01 : f32
      %mul3A_2833 = vector.broadcast %mul3A_2832 : f32 to vector<256x1xf32>
      %mul3A_2834 = arith.mulf %slice3A_2827, %mul3A_2833 : vector<256x1xf32>
      %sub3A_2835 = arith.subf %div3A_2825, %mul3A_2834 : vector<256x1xf32>
      %mul3A_2836 = arith.constant 5.000000e-01 : f32
      %mul3A_2837 = vector.broadcast %mul3A_2836 : f32 to vector<256x1xf32>
      %mul3A_2838 = arith.mulf %slice3A_2826, %mul3A_2837 : vector<256x1xf32>
      %add3A_2839 = arith.addf %div3A_2819, %mul3A_2838 : vector<256x1xf32>
      %mul3A_2840 = arith.constant 5.000000e-01 : f32
      %mul3A_2841 = vector.broadcast %mul3A_2840 : f32 to vector<256x1xf32>
      %mul3A_2842 = arith.mulf %slice3A_2827, %mul3A_2841 : vector<256x1xf32>
      %add3A_2843 = arith.addf %div3A_2825, %mul3A_2842 : vector<256x1xf32>
      %mul3A_2844 = arith.constant 5.000000e-01 : f32
      %mul3A_2845 = vector.broadcast %mul3A_2844 : f32 to vector<256x1xf32>
      %mul3A_2846 = arith.mulf %min3A_2515, %mul3A_2845 : vector<256x1xf32>
      %sub3A_2847 = arith.subf %min3A_2538, %mul3A_2846 : vector<256x1xf32>
      %mul3A_2848 = arith.constant 5.000000e-01 : f32
      %mul3A_2849 = vector.broadcast %mul3A_2848 : f32 to vector<256x1xf32>
      %mul3A_2850 = arith.mulf %min3A_2525, %mul3A_2849 : vector<256x1xf32>
      %sub3A_2851 = arith.subf %min3A_2551, %mul3A_2850 : vector<256x1xf32>
      %mul3A_2852 = arith.constant 5.000000e-01 : f32
      %mul3A_2853 = vector.broadcast %mul3A_2852 : f32 to vector<256x1xf32>
      %mul3A_2854 = arith.mulf %min3A_2515, %mul3A_2853 : vector<256x1xf32>
      %add3A_2855 = arith.addf %min3A_2538, %mul3A_2854 : vector<256x1xf32>
      %mul3A_2856 = arith.constant 5.000000e-01 : f32
      %mul3A_2857 = vector.broadcast %mul3A_2856 : f32 to vector<256x1xf32>
      %mul3A_2858 = arith.mulf %min3A_2525, %mul3A_2857 : vector<256x1xf32>
      %add3A_2859 = arith.addf %min3A_2551, %mul3A_2858 : vector<256x1xf32>
      %sub3A_2860 = arith.subf %add3A_2839, %sub3A_2831 : vector<256x1xf32>
      %sub3A_2861 = arith.subf %add3A_2843, %sub3A_2835 : vector<256x1xf32>
      %mul3A_2862 = arith.mulf %sub3A_2860, %sub3A_2861 : vector<256x1xf32>
      %sub3A_2863 = arith.subf %add3A_2855, %sub3A_2847 : vector<256x1xf32>
      %sub3A_2864 = arith.subf %add3A_2859, %sub3A_2851 : vector<256x1xf32>
      %mul3A_2865 = arith.mulf %sub3A_2863, %sub3A_2864 : vector<256x1xf32>
      %min3A_2866 = arith.minimumf %add3A_2839, %add3A_2855 : vector<256x1xf32>
      %max3A_2867 = arith.maximumf %sub3A_2831, %sub3A_2847 : vector<256x1xf32>
      %sub3A_2868 = arith.subf %min3A_2866, %max3A_2867 : vector<256x1xf32>
      %max3A_2869 = arith.constant 0.000000e+00 : f32
      %max3A_2870 = vector.broadcast %max3A_2869 : f32 to vector<256x1xf32>
      %max3A_2871 = arith.maximumf %sub3A_2868, %max3A_2870 : vector<256x1xf32>
      %min3A_2872 = arith.minimumf %add3A_2843, %add3A_2859 : vector<256x1xf32>
      %max3A_2873 = arith.maximumf %sub3A_2835, %sub3A_2851 : vector<256x1xf32>
      %sub3A_2874 = arith.subf %min3A_2872, %max3A_2873 : vector<256x1xf32>
      %max3A_2875 = arith.constant 0.000000e+00 : f32
      %max3A_2876 = vector.broadcast %max3A_2875 : f32 to vector<256x1xf32>
      %max3A_2877 = arith.maximumf %sub3A_2874, %max3A_2876 : vector<256x1xf32>
      %mul3A_2878 = arith.mulf %max3A_2871, %max3A_2877 : vector<256x1xf32>
      %add3A_2879 = arith.addf %mul3A_2862, %mul3A_2865 : vector<256x1xf32>
      %sub3A_2880 = arith.subf %add3A_2879, %mul3A_2878 : vector<256x1xf32>
      %div3A_2881 = arith.divf %mul3A_2878, %sub3A_2880 : vector<256x1xf32>
      %max3A_2882 = arith.maximumf %add3A_2839, %add3A_2855 : vector<256x1xf32>
      %min3A_2883 = arith.minimumf %sub3A_2831, %sub3A_2847 : vector<256x1xf32>
      %sub3A_2884 = arith.subf %max3A_2882, %min3A_2883 : vector<256x1xf32>
      %max3A_2885 = arith.maximumf %add3A_2843, %add3A_2859 : vector<256x1xf32>
      %min3A_2886 = arith.minimumf %sub3A_2835, %sub3A_2851 : vector<256x1xf32>
      %sub3A_2887 = arith.subf %max3A_2885, %min3A_2886 : vector<256x1xf32>
      %max3A_2888 = arith.constant 0.000000e+00 : f32
      %max3A_2889 = vector.broadcast %max3A_2888 : f32 to vector<256x1xf32>
      %max3A_2890 = arith.maximumf %sub3A_2884, %max3A_2889 : vector<256x1xf32>
      %max3A_2891 = arith.constant 0.000000e+00 : f32
      %max3A_2892 = vector.broadcast %max3A_2891 : f32 to vector<256x1xf32>
      %max3A_2893 = arith.maximumf %sub3A_2887, %max3A_2892 : vector<256x1xf32>
      %mul3A_2894 = arith.mulf %max3A_2890, %max3A_2893 : vector<256x1xf32>
      %sub3A_2895 = arith.subf %mul3A_2894, %sub3A_2880 : vector<256x1xf32>
      %div3A_2896 = arith.divf %sub3A_2895, %mul3A_2894 : vector<256x1xf32>
      %sub3A_2897 = arith.subf %div3A_2881, %div3A_2896 : vector<256x1xf32>
      %sub3A_2898 = arith.constant 1.000000e+00 : f32
      %sub3A_2899 = vector.broadcast %sub3A_2898 : f32 to vector<256x1xf32>
      %sub3A_2900 = arith.subf %sub3A_2899, %sub3A_2897 : vector<256x1xf32>
      %mul3A_2901 = arith.mulf %sub3A_2900, %convert_element_type3A_1176 : vector<256x1xf32>
      %mul3A_2902 = arith.mulf %mul3A_2901, %convert_element_type3A_2578 : vector<256x1xf32>
      %reduce_sum3A_2903 = vector.shape_cast %mul3A_2902 : vector<256x1xf32> to vector<1x256x1xf32>
      %reduce_sum3A_2904 = arith.constant dense<0.000000e+00> : vector<1xf32>
      %reduce_sum3A_2905 = vector.multi_reduction <add>, %reduce_sum3A_2903, %reduce_sum3A_2904 [1, 2] : vector<1x256x1xf32> to vector<1xf32>
      %reduce_sum3A_2906 = vector.shape_cast %reduce_sum3A_2905 : vector<1xf32> to vector<1x1x1xf32>
      %reduce_sum3A_2907 = vector.extract %reduce_sum3A_2906[0, 0, 0] : f32 from vector<1x1x1xf32>
      %add3A_2908 = arith.addf %add3A_2798, %reduce_sum3A_2907 : f32
      %slice3A_2909 = vector.extract_strided_slice %add3A_1689 {offsets = [0, 5], sizes = [256, 80], strides = [1, 1]} : vector<256x256xf32> to vector<256x80xf32>
      %max3A_2910 = arith.constant 0.000000e+00 : f32
      %max3A_2911 = vector.broadcast %max3A_2910 : f32 to vector<256x80xf32>
      %max3A_2912 = arith.maximumf %slice3A_2909, %max3A_2911 : vector<256x80xf32>
      %abs3A_2913 = math.absf %slice3A_2909 : vector<256x80xf32>
      %neg3A_2914 = arith.constant 0.000000e+00 : f32
      %neg3A_2915 = vector.broadcast %neg3A_2914 : f32 to vector<256x80xf32>
      %neg3A_2916 = arith.subf %neg3A_2915, %abs3A_2913 : vector<256x80xf32>
      %exp3A_2917 = math.exp %neg3A_2916 : vector<256x80xf32>
      %log1p3A_2918 = math.log1p %exp3A_2917 : vector<256x80xf32>
      %add3A_2919 = arith.addf %max3A_2912, %log1p3A_2918 : vector<256x80xf32>
      %reduce_sum3A_2920 = arith.constant dense<0.000000e+00> : vector<256xf32>
      %reduce_sum3A_2921 = vector.multi_reduction <add>, %add3A_2919, %reduce_sum3A_2920 [1] : vector<256x80xf32> to vector<256xf32>
      %broadcast_in_dim3A_2922 = vector.shape_cast %reduce_sum3A_2921 : vector<256xf32> to vector<256x1xf32>
      %add3A_2923 = arith.addf %broadcast_in_dim3A_1696, %broadcast_in_dim3A_2922 : vector<256x1xf32>
      %mul3A_2924 = arith.mulf %slice3A_2909, %convert_element_type3A_1694 : vector<256x80xf32>
      %reduce_sum3A_2925 = arith.constant dense<0.000000e+00> : vector<256xf32>
      %reduce_sum3A_2926 = vector.multi_reduction <add>, %mul3A_2924, %reduce_sum3A_2925 [1] : vector<256x80xf32> to vector<256xf32>
      %broadcast_in_dim3A_2927 = vector.shape_cast %reduce_sum3A_2926 : vector<256xf32> to vector<256x1xf32>
      %add3A_2928 = arith.addf %broadcast_in_dim3A_1698, %broadcast_in_dim3A_2927 : vector<256x1xf32>
      %slice3A_2929 = vector.extract_strided_slice %add3A_1689 {offsets = [0, 90], sizes = [256, 80], strides = [1, 1]} : vector<256x256xf32> to vector<256x80xf32>
      %max3A_2930 = arith.constant 0.000000e+00 : f32
      %max3A_2931 = vector.broadcast %max3A_2930 : f32 to vector<256x80xf32>
      %max3A_2932 = arith.maximumf %slice3A_2929, %max3A_2931 : vector<256x80xf32>
      %abs3A_2933 = math.absf %slice3A_2929 : vector<256x80xf32>
      %neg3A_2934 = arith.constant 0.000000e+00 : f32
      %neg3A_2935 = vector.broadcast %neg3A_2934 : f32 to vector<256x80xf32>
      %neg3A_2936 = arith.subf %neg3A_2935, %abs3A_2933 : vector<256x80xf32>
      %exp3A_2937 = math.exp %neg3A_2936 : vector<256x80xf32>
      %log1p3A_2938 = math.log1p %exp3A_2937 : vector<256x80xf32>
      %add3A_2939 = arith.addf %max3A_2932, %log1p3A_2938 : vector<256x80xf32>
      %reduce_sum3A_2940 = arith.constant dense<0.000000e+00> : vector<256xf32>
      %reduce_sum3A_2941 = vector.multi_reduction <add>, %add3A_2939, %reduce_sum3A_2940 [1] : vector<256x80xf32> to vector<256xf32>
      %broadcast_in_dim3A_2942 = vector.shape_cast %reduce_sum3A_2941 : vector<256xf32> to vector<256x1xf32>
      %add3A_2943 = arith.addf %add3A_2923, %broadcast_in_dim3A_2942 : vector<256x1xf32>
      %mul3A_2944 = arith.mulf %slice3A_2929, %convert_element_type3A_1694 : vector<256x80xf32>
      %reduce_sum3A_2945 = arith.constant dense<0.000000e+00> : vector<256xf32>
      %reduce_sum3A_2946 = vector.multi_reduction <add>, %mul3A_2944, %reduce_sum3A_2945 [1] : vector<256x80xf32> to vector<256xf32>
      %broadcast_in_dim3A_2947 = vector.shape_cast %reduce_sum3A_2946 : vector<256xf32> to vector<256x1xf32>
      %add3A_2948 = arith.addf %add3A_2928, %broadcast_in_dim3A_2947 : vector<256x1xf32>
      %slice3A_2949 = vector.extract_strided_slice %add3A_1689 {offsets = [0, 175], sizes = [256, 80], strides = [1, 1]} : vector<256x256xf32> to vector<256x80xf32>
      %max3A_2950 = arith.constant 0.000000e+00 : f32
      %max3A_2951 = vector.broadcast %max3A_2950 : f32 to vector<256x80xf32>
      %max3A_2952 = arith.maximumf %slice3A_2949, %max3A_2951 : vector<256x80xf32>
      %abs3A_2953 = math.absf %slice3A_2949 : vector<256x80xf32>
      %neg3A_2954 = arith.constant 0.000000e+00 : f32
      %neg3A_2955 = vector.broadcast %neg3A_2954 : f32 to vector<256x80xf32>
      %neg3A_2956 = arith.subf %neg3A_2955, %abs3A_2953 : vector<256x80xf32>
      %exp3A_2957 = math.exp %neg3A_2956 : vector<256x80xf32>
      %log1p3A_2958 = math.log1p %exp3A_2957 : vector<256x80xf32>
      %add3A_2959 = arith.addf %max3A_2952, %log1p3A_2958 : vector<256x80xf32>
      %reduce_sum3A_2960 = arith.constant dense<0.000000e+00> : vector<256xf32>
      %reduce_sum3A_2961 = vector.multi_reduction <add>, %add3A_2959, %reduce_sum3A_2960 [1] : vector<256x80xf32> to vector<256xf32>
      %broadcast_in_dim3A_2962 = vector.shape_cast %reduce_sum3A_2961 : vector<256xf32> to vector<256x1xf32>
      %add3A_2963 = arith.addf %add3A_2943, %broadcast_in_dim3A_2962 : vector<256x1xf32>
      %mul3A_2964 = arith.mulf %slice3A_2949, %convert_element_type3A_1694 : vector<256x80xf32>
      %reduce_sum3A_2965 = arith.constant dense<0.000000e+00> : vector<256xf32>
      %reduce_sum3A_2966 = vector.multi_reduction <add>, %mul3A_2964, %reduce_sum3A_2965 [1] : vector<256x80xf32> to vector<256xf32>
      %broadcast_in_dim3A_2967 = vector.shape_cast %reduce_sum3A_2966 : vector<256xf32> to vector<256x1xf32>
      %add3A_2968 = arith.addf %add3A_2948, %broadcast_in_dim3A_2967 : vector<256x1xf32>
      %eq3A_2969 = arith.constant 0 : i32
      %eq3A_2970 = vector.broadcast %eq3A_2969 : i32 to vector<256x1xi32>
      %eq3A_2971 = arith.cmpi eq, %min3A_1167, %eq3A_2970 : vector<256x1xi32>
      %convert_element_type3A_2972 = arith.extui %eq3A_2971 : vector<256x1xi1> to vector<256x1xi32>
      %convert_element_type3A_2973 = arith.sitofp %convert_element_type3A_2972 : vector<256x1xi32> to vector<256x1xf32>
      %mul3A_2974 = arith.mulf %add3A_2963, %mul3A_1648 : vector<256x1xf32>
      %mul3A_2975 = arith.mulf %mul3A_2974, %convert_element_type3A_2973 : vector<256x1xf32>
      %reduce_sum3A_2976 = vector.shape_cast %mul3A_2975 : vector<256x1xf32> to vector<1x256x1xf32>
      %reduce_sum3A_2977 = arith.constant dense<0.000000e+00> : vector<1xf32>
      %reduce_sum3A_2978 = vector.multi_reduction <add>, %reduce_sum3A_2976, %reduce_sum3A_2977 [1, 2] : vector<1x256x1xf32> to vector<1xf32>
      %reduce_sum3A_2979 = vector.shape_cast %reduce_sum3A_2978 : vector<1xf32> to vector<1x1x1xf32>
      %reduce_sum3A_2980 = vector.extract %reduce_sum3A_2979[0, 0, 0] : f32 from vector<1x1x1xf32>
      %mul3A_2981 = arith.mulf %add3A_2968, %mul3A_1663 : vector<256x1xf32>
      %mul3A_2982 = arith.mulf %mul3A_2981, %convert_element_type3A_2973 : vector<256x1xf32>
      %reduce_sum3A_2983 = vector.shape_cast %mul3A_2982 : vector<256x1xf32> to vector<1x256x1xf32>
      %reduce_sum3A_2984 = arith.constant dense<0.000000e+00> : vector<1xf32>
      %reduce_sum3A_2985 = vector.multi_reduction <add>, %reduce_sum3A_2983, %reduce_sum3A_2984 [1, 2] : vector<1x256x1xf32> to vector<1xf32>
      %reduce_sum3A_2986 = vector.shape_cast %reduce_sum3A_2985 : vector<1xf32> to vector<1x1x1xf32>
      %reduce_sum3A_2987 = vector.extract %reduce_sum3A_2986[0, 0, 0] : f32 from vector<1x1x1xf32>
      %sub3A_2988 = arith.subf %reduce_sum3A_2980, %reduce_sum3A_2987 : f32
      %eq3A_2989 = arith.constant 1 : i32
      %eq3A_2990 = vector.broadcast %eq3A_2989 : i32 to vector<256x1xi32>
      %eq3A_2991 = arith.cmpi eq, %min3A_1167, %eq3A_2990 : vector<256x1xi32>
      %convert_element_type3A_2992 = arith.extui %eq3A_2991 : vector<256x1xi1> to vector<256x1xi32>
      %convert_element_type3A_2993 = arith.sitofp %convert_element_type3A_2992 : vector<256x1xi32> to vector<256x1xf32>
      %mul3A_2994 = arith.mulf %add3A_2963, %mul3A_1648 : vector<256x1xf32>
      %mul3A_2995 = arith.mulf %mul3A_2994, %convert_element_type3A_2993 : vector<256x1xf32>
      %reduce_sum3A_2996 = vector.shape_cast %mul3A_2995 : vector<256x1xf32> to vector<1x256x1xf32>
      %reduce_sum3A_2997 = arith.constant dense<0.000000e+00> : vector<1xf32>
      %reduce_sum3A_2998 = vector.multi_reduction <add>, %reduce_sum3A_2996, %reduce_sum3A_2997 [1, 2] : vector<1x256x1xf32> to vector<1xf32>
      %reduce_sum3A_2999 = vector.shape_cast %reduce_sum3A_2998 : vector<1xf32> to vector<1x1x1xf32>
      %reduce_sum3A_3000 = vector.extract %reduce_sum3A_2999[0, 0, 0] : f32 from vector<1x1x1xf32>
      %mul3A_3001 = arith.mulf %add3A_2968, %mul3A_1663 : vector<256x1xf32>
      %mul3A_3002 = arith.mulf %mul3A_3001, %convert_element_type3A_2993 : vector<256x1xf32>
      %reduce_sum3A_3003 = vector.shape_cast %mul3A_3002 : vector<256x1xf32> to vector<1x256x1xf32>
      %reduce_sum3A_3004 = arith.constant dense<0.000000e+00> : vector<1xf32>
      %reduce_sum3A_3005 = vector.multi_reduction <add>, %reduce_sum3A_3003, %reduce_sum3A_3004 [1, 2] : vector<1x256x1xf32> to vector<1xf32>
      %reduce_sum3A_3006 = vector.shape_cast %reduce_sum3A_3005 : vector<1xf32> to vector<1x1x1xf32>
      %reduce_sum3A_3007 = vector.extract %reduce_sum3A_3006[0, 0, 0] : f32 from vector<1x1x1xf32>
      %sub3A_3008 = arith.subf %reduce_sum3A_3000, %reduce_sum3A_3007 : f32
      %eq3A_3009 = arith.constant 2 : i32
      %eq3A_3010 = vector.broadcast %eq3A_3009 : i32 to vector<256x1xi32>
      %eq3A_3011 = arith.cmpi eq, %min3A_1167, %eq3A_3010 : vector<256x1xi32>
      %convert_element_type3A_3012 = arith.extui %eq3A_3011 : vector<256x1xi1> to vector<256x1xi32>
      %convert_element_type3A_3013 = arith.sitofp %convert_element_type3A_3012 : vector<256x1xi32> to vector<256x1xf32>
      %mul3A_3014 = arith.mulf %add3A_2963, %mul3A_1648 : vector<256x1xf32>
      %mul3A_3015 = arith.mulf %mul3A_3014, %convert_element_type3A_3013 : vector<256x1xf32>
      %reduce_sum3A_3016 = vector.shape_cast %mul3A_3015 : vector<256x1xf32> to vector<1x256x1xf32>
      %reduce_sum3A_3017 = arith.constant dense<0.000000e+00> : vector<1xf32>
      %reduce_sum3A_3018 = vector.multi_reduction <add>, %reduce_sum3A_3016, %reduce_sum3A_3017 [1, 2] : vector<1x256x1xf32> to vector<1xf32>
      %reduce_sum3A_3019 = vector.shape_cast %reduce_sum3A_3018 : vector<1xf32> to vector<1x1x1xf32>
      %reduce_sum3A_3020 = vector.extract %reduce_sum3A_3019[0, 0, 0] : f32 from vector<1x1x1xf32>
      %mul3A_3021 = arith.mulf %add3A_2968, %mul3A_1663 : vector<256x1xf32>
      %mul3A_3022 = arith.mulf %mul3A_3021, %convert_element_type3A_3013 : vector<256x1xf32>
      %reduce_sum3A_3023 = vector.shape_cast %mul3A_3022 : vector<256x1xf32> to vector<1x256x1xf32>
      %reduce_sum3A_3024 = arith.constant dense<0.000000e+00> : vector<1xf32>
      %reduce_sum3A_3025 = vector.multi_reduction <add>, %reduce_sum3A_3023, %reduce_sum3A_3024 [1, 2] : vector<1x256x1xf32> to vector<1xf32>
      %reduce_sum3A_3026 = vector.shape_cast %reduce_sum3A_3025 : vector<1xf32> to vector<1x1x1xf32>
      %reduce_sum3A_3027 = vector.extract %reduce_sum3A_3026[0, 0, 0] : f32 from vector<1x1x1xf32>
      %sub3A_3028 = arith.subf %reduce_sum3A_3020, %reduce_sum3A_3027 : f32
      %reduce_sum3A_3029 = vector.shape_cast %convert_element_type3A_1176 : vector<256x1xf32> to vector<1x256x1xf32>
      %reduce_sum3A_3030 = arith.constant dense<0.000000e+00> : vector<1xf32>
      %reduce_sum3A_3031 = vector.multi_reduction <add>, %reduce_sum3A_3029, %reduce_sum3A_3030 [1, 2] : vector<1x256x1xf32> to vector<1xf32>
      %reduce_sum3A_3032 = vector.shape_cast %reduce_sum3A_3031 : vector<1xf32> to vector<1x1x1xf32>
      %reduce_sum3A_3033 = vector.extract %reduce_sum3A_3032[0, 0, 0] : f32 from vector<1x1x1xf32>
      %mul3A_3034 = arith.constant 3.000000e+00 : f32
      %mul3A_3035 = arith.mulf %mul3A_3034, %reduce_sum3A_3033 : f32
      %eq3A_3036 = arith.constant 9 : i32
      %eq3A_3037 = vector.broadcast %eq3A_3036 : i32 to vector<1x128xi32>
      %eq3A_3038 = arith.cmpi eq, %iota3A, %eq3A_3037 : vector<1x128xi32>
      %jit3A_3039 = arith.constant 0.000000e+00 : f32
      %broadcast_in_dim3A_3040 = vector.broadcast %sub3A_2988 : f32 to vector<1x128xf32>
      %broadcast_in_dim3A_3041 = vector.broadcast %jit3A_3039 : f32 to vector<1x128xf32>
      %select_n3A_3042 = arith.select %eq3A_3038, %broadcast_in_dim3A_3040, %broadcast_in_dim3A_3041 : vector<1x128xi1>, vector<1x128xf32>
      %eq3A_3043 = arith.constant 10 : i32
      %eq3A_3044 = vector.broadcast %eq3A_3043 : i32 to vector<1x128xi32>
      %eq3A_3045 = arith.cmpi eq, %iota3A, %eq3A_3044 : vector<1x128xi32>
      %jit3A_3046 = arith.constant 0.000000e+00 : f32
      %broadcast_in_dim3A_3047 = vector.broadcast %sub3A_3008 : f32 to vector<1x128xf32>
      %broadcast_in_dim3A_3048 = vector.broadcast %jit3A_3046 : f32 to vector<1x128xf32>
      %select_n3A_3049 = arith.select %eq3A_3045, %broadcast_in_dim3A_3047, %broadcast_in_dim3A_3048 : vector<1x128xi1>, vector<1x128xf32>
      %add3A_3050 = arith.addf %select_n3A_3042, %select_n3A_3049 : vector<1x128xf32>
      %eq3A_3051 = arith.constant 11 : i32
      %eq3A_3052 = vector.broadcast %eq3A_3051 : i32 to vector<1x128xi32>
      %eq3A_3053 = arith.cmpi eq, %iota3A, %eq3A_3052 : vector<1x128xi32>
      %jit3A_3054 = arith.constant 0.000000e+00 : f32
      %broadcast_in_dim3A_3055 = vector.broadcast %sub3A_3028 : f32 to vector<1x128xf32>
      %broadcast_in_dim3A_3056 = vector.broadcast %jit3A_3054 : f32 to vector<1x128xf32>
      %select_n3A_3057 = arith.select %eq3A_3053, %broadcast_in_dim3A_3055, %broadcast_in_dim3A_3056 : vector<1x128xi1>, vector<1x128xf32>
      %add3A_3058 = arith.addf %add3A_3050, %select_n3A_3057 : vector<1x128xf32>
      %eq3A_3059 = arith.constant 12 : i32
      %eq3A_3060 = vector.broadcast %eq3A_3059 : i32 to vector<1x128xi32>
      %eq3A_3061 = arith.cmpi eq, %iota3A, %eq3A_3060 : vector<1x128xi32>
      %jit3A_3062 = arith.constant 0.000000e+00 : f32
      %broadcast_in_dim3A_3063 = vector.broadcast %add3A_2908 : f32 to vector<1x128xf32>
      %broadcast_in_dim3A_3064 = vector.broadcast %jit3A_3062 : f32 to vector<1x128xf32>
      %select_n3A_3065 = arith.select %eq3A_3061, %broadcast_in_dim3A_3063, %broadcast_in_dim3A_3064 : vector<1x128xi1>, vector<1x128xf32>
      %add3A_3066 = arith.addf %add3A_3058, %select_n3A_3065 : vector<1x128xf32>
      %eq3A_3067 = arith.constant 13 : i32
      %eq3A_3068 = vector.broadcast %eq3A_3067 : i32 to vector<1x128xi32>
      %eq3A_3069 = arith.cmpi eq, %iota3A, %eq3A_3068 : vector<1x128xi32>
      %jit3A_3070 = arith.constant 0.000000e+00 : f32
      %broadcast_in_dim3A_3071 = vector.broadcast %mul3A_3035 : f32 to vector<1x128xf32>
      %broadcast_in_dim3A_3072 = vector.broadcast %jit3A_3070 : f32 to vector<1x128xf32>
      %select_n3A_3073 = arith.select %eq3A_3069, %broadcast_in_dim3A_3071, %broadcast_in_dim3A_3072 : vector<1x128xi1>, vector<1x128xf32>
      %add3A_3074 = arith.addf %add3A_3066, %select_n3A_3073 : vector<1x128xf32>
      %get3A_3075 = arith.constant 0 : index
      %get3A_3076 = arith.constant 0 : index
      %get3A_3077 = vector.load %arg11[%get3A_3075, %get3A_3076] : memref<1x128xf32, #tpu.memory_space<vmem>>, vector<1x128xf32>
      %add3A_3078 = arith.addf %get3A_3077, %add3A_3074 : vector<1x128xf32>
      %swap3A_3079 = arith.constant 0 : index
      %swap3A_3080 = arith.constant 0 : index
      %swap3A_3081 = vector.load %arg11[%swap3A_3079, %swap3A_3080] : memref<1x128xf32, #tpu.memory_space<vmem>>, vector<1x128xf32>
      tpu.vector_store %arg11[%swap3A_3079, %swap3A_3080], %add3A_3078 {strides = array<i32>} : memref<1x128xf32, #tpu.memory_space<vmem>>, vector<1x128xf32>,
    } else {
    }
    return
  }
  func.func @transform_0(%arg0: i32) -> (i32, i32, i32, i32) {
    %c0_i32 = arith.constant 0 : i32
    %c0_i32_0 = arith.constant 0 : i32
    %c0_i32_1 = arith.constant 0 : i32
    %c0_i32_2 = arith.constant 0 : i32
    return %arg0, %c0_i32, %c0_i32_0, %c0_i32_1 : i32, i32, i32, i32
  }
  func.func @transform_1(%arg0: i32) -> (i32, i32, i32, i32) {
    %c0_i32 = arith.constant 0 : i32
    %c0_i32_0 = arith.constant 0 : i32
    %c0_i32_1 = arith.constant 0 : i32
    %c0_i32_2 = arith.constant 0 : i32
    return %arg0, %c0_i32, %c0_i32_0, %c0_i32_1 : i32, i32, i32, i32
  }
  func.func @transform_2(%arg0: i32) -> (i32, i32, i32, i32) {
    %c0_i32 = arith.constant 0 : i32
    %c0_i32_0 = arith.constant 0 : i32
    %c0_i32_1 = arith.constant 0 : i32
    %c0_i32_2 = arith.constant 0 : i32
    return %arg0, %c0_i32, %c0_i32_0, %c0_i32_1 : i32, i32, i32, i32
  }
  func.func @transform_3(%arg0: i32) -> (i32, i32, i32) {
    %c0_i32 = arith.constant 0 : i32
    %c0_i32_0 = arith.constant 0 : i32
    %c0_i32_1 = arith.constant 0 : i32
    return %arg0, %c0_i32, %c0_i32_0 : i32, i32, i32
  }
  func.func @transform_4(%arg0: i32) -> (i32, i32, i32) {
    %c0_i32 = arith.constant 0 : i32
    %c0_i32_0 = arith.constant 0 : i32
    %c0_i32_1 = arith.constant 0 : i32
    return %arg0, %c0_i32, %c0_i32_0 : i32, i32, i32
  }
  func.func @transform_5(%arg0: i32) -> (i32, i32) {
    %c0_i32 = arith.constant 0 : i32
    %c0_i32_0 = arith.constant 0 : i32
    return %arg0, %c0_i32 : i32, i32
  }
  func.func @transform_6(%arg0: i32) -> (i32, i32) {
    %c0_i32 = arith.constant 0 : i32
    %c0_i32_0 = arith.constant 0 : i32
    %c0_i32_1 = arith.constant 0 : i32
    return %c0_i32, %c0_i32_0 : i32, i32
  }
  func.func @transform_7(%arg0: i32) -> (i32, i32) {
    %c0_i32 = arith.constant 0 : i32
    %c0_i32_0 = arith.constant 0 : i32
    %c0_i32_1 = arith.constant 0 : i32
    return %c0_i32, %c0_i32_0 : i32, i32
  }
  func.func @transform_8(%arg0: i32) -> (i32, i32) {
    %c0_i32 = arith.constant 0 : i32
    %c0_i32_0 = arith.constant 0 : i32
    %c0_i32_1 = arith.constant 0 : i32
    return %c0_i32, %c0_i32_0 : i32, i32
  }
  func.func @transform_9(%arg0: i32) -> (i32, i32) {
    %c0_i32 = arith.constant 0 : i32
    %c0_i32_0 = arith.constant 0 : i32
    %c0_i32_1 = arith.constant 0 : i32
    return %c0_i32, %c0_i32_0 : i32, i32
  }
  func.func @transform_10(%arg0: i32) -> (i32, i32) {
    %c0_i32 = arith.constant 0 : i32
    %c0_i32_0 = arith.constant 0 : i32
    %c0_i32_1 = arith.constant 0 : i32
    return %c0_i32, %c0_i32_0 : i32, i32
  }
}

</mosaic_0001>

<sc_bundles>
// kernel: kernel.5.cloned.1.call-start
scs
__scs_entry_jumppad:
0x0: {  	(pc) =	sbr.rel $0x88, $3  }
0x1: {  	(tag) =	ssettag $0x0;
	lr =	simm.s32 $0x1  }
0x2: {  	[smem:$0x3F9C] =	sst lr;
	_ =	strace $0xD0000000  }
0x3: {  	_ = 	snop  }
0x4: {  	_ = 	snop  }
0x5: {  	_ = 	snop  }
0x6: {  	_ = 	snop  }
0x7: {  	_ = 	snop  }
__scs_overlays_trampoline_lowered:
0x8: {  	[smem:$0x3FAB] =	sst s0  }
0x9: {  	[smem:$0x3FAC] =	sst s1  }
0xa: {  	[smem:$0x3FAD] =	sst s2  }
0xb: {  	[smem:$0x3FAE] =	sst s3  }
0xc: {  	[smem:$0x3FAF] =	sst s4  }
0xd: {  	[smem:$0x3FB0] =	sst s5  }
0xe: {  	[smem:$0x3FB1] =	sst s6  }
0xf: {  	[smem:$0x3FB2] =	sst s7  }
0x10: {  	[smem:$0x3FB3] =	sst s8  }
0x11: {  	[smem:$0x3FB4] =	sst s9;
	s0 =	simm.s32 @!p0 $0x0  }
0x12: {  	s1 =	sld [smem:$0x3F9A];
	s0 =	simm.s32 @p0 $0x1  }
0x13: {  	[smem:$0x3FB5] =	sst s0;
	s0 =	simm.s32 @!p1 $0x0  }
0x14: {  	s2 =	sld [smem:$0x3F99];
	s0 =	simm.s32 @p1 $0x1  }
0x15: {  	[smem:$0x3FB6] =	sst s0;
	s0 =	simm.s32 @!p2 $0x0  }
0x16: {  	s3 =	sld [smem:$0x3FDB];
	s0 =	simm.s32 @p2 $0x1  }
0x17: {  	s4 =	simm.s32 $0x1BF5;
	[smem:$0x3FB8] =	sst s0  }
0x18: {  	s0 =	sld [smem:$0x3F9B];
	_ =	swait.ge [sflag:s4], $0x0  }
0x19: {  	s7 =	sld [smem:$0x3F9C]  }
0x1a: {  	s8 =	sadd.s32 $0xFFFFE003, lr  }
0x1b: {  	s9 =	sadd.s32 $0xFFFFFEF7, lr;
	s5 =	simm.s32 $0xFFFFFFFF;
	p2 =	slt.u32 s8, $0xFFFFF086  }
0x1c: {  	p1 =	slt.u32 s9, $0xF7A;
	s5 =	simm.s32 @!p2 $0x0  }
0x1d: {  	s5 =	simm.s32 @p1 $0x1;
	p0 =	seq.s32 s7, s2  }
0x1e: {  	s7 =	smul.u32 @!p0 $0xF7A, s2;
	p2 =	seq.s32 @!p0 s5, $0x0  }
0x1f: {  	s9 =	smul.u32 $0xF7A, s1;
	s8 =	simm.s32 @!p0 $0x1BF5;
	p2 =	por !p2, p0  }
0x20: {  	[sflag:s8] =	ssyncset.s32 @!p0 $0xFFFFF086;
	s6 =	sadd.s32 @!p0 s3, s7;
	s7 =	simm.s32 @!p0 $0x108  }
0x21: {  	s3 =	sadd.s32 s3, s9;
	s6 =	sadd.s32 @!p0 $0x88, s6;
	s7 =	simm.s32 @p2 $0x1082  }
0x22: {  	[simem:s7], [sflag:s8] =	dma.local @!p0 [hbm:s6], $0xF7A  }
0x23: {  	s9 =	sor.u32 $0xD0000000, s2;
	s6 =	simm.s32 $0x108;
	_ =	swait.ge @!p0 [sflag:s8], $0x0  }
0x24: {  	s3 =	sadd.s32 $0x88, s3;
	s6 =	simm.s32 @!p1 $0x1082;
	[sflag:s4] =	ssyncset.s32 $0xFFFFF086  }
0x25: {  	[simem:s6], [sflag:s4] =	dma.local [hbm:s3], $0xF7A  }
0x26: {  	[smem:$0x3F9C] =	sst s1;
	(tag) =	ssettag s2;
	_ =	strace s9  }
0x27: {  	s1 =	sld [smem:$0x3FAC]  }
0x28: {  	s2 =	sld [smem:$0x3FAD]  }
0x29: {  	s4 =	sld [smem:$0x3FAF]  }
0x2a: {  	p0 =	seq.s32 s5, $0x0;
	s5 =	sld [smem:$0x3FB0]  }
0x2b: {  	s6 =	sld [smem:$0x3FB1]  }
0x2c: {  	s7 =	sld [smem:$0x3FB2]  }
0x2d: {  	s3 =	simm.s32 $0x108;
	s8 =	sld [smem:$0x3FB3]  }
0x2e: {  	s3 =	simm.s32 @!p0 $0x1082;
	s9 =	sld [smem:$0x3FB4]  }
0x2f: {  	lr =	sadd.s32 s0, s3;
	s0 =	sld [smem:$0x3FAB]  }
0x30: {  	s3 =	sld [smem:$0x3FAE]  }
0x31: {  	[smem:$0x3FB7] =	sst s10  }
0x32: {  	s10 =	sld [smem:$0x3FB5];
	_ =	sdelay $0x3  }
0x33: {  	p0 =	seq.s32 s10, $0x1;
	s10 =	sld [smem:$0x3FB7];
	_ =	sdelay $0x3  }
0x34: {  	[smem:$0x3FB7] =	sst s10  }
0x35: {  	s10 =	sld [smem:$0x3FB6];
	_ =	sdelay $0x3  }
0x36: {  	p1 =	seq.s32 s10, $0x1;
	s10 =	sld [smem:$0x3FB7];
	_ =	sdelay $0x3  }
0x37: {  	[smem:$0x3FB7] =	sst s10  }
0x38: {  	s10 =	sld [smem:$0x3FB8]  }
0x39: {  	_ = 	snop;
	(pc) =	sbr.ind lr, $3  }
0x3a: {  	_ = 	snop  }
0x3b: {  	_ = 	snop  }
0x3c: {  	p2 =	seq.s32 s10, $0x1;
	s10 =	sld [smem:$0x3FB7]  }
0x3d: {  	_ =	shalt  }
0x3e: {  	_ =	shalt  }
0x3f: {  	_ =	shalt  }
0x40: {  	_ =	shalt  }
0x41: {  	_ =	shalt  }
0x42: {  	_ =	shalt  }
0x43: {  	_ =	shalt  }
0x44: {  	_ =	shalt  }
0x45: {  	_ =	shalt  }
0x46: {  	_ =	shalt  }
0x47: {  	_ =	shalt  }
0x48: {  	_ =	shalt  }
0x49: {  	_ =	shalt  }
0x4a: {  	_ =	shalt  }
0x4b: {  	_ =	shalt  }
0x4c: {  	_ =	shalt  }
0x4d: {  	_ =	shalt  }
0x4e: {  	_ =	shalt  }
0x4f: {  	_ =	shalt  }
0x50: {  	_ =	shalt  }
0x51: {  	_ =	shalt  }
0x52: {  	_ =	shalt  }
0x53: {  	_ =	shalt  }
0x54: {  	_ =	shalt  }
0x55: {  	_ =	shalt  }
0x56: {  	_ =	shalt  }
0x57: {  	_ =	shalt  }
0x58: {  	_ =	shalt  }
0x59: {  	_ =	shalt  }
0x5a: {  	_ =	shalt  }
0x5b: {  	_ =	shalt  }
0x5c: {  	_ =	shalt  }
0x5d: {  	_ =	shalt  }
0x5e: {  	_ =	shalt  }
0x5f: {  	_ =	shalt  }
0x60: {  	_ =	shalt  }
0x61: {  	_ =	shalt  }
0x62: {  	_ =	shalt  }
0x63: {  	_ =	shalt  }
0x64: {  	_ =	shalt  }
0x65: {  	_ =	shalt  }
0x66: {  	_ =	shalt  }
0x67: {  	_ =	shalt  }
0x68: {  	_ =	shalt  }
0x69: {  	_ =	shalt  }
0x6a: {  	_ =	shalt  }
0x6b: {  	_ =	shalt  }
0x6c: {  	_ =	shalt  }
0x6d: {  	_ =	shalt  }
0x6e: {  	_ =	shalt  }
0x6f: {  	_ =	shalt  }
0x70: {  	_ =	shalt  }
0x71: {  	_ =	shalt  }
0x72: {  	_ =	shalt  }
0x73: {  	_ =	shalt  }
0x74: {  	_ =	shalt  }
0x75: {  	_ =	shalt  }
0x76: {  	_ =	shalt  }
0x77: {  	_ =	shalt  }
0x78: {  	_ =	shalt  }
0x79: {  	_ =	shalt  }
0x7a: {  	_ =	shalt  }
0x7b: {  	_ =	shalt  }
0x7c: {  	_ =	shalt  }
0x7d: {  	_ =	shalt  }
0x7e: {  	_ =	shalt  }
0x7f: {  	_ =	shalt  }
0x80: {  	_ =	shalt  }
0x81: {  	_ =	shalt  }
0x82: {  	_ =	shalt  }
0x83: {  	_ =	shalt  }
0x84: {  	_ =	shalt  }
0x85: {  	_ =	shalt  }
0x86: {  	_ =	shalt  }
0x87: {  	_ =	shalt  }
.Lfunc_end0:
.L_simem_size_0:
called_computation_lowered:
.L_overlay_start_0:
0x88: {  	s2 =	sld [smem:$0x3FD9]  }
0x89: {  	s3 =	sld [smem:$0x3FFE];
	_ =	sdelay $0x1  }
0x8a: {  	s1 =	srdreg.scid  }
0x8b: {  	s0 =	sand.u32 $0x1, s1  }
0x8c: {  	s16 =	sshll.u32 s0, $0xA;
	s2 =	sadd.s32 s3, s2  }
0x8d: {  	s2 =	sadd.s32 s2, s16  }
0x8e: {  	[smem:$0x3FC3] =	sst s2  }
0x8f: {  	_ = 	snop  }
0x90: {  	(tm) =	ssettm $0x1  }
0x91: {  	s17 =	sld [smem:$0x3FFB];
	_ =	sdelay $0x3  }
0x92: {  	_ =	strace s17  }
0x93: {  	s2 =	sld [smem:$0x3FFC];
	_ =	sdelay $0x3  }
0x94: {  	_ =	strace s2  }
0x95: {  	s2 =	sld [smem:$0x3FFD];
	_ =	sdelay $0x3  }
0x96: {  	_ =	strace s2  }
0x97: {  	_ =	strace $0x8FFFFFFF  }
0x98: {  	s18 =	sld [smem:$0x3FDB];
	_ =	sdelay $0x1  }
0x99: {  	s19 =	simm.s32 $_scs_section_size  }
0x9a: {  	s4 =	simm.s32 $_size__tile_overlayer_lowered;
	s5 =	simm.s32 $_tile_overlayer_lowered  }
0x9b: {  	s22 =	simm.s32 $0x1BFF;
	s21 =	sshll.u32 s5, $0x1;
	s2 =	sadd.s32 s19, s18  }
0x9c: {  	s6 =	simm.s32 $0x0;
	s20 =	sshll.u32 s4, $0x1;
	s4 =	sadd.s32 s21, s2  }
0x9d: {  	[timem:s6], [sflag:s22] =	dma.local [hbm:s4], s20  }
0x9e: {  	_ =	swait.ge [sflag:s22], s20  }
0x9f: {  	s3 =	ssub.s32 $0x0, s20;
	[sflag:s22] =	ssyncset.done $0x0  }
0xa0: {  	[sflag:s22] =	ssyncadd.s32 s3;
	_ =	sdelay $0x1  }
0xa1: {  	s23 =	simm.s32 $0x1B8B  }
0xa2: {  	_ =	swait.ge [sflag:s23], $0x1  }
0xa3: {  	[sflag:s23] =	ssyncset.done $0x0  }
0xa4: {  	s25 =	simm.s32 $0x1B8E;
	s24 =	sld [smem:$0x3FFE];
	[sflag:s23] =	ssyncadd.s32 $0xFFFFFFFF  }
0xa5: {  	s26 =	simm.s32 $execute0_lowered;
	[smem:$0x3FD2] =	sst s25  }
0xa6: {  	s4 =	sshll.u32 s26, $0x1;
	_ =	strace $0x80000046;
	[dreg:$0x1] =	wrdreg $0xFFFFFFFF  }
0xa7: {  	s28 =	simm.s32 $_size_execute0_lowered;
	s2 =	sadd.s32 s2, s4;
	[dreg:$0x0] =	wrdreg $0x0  }
0xa8: {  	s4 =	sshll.u32 s28, $0x1;
	[dreg:$0x2] =	wrdreg s2  }
0xa9: {  	[dreg:$0x3] =	wrdreg s4  }
0xaa: {  	[dreg:$0x4] =	wrdreg $0xC0  }
0xab: {  	_ =	task [dreg:s6], $0x5FFFF  }
0xac: {  	[dreg:$0x1] =	wrdreg $0xFFFFFFFF  }
0xad: {  	[dreg:$0x0] =	wrdreg $0x60  }
0xae: {  	[dreg:$0x2] =	wrdreg s24  }
0xaf: {  	[dreg:$0x3] =	wrdreg $0x9  }
0xb0: {  	_ =	task.clear_ibuf [dreg:s6], $0x4FFFF;
	_ =	strace $0x90000046  }
0xb1: {  	s29 =	simm.s32 $0x9;
	_ =	strace $0x80000048  }
0xb2: {  	_ =	swait.ge [sflag:s29], $0x1  }
0xb3: {  	[sflag:s29] =	ssyncadd.s32 $0xFFFFFFFF  }
0xb4: {  	_ =	strace $0x90000048  }
0xb5: {  	_ =	sfence  }
0xb6: {  	s30 =	sld [smem:$0x0];
	_ =	sdelay $0x2  }
0xb7: {  	s31 =	sshll.u32 s1, $0xD;
	s1 =	sshrl.u32 s1, $0x2  }
0xb8: {  	s3 =	sand.u32 $0x4000, s31;
	s1 =	sadd.s32 s1, s30  }
0xb9: {  	s0 =	sor.u32 s3, s0;
	s1 =	sshll.u32 s1, $0x11  }
0xba: {  	s0 =	sor.u32 s1, s0  }
0xbb: {  	s0 =	sadd.s32 $0x8F2B, s0  }
0xbc: {  	[sflag:s0] =	ssyncadd.remote.s32 $0x1  }
0xbd: {  	_ =	sfence.sel $0xFFFF  }
0xbe: {  	[dreg:$0x0] =	wrdreg $0xFFFFFFFF;
	(pc) =	sbr.abs _section_cstart, $3  }
0xbf: {  	[dreg:$0x1] =	wrdreg $0xFFFFFFFF  }
0xc0: {  	_ =	task.clear_ibuf [dreg:s6], $0x2FFFF;
	_ =	strace $0x9FFFFFFF  }
0xc1: {  	(tm) =	ssettm $0x7FFFFFFF  }
tec
execute0_lowered:
.L_overlay_start_1:
0x0: {  	(tag) =	ssettag $0x1  }
0x1: {  	s0 =	rddreg [dreg:$0x0]  }
0x2: {  	s9 =	rddreg [dreg:$0x1]  }
0x3: {  	s1 =	srdreg.scid;
	s2 =	simm.s32 $0x0;
	s3 =	stileid.u32  }
0x4: {  	s4 =	sand.u32 $0x1, s1;
	[smem:$0x7FF] =	sst s2;
	s14 =	sshll.u32 s3, $0x9  }
0x5: {  	s5 =	sadd.s32 $0x4600, s0;
	s16 =	sadd.s32 $0x1C5C00, s0;
	s15 =	sshll.u32 s4, $0x8  }
0x6: {  	s3 =	simm.s32 $0x480;
	_ =	strace $0x80000047;
	s1 =	sor.u32 s15, s14  }
0x7: {  	[smem:$0x7EA] =	sst s3;
	s6 =	sadd.s32 s5, s1;
	s7 =	sor.u32 $0x2000, s1  }
0x8: {  	s8 =	sor.u32 $0x4000, s1;
	[dreg:$0x2] =	wrdreg s6;
	s17 =	sadd.s32 s5, s7  }
0x9: {  	s31 =	sadd.s32 s16, s1;
	s5 =	sadd.s32 s5, s8;
	[dreg:$0x3] =	wrdreg s17  }
0xa: {  	s1 =	sadd.s32 $0x20, s31;
	[dreg:$0x4] =	wrdreg s5  }
0xb: {  	s18 =	sadd.s32 $0x40, s31;
	[dreg:$0x5] =	wrdreg s1  }
0xc: {  	s19 =	sadd.s32 $0x60, s31;
	[dreg:$0x6] =	wrdreg s18  }
0xd: {  	s20 =	sadd.s32 $0x80, s31;
	[dreg:$0x7] =	wrdreg s19  }
0xe: {  	s21 =	sadd.s32 $0xA0, s31;
	[dreg:$0x8] =	wrdreg s20  }
0xf: {  	s22 =	sadd.s32 $0xC0, s31;
	[dreg:$0x9] =	wrdreg s21  }
0x10: {  	s23 =	sadd.s32 $0xE0, s31;
	[dreg:$0xa] =	wrdreg s22  }
0x11: {  	s24 =	sadd.s32 s16, s7;
	[dreg:$0xb] =	wrdreg s23  }
0x12: {  	s25 =	sadd.s32 $0x2020, s31;
	[dreg:$0xc] =	wrdreg s24  }
0x13: {  	s26 =	sadd.s32 $0x2040, s31;
	[dreg:$0xd] =	wrdreg s25  }
0x14: {  	s6 =	sadd.s32 $0x2080, s31;
	[dreg:$0xe] =	wrdreg s26  }
0x15: {  	s7 =	sadd.s32 $0x20A0, s31;
	[dreg:$0x10] =	wrdreg s6  }
0x16: {  	s10 =	sadd.s32 $0x20C0, s31;
	[dreg:$0x11] =	wrdreg s7  }
0x17: {  	s11 =	sadd.s32 $0x20E0, s31;
	[dreg:$0x12] =	wrdreg s10  }
0x18: {  	s12 =	sadd.s32 s16, s8;
	[dreg:$0x13] =	wrdreg s11  }
0x19: {  	s13 =	sadd.s32 $0x4020, s31;
	[dreg:$0x14] =	wrdreg s12  }
0x1a: {  	s14 =	sadd.s32 $0x4040, s31;
	[dreg:$0x15] =	wrdreg s13  }
0x1b: {  	s15 =	sadd.s32 $0x4060, s31;
	[dreg:$0x16] =	wrdreg s14  }
0x1c: {  	s16 =	sadd.s32 $0x4080, s31;
	[dreg:$0x17] =	wrdreg s15  }
0x1d: {  	s8 =	simm.s32 $0x680;
	[dreg:$0x18] =	wrdreg s16  }
0x1e: {  	s5 =	sadd.s32 $0x2060, s31;
	[smem:$0x7EE] =	sst s8  }
0x1f: {  	s17 =	sadd.s32 $0x40A0, s31;
	[dreg:$0xf] =	wrdreg s5  }
0x20: {  	s18 =	sadd.s32 $0x40C0, s31;
	[dreg:$0x19] =	wrdreg s17  }
0x21: {  	s19 =	sadd.s32 $0x40E0, s31;
	[dreg:$0x1a] =	wrdreg s18  }
0x22: {  	s20 =	simm.s32 $0x100;
	[dreg:$0x1b] =	wrdreg s19  }
0x23: {  	s21 =	simm.s32 $0x180;
	[dreg:$0x1c] =	wrdreg s20  }
0x24: {  	s22 =	simm.s32 $0x200;
	[dreg:$0x1d] =	wrdreg s21  }
0x25: {  	s23 =	simm.s32 $0x280;
	[dreg:$0x1e] =	wrdreg s22  }
0x26: {  	s24 =	simm.s32 $0x300;
	[dreg:$0x1f] =	wrdreg s23  }
0x27: {  	s25 =	simm.s32 $0x380;
	[smem:$0x7E7] =	sst s24  }
0x28: {  	s26 =	simm.s32 $0x400;
	[smem:$0x7E8] =	sst s25  }
0x29: {  	s30 =	simm.s32 $0x800;
	s6 =	simm.s32 $0x580;
	[smem:$0x7E9] =	sst s26  }
0x2a: {  	s28 =	simm.s32 $0xF80;
	s7 =	simm.s32 $0x600;
	[smem:$0x7EC] =	sst s6  }
0x2b: {  	p0 =	por $0x0, $0x0;
	s10 =	simm.s32 $0x700;
	[smem:$0x7ED] =	sst s7  }
0x2c: {  	s29 =	sadd.s32 $0x287E00, s0;
	s11 =	simm.s32 $0x780;
	[smem:$0x7EF] =	sst s10  }
0x2d: {  	s3 =	sadd.s32 $0x1ACC00, s0;
	s12 =	simm.s32 $0x880;
	[smem:$0x7F0] =	sst s11  }
0x2e: {  	s13 =	simm.s32 $0x900;
	s14 =	simm.s32 $0x980;
	[smem:$0x7F1] =	sst s12  }
0x2f: {  	s15 =	simm.s32 $0xA00;
	s16 =	ssub.s32 $0x2, s4;
	[smem:$0x7F2] =	sst s13  }
0x30: {  	s8 =	simm.s32 $0x1880;
	s5 =	simm.s32 $0x500;
	[smem:$0x7F3] =	sst s14  }
0x31: {  	s19 =	sadd.s32 $0x149200, s0;
	[smem:$0x7F4] =	sst s15;
	s17 =	simm.s32 $0xA80  }
0x32: {  	s4 =	sshrl.u32 s16, $0x1;
	s18 =	simm.s32 $0xB00;
	s20 =	simm.s32 $0xB80  }
0x33: {  	s21 =	simm.s32 $0xC00;
	s22 =	simm.s32 $0xC80;
	s23 =	simm.s32 $0xD00  }
0x34: {  	s24 =	simm.s32 $0xD80;
	s6 =	simm.s32 $0x80;
	[smem:$0x7EB] =	sst s5  }
0x35: {  	s25 =	simm.s32 $0xE00;
	s26 =	simm.s32 $0xE80;
	[smem:$0x7F5] =	sst s17  }
0x36: {  	s7 =	simm.s32 $0x1;
	s14 =	simm.s32 $0x1500;
	[smem:$0x7F6] =	sst s18  }
0x37: {  	s15 =	simm.s32 $0x1580;
	s12 =	simm.s32 $0x1600;
	[smem:$0x7F7] =	sst s20  }
0x38: {  	s13 =	simm.s32 $0x1680;
	s10 =	simm.s32 $0x1700;
	[smem:$0x7F8] =	sst s21  }
0x39: {  	s11 =	simm.s32 $0x1780;
	s1 =	ssub.s32 s16, s4;
	[smem:$0x7F9] =	sst s22  }
0x3a: {  	s4 =	simm.s32 $0x2;
	[smem:$0x7FA] =	sst s23;
	s1 =	smax.u32 s1, $0x1  }
0x3b: {  	s22 =	simm.s32 $0x1000;
	[smem:$0x7FB] =	sst s24;
	p1 =	sne.s32 s1, $0x1  }
.Ltmp0:
0x3c: {  	s5 =	simm.s32 $0x1800;
	[smem:$0x7FC] =	sst s25;
	(pc) =	sbr.rel @!p1 .LBB2_1-.Ltmp0, $4  }
0x3d: {  	[smem:$0x7FD] =	sst s26;
	s26 =	simm.s32 $0x1080;
	s24 =	simm.s32 $0x1100  }
0x3e: {  	s25 =	simm.s32 $0x1180;
	s21 =	simm.s32 $0x1200;
	s23 =	simm.s32 $0x1280  }
0x3f: {  	s18 =	simm.s32 $0x1300;
	s20 =	simm.s32 $0x1380;
	s16 =	simm.s32 $0x1400  }
0x40: {  	s17 =	simm.s32 $0x1480;
	s0 =	sadd.s32 $0xFFFFFFFF, s1;
	s1 =	rddreg [dreg:$0x2]  }
0x41: {  	[tilespmem:s2], [sflag:$0x2] =	stream.linear.gather [hbm4b:s1+s2], $0x800, $0x38;
	[tilespmem:$0x1900] =	vst v63  }
0x42: {  	_ =	swait.ge [sflag:s4], $0x800  }
0x43: {  	[sflag:s4] =	ssyncset.done $0x0  }
0x44: {  	s9 =	rddreg [dreg:$0x3];
	[sflag:s4] =	ssyncadd.s32 $0xFFFFF800  }
0x45: {  	[tilespmem:s30], [sflag:$0x2] =	stream.linear.gather [hbm4b:s9+s2], $0x800, $0x38;
	[tilespmem:$0x1900] =	vst v63  }
0x46: {  	_ =	swait.ge [sflag:s4], $0x800  }
0x47: {  	[sflag:s4] =	ssyncset.done $0x0  }
0x48: {  	s9 =	rddreg [dreg:$0x4];
	[sflag:s4] =	ssyncadd.s32 $0xFFFFF800  }
0x49: {  	[tilespmem:s22], [sflag:$0x2] =	stream.linear.gather [hbm4b:s9+s2], $0x800, $0x38;
	[tilespmem:$0x1900] =	vst v63  }
0x4a: {  	_ =	swait.ge [sflag:s4], $0x800  }
0x4b: {  	[sflag:s4] =	ssyncset.done $0x0  }
0x4c: {  	[sflag:s4] =	ssyncadd.s32 $0xFFFFF800  }
0x4d: {  	[tilespmem:s5], [sflag:$0x1] =	stream.indirect.gather [hbm4b:s29+s6], $0x1, s2, s6, $0xb8;
	[tilespmem:$0x1900] =	vst v63  }
0x4e: {  	_ = 	snop  }
0x4f: {  	[tilespmem:s8], [sflag:$0x1] =	stream.indirect.gather [hbm4b:s29+s6], $0x1, s6, s6, $0xb8;
	[tilespmem:$0x1900] =	vst v63  }
0x50: {  	_ =	swait.ge [sflag:s7], $0x80  }
0x51: {  	[sflag:s7] =	ssyncset.done $0x0  }
0x52: {  	[sflag:s7] =	ssyncadd.s32 $0xFFFFFF80  }
0x53: {  	_ =	swait.ge [sflag:s7], $0x80  }
0x54: {  	[sflag:s7] =	ssyncset.done $0x0  }
0x55: {  	[sflag:s7] =	ssyncadd.s32 $0xFFFFFF80  }
0x56: {  	[hbm4b:s31+s2] =	stream.linear.scatter [tilespmem:s5], [sflag:$0x2], $0x100, $0x38;
	[tilespmem:$0x1900] =	vst v63  }
0x57: {  	_ =	swait.ge [sflag:s4], $0x100  }
0x58: {  	[sflag:s4] =	ssyncset.done $0x0  }
0x59: {  	s1 =	rddreg [dreg:$0x1c];
	[sflag:s4] =	ssyncadd.s32 $0xFFFFFF00  }
0x5a: {  	[tilespmem:s5], [sflag:$0x1] =	stream.indirect.gather [hbm4b:s29+s6], $0x1, s1, s6, $0xb8;
	[tilespmem:$0x1900] =	vst v63  }
0x5b: {  	s9 =	smov.u32 s0;
	s0 =	rddreg [dreg:$0x1d]  }
0x5c: {  	[tilespmem:s8], [sflag:$0x1] =	stream.indirect.gather [hbm4b:s29+s6], $0x1, s0, s6, $0xb8;
	[tilespmem:$0x1900] =	vst v63  }
0x5d: {  	_ =	swait.ge [sflag:s7], $0x80  }
0x5e: {  	[sflag:s7] =	ssyncset.done $0x0  }
0x5f: {  	[sflag:s7] =	ssyncadd.s32 $0xFFFFFF80  }
0x60: {  	_ =	swait.ge [sflag:s7], $0x80  }
0x61: {  	[sflag:s7] =	ssyncset.done $0x0  }
0x62: {  	s1 =	rddreg [dreg:$0x5];
	[sflag:s7] =	ssyncadd.s32 $0xFFFFFF80  }
0x63: {  	[hbm4b:s1+s2] =	stream.linear.scatter [tilespmem:s5], [sflag:$0x2], $0x100, $0x38;
	[tilespmem:$0x1900] =	vst v63  }
0x64: {  	_ =	swait.ge [sflag:s4], $0x100  }
0x65: {  	[sflag:s4] =	ssyncset.done $0x0  }
0x66: {  	s0 =	rddreg [dreg:$0x1e];
	[sflag:s4] =	ssyncadd.s32 $0xFFFFFF00  }
0x67: {  	[tilespmem:s5], [sflag:$0x1] =	stream.indirect.gather [hbm4b:s29+s6], $0x1, s0, s6, $0xb8;
	[tilespmem:$0x1900] =	vst v63  }
0x68: {  	s1 =	rddreg [dreg:$0x1f]  }
0x69: {  	[tilespmem:s8], [sflag:$0x1] =	stream.indirect.gather [hbm4b:s29+s6], $0x1, s1, s6, $0xb8;
	[tilespmem:$0x1900] =	vst v63  }
0x6a: {  	_ =	swait.ge [sflag:s7], $0x80  }
0x6b: {  	[sflag:s7] =	ssyncset.done $0x0  }
0x6c: {  	[sflag:s7] =	ssyncadd.s32 $0xFFFFFF80  }
0x6d: {  	_ =	swait.ge [sflag:s7], $0x80  }
0x6e: {  	[sflag:s7] =	ssyncset.done $0x0  }
0x6f: {  	s1 =	rddreg [dreg:$0x6];
	[sflag:s7] =	ssyncadd.s32 $0xFFFFFF80  }
0x70: {  	[hbm4b:s1+s2] =	stream.linear.scatter [tilespmem:s5], [sflag:$0x2], $0x100, $0x38;
	[tilespmem:$0x1900] =	vst v63  }
0x71: {  	_ =	swait.ge [sflag:s4], $0x100  }
0x72: {  	s0 =	sld [smem:$0x7E7]  }
0x73: {  	[sflag:s4] =	ssyncset.done $0x0  }
0x74: {  	s1 =	sld [smem:$0x7E8];
	[sflag:s4] =	ssyncadd.s32 $0xFFFFFF00  }
0x75: {  	[tilespmem:s5], [sflag:$0x1] =	stream.indirect.gather [hbm4b:s29+s6], $0x1, s0, s6, $0xb8;
	[tilespmem:$0x1900] =	vst v63  }
0x76: {  	_ = 	snop  }
0x77: {  	[tilespmem:s8], [sflag:$0x1] =	stream.indirect.gather [hbm4b:s29+s6], $0x1, s1, s6, $0xb8;
	[tilespmem:$0x1900] =	vst v63  }
0x78: {  	_ =	swait.ge [sflag:s7], $0x80  }
0x79: {  	[sflag:s7] =	ssyncset.done $0x0  }
0x7a: {  	[sflag:s7] =	ssyncadd.s32 $0xFFFFFF80  }
0x7b: {  	_ =	swait.ge [sflag:s7], $0x80  }
0x7c: {  	[sflag:s7] =	ssyncset.done $0x0  }
0x7d: {  	s1 =	rddreg [dreg:$0x7];
	[sflag:s7] =	ssyncadd.s32 $0xFFFFFF80  }
0x7e: {  	[hbm4b:s1+s2] =	stream.linear.scatter [tilespmem:s5], [sflag:$0x2], $0x100, $0x38;
	[tilespmem:$0x1900] =	vst v63  }
0x7f: {  	_ =	swait.ge [sflag:s4], $0x100  }
0x80: {  	s0 =	sld [smem:$0x7E9]  }
0x81: {  	[sflag:s4] =	ssyncset.done $0x0  }
0x82: {  	s1 =	sld [smem:$0x7EA];
	[sflag:s4] =	ssyncadd.s32 $0xFFFFFF00  }
0x83: {  	[tilespmem:s5], [sflag:$0x1] =	stream.indirect.gather [hbm4b:s29+s6], $0x1, s0, s6, $0xb8;
	[tilespmem:$0x1900] =	vst v63  }
0x84: {  	_ = 	snop  }
0x85: {  	[tilespmem:s8], [sflag:$0x1] =	stream.indirect.gather [hbm4b:s29+s6], $0x1, s1, s6, $0xb8;
	[tilespmem:$0x1900] =	vst v63  }
0x86: {  	_ =	swait.ge [sflag:s7], $0x80  }
0x87: {  	[sflag:s7] =	ssyncset.done $0x0  }
0x88: {  	[sflag:s7] =	ssyncadd.s32 $0xFFFFFF80  }
0x89: {  	_ =	swait.ge [sflag:s7], $0x80  }
0x8a: {  	[sflag:s7] =	ssyncset.done $0x0  }
0x8b: {  	s1 =	rddreg [dreg:$0x8];
	[sflag:s7] =	ssyncadd.s32 $0xFFFFFF80  }
0x8c: {  	[hbm4b:s1+s2] =	stream.linear.scatter [tilespmem:s5], [sflag:$0x2], $0x100, $0x38;
	[tilespmem:$0x1900] =	vst v63  }
0x8d: {  	_ =	swait.ge [sflag:s4], $0x100  }
0x8e: {  	s0 =	sld [smem:$0x7EB]  }
0x8f: {  	[sflag:s4] =	ssyncset.done $0x0  }
0x90: {  	s1 =	sld [smem:$0x7EC];
	[sflag:s4] =	ssyncadd.s32 $0xFFFFFF00  }
0x91: {  	[tilespmem:s5], [sflag:$0x1] =	stream.indirect.gather [hbm4b:s29+s6], $0x1, s0, s6, $0xb8;
	[tilespmem:$0x1900] =	vst v63  }
0x92: {  	_ = 	snop  }
0x93: {  	[tilespmem:s8], [sflag:$0x1] =	stream.indirect.gather [hbm4b:s29+s6], $0x1, s1, s6, $0xb8;
	[tilespmem:$0x1900] =	vst v63  }
0x94: {  	_ =	swait.ge [sflag:s7], $0x80  }
0x95: {  	[sflag:s7] =	ssyncset.done $0x0  }
0x96: {  	[sflag:s7] =	ssyncadd.s32 $0xFFFFFF80  }
0x97: {  	_ =	swait.ge [sflag:s7], $0x80  }
0x98: {  	[sflag:s7] =	ssyncset.done $0x0  }
0x99: {  	s1 =	rddreg [dreg:$0x9];
	[sflag:s7] =	ssyncadd.s32 $0xFFFFFF80  }
0x9a: {  	[hbm4b:s1+s2] =	stream.linear.scatter [tilespmem:s5], [sflag:$0x2], $0x100, $0x38;
	[tilespmem:$0x1900] =	vst v63  }
0x9b: {  	_ =	swait.ge [sflag:s4], $0x100  }
0x9c: {  	s0 =	sld [smem:$0x7ED]  }
0x9d: {  	[sflag:s4] =	ssyncset.done $0x0  }
0x9e: {  	s1 =	sld [smem:$0x7EE];
	[sflag:s4] =	ssyncadd.s32 $0xFFFFFF00  }
0x9f: {  	[tilespmem:s5], [sflag:$0x1] =	stream.indirect.gather [hbm4b:s29+s6], $0x1, s0, s6, $0xb8;
	[tilespmem:$0x1900] =	vst v63  }
0xa0: {  	_ = 	snop  }
0xa1: {  	[tilespmem:s8], [sflag:$0x1] =	stream.indirect.gather [hbm4b:s29+s6], $0x1, s1, s6, $0xb8;
	[tilespmem:$0x1900] =	vst v63  }
0xa2: {  	_ =	swait.ge [sflag:s7], $0x80  }
0xa3: {  	[sflag:s7] =	ssyncset.done $0x0  }
0xa4: {  	[sflag:s7] =	ssyncadd.s32 $0xFFFFFF80  }
0xa5: {  	_ =	swait.ge [sflag:s7], $0x80  }
0xa6: {  	[sflag:s7] =	ssyncset.done $0x0  }
0xa7: {  	s1 =	rddreg [dreg:$0xa];
	[sflag:s7] =	ssyncadd.s32 $0xFFFFFF80  }
0xa8: {  	[hbm4b:s1+s2] =	stream.linear.scatter [tilespmem:s5], [sflag:$0x2], $0x100, $0x38;
	[tilespmem:$0x1900] =	vst v63  }
0xa9: {  	_ =	swait.ge [sflag:s4], $0x100  }
0xaa: {  	s0 =	sld [smem:$0x7EF]  }
0xab: {  	[sflag:s4] =	ssyncset.done $0x0  }
0xac: {  	s1 =	sld [smem:$0x7F0];
	[sflag:s4] =	ssyncadd.s32 $0xFFFFFF00  }
0xad: {  	[tilespmem:s5], [sflag:$0x1] =	stream.indirect.gather [hbm4b:s29+s6], $0x1, s0, s6, $0xb8;
	[tilespmem:$0x1900] =	vst v63  }
0xae: {  	_ = 	snop  }
0xaf: {  	[tilespmem:s8], [sflag:$0x1] =	stream.indirect.gather [hbm4b:s29+s6], $0x1, s1, s6, $0xb8;
	[tilespmem:$0x1900] =	vst v63  }
0xb0: {  	_ =	swait.ge [sflag:s7], $0x80  }
0xb1: {  	[sflag:s7] =	ssyncset.done $0x0  }
0xb2: {  	[sflag:s7] =	ssyncadd.s32 $0xFFFFFF80  }
0xb3: {  	_ =	swait.ge [sflag:s7], $0x80  }
0xb4: {  	[sflag:s7] =	ssyncset.done $0x0  }
0xb5: {  	s1 =	rddreg [dreg:$0xb];
	[sflag:s7] =	ssyncadd.s32 $0xFFFFFF80  }
0xb6: {  	[hbm4b:s1+s2] =	stream.linear.scatter [tilespmem:s5], [sflag:$0x2], $0x100, $0x38;
	[tilespmem:$0x1900] =	vst v63  }
0xb7: {  	_ =	swait.ge [sflag:s4], $0x100  }
0xb8: {  	[sflag:s4] =	ssyncset.done $0x0  }
0xb9: {  	s1 =	sld [smem:$0x7F1];
	[sflag:s4] =	ssyncadd.s32 $0xFFFFFF00  }
0xba: {  	[tilespmem:s5], [sflag:$0x1] =	stream.indirect.gather [hbm4b:s19+s6], $0x1, s30, s6, $0xb8;
	[tilespmem:$0x1900] =	vst v63  }
0xbb: {  	_ = 	snop  }
0xbc: {  	[tilespmem:s8], [sflag:$0x1] =	stream.indirect.gather [hbm4b:s19+s6], $0x1, s1, s6, $0xb8;
	[tilespmem:$0x1900] =	vst v63  }
0xbd: {  	_ =	swait.ge [sflag:s7], $0x80  }
0xbe: {  	[sflag:s7] =	ssyncset.done $0x0  }
0xbf: {  	[sflag:s7] =	ssyncadd.s32 $0xFFFFFF80  }
0xc0: {  	_ =	swait.ge [sflag:s7], $0x80  }
0xc1: {  	[sflag:s7] =	ssyncset.done $0x0  }
0xc2: {  	s1 =	rddreg [dreg:$0xc];
	[sflag:s7] =	ssyncadd.s32 $0xFFFFFF80  }
0xc3: {  	[hbm4b:s1+s2] =	stream.linear.scatter [tilespmem:s5], [sflag:$0x2], $0x100, $0x38;
	[tilespmem:$0x1900] =	vst v63  }
0xc4: {  	_ =	swait.ge [sflag:s4], $0x100  }
0xc5: {  	s0 =	sld [smem:$0x7F2]  }
0xc6: {  	[sflag:s4] =	ssyncset.done $0x0  }
0xc7: {  	s1 =	sld [smem:$0x7F3];
	[sflag:s4] =	ssyncadd.s32 $0xFFFFFF00  }
0xc8: {  	[tilespmem:s5], [sflag:$0x1] =	stream.indirect.gather [hbm4b:s19+s6], $0x1, s0, s6, $0xb8;
	[tilespmem:$0x1900] =	vst v63  }
0xc9: {  	_ = 	snop  }
0xca: {  	[tilespmem:s8], [sflag:$0x1] =	stream.indirect.gather [hbm4b:s19+s6], $0x1, s1, s6, $0xb8;
	[tilespmem:$0x1900] =	vst v63  }
0xcb: {  	_ =	swait.ge [sflag:s7], $0x80  }
0xcc: {  	[sflag:s7] =	ssyncset.done $0x0  }
0xcd: {  	[sflag:s7] =	ssyncadd.s32 $0xFFFFFF80  }
0xce: {  	_ =	swait.ge [sflag:s7], $0x80  }
0xcf: {  	[sflag:s7] =	ssyncset.done $0x0  }
0xd0: {  	s1 =	rddreg [dreg:$0xd];
	[sflag:s7] =	ssyncadd.s32 $0xFFFFFF80  }
0xd1: {  	[hbm4b:s1+s2] =	stream.linear.scatter [tilespmem:s5], [sflag:$0x2], $0x100, $0x38;
	[tilespmem:$0x1900] =	vst v63  }
0xd2: {  	_ =	swait.ge [sflag:s4], $0x100  }
0xd3: {  	s0 =	sld [smem:$0x7F4]  }
0xd4: {  	[sflag:s4] =	ssyncset.done $0x0  }
0xd5: {  	s1 =	sld [smem:$0x7F5];
	[sflag:s4] =	ssyncadd.s32 $0xFFFFFF00  }
0xd6: {  	[tilespmem:s5], [sflag:$0x1] =	stream.indirect.gather [hbm4b:s19+s6], $0x1, s0, s6, $0xb8;
	[tilespmem:$0x1900] =	vst v63  }
0xd7: {  	_ = 	snop  }
0xd8: {  	[tilespmem:s8], [sflag:$0x1] =	stream.indirect.gather [hbm4b:s19+s6], $0x1, s1, s6, $0xb8;
	[tilespmem:$0x1900] =	vst v63  }
0xd9: {  	_ =	swait.ge [sflag:s7], $0x80  }
0xda: {  	[sflag:s7] =	ssyncset.done $0x0  }
0xdb: {  	[sflag:s7] =	ssyncadd.s32 $0xFFFFFF80  }
0xdc: {  	_ =	swait.ge [sflag:s7], $0x80  }
0xdd: {  	[sflag:s7] =	ssyncset.done $0x0  }
0xde: {  	s1 =	rddreg [dreg:$0xe];
	[sflag:s7] =	ssyncadd.s32 $0xFFFFFF80  }
0xdf: {  	[hbm4b:s1+s2] =	stream.linear.scatter [tilespmem:s5], [sflag:$0x2], $0x100, $0x38;
	[tilespmem:$0x1900] =	vst v63  }
0xe0: {  	_ =	swait.ge [sflag:s4], $0x100  }
0xe1: {  	s0 =	sld [smem:$0x7F6]  }
0xe2: {  	[sflag:s4] =	ssyncset.done $0x0  }
0xe3: {  	s1 =	sld [smem:$0x7F7];
	[sflag:s4] =	ssyncadd.s32 $0xFFFFFF00  }
0xe4: {  	[tilespmem:s5], [sflag:$0x1] =	stream.indirect.gather [hbm4b:s19+s6], $0x1, s0, s6, $0xb8;
	[tilespmem:$0x1900] =	vst v63  }
0xe5: {  	_ = 	snop  }
0xe6: {  	[tilespmem:s8], [sflag:$0x1] =	stream.indirect.gather [hbm4b:s19+s6], $0x1, s1, s6, $0xb8;
	[tilespmem:$0x1900] =	vst v63  }
0xe7: {  	_ =	swait.ge [sflag:s7], $0x80  }
0xe8: {  	[sflag:s7] =	ssyncset.done $0x0  }
0xe9: {  	[sflag:s7] =	ssyncadd.s32 $0xFFFFFF80  }
0xea: {  	_ =	swait.ge [sflag:s7], $0x80  }
0xeb: {  	[sflag:s7] =	ssyncset.done $0x0  }
0xec: {  	s1 =	rddreg [dreg:$0xf];
	[sflag:s7] =	ssyncadd.s32 $0xFFFFFF80  }
0xed: {  	[hbm4b:s1+s2] =	stream.linear.scatter [tilespmem:s5], [sflag:$0x2], $0x100, $0x38;
	[tilespmem:$0x1900] =	vst v63  }
0xee: {  	_ =	swait.ge [sflag:s4], $0x100  }
0xef: {  	s0 =	sld [smem:$0x7F8]  }
0xf0: {  	[sflag:s4] =	ssyncset.done $0x0  }
0xf1: {  	s1 =	sld [smem:$0x7F9];
	[sflag:s4] =	ssyncadd.s32 $0xFFFFFF00  }
0xf2: {  	[tilespmem:s5], [sflag:$0x1] =	stream.indirect.gather [hbm4b:s19+s6], $0x1, s0, s6, $0xb8;
	[tilespmem:$0x1900] =	vst v63  }
0xf3: {  	_ = 	snop  }
0xf4: {  	[tilespmem:s8], [sflag:$0x1] =	stream.indirect.gather [hbm4b:s19+s6], $0x1, s1, s6, $0xb8;
	[tilespmem:$0x1900] =	vst v63  }
0xf5: {  	_ =	swait.ge [sflag:s7], $0x80  }
0xf6: {  	[sflag:s7] =	ssyncset.done $0x0  }
0xf7: {  	[sflag:s7] =	ssyncadd.s32 $0xFFFFFF80  }
0xf8: {  	_ =	swait.ge [sflag:s7], $0x80  }
0xf9: {  	[sflag:s7] =	ssyncset.done $0x0  }
0xfa: {  	s1 =	rddreg [dreg:$0x10];
	[sflag:s7] =	ssyncadd.s32 $0xFFFFFF80  }
0xfb: {  	[hbm4b:s1+s2] =	stream.linear.scatter [tilespmem:s5], [sflag:$0x2], $0x100, $0x38;
	[tilespmem:$0x1900] =	vst v63  }
0xfc: {  	_ =	swait.ge [sflag:s4], $0x100  }
0xfd: {  	s0 =	sld [smem:$0x7FA]  }
0xfe: {  	[sflag:s4] =	ssyncset.done $0x0  }
0xff: {  	s1 =	sld [smem:$0x7FB];
	[sflag:s4] =	ssyncadd.s32 $0xFFFFFF00  }
0x100: {  	[tilespmem:s5], [sflag:$0x1] =	stream.indirect.gather [hbm4b:s19+s6], $0x1, s0, s6, $0xb8;
	[tilespmem:$0x1900] =	vst v63  }
0x101: {  	_ = 	snop  }
0x102: {  	[tilespmem:s8], [sflag:$0x1] =	stream.indirect.gather [hbm4b:s19+s6], $0x1, s1, s6, $0xb8;
	[tilespmem:$0x1900] =	vst v63  }
0x103: {  	_ =	swait.ge [sflag:s7], $0x80  }
0x104: {  	[sflag:s7] =	ssyncset.done $0x0  }
0x105: {  	[sflag:s7] =	ssyncadd.s32 $0xFFFFFF80  }
0x106: {  	_ =	swait.ge [sflag:s7], $0x80  }
0x107: {  	[sflag:s7] =	ssyncset.done $0x0  }
0x108: {  	s1 =	rddreg [dreg:$0x11];
	[sflag:s7] =	ssyncadd.s32 $0xFFFFFF80  }
0x109: {  	[hbm4b:s1+s2] =	stream.linear.scatter [tilespmem:s5], [sflag:$0x2], $0x100, $0x38;
	[tilespmem:$0x1900] =	vst v63  }
0x10a: {  	_ =	swait.ge [sflag:s4], $0x100  }
0x10b: {  	s0 =	sld [smem:$0x7FC]  }
0x10c: {  	[sflag:s4] =	ssyncset.done $0x0  }
0x10d: {  	s1 =	sld [smem:$0x7FD];
	[sflag:s4] =	ssyncadd.s32 $0xFFFFFF00  }
0x10e: {  	[tilespmem:s5], [sflag:$0x1] =	stream.indirect.gather [hbm4b:s19+s6], $0x1, s0, s6, $0xb8;
	[tilespmem:$0x1900] =	vst v63  }
0x10f: {  	_ = 	snop  }
0x110: {  	[tilespmem:s8], [sflag:$0x1] =	stream.indirect.gather [hbm4b:s19+s6], $0x1, s1, s6, $0xb8;
	[tilespmem:$0x1900] =	vst v63  }
0x111: {  	_ =	swait.ge [sflag:s7], $0x80  }
0x112: {  	[sflag:s7] =	ssyncset.done $0x0  }
0x113: {  	[sflag:s7] =	ssyncadd.s32 $0xFFFFFF80  }
0x114: {  	_ =	swait.ge [sflag:s7], $0x80  }
0x115: {  	[sflag:s7] =	ssyncset.done $0x0  }
0x116: {  	s1 =	rddreg [dreg:$0x12];
	[sflag:s7] =	ssyncadd.s32 $0xFFFFFF80  }
0x117: {  	[hbm4b:s1+s2] =	stream.linear.scatter [tilespmem:s5], [sflag:$0x2], $0x100, $0x38;
	[tilespmem:$0x1900] =	vst v63  }
0x118: {  	_ =	swait.ge [sflag:s4], $0x100  }
0x119: {  	[sflag:s4] =	ssyncset.done $0x0  }
0x11a: {  	s1 =	simm.s32 $0xF00;
	[sflag:s4] =	ssyncadd.s32 $0xFFFFFF00  }
0x11b: {  	[tilespmem:s5], [sflag:$0x1] =	stream.indirect.gather [hbm4b:s19+s6], $0x1, s1, s6, $0xb8;
	[tilespmem:$0x1900] =	vst v63  }
0x11c: {  	_ = 	snop  }
0x11d: {  	[tilespmem:s8], [sflag:$0x1] =	stream.indirect.gather [hbm4b:s19+s6], $0x1, s28, s6, $0xb8;
	[tilespmem:$0x1900] =	vst v63  }
0x11e: {  	_ =	swait.ge [sflag:s7], $0x80  }
0x11f: {  	[sflag:s7] =	ssyncset.done $0x0  }
0x120: {  	[sflag:s7] =	ssyncadd.s32 $0xFFFFFF80  }
0x121: {  	_ =	swait.ge [sflag:s7], $0x80  }
0x122: {  	[sflag:s7] =	ssyncset.done $0x0  }
0x123: {  	s1 =	rddreg [dreg:$0x13];
	[sflag:s7] =	ssyncadd.s32 $0xFFFFFF80  }
0x124: {  	[hbm4b:s1+s2] =	stream.linear.scatter [tilespmem:s5], [sflag:$0x2], $0x100, $0x38;
	[tilespmem:$0x1900] =	vst v63  }
0x125: {  	_ =	swait.ge [sflag:s4], $0x100  }
0x126: {  	[sflag:s4] =	ssyncset.done $0x0  }
0x127: {  	[sflag:s4] =	ssyncadd.s32 $0xFFFFFF00  }
0x128: {  	[tilespmem:s5], [sflag:$0x1] =	stream.indirect.gather [hbm4b:s3+s6], $0x1, s22, s6, $0xb8;
	[tilespmem:$0x1900] =	vst v63  }
0x129: {  	_ = 	snop  }
0x12a: {  	[tilespmem:s8], [sflag:$0x1] =	stream.indirect.gather [hbm4b:s3+s6], $0x1, s26, s6, $0xb8;
	[tilespmem:$0x1900] =	vst v63  }
0x12b: {  	_ =	swait.ge [sflag:s7], $0x80  }
0x12c: {  	[sflag:s7] =	ssyncset.done $0x0  }
0x12d: {  	[sflag:s7] =	ssyncadd.s32 $0xFFFFFF80  }
0x12e: {  	_ =	swait.ge [sflag:s7], $0x80  }
0x12f: {  	[sflag:s7] =	ssyncset.done $0x0  }
0x130: {  	s1 =	rddreg [dreg:$0x14];
	[sflag:s7] =	ssyncadd.s32 $0xFFFFFF80  }
0x131: {  	[hbm4b:s1+s2] =	stream.linear.scatter [tilespmem:s5], [sflag:$0x2], $0x100, $0x38;
	[tilespmem:$0x1900] =	vst v63  }
0x132: {  	_ =	swait.ge [sflag:s4], $0x100  }
0x133: {  	[sflag:s4] =	ssyncset.done $0x0  }
0x134: {  	[sflag:s4] =	ssyncadd.s32 $0xFFFFFF00  }
0x135: {  	[tilespmem:s5], [sflag:$0x1] =	stream.indirect.gather [hbm4b:s3+s6], $0x1, s24, s6, $0xb8;
	[tilespmem:$0x1900] =	vst v63  }
0x136: {  	_ = 	snop  }
0x137: {  	[tilespmem:s8], [sflag:$0x1] =	stream.indirect.gather [hbm4b:s3+s6], $0x1, s25, s6, $0xb8;
	[tilespmem:$0x1900] =	vst v63  }
0x138: {  	_ =	swait.ge [sflag:s7], $0x80  }
0x139: {  	[sflag:s7] =	ssyncset.done $0x0  }
0x13a: {  	[sflag:s7] =	ssyncadd.s32 $0xFFFFFF80  }
0x13b: {  	_ =	swait.ge [sflag:s7], $0x80  }
0x13c: {  	[sflag:s7] =	ssyncset.done $0x0  }
0x13d: {  	s1 =	rddreg [dreg:$0x15];
	[sflag:s7] =	ssyncadd.s32 $0xFFFFFF80  }
0x13e: {  	[hbm4b:s1+s2] =	stream.linear.scatter [tilespmem:s5], [sflag:$0x2], $0x100, $0x38;
	[tilespmem:$0x1900] =	vst v63  }
0x13f: {  	_ =	swait.ge [sflag:s4], $0x100  }
0x140: {  	[sflag:s4] =	ssyncset.done $0x0  }
0x141: {  	[sflag:s4] =	ssyncadd.s32 $0xFFFFFF00  }
0x142: {  	[tilespmem:s5], [sflag:$0x1] =	stream.indirect.gather [hbm4b:s3+s6], $0x1, s21, s6, $0xb8;
	[tilespmem:$0x1900] =	vst v63  }
0x143: {  	_ = 	snop  }
0x144: {  	[tilespmem:s8], [sflag:$0x1] =	stream.indirect.gather [hbm4b:s3+s6], $0x1, s23, s6, $0xb8;
	[tilespmem:$0x1900] =	vst v63  }
0x145: {  	_ =	swait.ge [sflag:s7], $0x80  }
0x146: {  	[sflag:s7] =	ssyncset.done $0x0  }
0x147: {  	[sflag:s7] =	ssyncadd.s32 $0xFFFFFF80  }
0x148: {  	_ =	swait.ge [sflag:s7], $0x80  }
0x149: {  	[sflag:s7] =	ssyncset.done $0x0  }
0x14a: {  	s1 =	rddreg [dreg:$0x16];
	[sflag:s7] =	ssyncadd.s32 $0xFFFFFF80  }
0x14b: {  	[hbm4b:s1+s2] =	stream.linear.scatter [tilespmem:s5], [sflag:$0x2], $0x100, $0x38;
	[tilespmem:$0x1900] =	vst v63  }
0x14c: {  	_ =	swait.ge [sflag:s4], $0x100  }
0x14d: {  	[sflag:s4] =	ssyncset.done $0x0  }
0x14e: {  	[sflag:s4] =	ssyncadd.s32 $0xFFFFFF00  }
0x14f: {  	[tilespmem:s5], [sflag:$0x1] =	stream.indirect.gather [hbm4b:s3+s6], $0x1, s18, s6, $0xb8;
	[tilespmem:$0x1900] =	vst v63  }
0x150: {  	_ = 	snop  }
0x151: {  	[tilespmem:s8], [sflag:$0x1] =	stream.indirect.gather [hbm4b:s3+s6], $0x1, s20, s6, $0xb8;
	[tilespmem:$0x1900] =	vst v63  }
0x152: {  	_ =	swait.ge [sflag:s7], $0x80  }
0x153: {  	[sflag:s7] =	ssyncset.done $0x0  }
0x154: {  	[sflag:s7] =	ssyncadd.s32 $0xFFFFFF80  }
0x155: {  	_ =	swait.ge [sflag:s7], $0x80  }
0x156: {  	[sflag:s7] =	ssyncset.done $0x0  }
0x157: {  	s1 =	rddreg [dreg:$0x17];
	[sflag:s7] =	ssyncadd.s32 $0xFFFFFF80  }
0x158: {  	[hbm4b:s1+s2] =	stream.linear.scatter [tilespmem:s5], [sflag:$0x2], $0x100, $0x38;
	[tilespmem:$0x1900] =	vst v63  }
0x159: {  	_ =	swait.ge [sflag:s4], $0x100  }
0x15a: {  	[sflag:s4] =	ssyncset.done $0x0  }
0x15b: {  	[sflag:s4] =	ssyncadd.s32 $0xFFFFFF00  }
0x15c: {  	[tilespmem:s5], [sflag:$0x1] =	stream.indirect.gather [hbm4b:s3+s6], $0x1, s16, s6, $0xb8;
	[tilespmem:$0x1900] =	vst v63  }
0x15d: {  	_ = 	snop  }
0x15e: {  	[tilespmem:s8], [sflag:$0x1] =	stream.indirect.gather [hbm4b:s3+s6], $0x1, s17, s6, $0xb8;
	[tilespmem:$0x1900] =	vst v63  }
0x15f: {  	_ =	swait.ge [sflag:s7], $0x80  }
0x160: {  	[sflag:s7] =	ssyncset.done $0x0  }
0x161: {  	[sflag:s7] =	ssyncadd.s32 $0xFFFFFF80  }
0x162: {  	_ =	swait.ge [sflag:s7], $0x80  }
0x163: {  	[sflag:s7] =	ssyncset.done $0x0  }
0x164: {  	s1 =	rddreg [dreg:$0x18];
	[sflag:s7] =	ssyncadd.s32 $0xFFFFFF80  }
0x165: {  	[hbm4b:s1+s2] =	stream.linear.scatter [tilespmem:s5], [sflag:$0x2], $0x100, $0x38;
	[tilespmem:$0x1900] =	vst v63  }
0x166: {  	_ =	swait.ge [sflag:s4], $0x100  }
0x167: {  	[sflag:s4] =	ssyncset.done $0x0  }
0x168: {  	[sflag:s4] =	ssyncadd.s32 $0xFFFFFF00  }
0x169: {  	[tilespmem:s5], [sflag:$0x1] =	stream.indirect.gather [hbm4b:s3+s6], $0x1, s14, s6, $0xb8;
	[tilespmem:$0x1900] =	vst v63  }
0x16a: {  	_ = 	snop  }
0x16b: {  	[tilespmem:s8], [sflag:$0x1] =	stream.indirect.gather [hbm4b:s3+s6], $0x1, s15, s6, $0xb8;
	[tilespmem:$0x1900] =	vst v63  }
0x16c: {  	_ =	swait.ge [sflag:s7], $0x80  }
0x16d: {  	[sflag:s7] =	ssyncset.done $0x0  }
0x16e: {  	[sflag:s7] =	ssyncadd.s32 $0xFFFFFF80  }
0x16f: {  	_ =	swait.ge [sflag:s7], $0x80  }
0x170: {  	[sflag:s7] =	ssyncset.done $0x0  }
0x171: {  	s1 =	rddreg [dreg:$0x19];
	[sflag:s7] =	ssyncadd.s32 $0xFFFFFF80  }
0x172: {  	[hbm4b:s1+s2] =	stream.linear.scatter [tilespmem:s5], [sflag:$0x2], $0x100, $0x38;
	[tilespmem:$0x1900] =	vst v63  }
0x173: {  	_ =	swait.ge [sflag:s4], $0x100  }
0x174: {  	[sflag:s4] =	ssyncset.done $0x0  }
0x175: {  	[sflag:s4] =	ssyncadd.s32 $0xFFFFFF00  }
0x176: {  	[tilespmem:s5], [sflag:$0x1] =	stream.indirect.gather [hbm4b:s3+s6], $0x1, s12, s6, $0xb8;
	[tilespmem:$0x1900] =	vst v63  }
0x177: {  	_ = 	snop  }
0x178: {  	[tilespmem:s8], [sflag:$0x1] =	stream.indirect.gather [hbm4b:s3+s6], $0x1, s13, s6, $0xb8;
	[tilespmem:$0x1900] =	vst v63  }
0x179: {  	_ =	swait.ge [sflag:s7], $0x80  }
0x17a: {  	[sflag:s7] =	ssyncset.done $0x0  }
0x17b: {  	[sflag:s7] =	ssyncadd.s32 $0xFFFFFF80  }
0x17c: {  	_ =	swait.ge [sflag:s7], $0x80  }
0x17d: {  	[sflag:s7] =	ssyncset.done $0x0  }
0x17e: {  	s1 =	rddreg [dreg:$0x1a];
	[sflag:s7] =	ssyncadd.s32 $0xFFFFFF80  }
0x17f: {  	[hbm4b:s1+s2] =	stream.linear.scatter [tilespmem:s5], [sflag:$0x2], $0x100, $0x38;
	[tilespmem:$0x1900] =	vst v63  }
0x180: {  	_ =	swait.ge [sflag:s4], $0x100  }
0x181: {  	[sflag:s4] =	ssyncset.done $0x0  }
0x182: {  	[sflag:s4] =	ssyncadd.s32 $0xFFFFFF00  }
0x183: {  	[tilespmem:s5], [sflag:$0x1] =	stream.indirect.gather [hbm4b:s3+s6], $0x1, s10, s6, $0xb8;
	[tilespmem:$0x1900] =	vst v63  }
0x184: {  	_ = 	snop  }
0x185: {  	[tilespmem:s8], [sflag:$0x1] =	stream.indirect.gather [hbm4b:s3+s6], $0x1, s11, s6, $0xb8;
	[tilespmem:$0x1900] =	vst v63  }
0x186: {  	_ =	swait.ge [sflag:s7], $0x80  }
0x187: {  	[sflag:s7] =	ssyncset.done $0x0  }
0x188: {  	[sflag:s7] =	ssyncadd.s32 $0xFFFFFF80  }
0x189: {  	p1 =	sne.s32 s9, $0x1;
	_ =	swait.ge [sflag:s7], $0x80  }
.Ltmp1:
0x18a: {  	[sflag:s7] =	ssyncset.done $0x0;
	(pc) =	sbr.rel @!p1 .LBB2_3-.Ltmp1, $4  }
0x18b: {  	s1 =	rddreg [dreg:$0x1b];
	[sflag:s7] =	ssyncadd.s32 $0xFFFFFF80  }
0x18c: {  	[hbm4b:s1+s2] =	stream.linear.scatter [tilespmem:s5], [sflag:$0x2], $0x100, $0x38;
	[tilespmem:$0x1900] =	vst v63  }
0x18d: {  	p0 =	por $0x1, $0x1;
	_ =	swait.ge [sflag:s4], $0x100  }
0x18e: {  	s0 =	sadd.s32 $0xFFFFFFFF, s9;
	s1 =	rddreg [dreg:$0x2];
	[sflag:s4] =	ssyncset.done $0x0  }
.LBB2_4:
0x18f: {  	[sflag:s4] =	ssyncadd.s32 $0xFFFFFF00  }
0x190: {  	[tilespmem:s2], [sflag:$0x2] =	stream.linear.gather [hbm4b:s1+s2], $0x800, $0x38;
	[tilespmem:$0x1900] =	vst v63  }
0x191: {  	_ =	swait.ge [sflag:s4], $0x800  }
0x192: {  	[sflag:s4] =	ssyncset.done $0x0  }
0x193: {  	s9 =	rddreg [dreg:$0x3];
	[sflag:s4] =	ssyncadd.s32 $0xFFFFF800  }
0x194: {  	[tilespmem:s30], [sflag:$0x2] =	stream.linear.gather [hbm4b:s9+s2], $0x800, $0x38;
	[tilespmem:$0x1900] =	vst v63  }
0x195: {  	_ =	swait.ge [sflag:s4], $0x800  }
0x196: {  	[sflag:s4] =	ssyncset.done $0x0  }
0x197: {  	s9 =	rddreg [dreg:$0x4];
	[sflag:s4] =	ssyncadd.s32 $0xFFFFF800  }
0x198: {  	[tilespmem:s22], [sflag:$0x2] =	stream.linear.gather [hbm4b:s9+s2], $0x800, $0x38;
	[tilespmem:$0x1900] =	vst v63  }
0x199: {  	_ =	swait.ge [sflag:s4], $0x800  }
0x19a: {  	[sflag:s4] =	ssyncset.done $0x0  }
0x19b: {  	[sflag:s4] =	ssyncadd.s32 $0xFFFFF800  }
0x19c: {  	[tilespmem:s5], [sflag:$0x1] =	stream.indirect.gather [hbm4b:s29+s6], $0x1, s2, s6, $0xb8;
	[tilespmem:$0x1900] =	vst v63  }
0x19d: {  	_ = 	snop  }
0x19e: {  	[tilespmem:s8], [sflag:$0x1] =	stream.indirect.gather [hbm4b:s29+s6], $0x1, s6, s6, $0xb8;
	[tilespmem:$0x1900] =	vst v63  }
0x19f: {  	_ =	swait.ge [sflag:s7], $0x80  }
0x1a0: {  	[sflag:s7] =	ssyncset.done $0x0  }
0x1a1: {  	[sflag:s7] =	ssyncadd.s32 $0xFFFFFF80  }
0x1a2: {  	_ =	swait.ge [sflag:s7], $0x80  }
0x1a3: {  	[sflag:s7] =	ssyncset.done $0x0  }
0x1a4: {  	[sflag:s7] =	ssyncadd.s32 $0xFFFFFF80  }
0x1a5: {  	[hbm4b:s31+s2] =	stream.linear.scatter [tilespmem:s5], [sflag:$0x2], $0x100, $0x38;
	[tilespmem:$0x1900] =	vst v63  }
0x1a6: {  	_ =	swait.ge [sflag:s4], $0x100  }
0x1a7: {  	[sflag:s4] =	ssyncset.done $0x0  }
0x1a8: {  	s1 =	rddreg [dreg:$0x1c];
	[sflag:s4] =	ssyncadd.s32 $0xFFFFFF00  }
0x1a9: {  	[tilespmem:s5], [sflag:$0x1] =	stream.indirect.gather [hbm4b:s29+s6], $0x1, s1, s6, $0xb8;
	[tilespmem:$0x1900] =	vst v63  }
0x1aa: {  	s9 =	rddreg [dreg:$0x1d]  }
0x1ab: {  	[tilespmem:s8], [sflag:$0x1] =	stream.indirect.gather [hbm4b:s29+s6], $0x1, s9, s6, $0xb8;
	[tilespmem:$0x1900] =	vst v63  }
0x1ac: {  	_ =	swait.ge [sflag:s7], $0x80  }
0x1ad: {  	[sflag:s7] =	ssyncset.done $0x0  }
0x1ae: {  	[sflag:s7] =	ssyncadd.s32 $0xFFFFFF80  }
0x1af: {  	_ =	swait.ge [sflag:s7], $0x80  }
0x1b0: {  	[sflag:s7] =	ssyncset.done $0x0  }
0x1b1: {  	s9 =	rddreg [dreg:$0x5];
	[sflag:s7] =	ssyncadd.s32 $0xFFFFFF80  }
0x1b2: {  	[hbm4b:s9+s2] =	stream.linear.scatter [tilespmem:s5], [sflag:$0x2], $0x100, $0x38;
	[tilespmem:$0x1900] =	vst v63  }
0x1b3: {  	_ =	swait.ge [sflag:s4], $0x100  }
0x1b4: {  	[sflag:s4] =	ssyncset.done $0x0  }
0x1b5: {  	s1 =	rddreg [dreg:$0x1e];
	[sflag:s4] =	ssyncadd.s32 $0xFFFFFF00  }
0x1b6: {  	[tilespmem:s5], [sflag:$0x1] =	stream.indirect.gather [hbm4b:s29+s6], $0x1, s1, s6, $0xb8;
	[tilespmem:$0x1900] =	vst v63  }
0x1b7: {  	s9 =	rddreg [dreg:$0x1f]  }
0x1b8: {  	[tilespmem:s8], [sflag:$0x1] =	stream.indirect.gather [hbm4b:s29+s6], $0x1, s9, s6, $0xb8;
	[tilespmem:$0x1900] =	vst v63  }
0x1b9: {  	_ =	swait.ge [sflag:s7], $0x80  }
0x1ba: {  	[sflag:s7] =	ssyncset.done $0x0  }
0x1bb: {  	[sflag:s7] =	ssyncadd.s32 $0xFFFFFF80  }
0x1bc: {  	_ =	swait.ge [sflag:s7], $0x80  }
0x1bd: {  	[sflag:s7] =	ssyncset.done $0x0  }
0x1be: {  	s9 =	rddreg [dreg:$0x6];
	[sflag:s7] =	ssyncadd.s32 $0xFFFFFF80  }
0x1bf: {  	[hbm4b:s9+s2] =	stream.linear.scatter [tilespmem:s5], [sflag:$0x2], $0x100, $0x38;
	[tilespmem:$0x1900] =	vst v63  }
0x1c0: {  	_ =	swait.ge [sflag:s4], $0x100  }
0x1c1: {  	s1 =	sld [smem:$0x7E7]  }
0x1c2: {  	[sflag:s4] =	ssyncset.done $0x0  }
0x1c3: {  	s9 =	sld [smem:$0x7E8];
	[sflag:s4] =	ssyncadd.s32 $0xFFFFFF00  }
0x1c4: {  	[tilespmem:s5], [sflag:$0x1] =	stream.indirect.gather [hbm4b:s29+s6], $0x1, s1, s6, $0xb8;
	[tilespmem:$0x1900] =	vst v63  }
0x1c5: {  	_ = 	snop  }
0x1c6: {  	[tilespmem:s8], [sflag:$0x1] =	stream.indirect.gather [hbm4b:s29+s6], $0x1, s9, s6, $0xb8;
	[tilespmem:$0x1900] =	vst v63  }
0x1c7: {  	_ =	swait.ge [sflag:s7], $0x80  }
0x1c8: {  	[sflag:s7] =	ssyncset.done $0x0  }
0x1c9: {  	[sflag:s7] =	ssyncadd.s32 $0xFFFFFF80  }
0x1ca: {  	_ =	swait.ge [sflag:s7], $0x80  }
0x1cb: {  	[sflag:s7] =	ssyncset.done $0x0  }
0x1cc: {  	s9 =	rddreg [dreg:$0x7];
	[sflag:s7] =	ssyncadd.s32 $0xFFFFFF80  }
0x1cd: {  	[hbm4b:s9+s2] =	stream.linear.scatter [tilespmem:s5], [sflag:$0x2], $0x100, $0x38;
	[tilespmem:$0x1900] =	vst v63  }
0x1ce: {  	_ =	swait.ge [sflag:s4], $0x100  }
0x1cf: {  	s1 =	sld [smem:$0x7E9]  }
0x1d0: {  	[sflag:s4] =	ssyncset.done $0x0  }
0x1d1: {  	s9 =	sld [smem:$0x7EA];
	[sflag:s4] =	ssyncadd.s32 $0xFFFFFF00  }
0x1d2: {  	[tilespmem:s5], [sflag:$0x1] =	stream.indirect.gather [hbm4b:s29+s6], $0x1, s1, s6, $0xb8;
	[tilespmem:$0x1900] =	vst v63  }
0x1d3: {  	_ = 	snop  }
0x1d4: {  	[tilespmem:s8], [sflag:$0x1] =	stream.indirect.gather [hbm4b:s29+s6], $0x1, s9, s6, $0xb8;
	[tilespmem:$0x1900] =	vst v63  }
0x1d5: {  	_ =	swait.ge [sflag:s7], $0x80  }
0x1d6: {  	[sflag:s7] =	ssyncset.done $0x0  }
0x1d7: {  	[sflag:s7] =	ssyncadd.s32 $0xFFFFFF80  }
0x1d8: {  	_ =	swait.ge [sflag:s7], $0x80  }
0x1d9: {  	[sflag:s7] =	ssyncset.done $0x0  }
0x1da: {  	s9 =	rddreg [dreg:$0x8];
	[sflag:s7] =	ssyncadd.s32 $0xFFFFFF80  }
0x1db: {  	[hbm4b:s9+s2] =	stream.linear.scatter [tilespmem:s5], [sflag:$0x2], $0x100, $0x38;
	[tilespmem:$0x1900] =	vst v63  }
0x1dc: {  	_ =	swait.ge [sflag:s4], $0x100  }
0x1dd: {  	s1 =	sld [smem:$0x7EB]  }
0x1de: {  	[sflag:s4] =	ssyncset.done $0x0  }
0x1df: {  	s9 =	sld [smem:$0x7EC];
	[sflag:s4] =	ssyncadd.s32 $0xFFFFFF00  }
0x1e0: {  	[tilespmem:s5], [sflag:$0x1] =	stream.indirect.gather [hbm4b:s29+s6], $0x1, s1, s6, $0xb8;
	[tilespmem:$0x1900] =	vst v63  }
0x1e1: {  	_ = 	snop  }
0x1e2: {  	[tilespmem:s8], [sflag:$0x1] =	stream.indirect.gather [hbm4b:s29+s6], $0x1, s9, s6, $0xb8;
	[tilespmem:$0x1900] =	vst v63  }
0x1e3: {  	_ =	swait.ge [sflag:s7], $0x80  }
0x1e4: {  	[sflag:s7] =	ssyncset.done $0x0  }
0x1e5: {  	[sflag:s7] =	ssyncadd.s32 $0xFFFFFF80  }
0x1e6: {  	_ =	swait.ge [sflag:s7], $0x80  }
0x1e7: {  	[sflag:s7] =	ssyncset.done $0x0  }
0x1e8: {  	s9 =	rddreg [dreg:$0x9];
	[sflag:s7] =	ssyncadd.s32 $0xFFFFFF80  }
0x1e9: {  	[hbm4b:s9+s2] =	stream.linear.scatter [tilespmem:s5], [sflag:$0x2], $0x100, $0x38;
	[tilespmem:$0x1900] =	vst v63  }
0x1ea: {  	_ =	swait.ge [sflag:s4], $0x100  }
0x1eb: {  	s1 =	sld [smem:$0x7ED]  }
0x1ec: {  	[sflag:s4] =	ssyncset.done $0x0  }
0x1ed: {  	s9 =	sld [smem:$0x7EE];
	[sflag:s4] =	ssyncadd.s32 $0xFFFFFF00  }
0x1ee: {  	[tilespmem:s5], [sflag:$0x1] =	stream.indirect.gather [hbm4b:s29+s6], $0x1, s1, s6, $0xb8;
	[tilespmem:$0x1900] =	vst v63  }
0x1ef: {  	_ = 	snop  }
0x1f0: {  	[tilespmem:s8], [sflag:$0x1] =	stream.indirect.gather [hbm4b:s29+s6], $0x1, s9, s6, $0xb8;
	[tilespmem:$0x1900] =	vst v63  }
0x1f1: {  	_ =	swait.ge [sflag:s7], $0x80  }
0x1f2: {  	[sflag:s7] =	ssyncset.done $0x0  }
0x1f3: {  	[sflag:s7] =	ssyncadd.s32 $0xFFFFFF80  }
0x1f4: {  	_ =	swait.ge [sflag:s7], $0x80  }
0x1f5: {  	[sflag:s7] =	ssyncset.done $0x0  }
0x1f6: {  	s9 =	rddreg [dreg:$0xa];
	[sflag:s7] =	ssyncadd.s32 $0xFFFFFF80  }
0x1f7: {  	[hbm4b:s9+s2] =	stream.linear.scatter [tilespmem:s5], [sflag:$0x2], $0x100, $0x38;
	[tilespmem:$0x1900] =	vst v63  }
0x1f8: {  	_ =	swait.ge [sflag:s4], $0x100  }
0x1f9: {  	s1 =	sld [smem:$0x7EF]  }
0x1fa: {  	[sflag:s4] =	ssyncset.done $0x0  }
0x1fb: {  	s9 =	sld [smem:$0x7F0];
	[sflag:s4] =	ssyncadd.s32 $0xFFFFFF00  }
0x1fc: {  	[tilespmem:s5], [sflag:$0x1] =	stream.indirect.gather [hbm4b:s29+s6], $0x1, s1, s6, $0xb8;
	[tilespmem:$0x1900] =	vst v63  }
0x1fd: {  	_ = 	snop  }
0x1fe: {  	[tilespmem:s8], [sflag:$0x1] =	stream.indirect.gather [hbm4b:s29+s6], $0x1, s9, s6, $0xb8;
	[tilespmem:$0x1900] =	vst v63  }
0x1ff: {  	_ =	swait.ge [sflag:s7], $0x80  }
0x200: {  	[sflag:s7] =	ssyncset.done $0x0  }
0x201: {  	[sflag:s7] =	ssyncadd.s32 $0xFFFFFF80  }
0x202: {  	_ =	swait.ge [sflag:s7], $0x80  }
0x203: {  	[sflag:s7] =	ssyncset.done $0x0  }
0x204: {  	s9 =	rddreg [dreg:$0xb];
	[sflag:s7] =	ssyncadd.s32 $0xFFFFFF80  }
0x205: {  	[hbm4b:s9+s2] =	stream.linear.scatter [tilespmem:s5], [sflag:$0x2], $0x100, $0x38;
	[tilespmem:$0x1900] =	vst v63  }
0x206: {  	_ =	swait.ge [sflag:s4], $0x100  }
0x207: {  	[sflag:s4] =	ssyncset.done $0x0  }
0x208: {  	s9 =	sld [smem:$0x7F1];
	[sflag:s4] =	ssyncadd.s32 $0xFFFFFF00  }
0x209: {  	[tilespmem:s5], [sflag:$0x1] =	stream.indirect.gather [hbm4b:s19+s6], $0x1, s30, s6, $0xb8;
	[tilespmem:$0x1900] =	vst v63  }
0x20a: {  	_ = 	snop  }
0x20b: {  	[tilespmem:s8], [sflag:$0x1] =	stream.indirect.gather [hbm4b:s19+s6], $0x1, s9, s6, $0xb8;
	[tilespmem:$0x1900] =	vst v63  }
0x20c: {  	_ =	swait.ge [sflag:s7], $0x80  }
0x20d: {  	[sflag:s7] =	ssyncset.done $0x0  }
0x20e: {  	[sflag:s7] =	ssyncadd.s32 $0xFFFFFF80  }
0x20f: {  	_ =	swait.ge [sflag:s7], $0x80  }
0x210: {  	[sflag:s7] =	ssyncset.done $0x0  }
0x211: {  	s9 =	rddreg [dreg:$0xc];
	[sflag:s7] =	ssyncadd.s32 $0xFFFFFF80  }
0x212: {  	[hbm4b:s9+s2] =	stream.linear.scatter [tilespmem:s5], [sflag:$0x2], $0x100, $0x38;
	[tilespmem:$0x1900] =	vst v63  }
0x213: {  	_ =	swait.ge [sflag:s4], $0x100  }
0x214: {  	s1 =	sld [smem:$0x7F2]  }
0x215: {  	[sflag:s4] =	ssyncset.done $0x0  }
0x216: {  	s9 =	sld [smem:$0x7F3];
	[sflag:s4] =	ssyncadd.s32 $0xFFFFFF00  }
0x217: {  	[tilespmem:s5], [sflag:$0x1] =	stream.indirect.gather [hbm4b:s19+s6], $0x1, s1, s6, $0xb8;
	[tilespmem:$0x1900] =	vst v63  }
0x218: {  	_ = 	snop  }
0x219: {  	[tilespmem:s8], [sflag:$0x1] =	stream.indirect.gather [hbm4b:s19+s6], $0x1, s9, s6, $0xb8;
	[tilespmem:$0x1900] =	vst v63  }
0x21a: {  	_ =	swait.ge [sflag:s7], $0x80  }
0x21b: {  	[sflag:s7] =	ssyncset.done $0x0  }
0x21c: {  	[sflag:s7] =	ssyncadd.s32 $0xFFFFFF80  }
0x21d: {  	_ =	swait.ge [sflag:s7], $0x80  }
0x21e: {  	[sflag:s7] =	ssyncset.done $0x0  }
0x21f: {  	s9 =	rddreg [dreg:$0xd];
	[sflag:s7] =	ssyncadd.s32 $0xFFFFFF80  }
0x220: {  	[hbm4b:s9+s2] =	stream.linear.scatter [tilespmem:s5], [sflag:$0x2], $0x100, $0x38;
	[tilespmem:$0x1900] =	vst v63  }
0x221: {  	_ =	swait.ge [sflag:s4], $0x100  }
0x222: {  	s1 =	sld [smem:$0x7F4]  }
0x223: {  	[sflag:s4] =	ssyncset.done $0x0  }
0x224: {  	s9 =	sld [smem:$0x7F5];
	[sflag:s4] =	ssyncadd.s32 $0xFFFFFF00  }
0x225: {  	[tilespmem:s5], [sflag:$0x1] =	stream.indirect.gather [hbm4b:s19+s6], $0x1, s1, s6, $0xb8;
	[tilespmem:$0x1900] =	vst v63  }
0x226: {  	_ = 	snop  }
0x227: {  	[tilespmem:s8], [sflag:$0x1] =	stream.indirect.gather [hbm4b:s19+s6], $0x1, s9, s6, $0xb8;
	[tilespmem:$0x1900] =	vst v63  }
0x228: {  	_ =	swait.ge [sflag:s7], $0x80  }
0x229: {  	[sflag:s7] =	ssyncset.done $0x0  }
0x22a: {  	[sflag:s7] =	ssyncadd.s32 $0xFFFFFF80  }
0x22b: {  	_ =	swait.ge [sflag:s7], $0x80  }
0x22c: {  	[sflag:s7] =	ssyncset.done $0x0  }
0x22d: {  	s9 =	rddreg [dreg:$0xe];
	[sflag:s7] =	ssyncadd.s32 $0xFFFFFF80  }
0x22e: {  	[hbm4b:s9+s2] =	stream.linear.scatter [tilespmem:s5], [sflag:$0x2], $0x100, $0x38;
	[tilespmem:$0x1900] =	vst v63  }
0x22f: {  	_ =	swait.ge [sflag:s4], $0x100  }
0x230: {  	s1 =	sld [smem:$0x7F6]  }
0x231: {  	[sflag:s4] =	ssyncset.done $0x0  }
0x232: {  	s9 =	sld [smem:$0x7F7];
	[sflag:s4] =	ssyncadd.s32 $0xFFFFFF00  }
0x233: {  	[tilespmem:s5], [sflag:$0x1] =	stream.indirect.gather [hbm4b:s19+s6], $0x1, s1, s6, $0xb8;
	[tilespmem:$0x1900] =	vst v63  }
0x234: {  	_ = 	snop  }
0x235: {  	[tilespmem:s8], [sflag:$0x1] =	stream.indirect.gather [hbm4b:s19+s6], $0x1, s9, s6, $0xb8;
	[tilespmem:$0x1900] =	vst v63  }
0x236: {  	_ =	swait.ge [sflag:s7], $0x80  }
0x237: {  	[sflag:s7] =	ssyncset.done $0x0  }
0x238: {  	[sflag:s7] =	ssyncadd.s32 $0xFFFFFF80  }
0x239: {  	_ =	swait.ge [sflag:s7], $0x80  }
0x23a: {  	[sflag:s7] =	ssyncset.done $0x0  }
0x23b: {  	s9 =	rddreg [dreg:$0xf];
	[sflag:s7] =	ssyncadd.s32 $0xFFFFFF80  }
0x23c: {  	[hbm4b:s9+s2] =	stream.linear.scatter [tilespmem:s5], [sflag:$0x2], $0x100, $0x38;
	[tilespmem:$0x1900] =	vst v63  }
0x23d: {  	_ =	swait.ge [sflag:s4], $0x100  }
0x23e: {  	s1 =	sld [smem:$0x7F8]  }
0x23f: {  	[sflag:s4] =	ssyncset.done $0x0  }
0x240: {  	s9 =	sld [smem:$0x7F9];
	[sflag:s4] =	ssyncadd.s32 $0xFFFFFF00  }
0x241: {  	[tilespmem:s5], [sflag:$0x1] =	stream.indirect.gather [hbm4b:s19+s6], $0x1, s1, s6, $0xb8;
	[tilespmem:$0x1900] =	vst v63  }
0x242: {  	_ = 	snop  }
0x243: {  	[tilespmem:s8], [sflag:$0x1] =	stream.indirect.gather [hbm4b:s19+s6], $0x1, s9, s6, $0xb8;
	[tilespmem:$0x1900] =	vst v63  }
0x244: {  	_ =	swait.ge [sflag:s7], $0x80  }
0x245: {  	[sflag:s7] =	ssyncset.done $0x0  }
0x246: {  	[sflag:s7] =	ssyncadd.s32 $0xFFFFFF80  }
0x247: {  	_ =	swait.ge [sflag:s7], $0x80  }
0x248: {  	[sflag:s7] =	ssyncset.done $0x0  }
0x249: {  	s9 =	rddreg [dreg:$0x10];
	[sflag:s7] =	ssyncadd.s32 $0xFFFFFF80  }
0x24a: {  	[hbm4b:s9+s2] =	stream.linear.scatter [tilespmem:s5], [sflag:$0x2], $0x100, $0x38;
	[tilespmem:$0x1900] =	vst v63  }
0x24b: {  	_ =	swait.ge [sflag:s4], $0x100  }
0x24c: {  	s1 =	sld [smem:$0x7FA]  }
0x24d: {  	[sflag:s4] =	ssyncset.done $0x0  }
0x24e: {  	s9 =	sld [smem:$0x7FB];
	[sflag:s4] =	ssyncadd.s32 $0xFFFFFF00  }
0x24f: {  	[tilespmem:s5], [sflag:$0x1] =	stream.indirect.gather [hbm4b:s19+s6], $0x1, s1, s6, $0xb8;
	[tilespmem:$0x1900] =	vst v63  }
0x250: {  	_ = 	snop  }
0x251: {  	[tilespmem:s8], [sflag:$0x1] =	stream.indirect.gather [hbm4b:s19+s6], $0x1, s9, s6, $0xb8;
	[tilespmem:$0x1900] =	vst v63  }
0x252: {  	_ =	swait.ge [sflag:s7], $0x80  }
0x253: {  	[sflag:s7] =	ssyncset.done $0x0  }
0x254: {  	[sflag:s7] =	ssyncadd.s32 $0xFFFFFF80  }
0x255: {  	_ =	swait.ge [sflag:s7], $0x80  }
0x256: {  	[sflag:s7] =	ssyncset.done $0x0  }
0x257: {  	s9 =	rddreg [dreg:$0x11];
	[sflag:s7] =	ssyncadd.s32 $0xFFFFFF80  }
0x258: {  	[hbm4b:s9+s2] =	stream.linear.scatter [tilespmem:s5], [sflag:$0x2], $0x100, $0x38;
	[tilespmem:$0x1900] =	vst v63  }
0x259: {  	_ =	swait.ge [sflag:s4], $0x100  }
0x25a: {  	s1 =	sld [smem:$0x7FC]  }
0x25b: {  	[sflag:s4] =	ssyncset.done $0x0  }
0x25c: {  	s9 =	sld [smem:$0x7FD];
	[sflag:s4] =	ssyncadd.s32 $0xFFFFFF00  }
0x25d: {  	[tilespmem:s5], [sflag:$0x1] =	stream.indirect.gather [hbm4b:s19+s6], $0x1, s1, s6, $0xb8;
	[tilespmem:$0x1900] =	vst v63  }
0x25e: {  	_ = 	snop  }
0x25f: {  	[tilespmem:s8], [sflag:$0x1] =	stream.indirect.gather [hbm4b:s19+s6], $0x1, s9, s6, $0xb8;
	[tilespmem:$0x1900] =	vst v63  }
0x260: {  	_ =	swait.ge [sflag:s7], $0x80  }
0x261: {  	[sflag:s7] =	ssyncset.done $0x0  }
0x262: {  	[sflag:s7] =	ssyncadd.s32 $0xFFFFFF80  }
0x263: {  	_ =	swait.ge [sflag:s7], $0x80  }
0x264: {  	[sflag:s7] =	ssyncset.done $0x0  }
0x265: {  	s9 =	rddreg [dreg:$0x12];
	[sflag:s7] =	ssyncadd.s32 $0xFFFFFF80  }
0x266: {  	[hbm4b:s9+s2] =	stream.linear.scatter [tilespmem:s5], [sflag:$0x2], $0x100, $0x38;
	[tilespmem:$0x1900] =	vst v63  }
0x267: {  	_ =	swait.ge [sflag:s4], $0x100  }
0x268: {  	[sflag:s4] =	ssyncset.done $0x0  }
0x269: {  	s9 =	simm.s32 $0xF00;
	[sflag:s4] =	ssyncadd.s32 $0xFFFFFF00  }
0x26a: {  	[tilespmem:s5], [sflag:$0x1] =	stream.indirect.gather [hbm4b:s19+s6], $0x1, s9, s6, $0xb8;
	[tilespmem:$0x1900] =	vst v63  }
0x26b: {  	_ = 	snop  }
0x26c: {  	[tilespmem:s8], [sflag:$0x1] =	stream.indirect.gather [hbm4b:s19+s6], $0x1, s28, s6, $0xb8;
	[tilespmem:$0x1900] =	vst v63  }
0x26d: {  	_ =	swait.ge [sflag:s7], $0x80  }
0x26e: {  	[sflag:s7] =	ssyncset.done $0x0  }
0x26f: {  	[sflag:s7] =	ssyncadd.s32 $0xFFFFFF80  }
0x270: {  	_ =	swait.ge [sflag:s7], $0x80  }
0x271: {  	[sflag:s7] =	ssyncset.done $0x0  }
0x272: {  	s9 =	rddreg [dreg:$0x13];
	[sflag:s7] =	ssyncadd.s32 $0xFFFFFF80  }
0x273: {  	[hbm4b:s9+s2] =	stream.linear.scatter [tilespmem:s5], [sflag:$0x2], $0x100, $0x38;
	[tilespmem:$0x1900] =	vst v63  }
0x274: {  	_ =	swait.ge [sflag:s4], $0x100  }
0x275: {  	[sflag:s4] =	ssyncset.done $0x0  }
0x276: {  	[sflag:s4] =	ssyncadd.s32 $0xFFFFFF00  }
0x277: {  	[tilespmem:s5], [sflag:$0x1] =	stream.indirect.gather [hbm4b:s3+s6], $0x1, s22, s6, $0xb8;
	[tilespmem:$0x1900] =	vst v63  }
0x278: {  	_ = 	snop  }
0x279: {  	[tilespmem:s8], [sflag:$0x1] =	stream.indirect.gather [hbm4b:s3+s6], $0x1, s26, s6, $0xb8;
	[tilespmem:$0x1900] =	vst v63  }
0x27a: {  	_ =	swait.ge [sflag:s7], $0x80  }
0x27b: {  	[sflag:s7] =	ssyncset.done $0x0  }
0x27c: {  	[sflag:s7] =	ssyncadd.s32 $0xFFFFFF80  }
0x27d: {  	_ =	swait.ge [sflag:s7], $0x80  }
0x27e: {  	[sflag:s7] =	ssyncset.done $0x0  }
0x27f: {  	s9 =	rddreg [dreg:$0x14];
	[sflag:s7] =	ssyncadd.s32 $0xFFFFFF80  }
0x280: {  	[hbm4b:s9+s2] =	stream.linear.scatter [tilespmem:s5], [sflag:$0x2], $0x100, $0x38;
	[tilespmem:$0x1900] =	vst v63  }
0x281: {  	_ =	swait.ge [sflag:s4], $0x100  }
0x282: {  	[sflag:s4] =	ssyncset.done $0x0  }
0x283: {  	[sflag:s4] =	ssyncadd.s32 $0xFFFFFF00  }
0x284: {  	[tilespmem:s5], [sflag:$0x1] =	stream.indirect.gather [hbm4b:s3+s6], $0x1, s24, s6, $0xb8;
	[tilespmem:$0x1900] =	vst v63  }
0x285: {  	_ = 	snop  }
0x286: {  	[tilespmem:s8], [sflag:$0x1] =	stream.indirect.gather [hbm4b:s3+s6], $0x1, s25, s6, $0xb8;
	[tilespmem:$0x1900] =	vst v63  }
0x287: {  	_ =	swait.ge [sflag:s7], $0x80  }
0x288: {  	[sflag:s7] =	ssyncset.done $0x0  }
0x289: {  	[sflag:s7] =	ssyncadd.s32 $0xFFFFFF80  }
0x28a: {  	_ =	swait.ge [sflag:s7], $0x80  }
0x28b: {  	[sflag:s7] =	ssyncset.done $0x0  }
0x28c: {  	s9 =	rddreg [dreg:$0x15];
	[sflag:s7] =	ssyncadd.s32 $0xFFFFFF80  }
0x28d: {  	[hbm4b:s9+s2] =	stream.linear.scatter [tilespmem:s5], [sflag:$0x2], $0x100, $0x38;
	[tilespmem:$0x1900] =	vst v63  }
0x28e: {  	_ =	swait.ge [sflag:s4], $0x100  }
0x28f: {  	[sflag:s4] =	ssyncset.done $0x0  }
0x290: {  	[sflag:s4] =	ssyncadd.s32 $0xFFFFFF00  }
0x291: {  	[tilespmem:s5], [sflag:$0x1] =	stream.indirect.gather [hbm4b:s3+s6], $0x1, s21, s6, $0xb8;
	[tilespmem:$0x1900] =	vst v63  }
0x292: {  	_ = 	snop  }
0x293: {  	[tilespmem:s8], [sflag:$0x1] =	stream.indirect.gather [hbm4b:s3+s6], $0x1, s23, s6, $0xb8;
	[tilespmem:$0x1900] =	vst v63  }
0x294: {  	_ =	swait.ge [sflag:s7], $0x80  }
0x295: {  	[sflag:s7] =	ssyncset.done $0x0  }
0x296: {  	[sflag:s7] =	ssyncadd.s32 $0xFFFFFF80  }
0x297: {  	_ =	swait.ge [sflag:s7], $0x80  }
0x298: {  	[sflag:s7] =	ssyncset.done $0x0  }
0x299: {  	s9 =	rddreg [dreg:$0x16];
	[sflag:s7] =	ssyncadd.s32 $0xFFFFFF80  }
0x29a: {  	[hbm4b:s9+s2] =	stream.linear.scatter [tilespmem:s5], [sflag:$0x2], $0x100, $0x38;
	[tilespmem:$0x1900] =	vst v63  }
0x29b: {  	_ =	swait.ge [sflag:s4], $0x100  }
0x29c: {  	[sflag:s4] =	ssyncset.done $0x0  }
0x29d: {  	[sflag:s4] =	ssyncadd.s32 $0xFFFFFF00  }
0x29e: {  	[tilespmem:s5], [sflag:$0x1] =	stream.indirect.gather [hbm4b:s3+s6], $0x1, s18, s6, $0xb8;
	[tilespmem:$0x1900] =	vst v63  }
0x29f: {  	_ = 	snop  }
0x2a0: {  	[tilespmem:s8], [sflag:$0x1] =	stream.indirect.gather [hbm4b:s3+s6], $0x1, s20, s6, $0xb8;
	[tilespmem:$0x1900] =	vst v63  }
0x2a1: {  	_ =	swait.ge [sflag:s7], $0x80  }
0x2a2: {  	[sflag:s7] =	ssyncset.done $0x0  }
0x2a3: {  	[sflag:s7] =	ssyncadd.s32 $0xFFFFFF80  }
0x2a4: {  	_ =	swait.ge [sflag:s7], $0x80  }
0x2a5: {  	[sflag:s7] =	ssyncset.done $0x0  }
0x2a6: {  	s9 =	rddreg [dreg:$0x17];
	[sflag:s7] =	ssyncadd.s32 $0xFFFFFF80  }
0x2a7: {  	[hbm4b:s9+s2] =	stream.linear.scatter [tilespmem:s5], [sflag:$0x2], $0x100, $0x38;
	[tilespmem:$0x1900] =	vst v63  }
0x2a8: {  	_ =	swait.ge [sflag:s4], $0x100  }
0x2a9: {  	[sflag:s4] =	ssyncset.done $0x0  }
0x2aa: {  	[sflag:s4] =	ssyncadd.s32 $0xFFFFFF00  }
0x2ab: {  	[tilespmem:s5], [sflag:$0x1] =	stream.indirect.gather [hbm4b:s3+s6], $0x1, s16, s6, $0xb8;
	[tilespmem:$0x1900] =	vst v63  }
0x2ac: {  	_ = 	snop  }
0x2ad: {  	[tilespmem:s8], [sflag:$0x1] =	stream.indirect.gather [hbm4b:s3+s6], $0x1, s17, s6, $0xb8;
	[tilespmem:$0x1900] =	vst v63  }
0x2ae: {  	_ =	swait.ge [sflag:s7], $0x80  }
0x2af: {  	[sflag:s7] =	ssyncset.done $0x0  }
0x2b0: {  	[sflag:s7] =	ssyncadd.s32 $0xFFFFFF80  }
0x2b1: {  	_ =	swait.ge [sflag:s7], $0x80  }
0x2b2: {  	[sflag:s7] =	ssyncset.done $0x0  }
0x2b3: {  	s9 =	rddreg [dreg:$0x18];
	[sflag:s7] =	ssyncadd.s32 $0xFFFFFF80  }
0x2b4: {  	[hbm4b:s9+s2] =	stream.linear.scatter [tilespmem:s5], [sflag:$0x2], $0x100, $0x38;
	[tilespmem:$0x1900] =	vst v63  }
0x2b5: {  	_ =	swait.ge [sflag:s4], $0x100  }
0x2b6: {  	[sflag:s4] =	ssyncset.done $0x0  }
0x2b7: {  	[sflag:s4] =	ssyncadd.s32 $0xFFFFFF00  }
0x2b8: {  	[tilespmem:s5], [sflag:$0x1] =	stream.indirect.gather [hbm4b:s3+s6], $0x1, s14, s6, $0xb8;
	[tilespmem:$0x1900] =	vst v63  }
0x2b9: {  	_ = 	snop  }
0x2ba: {  	[tilespmem:s8], [sflag:$0x1] =	stream.indirect.gather [hbm4b:s3+s6], $0x1, s15, s6, $0xb8;
	[tilespmem:$0x1900] =	vst v63  }
0x2bb: {  	_ =	swait.ge [sflag:s7], $0x80  }
0x2bc: {  	[sflag:s7] =	ssyncset.done $0x0  }
0x2bd: {  	[sflag:s7] =	ssyncadd.s32 $0xFFFFFF80  }
0x2be: {  	_ =	swait.ge [sflag:s7], $0x80  }
0x2bf: {  	[sflag:s7] =	ssyncset.done $0x0  }
0x2c0: {  	s9 =	rddreg [dreg:$0x19];
	[sflag:s7] =	ssyncadd.s32 $0xFFFFFF80  }
0x2c1: {  	[hbm4b:s9+s2] =	stream.linear.scatter [tilespmem:s5], [sflag:$0x2], $0x100, $0x38;
	[tilespmem:$0x1900] =	vst v63  }
0x2c2: {  	_ =	swait.ge [sflag:s4], $0x100  }
0x2c3: {  	[sflag:s4] =	ssyncset.done $0x0  }
0x2c4: {  	[sflag:s4] =	ssyncadd.s32 $0xFFFFFF00  }
0x2c5: {  	[tilespmem:s5], [sflag:$0x1] =	stream.indirect.gather [hbm4b:s3+s6], $0x1, s12, s6, $0xb8;
	[tilespmem:$0x1900] =	vst v63  }
0x2c6: {  	_ = 	snop  }
0x2c7: {  	[tilespmem:s8], [sflag:$0x1] =	stream.indirect.gather [hbm4b:s3+s6], $0x1, s13, s6, $0xb8;
	[tilespmem:$0x1900] =	vst v63  }
0x2c8: {  	_ =	swait.ge [sflag:s7], $0x80  }
0x2c9: {  	[sflag:s7] =	ssyncset.done $0x0  }
0x2ca: {  	[sflag:s7] =	ssyncadd.s32 $0xFFFFFF80  }
0x2cb: {  	_ =	swait.ge [sflag:s7], $0x80  }
0x2cc: {  	[sflag:s7] =	ssyncset.done $0x0  }
0x2cd: {  	s9 =	rddreg [dreg:$0x1a];
	[sflag:s7] =	ssyncadd.s32 $0xFFFFFF80  }
0x2ce: {  	[hbm4b:s9+s2] =	stream.linear.scatter [tilespmem:s5], [sflag:$0x2], $0x100, $0x38;
	[tilespmem:$0x1900] =	vst v63  }
0x2cf: {  	_ =	swait.ge [sflag:s4], $0x100  }
0x2d0: {  	[sflag:s4] =	ssyncset.done $0x0  }
0x2d1: {  	[sflag:s4] =	ssyncadd.s32 $0xFFFFFF00  }
0x2d2: {  	[tilespmem:s5], [sflag:$0x1] =	stream.indirect.gather [hbm4b:s3+s6], $0x1, s10, s6, $0xb8;
	[tilespmem:$0x1900] =	vst v63  }
0x2d3: {  	_ = 	snop  }
0x2d4: {  	[tilespmem:s8], [sflag:$0x1] =	stream.indirect.gather [hbm4b:s3+s6], $0x1, s11, s6, $0xb8;
	[tilespmem:$0x1900] =	vst v63  }
0x2d5: {  	_ =	swait.ge [sflag:s7], $0x80  }
0x2d6: {  	[sflag:s7] =	ssyncset.done $0x0  }
0x2d7: {  	[sflag:s7] =	ssyncadd.s32 $0xFFFFFF80  }
0x2d8: {  	p1 =	sne.s32 s0, $0x1;
	_ =	swait.ge [sflag:s7], $0x80  }
.Ltmp2:
0x2d9: {  	[sflag:s7] =	ssyncset.done $0x0;
	(pc) =	sbr.rel @p1 .LBB2_4-.Ltmp2, $4  }
0x2da: {  	s9 =	rddreg [dreg:$0x1b];
	[sflag:s7] =	ssyncadd.s32 $0xFFFFFF80  }
0x2db: {  	[hbm4b:s9+s2] =	stream.linear.scatter [tilespmem:s5], [sflag:$0x2], $0x100, $0x38;
	[tilespmem:$0x1900] =	vst v63  }
0x2dc: {  	_ =	swait.ge [sflag:s4], $0x100  }
0x2dd: {  	s0 =	sadd.s32 $0xFFFFFFFF, s0;
	s1 =	rddreg [dreg:$0x2];
	[sflag:s4] =	ssyncset.done $0x0  }
0x2de: {  	s11 =	simm.s32 $0xF80;
	s28 =	simm.s32 $0xF00  }
0x2df: {  	s26 =	simm.s32 $0x1080;
	s25 =	simm.s32 $0x1180;
	s24 =	simm.s32 $0x1100  }
0x2e0: {  	s23 =	simm.s32 $0x1280;
	s21 =	simm.s32 $0x1200;
	s20 =	simm.s32 $0x1380  }
0x2e1: {  	s18 =	simm.s32 $0x1300;
	s17 =	simm.s32 $0x1480;
	s16 =	simm.s32 $0x1400  }
0x2e2: {  	s15 =	simm.s32 $0x1580;
	s14 =	simm.s32 $0x1500;
	s13 =	simm.s32 $0x1680  }
0x2e3: {  	s12 =	simm.s32 $0x1600;
	s10 =	simm.s32 $0x1700;
	s9 =	rddreg [dreg:$0x1]  }
.LBB2_6:
0x2e4: {  	[sflag:s4] =	ssyncadd.s32 @p0 $0xFFFFFF00  }
0x2e5: {  	[tilespmem:s2], [sflag:$0x2] =	stream.linear.gather [hbm4b:s1+s2], $0x800, $0x38;
	[tilespmem:$0x1900] =	vst v63  }
0x2e6: {  	_ =	swait.ge [sflag:s4], $0x800  }
0x2e7: {  	[sflag:s4] =	ssyncset.done $0x0  }
0x2e8: {  	s0 =	rddreg [dreg:$0x3];
	[sflag:s4] =	ssyncadd.s32 $0xFFFFF800  }
0x2e9: {  	[tilespmem:s30], [sflag:$0x2] =	stream.linear.gather [hbm4b:s0+s2], $0x800, $0x38;
	[tilespmem:$0x1900] =	vst v63  }
0x2ea: {  	_ =	swait.ge [sflag:s4], $0x800  }
0x2eb: {  	[sflag:s4] =	ssyncset.done $0x0  }
0x2ec: {  	s1 =	rddreg [dreg:$0x4];
	[sflag:s4] =	ssyncadd.s32 $0xFFFFF800  }
0x2ed: {  	[tilespmem:s22], [sflag:$0x2] =	stream.linear.gather [hbm4b:s1+s2], $0x800, $0x38;
	[tilespmem:$0x1900] =	vst v63  }
0x2ee: {  	_ =	swait.ge [sflag:s4], $0x800  }
0x2ef: {  	[sflag:s4] =	ssyncset.done $0x0  }
0x2f0: {  	[sflag:s4] =	ssyncadd.s32 $0xFFFFF800  }
0x2f1: {  	[tilespmem:s5], [sflag:$0x1] =	stream.indirect.gather [hbm4b:s29+s6], $0x1, s2, s6, $0xb8;
	[tilespmem:$0x1900] =	vst v63  }
0x2f2: {  	_ = 	snop  }
0x2f3: {  	[tilespmem:s8], [sflag:$0x1] =	stream.indirect.gather [hbm4b:s29+s6], $0x1, s6, s6, $0xb8;
	[tilespmem:$0x1900] =	vst v63  }
0x2f4: {  	_ =	swait.ge [sflag:s7], $0x80  }
0x2f5: {  	[sflag:s7] =	ssyncset.done $0x0  }
0x2f6: {  	[sflag:s7] =	ssyncadd.s32 $0xFFFFFF80  }
0x2f7: {  	_ =	swait.ge [sflag:s7], $0x80  }
0x2f8: {  	[sflag:s7] =	ssyncset.done $0x0  }
0x2f9: {  	[sflag:s7] =	ssyncadd.s32 $0xFFFFFF80  }
0x2fa: {  	[hbm4b:s31+s2] =	stream.linear.scatter [tilespmem:s5], [sflag:$0x2], $0x100, $0x38;
	[tilespmem:$0x1900] =	vst v63  }
0x2fb: {  	_ =	swait.ge [sflag:s4], $0x100  }
0x2fc: {  	[sflag:s4] =	ssyncset.done $0x0  }
0x2fd: {  	s1 =	rddreg [dreg:$0x1c];
	[sflag:s4] =	ssyncadd.s32 $0xFFFFFF00  }
0x2fe: {  	[tilespmem:s5], [sflag:$0x1] =	stream.indirect.gather [hbm4b:s29+s6], $0x1, s1, s6, $0xb8;
	[tilespmem:$0x1900] =	vst v63  }
0x2ff: {  	s31 =	rddreg [dreg:$0x1d]  }
0x300: {  	[tilespmem:s8], [sflag:$0x1] =	stream.indirect.gather [hbm4b:s29+s6], $0x1, s31, s6, $0xb8;
	[tilespmem:$0x1900] =	vst v63  }
0x301: {  	_ =	swait.ge [sflag:s7], $0x80  }
0x302: {  	[sflag:s7] =	ssyncset.done $0x0  }
0x303: {  	[sflag:s7] =	ssyncadd.s32 $0xFFFFFF80  }
0x304: {  	_ =	swait.ge [sflag:s7], $0x80  }
0x305: {  	[sflag:s7] =	ssyncset.done $0x0  }
0x306: {  	s31 =	rddreg [dreg:$0x5];
	[sflag:s7] =	ssyncadd.s32 $0xFFFFFF80  }
0x307: {  	[hbm4b:s31+s2] =	stream.linear.scatter [tilespmem:s5], [sflag:$0x2], $0x100, $0x38;
	[tilespmem:$0x1900] =	vst v63  }
0x308: {  	_ =	swait.ge [sflag:s4], $0x100  }
0x309: {  	[sflag:s4] =	ssyncset.done $0x0  }
0x30a: {  	s1 =	rddreg [dreg:$0x1e];
	[sflag:s4] =	ssyncadd.s32 $0xFFFFFF00  }
0x30b: {  	[tilespmem:s5], [sflag:$0x1] =	stream.indirect.gather [hbm4b:s29+s6], $0x1, s1, s6, $0xb8;
	[tilespmem:$0x1900] =	vst v63  }
0x30c: {  	s31 =	rddreg [dreg:$0x1f]  }
0x30d: {  	[tilespmem:s8], [sflag:$0x1] =	stream.indirect.gather [hbm4b:s29+s6], $0x1, s31, s6, $0xb8;
	[tilespmem:$0x1900] =	vst v63  }
0x30e: {  	_ =	swait.ge [sflag:s7], $0x80  }
0x30f: {  	[sflag:s7] =	ssyncset.done $0x0  }
0x310: {  	[sflag:s7] =	ssyncadd.s32 $0xFFFFFF80  }
0x311: {  	_ =	swait.ge [sflag:s7], $0x80  }
0x312: {  	[sflag:s7] =	ssyncset.done $0x0  }
0x313: {  	s31 =	rddreg [dreg:$0x6];
	[sflag:s7] =	ssyncadd.s32 $0xFFFFFF80  }
0x314: {  	[hbm4b:s31+s2] =	stream.linear.scatter [tilespmem:s5], [sflag:$0x2], $0x100, $0x38;
	[tilespmem:$0x1900] =	vst v63  }
0x315: {  	_ =	swait.ge [sflag:s4], $0x100  }
0x316: {  	s1 =	sld [smem:$0x7E7]  }
0x317: {  	[sflag:s4] =	ssyncset.done $0x0  }
0x318: {  	s31 =	sld [smem:$0x7E8];
	[sflag:s4] =	ssyncadd.s32 $0xFFFFFF00  }
0x319: {  	[tilespmem:s5], [sflag:$0x1] =	stream.indirect.gather [hbm4b:s29+s6], $0x1, s1, s6, $0xb8;
	[tilespmem:$0x1900] =	vst v63  }
0x31a: {  	_ = 	snop  }
0x31b: {  	[tilespmem:s8], [sflag:$0x1] =	stream.indirect.gather [hbm4b:s29+s6], $0x1, s31, s6, $0xb8;
	[tilespmem:$0x1900] =	vst v63  }
0x31c: {  	_ =	swait.ge [sflag:s7], $0x80  }
0x31d: {  	[sflag:s7] =	ssyncset.done $0x0  }
0x31e: {  	[sflag:s7] =	ssyncadd.s32 $0xFFFFFF80  }
0x31f: {  	_ =	swait.ge [sflag:s7], $0x80  }
0x320: {  	[sflag:s7] =	ssyncset.done $0x0  }
0x321: {  	s31 =	rddreg [dreg:$0x7];
	[sflag:s7] =	ssyncadd.s32 $0xFFFFFF80  }
0x322: {  	[hbm4b:s31+s2] =	stream.linear.scatter [tilespmem:s5], [sflag:$0x2], $0x100, $0x38;
	[tilespmem:$0x1900] =	vst v63  }
0x323: {  	_ =	swait.ge [sflag:s4], $0x100  }
0x324: {  	s1 =	sld [smem:$0x7E9]  }
0x325: {  	[sflag:s4] =	ssyncset.done $0x0  }
0x326: {  	s31 =	sld [smem:$0x7EA];
	[sflag:s4] =	ssyncadd.s32 $0xFFFFFF00  }
0x327: {  	[tilespmem:s5], [sflag:$0x1] =	stream.indirect.gather [hbm4b:s29+s6], $0x1, s1, s6, $0xb8;
	[tilespmem:$0x1900] =	vst v63  }
0x328: {  	_ = 	snop  }
0x329: {  	[tilespmem:s8], [sflag:$0x1] =	stream.indirect.gather [hbm4b:s29+s6], $0x1, s31, s6, $0xb8;
	[tilespmem:$0x1900] =	vst v63  }
0x32a: {  	_ =	swait.ge [sflag:s7], $0x80  }
0x32b: {  	[sflag:s7] =	ssyncset.done $0x0  }
0x32c: {  	[sflag:s7] =	ssyncadd.s32 $0xFFFFFF80  }
0x32d: {  	_ =	swait.ge [sflag:s7], $0x80  }
0x32e: {  	[sflag:s7] =	ssyncset.done $0x0  }
0x32f: {  	s31 =	rddreg [dreg:$0x8];
	[sflag:s7] =	ssyncadd.s32 $0xFFFFFF80  }
0x330: {  	[hbm4b:s31+s2] =	stream.linear.scatter [tilespmem:s5], [sflag:$0x2], $0x100, $0x38;
	[tilespmem:$0x1900] =	vst v63  }
0x331: {  	_ =	swait.ge [sflag:s4], $0x100  }
0x332: {  	s1 =	sld [smem:$0x7EB]  }
0x333: {  	[sflag:s4] =	ssyncset.done $0x0  }
0x334: {  	s31 =	sld [smem:$0x7EC];
	[sflag:s4] =	ssyncadd.s32 $0xFFFFFF00  }
0x335: {  	[tilespmem:s5], [sflag:$0x1] =	stream.indirect.gather [hbm4b:s29+s6], $0x1, s1, s6, $0xb8;
	[tilespmem:$0x1900] =	vst v63  }
0x336: {  	_ = 	snop  }
0x337: {  	[tilespmem:s8], [sflag:$0x1] =	stream.indirect.gather [hbm4b:s29+s6], $0x1, s31, s6, $0xb8;
	[tilespmem:$0x1900] =	vst v63  }
0x338: {  	_ =	swait.ge [sflag:s7], $0x80  }
0x339: {  	[sflag:s7] =	ssyncset.done $0x0  }
0x33a: {  	[sflag:s7] =	ssyncadd.s32 $0xFFFFFF80  }
0x33b: {  	_ =	swait.ge [sflag:s7], $0x80  }
0x33c: {  	[sflag:s7] =	ssyncset.done $0x0  }
0x33d: {  	s31 =	rddreg [dreg:$0x9];
	[sflag:s7] =	ssyncadd.s32 $0xFFFFFF80  }
0x33e: {  	[hbm4b:s31+s2] =	stream.linear.scatter [tilespmem:s5], [sflag:$0x2], $0x100, $0x38;
	[tilespmem:$0x1900] =	vst v63  }
0x33f: {  	_ =	swait.ge [sflag:s4], $0x100  }
0x340: {  	s1 =	sld [smem:$0x7ED]  }
0x341: {  	[sflag:s4] =	ssyncset.done $0x0  }
0x342: {  	s31 =	sld [smem:$0x7EE];
	[sflag:s4] =	ssyncadd.s32 $0xFFFFFF00  }
0x343: {  	[tilespmem:s5], [sflag:$0x1] =	stream.indirect.gather [hbm4b:s29+s6], $0x1, s1, s6, $0xb8;
	[tilespmem:$0x1900] =	vst v63  }
0x344: {  	_ = 	snop  }
0x345: {  	[tilespmem:s8], [sflag:$0x1] =	stream.indirect.gather [hbm4b:s29+s6], $0x1, s31, s6, $0xb8;
	[tilespmem:$0x1900] =	vst v63  }
0x346: {  	_ =	swait.ge [sflag:s7], $0x80  }
0x347: {  	[sflag:s7] =	ssyncset.done $0x0  }
0x348: {  	[sflag:s7] =	ssyncadd.s32 $0xFFFFFF80  }
0x349: {  	_ =	swait.ge [sflag:s7], $0x80  }
0x34a: {  	[sflag:s7] =	ssyncset.done $0x0  }
0x34b: {  	s31 =	rddreg [dreg:$0xa];
	[sflag:s7] =	ssyncadd.s32 $0xFFFFFF80  }
0x34c: {  	[hbm4b:s31+s2] =	stream.linear.scatter [tilespmem:s5], [sflag:$0x2], $0x100, $0x38;
	[tilespmem:$0x1900] =	vst v63  }
0x34d: {  	_ =	swait.ge [sflag:s4], $0x100  }
0x34e: {  	s1 =	sld [smem:$0x7EF]  }
0x34f: {  	[sflag:s4] =	ssyncset.done $0x0  }
0x350: {  	s31 =	sld [smem:$0x7F0];
	[sflag:s4] =	ssyncadd.s32 $0xFFFFFF00  }
0x351: {  	[tilespmem:s5], [sflag:$0x1] =	stream.indirect.gather [hbm4b:s29+s6], $0x1, s1, s6, $0xb8;
	[tilespmem:$0x1900] =	vst v63  }
0x352: {  	_ = 	snop  }
0x353: {  	[tilespmem:s8], [sflag:$0x1] =	stream.indirect.gather [hbm4b:s29+s6], $0x1, s31, s6, $0xb8;
	[tilespmem:$0x1900] =	vst v63  }
0x354: {  	_ =	swait.ge [sflag:s7], $0x80  }
0x355: {  	[sflag:s7] =	ssyncset.done $0x0  }
0x356: {  	[sflag:s7] =	ssyncadd.s32 $0xFFFFFF80  }
0x357: {  	_ =	swait.ge [sflag:s7], $0x80  }
0x358: {  	[sflag:s7] =	ssyncset.done $0x0  }
0x359: {  	s31 =	rddreg [dreg:$0xb];
	[sflag:s7] =	ssyncadd.s32 $0xFFFFFF80  }
0x35a: {  	[hbm4b:s31+s2] =	stream.linear.scatter [tilespmem:s5], [sflag:$0x2], $0x100, $0x38;
	[tilespmem:$0x1900] =	vst v63  }
0x35b: {  	_ =	swait.ge [sflag:s4], $0x100  }
0x35c: {  	[sflag:s4] =	ssyncset.done $0x0  }
0x35d: {  	s1 =	sld [smem:$0x7F1];
	[sflag:s4] =	ssyncadd.s32 $0xFFFFFF00  }
0x35e: {  	[tilespmem:s5], [sflag:$0x1] =	stream.indirect.gather [hbm4b:s19+s6], $0x1, s30, s6, $0xb8;
	[tilespmem:$0x1900] =	vst v63  }
0x35f: {  	_ = 	snop  }
0x360: {  	[tilespmem:s8], [sflag:$0x1] =	stream.indirect.gather [hbm4b:s19+s6], $0x1, s1, s6, $0xb8;
	[tilespmem:$0x1900] =	vst v63  }
0x361: {  	_ =	swait.ge [sflag:s7], $0x80  }
0x362: {  	[sflag:s7] =	ssyncset.done $0x0  }
0x363: {  	[sflag:s7] =	ssyncadd.s32 $0xFFFFFF80  }
0x364: {  	_ =	swait.ge [sflag:s7], $0x80  }
0x365: {  	[sflag:s7] =	ssyncset.done $0x0  }
0x366: {  	s29 =	rddreg [dreg:$0xc];
	[sflag:s7] =	ssyncadd.s32 $0xFFFFFF80  }
0x367: {  	[hbm4b:s29+s2] =	stream.linear.scatter [tilespmem:s5], [sflag:$0x2], $0x100, $0x38;
	[tilespmem:$0x1900] =	vst v63  }
0x368: {  	_ =	swait.ge [sflag:s4], $0x100  }
0x369: {  	s30 =	sld [smem:$0x7F2]  }
0x36a: {  	[sflag:s4] =	ssyncset.done $0x0  }
0x36b: {  	s31 =	sld [smem:$0x7F3];
	[sflag:s4] =	ssyncadd.s32 $0xFFFFFF00  }
0x36c: {  	[tilespmem:s5], [sflag:$0x1] =	stream.indirect.gather [hbm4b:s19+s6], $0x1, s30, s6, $0xb8;
	[tilespmem:$0x1900] =	vst v63  }
0x36d: {  	_ = 	snop  }
0x36e: {  	[tilespmem:s8], [sflag:$0x1] =	stream.indirect.gather [hbm4b:s19+s6], $0x1, s31, s6, $0xb8;
	[tilespmem:$0x1900] =	vst v63  }
0x36f: {  	_ =	swait.ge [sflag:s7], $0x80  }
0x370: {  	[sflag:s7] =	ssyncset.done $0x0  }
0x371: {  	[sflag:s7] =	ssyncadd.s32 $0xFFFFFF80  }
0x372: {  	_ =	swait.ge [sflag:s7], $0x80  }
0x373: {  	[sflag:s7] =	ssyncset.done $0x0  }
0x374: {  	s29 =	rddreg [dreg:$0xd];
	[sflag:s7] =	ssyncadd.s32 $0xFFFFFF80  }
0x375: {  	[hbm4b:s29+s2] =	stream.linear.scatter [tilespmem:s5], [sflag:$0x2], $0x100, $0x38;
	[tilespmem:$0x1900] =	vst v63  }
0x376: {  	_ =	swait.ge [sflag:s4], $0x100  }
0x377: {  	s30 =	sld [smem:$0x7F4]  }
0x378: {  	[sflag:s4] =	ssyncset.done $0x0  }
0x379: {  	s31 =	sld [smem:$0x7F5];
	[sflag:s4] =	ssyncadd.s32 $0xFFFFFF00  }
0x37a: {  	[tilespmem:s5], [sflag:$0x1] =	stream.indirect.gather [hbm4b:s19+s6], $0x1, s30, s6, $0xb8;
	[tilespmem:$0x1900] =	vst v63  }
0x37b: {  	_ = 	snop  }
0x37c: {  	[tilespmem:s8], [sflag:$0x1] =	stream.indirect.gather [hbm4b:s19+s6], $0x1, s31, s6, $0xb8;
	[tilespmem:$0x1900] =	vst v63  }
0x37d: {  	_ =	swait.ge [sflag:s7], $0x80  }
0x37e: {  	[sflag:s7] =	ssyncset.done $0x0  }
0x37f: {  	[sflag:s7] =	ssyncadd.s32 $0xFFFFFF80  }
0x380: {  	_ =	swait.ge [sflag:s7], $0x80  }
0x381: {  	[sflag:s7] =	ssyncset.done $0x0  }
0x382: {  	s29 =	rddreg [dreg:$0xe];
	[sflag:s7] =	ssyncadd.s32 $0xFFFFFF80  }
0x383: {  	[hbm4b:s29+s2] =	stream.linear.scatter [tilespmem:s5], [sflag:$0x2], $0x100, $0x38;
	[tilespmem:$0x1900] =	vst v63  }
0x384: {  	_ =	swait.ge [sflag:s4], $0x100  }
0x385: {  	s30 =	sld [smem:$0x7F6]  }
0x386: {  	[sflag:s4] =	ssyncset.done $0x0  }
0x387: {  	s31 =	sld [smem:$0x7F7];
	[sflag:s4] =	ssyncadd.s32 $0xFFFFFF00  }
0x388: {  	[tilespmem:s5], [sflag:$0x1] =	stream.indirect.gather [hbm4b:s19+s6], $0x1, s30, s6, $0xb8;
	[tilespmem:$0x1900] =	vst v63  }
0x389: {  	_ = 	snop  }
0x38a: {  	[tilespmem:s8], [sflag:$0x1] =	stream.indirect.gather [hbm4b:s19+s6], $0x1, s31, s6, $0xb8;
	[tilespmem:$0x1900] =	vst v63  }
0x38b: {  	_ =	swait.ge [sflag:s7], $0x80  }
0x38c: {  	[sflag:s7] =	ssyncset.done $0x0  }
0x38d: {  	[sflag:s7] =	ssyncadd.s32 $0xFFFFFF80  }
0x38e: {  	_ =	swait.ge [sflag:s7], $0x80  }
0x38f: {  	[sflag:s7] =	ssyncset.done $0x0  }
0x390: {  	s29 =	rddreg [dreg:$0xf];
	[sflag:s7] =	ssyncadd.s32 $0xFFFFFF80  }
0x391: {  	[hbm4b:s29+s2] =	stream.linear.scatter [tilespmem:s5], [sflag:$0x2], $0x100, $0x38;
	[tilespmem:$0x1900] =	vst v63  }
0x392: {  	_ =	swait.ge [sflag:s4], $0x100  }
0x393: {  	s30 =	sld [smem:$0x7F8]  }
0x394: {  	[sflag:s4] =	ssyncset.done $0x0  }
0x395: {  	s31 =	sld [smem:$0x7F9];
	[sflag:s4] =	ssyncadd.s32 $0xFFFFFF00  }
0x396: {  	[tilespmem:s5], [sflag:$0x1] =	stream.indirect.gather [hbm4b:s19+s6], $0x1, s30, s6, $0xb8;
	[tilespmem:$0x1900] =	vst v63  }
0x397: {  	_ = 	snop  }
0x398: {  	[tilespmem:s8], [sflag:$0x1] =	stream.indirect.gather [hbm4b:s19+s6], $0x1, s31, s6, $0xb8;
	[tilespmem:$0x1900] =	vst v63  }
0x399: {  	_ =	swait.ge [sflag:s7], $0x80  }
0x39a: {  	[sflag:s7] =	ssyncset.done $0x0  }
0x39b: {  	[sflag:s7] =	ssyncadd.s32 $0xFFFFFF80  }
0x39c: {  	_ =	swait.ge [sflag:s7], $0x80  }
0x39d: {  	[sflag:s7] =	ssyncset.done $0x0  }
0x39e: {  	s29 =	rddreg [dreg:$0x10];
	[sflag:s7] =	ssyncadd.s32 $0xFFFFFF80  }
0x39f: {  	[hbm4b:s29+s2] =	stream.linear.scatter [tilespmem:s5], [sflag:$0x2], $0x100, $0x38;
	[tilespmem:$0x1900] =	vst v63  }
0x3a0: {  	_ =	swait.ge [sflag:s4], $0x100  }
0x3a1: {  	s30 =	sld [smem:$0x7FA]  }
0x3a2: {  	[sflag:s4] =	ssyncset.done $0x0  }
0x3a3: {  	s31 =	sld [smem:$0x7FB];
	[sflag:s4] =	ssyncadd.s32 $0xFFFFFF00  }
0x3a4: {  	[tilespmem:s5], [sflag:$0x1] =	stream.indirect.gather [hbm4b:s19+s6], $0x1, s30, s6, $0xb8;
	[tilespmem:$0x1900] =	vst v63  }
0x3a5: {  	_ = 	snop  }
0x3a6: {  	[tilespmem:s8], [sflag:$0x1] =	stream.indirect.gather [hbm4b:s19+s6], $0x1, s31, s6, $0xb8;
	[tilespmem:$0x1900] =	vst v63  }
0x3a7: {  	_ =	swait.ge [sflag:s7], $0x80  }
0x3a8: {  	[sflag:s7] =	ssyncset.done $0x0  }
0x3a9: {  	[sflag:s7] =	ssyncadd.s32 $0xFFFFFF80  }
0x3aa: {  	_ =	swait.ge [sflag:s7], $0x80  }
0x3ab: {  	[sflag:s7] =	ssyncset.done $0x0  }
0x3ac: {  	s29 =	rddreg [dreg:$0x11];
	[sflag:s7] =	ssyncadd.s32 $0xFFFFFF80  }
0x3ad: {  	[hbm4b:s29+s2] =	stream.linear.scatter [tilespmem:s5], [sflag:$0x2], $0x100, $0x38;
	[tilespmem:$0x1900] =	vst v63  }
0x3ae: {  	_ =	swait.ge [sflag:s4], $0x100  }
0x3af: {  	s30 =	sld [smem:$0x7FC]  }
0x3b0: {  	[sflag:s4] =	ssyncset.done $0x0  }
0x3b1: {  	s31 =	sld [smem:$0x7FD];
	[sflag:s4] =	ssyncadd.s32 $0xFFFFFF00  }
0x3b2: {  	[tilespmem:s5], [sflag:$0x1] =	stream.indirect.gather [hbm4b:s19+s6], $0x1, s30, s6, $0xb8;
	[tilespmem:$0x1900] =	vst v63  }
0x3b3: {  	_ = 	snop  }
0x3b4: {  	[tilespmem:s8], [sflag:$0x1] =	stream.indirect.gather [hbm4b:s19+s6], $0x1, s31, s6, $0xb8;
	[tilespmem:$0x1900] =	vst v63  }
0x3b5: {  	_ =	swait.ge [sflag:s7], $0x80  }
0x3b6: {  	[sflag:s7] =	ssyncset.done $0x0  }
0x3b7: {  	[sflag:s7] =	ssyncadd.s32 $0xFFFFFF80  }
0x3b8: {  	_ =	swait.ge [sflag:s7], $0x80  }
0x3b9: {  	[sflag:s7] =	ssyncset.done $0x0  }
0x3ba: {  	s1 =	rddreg [dreg:$0x12];
	[sflag:s7] =	ssyncadd.s32 $0xFFFFFF80  }
0x3bb: {  	[hbm4b:s1+s2] =	stream.linear.scatter [tilespmem:s5], [sflag:$0x2], $0x100, $0x38;
	[tilespmem:$0x1900] =	vst v63  }
0x3bc: {  	_ =	swait.ge [sflag:s4], $0x100  }
0x3bd: {  	[sflag:s4] =	ssyncset.done $0x0  }
0x3be: {  	[sflag:s4] =	ssyncadd.s32 $0xFFFFFF00  }
0x3bf: {  	[tilespmem:s5], [sflag:$0x1] =	stream.indirect.gather [hbm4b:s19+s6], $0x1, s28, s6, $0xb8;
	[tilespmem:$0x1900] =	vst v63  }
0x3c0: {  	_ = 	snop  }
0x3c1: {  	[tilespmem:s8], [sflag:$0x1] =	stream.indirect.gather [hbm4b:s19+s6], $0x1, s11, s6, $0xb8;
	[tilespmem:$0x1900] =	vst v63  }
0x3c2: {  	_ =	swait.ge [sflag:s7], $0x80  }
0x3c3: {  	[sflag:s7] =	ssyncset.done $0x0  }
0x3c4: {  	[sflag:s7] =	ssyncadd.s32 $0xFFFFFF80  }
0x3c5: {  	_ =	swait.ge [sflag:s7], $0x80  }
0x3c6: {  	[sflag:s7] =	ssyncset.done $0x0  }
0x3c7: {  	s11 =	rddreg [dreg:$0x13];
	[sflag:s7] =	ssyncadd.s32 $0xFFFFFF80  }
0x3c8: {  	[hbm4b:s11+s2] =	stream.linear.scatter [tilespmem:s5], [sflag:$0x2], $0x100, $0x38;
	[tilespmem:$0x1900] =	vst v63  }
0x3c9: {  	_ =	swait.ge [sflag:s4], $0x100  }
0x3ca: {  	[sflag:s4] =	ssyncset.done $0x0  }
0x3cb: {  	[sflag:s4] =	ssyncadd.s32 $0xFFFFFF00  }
0x3cc: {  	[tilespmem:s5], [sflag:$0x1] =	stream.indirect.gather [hbm4b:s3+s6], $0x1, s22, s6, $0xb8;
	[tilespmem:$0x1900] =	vst v63  }
0x3cd: {  	_ = 	snop  }
0x3ce: {  	[tilespmem:s8], [sflag:$0x1] =	stream.indirect.gather [hbm4b:s3+s6], $0x1, s26, s6, $0xb8;
	[tilespmem:$0x1900] =	vst v63  }
0x3cf: {  	_ =	swait.ge [sflag:s7], $0x80  }
0x3d0: {  	[sflag:s7] =	ssyncset.done $0x0  }
0x3d1: {  	[sflag:s7] =	ssyncadd.s32 $0xFFFFFF80  }
0x3d2: {  	_ =	swait.ge [sflag:s7], $0x80  }
0x3d3: {  	[sflag:s7] =	ssyncset.done $0x0  }
0x3d4: {  	s19 =	rddreg [dreg:$0x14];
	[sflag:s7] =	ssyncadd.s32 $0xFFFFFF80  }
0x3d5: {  	[hbm4b:s19+s2] =	stream.linear.scatter [tilespmem:s5], [sflag:$0x2], $0x100, $0x38;
	[tilespmem:$0x1900] =	vst v63  }
0x3d6: {  	_ =	swait.ge [sflag:s4], $0x100  }
0x3d7: {  	[sflag:s4] =	ssyncset.done $0x0  }
0x3d8: {  	[sflag:s4] =	ssyncadd.s32 $0xFFFFFF00  }
0x3d9: {  	[tilespmem:s5], [sflag:$0x1] =	stream.indirect.gather [hbm4b:s3+s6], $0x1, s24, s6, $0xb8;
	[tilespmem:$0x1900] =	vst v63  }
0x3da: {  	_ = 	snop  }
0x3db: {  	[tilespmem:s8], [sflag:$0x1] =	stream.indirect.gather [hbm4b:s3+s6], $0x1, s25, s6, $0xb8;
	[tilespmem:$0x1900] =	vst v63  }
0x3dc: {  	_ =	swait.ge [sflag:s7], $0x80  }
0x3dd: {  	[sflag:s7] =	ssyncset.done $0x0  }
0x3de: {  	[sflag:s7] =	ssyncadd.s32 $0xFFFFFF80  }
0x3df: {  	_ =	swait.ge [sflag:s7], $0x80  }
0x3e0: {  	[sflag:s7] =	ssyncset.done $0x0  }
0x3e1: {  	s22 =	rddreg [dreg:$0x15];
	[sflag:s7] =	ssyncadd.s32 $0xFFFFFF80  }
0x3e2: {  	[hbm4b:s22+s2] =	stream.linear.scatter [tilespmem:s5], [sflag:$0x2], $0x100, $0x38;
	[tilespmem:$0x1900] =	vst v63  }
0x3e3: {  	_ =	swait.ge [sflag:s4], $0x100  }
0x3e4: {  	[sflag:s4] =	ssyncset.done $0x0  }
0x3e5: {  	[sflag:s4] =	ssyncadd.s32 $0xFFFFFF00  }
0x3e6: {  	[tilespmem:s5], [sflag:$0x1] =	stream.indirect.gather [hbm4b:s3+s6], $0x1, s21, s6, $0xb8;
	[tilespmem:$0x1900] =	vst v63  }
0x3e7: {  	_ = 	snop  }
0x3e8: {  	[tilespmem:s8], [sflag:$0x1] =	stream.indirect.gather [hbm4b:s3+s6], $0x1, s23, s6, $0xb8;
	[tilespmem:$0x1900] =	vst v63  }
0x3e9: {  	_ =	swait.ge [sflag:s7], $0x80  }
0x3ea: {  	[sflag:s7] =	ssyncset.done $0x0  }
0x3eb: {  	[sflag:s7] =	ssyncadd.s32 $0xFFFFFF80  }
0x3ec: {  	_ =	swait.ge [sflag:s7], $0x80  }
0x3ed: {  	[sflag:s7] =	ssyncset.done $0x0  }
0x3ee: {  	s23 =	rddreg [dreg:$0x16];
	[sflag:s7] =	ssyncadd.s32 $0xFFFFFF80  }
0x3ef: {  	[hbm4b:s23+s2] =	stream.linear.scatter [tilespmem:s5], [sflag:$0x2], $0x100, $0x38;
	[tilespmem:$0x1900] =	vst v63  }
0x3f0: {  	_ =	swait.ge [sflag:s4], $0x100  }
0x3f1: {  	[sflag:s4] =	ssyncset.done $0x0  }
0x3f2: {  	[sflag:s4] =	ssyncadd.s32 $0xFFFFFF00  }
0x3f3: {  	[tilespmem:s5], [sflag:$0x1] =	stream.indirect.gather [hbm4b:s3+s6], $0x1, s18, s6, $0xb8;
	[tilespmem:$0x1900] =	vst v63  }
0x3f4: {  	_ = 	snop  }
0x3f5: {  	[tilespmem:s8], [sflag:$0x1] =	stream.indirect.gather [hbm4b:s3+s6], $0x1, s20, s6, $0xb8;
	[tilespmem:$0x1900] =	vst v63  }
0x3f6: {  	_ =	swait.ge [sflag:s7], $0x80  }
0x3f7: {  	[sflag:s7] =	ssyncset.done $0x0  }
0x3f8: {  	[sflag:s7] =	ssyncadd.s32 $0xFFFFFF80  }
0x3f9: {  	_ =	swait.ge [sflag:s7], $0x80  }
0x3fa: {  	[sflag:s7] =	ssyncset.done $0x0  }
0x3fb: {  	s24 =	rddreg [dreg:$0x17];
	[sflag:s7] =	ssyncadd.s32 $0xFFFFFF80  }
0x3fc: {  	[hbm4b:s24+s2] =	stream.linear.scatter [tilespmem:s5], [sflag:$0x2], $0x100, $0x38;
	[tilespmem:$0x1900] =	vst v63  }
0x3fd: {  	_ =	swait.ge [sflag:s4], $0x100  }
0x3fe: {  	[sflag:s4] =	ssyncset.done $0x0  }
0x3ff: {  	[sflag:s4] =	ssyncadd.s32 $0xFFFFFF00  }
0x400: {  	[tilespmem:s5], [sflag:$0x1] =	stream.indirect.gather [hbm4b:s3+s6], $0x1, s16, s6, $0xb8;
	[tilespmem:$0x1900] =	vst v63  }
0x401: {  	_ = 	snop  }
0x402: {  	[tilespmem:s8], [sflag:$0x1] =	stream.indirect.gather [hbm4b:s3+s6], $0x1, s17, s6, $0xb8;
	[tilespmem:$0x1900] =	vst v63  }
0x403: {  	_ =	swait.ge [sflag:s7], $0x80  }
0x404: {  	[sflag:s7] =	ssyncset.done $0x0  }
0x405: {  	[sflag:s7] =	ssyncadd.s32 $0xFFFFFF80  }
0x406: {  	_ =	swait.ge [sflag:s7], $0x80  }
0x407: {  	[sflag:s7] =	ssyncset.done $0x0  }
0x408: {  	s25 =	rddreg [dreg:$0x18];
	[sflag:s7] =	ssyncadd.s32 $0xFFFFFF80  }
0x409: {  	[hbm4b:s25+s2] =	stream.linear.scatter [tilespmem:s5], [sflag:$0x2], $0x100, $0x38;
	[tilespmem:$0x1900] =	vst v63  }
0x40a: {  	_ =	swait.ge [sflag:s4], $0x100  }
0x40b: {  	[sflag:s4] =	ssyncset.done $0x0  }
0x40c: {  	[sflag:s4] =	ssyncadd.s32 $0xFFFFFF00  }
0x40d: {  	[tilespmem:s5], [sflag:$0x1] =	stream.indirect.gather [hbm4b:s3+s6], $0x1, s14, s6, $0xb8;
	[tilespmem:$0x1900] =	vst v63  }
0x40e: {  	_ = 	snop  }
0x40f: {  	[tilespmem:s8], [sflag:$0x1] =	stream.indirect.gather [hbm4b:s3+s6], $0x1, s15, s6, $0xb8;
	[tilespmem:$0x1900] =	vst v63  }
0x410: {  	_ =	swait.ge [sflag:s7], $0x80  }
0x411: {  	[sflag:s7] =	ssyncset.done $0x0  }
0x412: {  	[sflag:s7] =	ssyncadd.s32 $0xFFFFFF80  }
0x413: {  	_ =	swait.ge [sflag:s7], $0x80  }
0x414: {  	[sflag:s7] =	ssyncset.done $0x0  }
0x415: {  	s26 =	rddreg [dreg:$0x19];
	[sflag:s7] =	ssyncadd.s32 $0xFFFFFF80  }
0x416: {  	[hbm4b:s26+s2] =	stream.linear.scatter [tilespmem:s5], [sflag:$0x2], $0x100, $0x38;
	[tilespmem:$0x1900] =	vst v63  }
0x417: {  	_ =	swait.ge [sflag:s4], $0x100  }
0x418: {  	[sflag:s4] =	ssyncset.done $0x0  }
0x419: {  	[sflag:s4] =	ssyncadd.s32 $0xFFFFFF00  }
0x41a: {  	[tilespmem:s5], [sflag:$0x1] =	stream.indirect.gather [hbm4b:s3+s6], $0x1, s12, s6, $0xb8;
	[tilespmem:$0x1900] =	vst v63  }
0x41b: {  	_ = 	snop  }
0x41c: {  	[tilespmem:s8], [sflag:$0x1] =	stream.indirect.gather [hbm4b:s3+s6], $0x1, s13, s6, $0xb8;
	[tilespmem:$0x1900] =	vst v63  }
0x41d: {  	_ =	swait.ge [sflag:s7], $0x80  }
0x41e: {  	[sflag:s7] =	ssyncset.done $0x0  }
0x41f: {  	[sflag:s7] =	ssyncadd.s32 $0xFFFFFF80  }
0x420: {  	_ =	swait.ge [sflag:s7], $0x80  }
0x421: {  	[sflag:s7] =	ssyncset.done $0x0  }
0x422: {  	s28 =	rddreg [dreg:$0x1a];
	[sflag:s7] =	ssyncadd.s32 $0xFFFFFF80  }
0x423: {  	[hbm4b:s28+s2] =	stream.linear.scatter [tilespmem:s5], [sflag:$0x2], $0x100, $0x38;
	[tilespmem:$0x1900] =	vst v63  }
0x424: {  	_ =	swait.ge [sflag:s4], $0x100  }
0x425: {  	[sflag:s4] =	ssyncset.done $0x0  }
0x426: {  	[sflag:s4] =	ssyncadd.s32 $0xFFFFFF00  }
0x427: {  	[tilespmem:s5], [sflag:$0x1] =	stream.indirect.gather [hbm4b:s3+s6], $0x1, s10, s6, $0xb8;
	[tilespmem:$0x1900] =	vst v63  }
0x428: {  	s29 =	simm.s32 $0x1780  }
0x429: {  	[tilespmem:s8], [sflag:$0x1] =	stream.indirect.gather [hbm4b:s3+s6], $0x1, s29, s6, $0xb8;
	[tilespmem:$0x1900] =	vst v63  }
0x42a: {  	_ =	swait.ge [sflag:s7], $0x80  }
0x42b: {  	[sflag:s7] =	ssyncset.done $0x0  }
0x42c: {  	[sflag:s7] =	ssyncadd.s32 $0xFFFFFF80  }
0x42d: {  	_ =	swait.ge [sflag:s7], $0x80  }
0x42e: {  	[sflag:s7] =	ssyncset.done $0x0  }
0x42f: {  	s30 =	rddreg [dreg:$0x1b];
	[sflag:s7] =	ssyncadd.s32 $0xFFFFFF80  }
0x430: {  	[hbm4b:s30+s2] =	stream.linear.scatter [tilespmem:s5], [sflag:$0x2], $0x100, $0x38;
	[tilespmem:$0x1900] =	vst v63  }
0x431: {  	_ =	swait.ge [sflag:s4], $0x100  }
0x432: {  	[sflag:s4] =	ssyncset.done $0x0  }
0x433: {  	[sflag:s4] =	ssyncadd.s32 $0xFFFFFF00  }
0x434: {  	_ =	sfence.sel $0x180000  }
0x435: {  	s31 =	stileid.u32;
	[bflag:$0x0] =	sbarrier.arrive $0xFFFF  }
0x436: {  	p0 =	sne.s32 s31, $0x0;
	_ =	strace $0x90000047  }
0x437: {  	s0 =	sadd.s32 @!p0 $0x100000, s9;
	[bflag:$0x2] =	sbarrier.arrive $0xFFFF  }
0x438: {  	[sflag:s0] =	ssyncadd.tile.s32 @!p0 $0x1;
	_ =	shalt  }
.LBB2_1:
0x439: {  	s11 =	simm.s32 $0xF80;
	s28 =	simm.s32 $0xF00  }
.Ltmp3:
0x43a: {  	s26 =	simm.s32 $0x1080;
	s25 =	simm.s32 $0x1180;
	(pc) =	sbr.rel .LBB2_6-.Ltmp3, $4  }
0x43b: {  	s24 =	simm.s32 $0x1100;
	s23 =	simm.s32 $0x1280;
	s21 =	simm.s32 $0x1200  }
0x43c: {  	s20 =	simm.s32 $0x1380;
	s18 =	simm.s32 $0x1300;
	s17 =	simm.s32 $0x1480  }
0x43d: {  	s16 =	simm.s32 $0x1400;
	s15 =	simm.s32 $0x1580;
	s14 =	simm.s32 $0x1500  }
0x43e: {  	s13 =	simm.s32 $0x1680;
	s12 =	simm.s32 $0x1600;
	s10 =	simm.s32 $0x1700  }
.LBB2_3:
0x43f: {  	s11 =	simm.s32 $0xF80;
	s28 =	simm.s32 $0xF00;
	s26 =	simm.s32 $0x1080  }
.Ltmp4:
0x440: {  	s25 =	simm.s32 $0x1180;
	s24 =	simm.s32 $0x1100;
	(pc) =	sbr.rel .LBB2_6-.Ltmp4, $4  }
0x441: {  	s23 =	simm.s32 $0x1280;
	s21 =	simm.s32 $0x1200;
	s20 =	simm.s32 $0x1380  }
0x442: {  	s18 =	simm.s32 $0x1300;
	s17 =	simm.s32 $0x1480;
	s16 =	simm.s32 $0x1400  }
0x443: {  	s15 =	simm.s32 $0x1580;
	s14 =	simm.s32 $0x1500;
	s13 =	simm.s32 $0x1680  }
0x444: {  	s12 =	simm.s32 $0x1600;
	s10 =	simm.s32 $0x1700;
	s9 =	rddreg [dreg:$0x1]  }
.Lfunc_end2:
_tile_overlayer_lowered:
.L_overlay_start_2:
0x445: {  	(tag) =	ssettag $0x2  }
0x446: {  	s0 =	rddreg [dreg:$0x0];
	s2 =	stileid.u32  }
0x447: {  	s1 =	rddreg [dreg:$0x1];
	p0 =	sne.s32 s2, $0x0  }
0x448: {  	s3 =	rddreg [dreg:$0x2];
	[bflag:$0x3] =	sbarrier.arrive $0xFFFF;
	s2 =	simm.s32 @!p0 $0x1C02  }
0x449: {  	[timem:s3], [sflag:s2] =	dma.local @!p0 [hbm:s0], s1  }
0x44a: {  	s0 =	simm.s32 @!p0 $0x2  }
0x44b: {  	_ =	swait.ge @!p0 [sflag:s0], s1  }
0x44c: {  	s1 =	ssub.s32 @!p0 $0x0, s1;
	[sflag:s0] =	ssyncset.done @!p0 $0x0  }
0x44d: {  	[sflag:s0] =	ssyncadd.s32 @!p0 s1  }
0x44e: {  	[bflag:$0x3] =	sbarrier.arrive $0xFFFF  }
0x44f: {  	_ =	shalt  }

</sc_bundles>
